<compile_context>
chip_gen: v7x
topology: tpu7x:2x2x1
jax: 0.10.2.dev20260603
libtpu: 0.0.44.dev20260713+nightly
codegen_flags: <defaults>
</compile_context>

<pallas_src>
import functools

import jax
import jax.numpy as jnp
from jax import lax
from jax.experimental import pallas as pl
from jax.experimental.pallas import tpu as pltpu
from jax.experimental.pallas import tpu_sc as plsc

N = 10000
E = 320000
D = 128
ED = 16
H = 128
OUT = 2

NC = 2
NS = 16
NW = NC * NS
EPW = E // NW
C = 40
NCHUNK = EPW // C
BC = 50
NBLK = NCHUNK // BC
ROWS_PT = 624
ROWS_TAIL = N - NS * ROWS_PT
LANES = 16

_SC_MESH = plsc.VectorSubcoreMesh(
    core_axis_name="c", subcore_axis_name="s", num_cores=NC, num_subcores=NS)


_EB = 2560


def _edge_lin_body(eaT_ref, w_ref, b_ref, o_ref):
    o_ref[...] = jax.lax.dot_general(
        eaT_ref[...], w_ref[...], (((0,), (0,)), ((), ())),
        preferred_element_type=jnp.float32) + b_ref[...]


def _edge_lin(edge_attr_T, w, b):
    return pl.pallas_call(
        _edge_lin_body,
        grid=(E // _EB,),
        in_specs=[pl.BlockSpec((ED, _EB), lambda i: (0, i)),
                  pl.BlockSpec((ED, H), lambda i: (0, 0)),
                  pl.BlockSpec((1, H), lambda i: (0, 0))],
        out_specs=pl.BlockSpec((_EB, H), lambda i: (i, 0)),
        out_shape=jax.ShapeDtypeStruct((E, H), jnp.float32),
    )(edge_attr_T, w, b.reshape(1, H))


_NB = 1000


def _lin_body(x_ref, w_ref, b_ref, o_ref):
    o_ref[...] = jnp.dot(x_ref[...], w_ref[...],
                         preferred_element_type=jnp.float32) + b_ref[...]


def _lin1(x, w, b):
    return pl.pallas_call(
        _lin_body,
        grid=(N // _NB,),
        in_specs=[pl.BlockSpec((_NB, D), lambda i: (i, 0)),
                  pl.BlockSpec((D, H), lambda i: (0, 0)),
                  pl.BlockSpec((1, H), lambda i: (0, 0))],
        out_specs=pl.BlockSpec((_NB, H), lambda i: (i, 0)),
        out_shape=jax.ShapeDtypeStruct((N, H), jnp.float32),
    )(x, w, b.reshape(1, H))


def _conv_mlp_body(h_ref, a0_ref, a1_ref, w1, b1, w2, b2, o_ref):
    z = h_ref[...] + a0_ref[0] + a1_ref[0]
    z = jnp.maximum(jnp.dot(z, w1[...], preferred_element_type=jnp.float32)
                    + b1[...], 0.0)
    z = jnp.dot(z, w2[...], preferred_element_type=jnp.float32) + b2[...]
    o_ref[...] = jnp.maximum(z, 0.0)


def _conv_mlp(h, agg, w1, b1, w2, b2):
    return pl.pallas_call(
        _conv_mlp_body,
        grid=(N // _NB,),
        in_specs=[pl.BlockSpec((_NB, H), lambda i: (i, 0)),
                  pl.BlockSpec((1, _NB, H), lambda i: (0, i, 0)),
                  pl.BlockSpec((1, _NB, H), lambda i: (1, i, 0)),
                  pl.BlockSpec((H, H), lambda i: (0, 0)),
                  pl.BlockSpec((1, H), lambda i: (0, 0)),
                  pl.BlockSpec((H, H), lambda i: (0, 0)),
                  pl.BlockSpec((1, H), lambda i: (0, 0))],
        out_specs=pl.BlockSpec((_NB, H), lambda i: (i, 0)),
        out_shape=jax.ShapeDtypeStruct((N, H), jnp.float32),
    )(h, agg, agg, w1, b1.reshape(1, H), w2, b2.reshape(1, H))


def _ab_body(h_ref, wa, wb, a_ref, b_ref):
    h = h_ref[...]
    a_ref[...] = jnp.dot(h, wa[...], preferred_element_type=jnp.float32)
    b_ref[...] = jnp.dot(h, wb[...], preferred_element_type=jnp.float32)


def _ab(h, wa, wb):
    return pl.pallas_call(
        _ab_body,
        grid=(N // _NB,),
        in_specs=[pl.BlockSpec((_NB, H), lambda i: (i, 0)),
                  pl.BlockSpec((H, H), lambda i: (0, 0)),
                  pl.BlockSpec((H, H), lambda i: (0, 0))],
        out_specs=[pl.BlockSpec((_NB, H), lambda i: (i, 0))] * 2,
        out_shape=[jax.ShapeDtypeStruct((N, H), jnp.float32)] * 2,
    )(h, wa, wb)


_EB2 = 2560


def _final_body(h_ref, w0_ref, w1_ref, o0_ref, o1_ref):
    h = h_ref[...]
    o0_ref[0, 0] = jnp.dot(h, w0_ref[...], preferred_element_type=jnp.float32)
    o1_ref[0, 0] = jnp.dot(h, w1_ref[...], preferred_element_type=jnp.float32)


def _final_mm(hid, w2, b2):
    o0, o1 = pl.pallas_call(
        _final_body,
        grid=(E // _EB2,),
        in_specs=[pl.BlockSpec((_EB2, H), lambda i: (i, 0)),
                  pl.BlockSpec((H,), lambda i: (0,)),
                  pl.BlockSpec((H,), lambda i: (0,))],
        out_specs=[pl.BlockSpec((1, 1, _EB2), lambda i: (i, 0, 0))] * 2,
        out_shape=[jax.ShapeDtypeStruct((E // _EB2, 1, _EB2), jnp.float32)] * 2,
    )(hid, w2[:, 0], w2[:, 1])
    return jnp.stack([o0.reshape(E), o1.reshape(E)], axis=1) + b2




def _relu_add_rows(dst_ref, srcs):

    @plsc.parallel_loop(0, C, 1, unroll=4)
    def _row(r):
        for k in range(H // LANES):
            sl = pl.ds(k * LANES, LANES)
            v = dst_ref[r, sl]
            for sref in srcs:
                v = v + sref[r, sl]
            dst_ref[r, sl] = jnp.maximum(v, 0.0)


@functools.partial(
    pl.kernel,
    out_type=jax.ShapeDtypeStruct((NC, N, H), jnp.float32),
    mesh=_SC_MESH,
    scratch_types=[
        pltpu.VMEM((BC, C), jnp.int32),
        pltpu.VMEM((BC, C), jnp.int32),
        pltpu.VMEM((C, H), jnp.float32),
        pltpu.VMEM((C, H), jnp.float32),
        pltpu.VMEM((C, H), jnp.float32),
        pltpu.VMEM((C, H), jnp.float32),
        pltpu.VMEM_SHARED((N, H), jnp.float32),
        pltpu.SemaphoreType.DMA,
        pltpu.SemaphoreType.DMA,
        pltpu.SemaphoreType.DMA,
        pltpu.SemaphoreType.DMA,
        pltpu.SemaphoreType.DMA,
        pltpu.SemaphoreType.DMA,
    ],
)
def _conv_sc(h_hbm, e_hbm, idx_hbm, zeros_hbm, out_hbm,
             srcs_v, dsts_v, rows0, rows1, e0, e1, agg_sh,
             gs0, gs1, es0, es1, ss0, ss1):
    c = lax.axis_index("c")
    s = lax.axis_index("s")
    wid = s * NC + c
    rows = (rows0, rows1)
    evs = (e0, e1)
    gsems = (gs0, gs1)
    esems = (es0, es1)
    ssems = (ss0, ss1)

    pltpu.sync_copy(zeros_hbm.at[pl.ds(s * ROWS_PT, ROWS_PT)],
                    agg_sh.at[pl.ds(s * ROWS_PT, ROWS_PT)])

    @pl.when(s == NS - 1)
    def _zero_tail():
        pltpu.sync_copy(zeros_hbm.at[pl.ds(NS * ROWS_PT, ROWS_TAIL)],
                        agg_sh.at[pl.ds(NS * ROWS_PT, ROWS_TAIL)])

    plsc.subcore_barrier()

    def fire(b, i, u):
        pltpu.async_copy(h_hbm.at[srcs_v.at[i]], rows[u], gsems[u])
        pltpu.async_copy(e_hbm.at[pl.ds(wid * EPW + (b * BC + i) * C, C)],
                         evs[u], esems[u])

    def wait(buf, sem):
        pltpu.make_async_copy(e_hbm.at[pl.ds(0, C)], buf, sem).wait()

    def block(b, bcarry):
        base = b * BC

        @pl.when(b > 0)
        def _drain_prev():
            wait(rows1, ssems[1])

        pltpu.sync_copy(idx_hbm.at[0, wid, b], srcs_v)
        pltpu.sync_copy(idx_hbm.at[1, wid, b], dsts_v)
        fire(b, 0, 0)

        def pair(k, kcarry):
            for u in (0, 1):
                i = 2 * k + u

                @pl.when(i > 0)
                def _wait_scatter():
                    wait(rows[1 - u], ssems[1 - u])

                @pl.when(i < BC - 1)
                def _fire_next():
                    fire(b, i + 1, 1 - u)

                wait(rows[u], gsems[u])
                wait(evs[u], esems[u])
                _relu_add_rows(rows[u], (evs[u],))
                pltpu.async_copy(rows[u], agg_sh.at[dsts_v.at[i]],
                                 ssems[u], add=True)
            return kcarry

        lax.fori_loop(0, BC // 2, pair, 0)
        return bcarry

    lax.fori_loop(0, NBLK, block, 0)
    wait(rows1, ssems[1])
    plsc.subcore_barrier()
    pltpu.sync_copy(agg_sh.at[pl.ds(s * ROWS_PT, ROWS_PT)],
                    out_hbm.at[c, pl.ds(s * ROWS_PT, ROWS_PT)])

    @pl.when(s == NS - 1)
    def _write_tail():
        pltpu.sync_copy(agg_sh.at[pl.ds(NS * ROWS_PT, ROWS_TAIL)],
                        out_hbm.at[c, pl.ds(NS * ROWS_PT, ROWS_TAIL)])


@functools.partial(
    pl.kernel,
    out_type=jax.ShapeDtypeStruct((E, H), jnp.float32),
    mesh=_SC_MESH,
    scratch_types=[
        pltpu.VMEM((BC, C), jnp.int32),
        pltpu.VMEM((BC, C), jnp.int32),
        pltpu.VMEM((C, H), jnp.float32),
        pltpu.VMEM((C, H), jnp.float32),
        pltpu.VMEM((C, H), jnp.float32),
        pltpu.VMEM((C, H), jnp.float32),
        pltpu.VMEM((C, H), jnp.float32),
        pltpu.VMEM((C, H), jnp.float32),
        pltpu.SemaphoreType.DMA,
        pltpu.SemaphoreType.DMA,
        pltpu.SemaphoreType.DMA,
        pltpu.SemaphoreType.DMA,
        pltpu.SemaphoreType.DMA,
        pltpu.SemaphoreType.DMA,
        pltpu.SemaphoreType.DMA,
        pltpu.SemaphoreType.DMA,
    ],
)
def _cls_sc(a_hbm, b_hbm, g_hbm, idx_hbm, out_hbm,
            srcs_v, dsts_v, a0, a1, b0, b1, g0, g1,
            as0, as1, bs0, bs1, gsm0, gsm1, os0, os1):
    c = lax.axis_index("c")
    s = lax.axis_index("s")
    wid = s * NC + c
    avs = (a0, a1)
    bvs = (b0, b1)
    gvs = (g0, g1)
    asems = (as0, as1)
    bsems = (bs0, bs1)
    gsems = (gsm0, gsm1)
    osems = (os0, os1)

    def fire(b, i, u):
        pltpu.async_copy(a_hbm.at[srcs_v.at[i]], avs[u], asems[u])
        pltpu.async_copy(b_hbm.at[dsts_v.at[i]], bvs[u], bsems[u])
        pltpu.async_copy(g_hbm.at[pl.ds(wid * EPW + (b * BC + i) * C, C)],
                         gvs[u], gsems[u])

    def wait(buf, sem):
        pltpu.make_async_copy(g_hbm.at[pl.ds(0, C)], buf, sem).wait()

    def block(b, bcarry):
        @pl.when(b > 0)
        def _drain_prev():
            wait(a1, osems[1])

        pltpu.sync_copy(idx_hbm.at[0, wid, b], srcs_v)
        pltpu.sync_copy(idx_hbm.at[1, wid, b], dsts_v)
        fire(b, 0, 0)

        def pair(k, kcarry):
            for u in (0, 1):
                i = 2 * k + u

                @pl.when(i > 0)
                def _wait_out():
                    wait(avs[1 - u], osems[1 - u])

                @pl.when(i < BC - 1)
                def _fire_next():
                    fire(b, i + 1, 1 - u)

                wait(avs[u], asems[u])
                wait(bvs[u], bsems[u])
                wait(gvs[u], gsems[u])
                _relu_add_rows(avs[u], (bvs[u], gvs[u]))
                pltpu.async_copy(
                    avs[u], out_hbm.at[pl.ds(wid * EPW + (b * BC + i) * C, C)],
                    osems[u])
            return kcarry

        lax.fori_loop(0, BC // 2, pair, 0)
        return bcarry

    lax.fori_loop(0, NBLK, block, 0)
    wait(a1, osems[1])




def kernel(x, edge_index, edge_attr, lin1_W, lin1_b,
           c1_eW, c1_eb, c1_W1, c1_b1, c1_W2, c1_b2,
           c2_eW, c2_eb, c2_W1, c2_b1, c2_W2, c2_b2,
           c3_eW, c3_eb, c3_W1, c3_b1, c3_W2, c3_b2,
           cls_W1, cls_b1, cls_W2, cls_b2):
    idx5d = edge_index.reshape(2, NW, NBLK, BC, C)
    zeros = jnp.zeros((N, H), jnp.float32)

    w_src = cls_W1[:H]
    w_dst = cls_W1[H:2 * H]
    w_e = cls_W1[2 * H:]

    ea_T = edge_attr.T
    e1 = _edge_lin(ea_T, c1_eW, c1_eb)
    e2 = _edge_lin(ea_T, c2_eW, c2_eb)
    e3 = _edge_lin(ea_T, c3_eW, c3_eb)
    g0 = _edge_lin(ea_T, w_e, cls_b1)

    h = _lin1(x, lin1_W, lin1_b)
    for e, w1, b1, w2, b2 in (
            (e1, c1_W1, c1_b1, c1_W2, c1_b2),
            (e2, c2_W1, c2_b1, c2_W2, c2_b2),
            (e3, c3_W1, c3_b1, c3_W2, c3_b2)):
        agg = _conv_sc(h, e, idx5d, zeros)
        h = _conv_mlp(h, agg, w1, b1, w2, b2)

    a, b = _ab(h, w_src, w_dst)
    hid = _cls_sc(a, b, g0, idx5d)
    return _final_mm(hid, cls_W2, cls_b2)

# --- scband reference (transcript-rebuilt; emitter-appended) ---
"""Pipeline reference for scband-gcn-14405320310896 (READ-ONLY COPY).

The authoritative reference and input builder live on the scoring server;
editing this copy changes nothing except your own understanding.
"""

import jax, jax.numpy as jnp
import numpy as np

N = 10000
E = 320000
D = 128
ED = 16
H = 128
OUT = 2

def _lin(k, i, o):
    return (jax.random.normal(k, (i, o), dtype=jnp.float32) / np.sqrt(i)).astype(jnp.float32)

def setup_inputs(seed: int = 0):
    key = jax.random.key(seed)
    ks = jax.random.split(key, 40)
    inp = {}
    inp['x'] = jax.random.normal(ks[0], (N, D), dtype=jnp.float32)
    inp['edge_index'] = jax.random.randint(ks[1], (2, E), 0, N, dtype=jnp.int32)
    inp['edge_attr'] = jax.random.normal(ks[2], (E, ED), dtype=jnp.float32)
    inp['lin1_W'] = _lin(ks[3], D, H); inp['lin1_b'] = jnp.zeros((H,), jnp.float32)
    i = 4
    for c in ('c1', 'c2', 'c3'):
        inp[c + '_eW'] = _lin(ks[i], ED, H); inp[c + '_eb'] = jnp.zeros((H,), jnp.float32)
        inp[c + '_W1'] = _lin(ks[i + 1], H, H); inp[c + '_b1'] = jnp.zeros((H,), jnp.float32)
        inp[c + '_W2'] = _lin(ks[i + 2], H, H); inp[c + '_b2'] = jnp.zeros((H,), jnp.float32)
        i += 3
    inp['cls_W1'] = _lin(ks[i], 2 * H + ED, H); inp['cls_b1'] = jnp.zeros((H,), jnp.float32)
    inp['cls_W2'] = _lin(ks[i + 1], H, OUT); inp['cls_b2'] = jnp.zeros((OUT,), jnp.float32)
    return inp

def reference(x, edge_index, edge_attr, lin1_W, lin1_b, c1_eW, c1_eb, c1_W1, c1_b1, c1_W2, c1_b2, c2_eW, c2_eb, c2_W1, c2_b1, c2_W2, c2_b2, c3_eW, c3_eb, c3_W1, c3_b1, c3_W2, c3_b2, cls_W1, cls_b1, cls_W2, cls_b2):
    src = edge_index[0]
    dst = edge_index[1]
    n = x.shape[0]

    def conv(h, eW, eb, W1, b1, W2, b2):
        # GINEConv: msg = relu(x_j + edge_lin(edge_attr)); agg = sum over dst; out = mlp((1+eps)*x + agg), eps=0
        e = edge_attr @ eW + eb
        msg = jax.nn.relu(h[src] + e)
        agg = jax.ops.segment_sum(msg, dst, num_segments=n)
        z = h + agg
        z = jax.nn.relu(z @ W1 + b1)
        return z @ W2 + b2

    h = x @ lin1_W + lin1_b
    h = jax.nn.relu(conv(h, c1_eW, c1_eb, c1_W1, c1_b1, c1_W2, c1_b2))
    h = jax.nn.relu(conv(h, c2_eW, c2_eb, c2_W1, c2_b1, c2_W2, c2_b2))
    h = jax.nn.relu(conv(h, c3_eW, c3_eb, c3_W1, c3_b1, c3_W2, c3_b2))
    ef = jnp.concatenate([h[src], h[dst], edge_attr], axis=-1)
    return jax.nn.relu(ef @ cls_W1 + cls_b1) @ cls_W2 + cls_b2

if __name__ == "__main__":
    import jax
    _d = setup_inputs()
    print(jax.jit(kernel)(*tuple(_d.values())))

</pallas_src>

<mosaic_0001>
#map = affine_map<(d0, d1) -> (0, 0)>
#map1 = affine_map<(d0, d1) -> (0, 0, 0, 0, 0)>
#map2 = affine_map<(d0, d1) -> (0, 0, 0)>
module attributes {stable_mosaic.version = 14 : i64} {
  func.func @_conv_sc(%arg0: i32, %arg1: i32, %arg2: memref<10000x128xf32, #tpu.memory_space<hbm>>, %arg3: memref<320000x128xf32, #tpu.memory_space<hbm>>, %arg4: memref<2x32x5x50x40xi32, #tpu.memory_space<hbm>>, %arg5: memref<10000x128xf32, #tpu.memory_space<hbm>>, %arg6: memref<2x10000x128xf32, #tpu.memory_space<hbm>>, %arg7: memref<50x40xi32, #tpu.memory_space<vmem>>, %arg8: memref<50x40xi32, #tpu.memory_space<vmem>>, %arg9: memref<40x128xf32, #tpu.memory_space<vmem>>, %arg10: memref<40x128xf32, #tpu.memory_space<vmem>>, %arg11: memref<40x128xf32, #tpu.memory_space<vmem>>, %arg12: memref<40x128xf32, #tpu.memory_space<vmem>>, %arg13: memref<10000x128xf32, #tpu.memory_space<vmem_shared>>, %arg14: memref<!tpu.dma_semaphore, #tpu.memory_space<semaphore_mem>>, %arg15: memref<!tpu.dma_semaphore, #tpu.memory_space<semaphore_mem>>, %arg16: memref<!tpu.dma_semaphore, #tpu.memory_space<semaphore_mem>>, %arg17: memref<!tpu.dma_semaphore, #tpu.memory_space<semaphore_mem>>, %arg18: memref<!tpu.dma_semaphore, #tpu.memory_space<semaphore_mem>>, %arg19: memref<!tpu.dma_semaphore, #tpu.memory_space<semaphore_mem>>) attributes {dimension_semantics = [#tpu.dimension_semantics<core_parallel>, #tpu.dimension_semantics<subcore_parallel>], iteration_bounds = array<i64: 2, 16>, scalar_prefetch = 0 : i64, scratch_operands = 13 : i64, tpu.core_type = #tpu.core_type<sc_vector_subcore>, window_params = [{transform_indices = #map}, {transform_indices = #map}, {transform_indices = #map1}, {transform_indices = #map}, {transform_indices = #map2}]} {
    %mul3A = arith.constant 2 : i32
    %mul3A_0 = arith.muli %arg1, %mul3A : i32
    %add3A = arith.addi %mul3A_0, %arg0 : i32
    %mul3A_1 = arith.constant 624 : i32
    %mul3A_2 = arith.muli %arg1, %mul3A_1 : i32
    %mul3A_3 = arith.constant 624 : i32
    %mul3A_4 = arith.muli %arg1, %mul3A_3 : i32
    "tpu.region"() ({
      %run_scoped3A = tpu.sem_alloc : memref<!tpu.dma_semaphore, #tpu.memory_space<semaphore_mem>>
      %dma_start3A = arith.constant 0 : i32
      %dma_start3A_27 = tpu.memref_slice %arg13[%mul3A_4, %dma_start3A] : memref<10000x128xf32, #tpu.memory_space<vmem_shared>> -> memref<624x128xf32, #tpu.memory_space<vmem_shared>>
      %dma_start3A_28 = arith.constant 0 : i32
      %dma_start3A_29 = tpu.memref_slice %arg5[%mul3A_2, %dma_start3A_28] : memref<10000x128xf32, #tpu.memory_space<hbm>> -> memref<624x128xf32, #tpu.memory_space<hbm>>
      tpu.enqueue_dma source(%dma_start3A_29 : memref<624x128xf32, #tpu.memory_space<hbm>>) target(%dma_start3A_27 : memref<624x128xf32, #tpu.memory_space<vmem_shared>>) target_semaphore(%run_scoped3A : memref<!tpu.dma_semaphore, #tpu.memory_space<semaphore_mem>>)
      %dma_wait3A_30 = arith.constant 0 : i32
      %dma_wait3A_31 = tpu.memref_slice %arg13[%mul3A_4, %dma_wait3A_30] : memref<10000x128xf32, #tpu.memory_space<vmem_shared>> -> memref<624x128xf32, #tpu.memory_space<vmem_shared>>
      %dma_wait3A_32 = arith.constant 0 : i32
      %dma_wait3A_33 = tpu.memref_slice %arg5[%mul3A_2, %dma_wait3A_32] : memref<10000x128xf32, #tpu.memory_space<hbm>> -> memref<624x128xf32, #tpu.memory_space<hbm>>
      tpu.wait_dma2 semaphore(%run_scoped3A : memref<!tpu.dma_semaphore, #tpu.memory_space<semaphore_mem>>) src(%dma_wait3A_33 : memref<624x128xf32, #tpu.memory_space<hbm>>) dst(%dma_wait3A_31 : memref<624x128xf32, #tpu.memory_space<vmem_shared>>)
      tpu.yield
    }) : () -> ()
    %eq3A = arith.constant 15 : i32
    %eq3A_5 = arith.cmpi eq, %arg1, %eq3A : i32
    %convert_element_type3A = arith.extui %eq3A_5 : i1 to i32
    %cond3A = arith.constant 0 : i32
    %cond3A_6 = arith.cmpi ne, %convert_element_type3A, %cond3A : i32
    scf.if %cond3A_6 {
      "tpu.region"() ({
        %run_scoped3A = tpu.sem_alloc : memref<!tpu.dma_semaphore, #tpu.memory_space<semaphore_mem>>
        %dma_start3A = arith.constant 9984 : i32
        %dma_start3A_27 = arith.constant 0 : i32
        %dma_start3A_28 = tpu.memref_slice %arg13[%dma_start3A, %dma_start3A_27] : memref<10000x128xf32, #tpu.memory_space<vmem_shared>> -> memref<16x128xf32, #tpu.memory_space<vmem_shared>>
        %dma_start3A_29 = arith.constant 9984 : i32
        %dma_start3A_30 = arith.constant 0 : i32
        %dma_start3A_31 = tpu.memref_slice %arg5[%dma_start3A_29, %dma_start3A_30] : memref<10000x128xf32, #tpu.memory_space<hbm>> -> memref<16x128xf32, #tpu.memory_space<hbm>>
        tpu.enqueue_dma source(%dma_start3A_31 : memref<16x128xf32, #tpu.memory_space<hbm>>) target(%dma_start3A_28 : memref<16x128xf32, #tpu.memory_space<vmem_shared>>) target_semaphore(%run_scoped3A : memref<!tpu.dma_semaphore, #tpu.memory_space<semaphore_mem>>)
        %dma_wait3A_32 = arith.constant 9984 : i32
        %dma_wait3A_33 = arith.constant 0 : i32
        %dma_wait3A_34 = tpu.memref_slice %arg13[%dma_wait3A_32, %dma_wait3A_33] : memref<10000x128xf32, #tpu.memory_space<vmem_shared>> -> memref<16x128xf32, #tpu.memory_space<vmem_shared>>
        %dma_wait3A_35 = arith.constant 9984 : i32
        %dma_wait3A_36 = arith.constant 0 : i32
        %dma_wait3A_37 = tpu.memref_slice %arg5[%dma_wait3A_35, %dma_wait3A_36] : memref<10000x128xf32, #tpu.memory_space<hbm>> -> memref<16x128xf32, #tpu.memory_space<hbm>>
        tpu.wait_dma2 semaphore(%run_scoped3A : memref<!tpu.dma_semaphore, #tpu.memory_space<semaphore_mem>>) src(%dma_wait3A_37 : memref<16x128xf32, #tpu.memory_space<hbm>>) dst(%dma_wait3A_34 : memref<16x128xf32, #tpu.memory_space<vmem_shared>>)
        tpu.yield
      }) : () -> ()
    } else {
    }
    %barrier3A = arith.constant 0 : index
    tpu.barrier barrier_id(%barrier3A)
    %scan3A = arith.constant 0 : i32
    %scan3A_7 = arith.constant 0 : i32
    %scan3A_8 = arith.constant 5 : i32
    %scan3A_9 = arith.addi %scan3A_7, %scan3A_8 : i32
    %scan3A_10 = arith.constant 1 : i32
    scf.for %scan3A_27 = %scan3A_7 to %scan3A_9 step %scan3A_10  : i32 {
      %mul3A_28 = arith.constant 50 : i32
      %mul3A_29 = arith.muli %scan3A_27, %mul3A_28 : i32
      %gt3A = arith.constant 0 : i32
      %gt3A_30 = arith.cmpi sgt, %scan3A_27, %gt3A : i32
      %convert_element_type3A_31 = arith.extui %gt3A_30 : i1 to i32
      %cond3A_32 = arith.constant 0 : i32
      %cond3A_33 = arith.cmpi ne, %convert_element_type3A_31, %cond3A_32 : i32
      scf.if %cond3A_33 {
        %dma_wait3A_60 = arith.constant 0 : i32
        %dma_wait3A_61 = arith.constant 0 : i32
        %dma_wait3A_62 = tpu.memref_slice %arg3[%dma_wait3A_60, %dma_wait3A_61] : memref<320000x128xf32, #tpu.memory_space<hbm>> -> memref<40x128xf32, #tpu.memory_space<hbm>>
        %dma_wait3A_63 = arith.constant 0 : i32
        %dma_wait3A_64 = arith.constant 0 : i32
        %dma_wait3A_65 = tpu.memref_slice %arg3[%dma_wait3A_63, %dma_wait3A_64] : memref<320000x128xf32, #tpu.memory_space<hbm>> -> memref<40x128xf32, #tpu.memory_space<hbm>>
        tpu.wait_dma2 semaphore(%arg19 : memref<!tpu.dma_semaphore, #tpu.memory_space<semaphore_mem>>) src(%dma_wait3A_65 : memref<40x128xf32, #tpu.memory_space<hbm>>) dst(%arg10 : memref<40x128xf32, #tpu.memory_space<vmem>>)
      } else {
      }
      %run_scoped3A = arith.constant 0 : i32
      "tpu.region"() ({
        %run_scoped3A_60 = tpu.sem_alloc : memref<!tpu.dma_semaphore, #tpu.memory_space<semaphore_mem>>
        %dma_start3A_61 = arith.constant 0 : i32
        %dma_start3A_62 = arith.constant 0 : i32
        %dma_start3A_63 = tpu.memref_slice %arg4[%run_scoped3A, %add3A, %scan3A_27, %dma_start3A_61, %dma_start3A_62] : memref<2x32x5x50x40xi32, #tpu.memory_space<hbm>> -> memref<1x1x1x50x40xi32, #tpu.memory_space<hbm>>
        %dma_start3A_64 = tpu.memref_squeeze %dma_start3A_63 : memref<1x1x1x50x40xi32, #tpu.memory_space<hbm>> -> memref<50x40xi32, #tpu.memory_space<hbm>>
        %dma_start3A_65 = arith.constant 0 : i32
        %dma_start3A_66 = arith.constant 0 : i32
        %dma_start3A_67 = tpu.memref_slice %arg4[%run_scoped3A, %add3A, %scan3A_27, %dma_start3A_65, %dma_start3A_66] : memref<2x32x5x50x40xi32, #tpu.memory_space<hbm>> -> memref<1x1x1x50x40xi32, #tpu.memory_space<hbm>>
        %dma_start3A_68 = tpu.memref_squeeze %dma_start3A_67 : memref<1x1x1x50x40xi32, #tpu.memory_space<hbm>> -> memref<50x40xi32, #tpu.memory_space<hbm>>
        tpu.enqueue_dma source(%dma_start3A_68 : memref<50x40xi32, #tpu.memory_space<hbm>>) target(%arg7 : memref<50x40xi32, #tpu.memory_space<vmem>>) target_semaphore(%run_scoped3A_60 : memref<!tpu.dma_semaphore, #tpu.memory_space<semaphore_mem>>)
        %dma_wait3A_69 = arith.constant 0 : i32
        %dma_wait3A_70 = arith.constant 0 : i32
        %dma_wait3A_71 = tpu.memref_slice %arg4[%run_scoped3A, %add3A, %scan3A_27, %dma_wait3A_69, %dma_wait3A_70] : memref<2x32x5x50x40xi32, #tpu.memory_space<hbm>> -> memref<1x1x1x50x40xi32, #tpu.memory_space<hbm>>
        %dma_wait3A_72 = tpu.memref_squeeze %dma_wait3A_71 : memref<1x1x1x50x40xi32, #tpu.memory_space<hbm>> -> memref<50x40xi32, #tpu.memory_space<hbm>>
        %dma_wait3A_73 = arith.constant 0 : i32
        %dma_wait3A_74 = arith.constant 0 : i32
        %dma_wait3A_75 = tpu.memref_slice %arg4[%run_scoped3A, %add3A, %scan3A_27, %dma_wait3A_73, %dma_wait3A_74] : memref<2x32x5x50x40xi32, #tpu.memory_space<hbm>> -> memref<1x1x1x50x40xi32, #tpu.memory_space<hbm>>
        %dma_wait3A_76 = tpu.memref_squeeze %dma_wait3A_75 : memref<1x1x1x50x40xi32, #tpu.memory_space<hbm>> -> memref<50x40xi32, #tpu.memory_space<hbm>>
        tpu.wait_dma2 semaphore(%run_scoped3A_60 : memref<!tpu.dma_semaphore, #tpu.memory_space<semaphore_mem>>) src(%dma_wait3A_76 : memref<50x40xi32, #tpu.memory_space<hbm>>) dst(%arg7 : memref<50x40xi32, #tpu.memory_space<vmem>>)
        tpu.yield
      }) : () -> ()
      %run_scoped3A_34 = arith.constant 1 : i32
      "tpu.region"() ({
        %run_scoped3A_60 = tpu.sem_alloc : memref<!tpu.dma_semaphore, #tpu.memory_space<semaphore_mem>>
        %dma_start3A_61 = arith.constant 0 : i32
        %dma_start3A_62 = arith.constant 0 : i32
        %dma_start3A_63 = tpu.memref_slice %arg4[%run_scoped3A_34, %add3A, %scan3A_27, %dma_start3A_61, %dma_start3A_62] : memref<2x32x5x50x40xi32, #tpu.memory_space<hbm>> -> memref<1x1x1x50x40xi32, #tpu.memory_space<hbm>>
        %dma_start3A_64 = tpu.memref_squeeze %dma_start3A_63 : memref<1x1x1x50x40xi32, #tpu.memory_space<hbm>> -> memref<50x40xi32, #tpu.memory_space<hbm>>
        %dma_start3A_65 = arith.constant 0 : i32
        %dma_start3A_66 = arith.constant 0 : i32
        %dma_start3A_67 = tpu.memref_slice %arg4[%run_scoped3A_34, %add3A, %scan3A_27, %dma_start3A_65, %dma_start3A_66] : memref<2x32x5x50x40xi32, #tpu.memory_space<hbm>> -> memref<1x1x1x50x40xi32, #tpu.memory_space<hbm>>
        %dma_start3A_68 = tpu.memref_squeeze %dma_start3A_67 : memref<1x1x1x50x40xi32, #tpu.memory_space<hbm>> -> memref<50x40xi32, #tpu.memory_space<hbm>>
        tpu.enqueue_dma source(%dma_start3A_68 : memref<50x40xi32, #tpu.memory_space<hbm>>) target(%arg8 : memref<50x40xi32, #tpu.memory_space<vmem>>) target_semaphore(%run_scoped3A_60 : memref<!tpu.dma_semaphore, #tpu.memory_space<semaphore_mem>>)
        %dma_wait3A_69 = arith.constant 0 : i32
        %dma_wait3A_70 = arith.constant 0 : i32
        %dma_wait3A_71 = tpu.memref_slice %arg4[%run_scoped3A_34, %add3A, %scan3A_27, %dma_wait3A_69, %dma_wait3A_70] : memref<2x32x5x50x40xi32, #tpu.memory_space<hbm>> -> memref<1x1x1x50x40xi32, #tpu.memory_space<hbm>>
        %dma_wait3A_72 = tpu.memref_squeeze %dma_wait3A_71 : memref<1x1x1x50x40xi32, #tpu.memory_space<hbm>> -> memref<50x40xi32, #tpu.memory_space<hbm>>
        %dma_wait3A_73 = arith.constant 0 : i32
        %dma_wait3A_74 = arith.constant 0 : i32
        %dma_wait3A_75 = tpu.memref_slice %arg4[%run_scoped3A_34, %add3A, %scan3A_27, %dma_wait3A_73, %dma_wait3A_74] : memref<2x32x5x50x40xi32, #tpu.memory_space<hbm>> -> memref<1x1x1x50x40xi32, #tpu.memory_space<hbm>>
        %dma_wait3A_76 = tpu.memref_squeeze %dma_wait3A_75 : memref<1x1x1x50x40xi32, #tpu.memory_space<hbm>> -> memref<50x40xi32, #tpu.memory_space<hbm>>
        tpu.wait_dma2 semaphore(%run_scoped3A_60 : memref<!tpu.dma_semaphore, #tpu.memory_space<semaphore_mem>>) src(%dma_wait3A_76 : memref<50x40xi32, #tpu.memory_space<hbm>>) dst(%arg8 : memref<50x40xi32, #tpu.memory_space<vmem>>)
        tpu.yield
      }) : () -> ()
      %dma_start3A = arith.constant 0 : i32
      %dma_start3A_35 = arith.constant 0 : i32
      %dma_start3A_36 = tpu.memref_slice %arg7[%dma_start3A, %dma_start3A_35] : memref<50x40xi32, #tpu.memory_space<vmem>> -> memref<1x40xi32, #tpu.memory_space<vmem>>
      %dma_start3A_37 = tpu.memref_squeeze %dma_start3A_36 : memref<1x40xi32, #tpu.memory_space<vmem>> -> memref<40xi32, #tpu.memory_space<vmem>>
      %dma_start3A_38 = arith.constant 0 : i32
      %dma_start3A_39 = arith.constant 0 : i32
      %dma_start3A_40 = tpu.memref_slice %arg2[%dma_start3A_38, %dma_start3A_39] : memref<10000x128xf32, #tpu.memory_space<hbm>> -> memref<10000x128xf32, #tpu.memory_space<hbm>>
      tpu.enqueue_indirect_dma source(%dma_start3A_40 : memref<10000x128xf32, #tpu.memory_space<hbm>>) target(%arg9 : memref<40x128xf32, #tpu.memory_space<vmem>>) offsets(%dma_start3A_37 : memref<40xi32, #tpu.memory_space<vmem>>) semaphore(%arg14 : memref<!tpu.dma_semaphore, #tpu.memory_space<semaphore_mem>>)
      %mul3A_41 = arith.constant 10000 : i32
      %mul3A_42 = arith.muli %add3A, %mul3A_41 : i32
      %mul3A_43 = arith.constant 50 : i32
      %mul3A_44 = arith.muli %scan3A_27, %mul3A_43 : i32
      %add3A_45 = arith.constant 0 : i32
      %add3A_46 = arith.addi %mul3A_44, %add3A_45 : i32
      %mul3A_47 = arith.constant 40 : i32
      %mul3A_48 = arith.muli %add3A_46, %mul3A_47 : i32
      %add3A_49 = arith.addi %mul3A_42, %mul3A_48 : i32
      %dma_start3A_50 = arith.constant 0 : i32
      %dma_start3A_51 = tpu.memref_slice %arg3[%add3A_49, %dma_start3A_50] : memref<320000x128xf32, #tpu.memory_space<hbm>> -> memref<40x128xf32, #tpu.memory_space<hbm>>
      %dma_start3A_52 = arith.constant 0 : i32
      %dma_start3A_53 = tpu.memref_slice %arg3[%add3A_49, %dma_start3A_52] : memref<320000x128xf32, #tpu.memory_space<hbm>> -> memref<40x128xf32, #tpu.memory_space<hbm>>
      tpu.enqueue_dma source(%dma_start3A_53 : memref<40x128xf32, #tpu.memory_space<hbm>>) target(%arg11 : memref<40x128xf32, #tpu.memory_space<vmem>>) target_semaphore(%arg16 : memref<!tpu.dma_semaphore, #tpu.memory_space<semaphore_mem>>)
      %scan3A_54 = arith.constant 0 : i32
      %scan3A_55 = arith.constant 0 : i32
      %scan3A_56 = arith.constant 25 : i32
      %scan3A_57 = arith.addi %scan3A_55, %scan3A_56 : i32
      %scan3A_58 = arith.constant 1 : i32
      scf.for %scan3A_60 = %scan3A_55 to %scan3A_57 step %scan3A_58  : i32 {
        %mul3A_61 = arith.constant 2 : i32
        %mul3A_62 = arith.muli %mul3A_61, %scan3A_60 : i32
        %add3A_63 = arith.constant 0 : i32
        %add3A_64 = arith.addi %mul3A_62, %add3A_63 : i32
        %gt3A_65 = arith.constant 0 : i32
        %gt3A_66 = arith.cmpi sgt, %add3A_64, %gt3A_65 : i32
        %convert_element_type3A_67 = arith.extui %gt3A_66 : i1 to i32
        %cond3A_68 = arith.constant 0 : i32
        %cond3A_69 = arith.cmpi ne, %convert_element_type3A_67, %cond3A_68 : i32
        scf.if %cond3A_69 {
          %dma_wait3A_129 = arith.constant 0 : i32
          %dma_wait3A_130 = arith.constant 0 : i32
          %dma_wait3A_131 = tpu.memref_slice %arg3[%dma_wait3A_129, %dma_wait3A_130] : memref<320000x128xf32, #tpu.memory_space<hbm>> -> memref<40x128xf32, #tpu.memory_space<hbm>>
          %dma_wait3A_132 = arith.constant 0 : i32
          %dma_wait3A_133 = arith.constant 0 : i32
          %dma_wait3A_134 = tpu.memref_slice %arg3[%dma_wait3A_132, %dma_wait3A_133] : memref<320000x128xf32, #tpu.memory_space<hbm>> -> memref<40x128xf32, #tpu.memory_space<hbm>>
          tpu.wait_dma2 semaphore(%arg19 : memref<!tpu.dma_semaphore, #tpu.memory_space<semaphore_mem>>) src(%dma_wait3A_134 : memref<40x128xf32, #tpu.memory_space<hbm>>) dst(%arg10 : memref<40x128xf32, #tpu.memory_space<vmem>>)
        } else {
        }
        %lt3A = arith.constant 49 : i32
        %lt3A_70 = arith.cmpi slt, %add3A_64, %lt3A : i32
        %convert_element_type3A_71 = arith.extui %lt3A_70 : i1 to i32
        %cond3A_72 = arith.constant 0 : i32
        %cond3A_73 = arith.cmpi ne, %convert_element_type3A_71, %cond3A_72 : i32
        scf.if %cond3A_73 {
          %add3A_129 = arith.constant 1 : i32
          %add3A_130 = arith.addi %add3A_64, %add3A_129 : i32
          %dma_start3A_131 = arith.constant 0 : i32
          %dma_start3A_132 = tpu.memref_slice %arg7[%add3A_130, %dma_start3A_131] : memref<50x40xi32, #tpu.memory_space<vmem>> -> memref<1x40xi32, #tpu.memory_space<vmem>>
          %dma_start3A_133 = tpu.memref_squeeze %dma_start3A_132 : memref<1x40xi32, #tpu.memory_space<vmem>> -> memref<40xi32, #tpu.memory_space<vmem>>
          %dma_start3A_134 = arith.constant 0 : i32
          %dma_start3A_135 = arith.constant 0 : i32
          %dma_start3A_136 = tpu.memref_slice %arg2[%dma_start3A_134, %dma_start3A_135] : memref<10000x128xf32, #tpu.memory_space<hbm>> -> memref<10000x128xf32, #tpu.memory_space<hbm>>
          tpu.enqueue_indirect_dma source(%dma_start3A_136 : memref<10000x128xf32, #tpu.memory_space<hbm>>) target(%arg10 : memref<40x128xf32, #tpu.memory_space<vmem>>) offsets(%dma_start3A_133 : memref<40xi32, #tpu.memory_space<vmem>>) semaphore(%arg15 : memref<!tpu.dma_semaphore, #tpu.memory_space<semaphore_mem>>)
          %mul3A_137 = arith.constant 10000 : i32
          %mul3A_138 = arith.muli %add3A, %mul3A_137 : i32
          %mul3A_139 = arith.constant 50 : i32
          %mul3A_140 = arith.muli %scan3A_27, %mul3A_139 : i32
          %add3A_141 = arith.addi %mul3A_140, %add3A_130 : i32
          %mul3A_142 = arith.constant 40 : i32
          %mul3A_143 = arith.muli %add3A_141, %mul3A_142 : i32
          %add3A_144 = arith.addi %mul3A_138, %mul3A_143 : i32
          %dma_start3A_145 = arith.constant 0 : i32
          %dma_start3A_146 = tpu.memref_slice %arg3[%add3A_144, %dma_start3A_145] : memref<320000x128xf32, #tpu.memory_space<hbm>> -> memref<40x128xf32, #tpu.memory_space<hbm>>
          %dma_start3A_147 = arith.constant 0 : i32
          %dma_start3A_148 = tpu.memref_slice %arg3[%add3A_144, %dma_start3A_147] : memref<320000x128xf32, #tpu.memory_space<hbm>> -> memref<40x128xf32, #tpu.memory_space<hbm>>
          tpu.enqueue_dma source(%dma_start3A_148 : memref<40x128xf32, #tpu.memory_space<hbm>>) target(%arg12 : memref<40x128xf32, #tpu.memory_space<vmem>>) target_semaphore(%arg17 : memref<!tpu.dma_semaphore, #tpu.memory_space<semaphore_mem>>)
        } else {
        }
        %dma_wait3A_74 = arith.constant 0 : i32
        %dma_wait3A_75 = arith.constant 0 : i32
        %dma_wait3A_76 = tpu.memref_slice %arg3[%dma_wait3A_74, %dma_wait3A_75] : memref<320000x128xf32, #tpu.memory_space<hbm>> -> memref<40x128xf32, #tpu.memory_space<hbm>>
        %dma_wait3A_77 = arith.constant 0 : i32
        %dma_wait3A_78 = arith.constant 0 : i32
        %dma_wait3A_79 = tpu.memref_slice %arg3[%dma_wait3A_77, %dma_wait3A_78] : memref<320000x128xf32, #tpu.memory_space<hbm>> -> memref<40x128xf32, #tpu.memory_space<hbm>>
        tpu.wait_dma2 semaphore(%arg14 : memref<!tpu.dma_semaphore, #tpu.memory_space<semaphore_mem>>) src(%dma_wait3A_79 : memref<40x128xf32, #tpu.memory_space<hbm>>) dst(%arg9 : memref<40x128xf32, #tpu.memory_space<vmem>>)
        %dma_wait3A_80 = arith.constant 0 : i32
        %dma_wait3A_81 = arith.constant 0 : i32
        %dma_wait3A_82 = tpu.memref_slice %arg3[%dma_wait3A_80, %dma_wait3A_81] : memref<320000x128xf32, #tpu.memory_space<hbm>> -> memref<40x128xf32, #tpu.memory_space<hbm>>
        %dma_wait3A_83 = arith.constant 0 : i32
        %dma_wait3A_84 = arith.constant 0 : i32
        %dma_wait3A_85 = tpu.memref_slice %arg3[%dma_wait3A_83, %dma_wait3A_84] : memref<320000x128xf32, #tpu.memory_space<hbm>> -> memref<40x128xf32, #tpu.memory_space<hbm>>
        tpu.wait_dma2 semaphore(%arg16 : memref<!tpu.dma_semaphore, #tpu.memory_space<semaphore_mem>>) src(%dma_wait3A_85 : memref<40x128xf32, #tpu.memory_space<hbm>>) dst(%arg11 : memref<40x128xf32, #tpu.memory_space<vmem>>)
        %parallel_loop3A = arith.constant 0 : i32
        %parallel_loop3A_86 = arith.constant 40 : i32
        %parallel_loop3A_87 = arith.constant 1 : i32
        scf.for %parallel_loop3A_129 = %parallel_loop3A to %parallel_loop3A_86 step %parallel_loop3A_87  : i32 {
          %parallel_loop3A_130 = arith.index_cast %parallel_loop3A_129 : i32 to index
          %parallel_loop3A_131 = arith.constant 0 : index
          %parallel_loop3A_132 = tpu.vector_load %arg9[%parallel_loop3A_130, %parallel_loop3A_131] {strides = array<i32>} : memref<40x128xf32, #tpu.memory_space<vmem>>, vector<1x16xf32>,
          %parallel_loop3A_133 = vector.shape_cast %parallel_loop3A_132 : vector<1x16xf32> to vector<16xf32>
          %parallel_loop3A_134 = arith.index_cast %parallel_loop3A_129 : i32 to index
          %parallel_loop3A_135 = arith.constant 0 : index
          %parallel_loop3A_136 = tpu.vector_load %arg11[%parallel_loop3A_134, %parallel_loop3A_135] {strides = array<i32>} : memref<40x128xf32, #tpu.memory_space<vmem>>, vector<1x16xf32>,
          %parallel_loop3A_137 = vector.shape_cast %parallel_loop3A_136 : vector<1x16xf32> to vector<16xf32>
          %parallel_loop3A_138 = arith.addf %parallel_loop3A_133, %parallel_loop3A_137 : vector<16xf32>
          %parallel_loop3A_139 = arith.constant 0.000000e+00 : f32
          %parallel_loop3A_140 = vector.broadcast %parallel_loop3A_139 : f32 to vector<16xf32>
          %parallel_loop3A_141 = arith.maximumf %parallel_loop3A_138, %parallel_loop3A_140 : vector<16xf32>
          %parallel_loop3A_142 = arith.index_cast %parallel_loop3A_129 : i32 to index
          %parallel_loop3A_143 = arith.constant 0 : index
          %parallel_loop3A_144 = tpu.vector_load %arg9[%parallel_loop3A_142, %parallel_loop3A_143] {strides = array<i32>} : memref<40x128xf32, #tpu.memory_space<vmem>>, vector<1x16xf32>,
          %parallel_loop3A_145 = vector.shape_cast %parallel_loop3A_144 : vector<1x16xf32> to vector<16xf32>
          %parallel_loop3A_146 = vector.shape_cast %parallel_loop3A_141 : vector<16xf32> to vector<1x16xf32>
          tpu.vector_store %arg9[%parallel_loop3A_142, %parallel_loop3A_143], %parallel_loop3A_146 {strides = array<i32>} : memref<40x128xf32, #tpu.memory_space<vmem>>, vector<1x16xf32>,
          %parallel_loop3A_147 = arith.index_cast %parallel_loop3A_129 : i32 to index
          %parallel_loop3A_148 = arith.constant 16 : index
          %parallel_loop3A_149 = tpu.vector_load %arg9[%parallel_loop3A_147, %parallel_loop3A_148] {strides = array<i32>} : memref<40x128xf32, #tpu.memory_space<vmem>>, vector<1x16xf32>,
          %parallel_loop3A_150 = vector.shape_cast %parallel_loop3A_149 : vector<1x16xf32> to vector<16xf32>
          %parallel_loop3A_151 = arith.index_cast %parallel_loop3A_129 : i32 to index
          %parallel_loop3A_152 = arith.constant 16 : index
          %parallel_loop3A_153 = tpu.vector_load %arg11[%parallel_loop3A_151, %parallel_loop3A_152] {strides = array<i32>} : memref<40x128xf32, #tpu.memory_space<vmem>>, vector<1x16xf32>,
          %parallel_loop3A_154 = vector.shape_cast %parallel_loop3A_153 : vector<1x16xf32> to vector<16xf32>
          %parallel_loop3A_155 = arith.addf %parallel_loop3A_150, %parallel_loop3A_154 : vector<16xf32>
          %parallel_loop3A_156 = arith.constant 0.000000e+00 : f32
          %parallel_loop3A_157 = vector.broadcast %parallel_loop3A_156 : f32 to vector<16xf32>
          %parallel_loop3A_158 = arith.maximumf %parallel_loop3A_155, %parallel_loop3A_157 : vector<16xf32>
          %parallel_loop3A_159 = arith.index_cast %parallel_loop3A_129 : i32 to index
          %parallel_loop3A_160 = arith.constant 16 : index
          %parallel_loop3A_161 = tpu.vector_load %arg9[%parallel_loop3A_159, %parallel_loop3A_160] {strides = array<i32>} : memref<40x128xf32, #tpu.memory_space<vmem>>, vector<1x16xf32>,
          %parallel_loop3A_162 = vector.shape_cast %parallel_loop3A_161 : vector<1x16xf32> to vector<16xf32>
          %parallel_loop3A_163 = vector.shape_cast %parallel_loop3A_158 : vector<16xf32> to vector<1x16xf32>
          tpu.vector_store %arg9[%parallel_loop3A_159, %parallel_loop3A_160], %parallel_loop3A_163 {strides = array<i32>} : memref<40x128xf32, #tpu.memory_space<vmem>>, vector<1x16xf32>,
          %parallel_loop3A_164 = arith.index_cast %parallel_loop3A_129 : i32 to index
          %parallel_loop3A_165 = arith.constant 32 : index
          %parallel_loop3A_166 = tpu.vector_load %arg9[%parallel_loop3A_164, %parallel_loop3A_165] {strides = array<i32>} : memref<40x128xf32, #tpu.memory_space<vmem>>, vector<1x16xf32>,
          %parallel_loop3A_167 = vector.shape_cast %parallel_loop3A_166 : vector<1x16xf32> to vector<16xf32>
          %parallel_loop3A_168 = arith.index_cast %parallel_loop3A_129 : i32 to index
          %parallel_loop3A_169 = arith.constant 32 : index
          %parallel_loop3A_170 = tpu.vector_load %arg11[%parallel_loop3A_168, %parallel_loop3A_169] {strides = array<i32>} : memref<40x128xf32, #tpu.memory_space<vmem>>, vector<1x16xf32>,
          %parallel_loop3A_171 = vector.shape_cast %parallel_loop3A_170 : vector<1x16xf32> to vector<16xf32>
          %parallel_loop3A_172 = arith.addf %parallel_loop3A_167, %parallel_loop3A_171 : vector<16xf32>
          %parallel_loop3A_173 = arith.constant 0.000000e+00 : f32
          %parallel_loop3A_174 = vector.broadcast %parallel_loop3A_173 : f32 to vector<16xf32>
          %parallel_loop3A_175 = arith.maximumf %parallel_loop3A_172, %parallel_loop3A_174 : vector<16xf32>
          %parallel_loop3A_176 = arith.index_cast %parallel_loop3A_129 : i32 to index
          %parallel_loop3A_177 = arith.constant 32 : index
          %parallel_loop3A_178 = tpu.vector_load %arg9[%parallel_loop3A_176, %parallel_loop3A_177] {strides = array<i32>} : memref<40x128xf32, #tpu.memory_space<vmem>>, vector<1x16xf32>,
          %parallel_loop3A_179 = vector.shape_cast %parallel_loop3A_178 : vector<1x16xf32> to vector<16xf32>
          %parallel_loop3A_180 = vector.shape_cast %parallel_loop3A_175 : vector<16xf32> to vector<1x16xf32>
          tpu.vector_store %arg9[%parallel_loop3A_176, %parallel_loop3A_177], %parallel_loop3A_180 {strides = array<i32>} : memref<40x128xf32, #tpu.memory_space<vmem>>, vector<1x16xf32>,
          %parallel_loop3A_181 = arith.index_cast %parallel_loop3A_129 : i32 to index
          %parallel_loop3A_182 = arith.constant 48 : index
          %parallel_loop3A_183 = tpu.vector_load %arg9[%parallel_loop3A_181, %parallel_loop3A_182] {strides = array<i32>} : memref<40x128xf32, #tpu.memory_space<vmem>>, vector<1x16xf32>,
          %parallel_loop3A_184 = vector.shape_cast %parallel_loop3A_183 : vector<1x16xf32> to vector<16xf32>
          %parallel_loop3A_185 = arith.index_cast %parallel_loop3A_129 : i32 to index
          %parallel_loop3A_186 = arith.constant 48 : index
          %parallel_loop3A_187 = tpu.vector_load %arg11[%parallel_loop3A_185, %parallel_loop3A_186] {strides = array<i32>} : memref<40x128xf32, #tpu.memory_space<vmem>>, vector<1x16xf32>,
          %parallel_loop3A_188 = vector.shape_cast %parallel_loop3A_187 : vector<1x16xf32> to vector<16xf32>
          %parallel_loop3A_189 = arith.addf %parallel_loop3A_184, %parallel_loop3A_188 : vector<16xf32>
          %parallel_loop3A_190 = arith.constant 0.000000e+00 : f32
          %parallel_loop3A_191 = vector.broadcast %parallel_loop3A_190 : f32 to vector<16xf32>
          %parallel_loop3A_192 = arith.maximumf %parallel_loop3A_189, %parallel_loop3A_191 : vector<16xf32>
          %parallel_loop3A_193 = arith.index_cast %parallel_loop3A_129 : i32 to index
          %parallel_loop3A_194 = arith.constant 48 : index
          %parallel_loop3A_195 = tpu.vector_load %arg9[%parallel_loop3A_193, %parallel_loop3A_194] {strides = array<i32>} : memref<40x128xf32, #tpu.memory_space<vmem>>, vector<1x16xf32>,
          %parallel_loop3A_196 = vector.shape_cast %parallel_loop3A_195 : vector<1x16xf32> to vector<16xf32>
          %parallel_loop3A_197 = vector.shape_cast %parallel_loop3A_192 : vector<16xf32> to vector<1x16xf32>
          tpu.vector_store %arg9[%parallel_loop3A_193, %parallel_loop3A_194], %parallel_loop3A_197 {strides = array<i32>} : memref<40x128xf32, #tpu.memory_space<vmem>>, vector<1x16xf32>,
          %parallel_loop3A_198 = arith.index_cast %parallel_loop3A_129 : i32 to index
          %parallel_loop3A_199 = arith.constant 64 : index
          %parallel_loop3A_200 = tpu.vector_load %arg9[%parallel_loop3A_198, %parallel_loop3A_199] {strides = array<i32>} : memref<40x128xf32, #tpu.memory_space<vmem>>, vector<1x16xf32>,
          %parallel_loop3A_201 = vector.shape_cast %parallel_loop3A_200 : vector<1x16xf32> to vector<16xf32>
          %parallel_loop3A_202 = arith.index_cast %parallel_loop3A_129 : i32 to index
          %parallel_loop3A_203 = arith.constant 64 : index
          %parallel_loop3A_204 = tpu.vector_load %arg11[%parallel_loop3A_202, %parallel_loop3A_203] {strides = array<i32>} : memref<40x128xf32, #tpu.memory_space<vmem>>, vector<1x16xf32>,
          %parallel_loop3A_205 = vector.shape_cast %parallel_loop3A_204 : vector<1x16xf32> to vector<16xf32>
          %parallel_loop3A_206 = arith.addf %parallel_loop3A_201, %parallel_loop3A_205 : vector<16xf32>
          %parallel_loop3A_207 = arith.constant 0.000000e+00 : f32
          %parallel_loop3A_208 = vector.broadcast %parallel_loop3A_207 : f32 to vector<16xf32>
          %parallel_loop3A_209 = arith.maximumf %parallel_loop3A_206, %parallel_loop3A_208 : vector<16xf32>
          %parallel_loop3A_210 = arith.index_cast %parallel_loop3A_129 : i32 to index
          %parallel_loop3A_211 = arith.constant 64 : index
          %parallel_loop3A_212 = tpu.vector_load %arg9[%parallel_loop3A_210, %parallel_loop3A_211] {strides = array<i32>} : memref<40x128xf32, #tpu.memory_space<vmem>>, vector<1x16xf32>,
          %parallel_loop3A_213 = vector.shape_cast %parallel_loop3A_212 : vector<1x16xf32> to vector<16xf32>
          %parallel_loop3A_214 = vector.shape_cast %parallel_loop3A_209 : vector<16xf32> to vector<1x16xf32>
          tpu.vector_store %arg9[%parallel_loop3A_210, %parallel_loop3A_211], %parallel_loop3A_214 {strides = array<i32>} : memref<40x128xf32, #tpu.memory_space<vmem>>, vector<1x16xf32>,
          %parallel_loop3A_215 = arith.index_cast %parallel_loop3A_129 : i32 to index
          %parallel_loop3A_216 = arith.constant 80 : index
          %parallel_loop3A_217 = tpu.vector_load %arg9[%parallel_loop3A_215, %parallel_loop3A_216] {strides = array<i32>} : memref<40x128xf32, #tpu.memory_space<vmem>>, vector<1x16xf32>,
          %parallel_loop3A_218 = vector.shape_cast %parallel_loop3A_217 : vector<1x16xf32> to vector<16xf32>
          %parallel_loop3A_219 = arith.index_cast %parallel_loop3A_129 : i32 to index
          %parallel_loop3A_220 = arith.constant 80 : index
          %parallel_loop3A_221 = tpu.vector_load %arg11[%parallel_loop3A_219, %parallel_loop3A_220] {strides = array<i32>} : memref<40x128xf32, #tpu.memory_space<vmem>>, vector<1x16xf32>,
          %parallel_loop3A_222 = vector.shape_cast %parallel_loop3A_221 : vector<1x16xf32> to vector<16xf32>
          %parallel_loop3A_223 = arith.addf %parallel_loop3A_218, %parallel_loop3A_222 : vector<16xf32>
          %parallel_loop3A_224 = arith.constant 0.000000e+00 : f32
          %parallel_loop3A_225 = vector.broadcast %parallel_loop3A_224 : f32 to vector<16xf32>
          %parallel_loop3A_226 = arith.maximumf %parallel_loop3A_223, %parallel_loop3A_225 : vector<16xf32>
          %parallel_loop3A_227 = arith.index_cast %parallel_loop3A_129 : i32 to index
          %parallel_loop3A_228 = arith.constant 80 : index
          %parallel_loop3A_229 = tpu.vector_load %arg9[%parallel_loop3A_227, %parallel_loop3A_228] {strides = array<i32>} : memref<40x128xf32, #tpu.memory_space<vmem>>, vector<1x16xf32>,
          %parallel_loop3A_230 = vector.shape_cast %parallel_loop3A_229 : vector<1x16xf32> to vector<16xf32>
          %parallel_loop3A_231 = vector.shape_cast %parallel_loop3A_226 : vector<16xf32> to vector<1x16xf32>
          tpu.vector_store %arg9[%parallel_loop3A_227, %parallel_loop3A_228], %parallel_loop3A_231 {strides = array<i32>} : memref<40x128xf32, #tpu.memory_space<vmem>>, vector<1x16xf32>,
          %parallel_loop3A_232 = arith.index_cast %parallel_loop3A_129 : i32 to index
          %parallel_loop3A_233 = arith.constant 96 : index
          %parallel_loop3A_234 = tpu.vector_load %arg9[%parallel_loop3A_232, %parallel_loop3A_233] {strides = array<i32>} : memref<40x128xf32, #tpu.memory_space<vmem>>, vector<1x16xf32>,
          %parallel_loop3A_235 = vector.shape_cast %parallel_loop3A_234 : vector<1x16xf32> to vector<16xf32>
          %parallel_loop3A_236 = arith.index_cast %parallel_loop3A_129 : i32 to index
          %parallel_loop3A_237 = arith.constant 96 : index
          %parallel_loop3A_238 = tpu.vector_load %arg11[%parallel_loop3A_236, %parallel_loop3A_237] {strides = array<i32>} : memref<40x128xf32, #tpu.memory_space<vmem>>, vector<1x16xf32>,
          %parallel_loop3A_239 = vector.shape_cast %parallel_loop3A_238 : vector<1x16xf32> to vector<16xf32>
          %parallel_loop3A_240 = arith.addf %parallel_loop3A_235, %parallel_loop3A_239 : vector<16xf32>
          %parallel_loop3A_241 = arith.constant 0.000000e+00 : f32
          %parallel_loop3A_242 = vector.broadcast %parallel_loop3A_241 : f32 to vector<16xf32>
          %parallel_loop3A_243 = arith.maximumf %parallel_loop3A_240, %parallel_loop3A_242 : vector<16xf32>
          %parallel_loop3A_244 = arith.index_cast %parallel_loop3A_129 : i32 to index
          %parallel_loop3A_245 = arith.constant 96 : index
          %parallel_loop3A_246 = tpu.vector_load %arg9[%parallel_loop3A_244, %parallel_loop3A_245] {strides = array<i32>} : memref<40x128xf32, #tpu.memory_space<vmem>>, vector<1x16xf32>,
          %parallel_loop3A_247 = vector.shape_cast %parallel_loop3A_246 : vector<1x16xf32> to vector<16xf32>
          %parallel_loop3A_248 = vector.shape_cast %parallel_loop3A_243 : vector<16xf32> to vector<1x16xf32>
          tpu.vector_store %arg9[%parallel_loop3A_244, %parallel_loop3A_245], %parallel_loop3A_248 {strides = array<i32>} : memref<40x128xf32, #tpu.memory_space<vmem>>, vector<1x16xf32>,
          %parallel_loop3A_249 = arith.index_cast %parallel_loop3A_129 : i32 to index
          %parallel_loop3A_250 = arith.constant 112 : index
          %parallel_loop3A_251 = tpu.vector_load %arg9[%parallel_loop3A_249, %parallel_loop3A_250] {strides = array<i32>} : memref<40x128xf32, #tpu.memory_space<vmem>>, vector<1x16xf32>,
          %parallel_loop3A_252 = vector.shape_cast %parallel_loop3A_251 : vector<1x16xf32> to vector<16xf32>
          %parallel_loop3A_253 = arith.index_cast %parallel_loop3A_129 : i32 to index
          %parallel_loop3A_254 = arith.constant 112 : index
          %parallel_loop3A_255 = tpu.vector_load %arg11[%parallel_loop3A_253, %parallel_loop3A_254] {strides = array<i32>} : memref<40x128xf32, #tpu.memory_space<vmem>>, vector<1x16xf32>,
          %parallel_loop3A_256 = vector.shape_cast %parallel_loop3A_255 : vector<1x16xf32> to vector<16xf32>
          %parallel_loop3A_257 = arith.addf %parallel_loop3A_252, %parallel_loop3A_256 : vector<16xf32>
          %parallel_loop3A_258 = arith.constant 0.000000e+00 : f32
          %parallel_loop3A_259 = vector.broadcast %parallel_loop3A_258 : f32 to vector<16xf32>
          %parallel_loop3A_260 = arith.maximumf %parallel_loop3A_257, %parallel_loop3A_259 : vector<16xf32>
          %parallel_loop3A_261 = arith.index_cast %parallel_loop3A_129 : i32 to index
          %parallel_loop3A_262 = arith.constant 112 : index
          %parallel_loop3A_263 = tpu.vector_load %arg9[%parallel_loop3A_261, %parallel_loop3A_262] {strides = array<i32>} : memref<40x128xf32, #tpu.memory_space<vmem>>, vector<1x16xf32>,
          %parallel_loop3A_264 = vector.shape_cast %parallel_loop3A_263 : vector<1x16xf32> to vector<16xf32>
          %parallel_loop3A_265 = vector.shape_cast %parallel_loop3A_260 : vector<16xf32> to vector<1x16xf32>
          tpu.vector_store %arg9[%parallel_loop3A_261, %parallel_loop3A_262], %parallel_loop3A_265 {strides = array<i32>} : memref<40x128xf32, #tpu.memory_space<vmem>>, vector<1x16xf32>,
        } {sc.loop_unroll_factor = 4 : i64, sc.parallel_access}
        %dma_start3A_88 = arith.constant 0 : i32
        %dma_start3A_89 = tpu.memref_slice %arg8[%add3A_64, %dma_start3A_88] : memref<50x40xi32, #tpu.memory_space<vmem>> -> memref<1x40xi32, #tpu.memory_space<vmem>>
        %dma_start3A_90 = tpu.memref_squeeze %dma_start3A_89 : memref<1x40xi32, #tpu.memory_space<vmem>> -> memref<40xi32, #tpu.memory_space<vmem>>
        %dma_start3A_91 = arith.constant 0 : i32
        %dma_start3A_92 = arith.constant 0 : i32
        %dma_start3A_93 = tpu.memref_slice %arg13[%dma_start3A_91, %dma_start3A_92] : memref<10000x128xf32, #tpu.memory_space<vmem_shared>> -> memref<10000x128xf32, #tpu.memory_space<vmem_shared>>
        tpu.enqueue_indirect_dma source(%arg9 : memref<40x128xf32, #tpu.memory_space<vmem>>) target(%dma_start3A_93 : memref<10000x128xf32, #tpu.memory_space<vmem_shared>>) offsets(%dma_start3A_90 : memref<40xi32, #tpu.memory_space<vmem>>) semaphore(%arg18 : memref<!tpu.dma_semaphore, #tpu.memory_space<semaphore_mem>>) {add = true}
        %mul3A_94 = arith.constant 2 : i32
        %mul3A_95 = arith.muli %mul3A_94, %scan3A_60 : i32
        %add3A_96 = arith.constant 1 : i32
        %add3A_97 = arith.addi %mul3A_95, %add3A_96 : i32
        %gt3A_98 = arith.constant 0 : i32
        %gt3A_99 = arith.cmpi sgt, %add3A_97, %gt3A_98 : i32
        %convert_element_type3A_100 = arith.extui %gt3A_99 : i1 to i32
        %cond3A_101 = arith.constant 0 : i32
        %cond3A_102 = arith.cmpi ne, %convert_element_type3A_100, %cond3A_101 : i32
        scf.if %cond3A_102 {
          %dma_wait3A_129 = arith.constant 0 : i32
          %dma_wait3A_130 = arith.constant 0 : i32
          %dma_wait3A_131 = tpu.memref_slice %arg3[%dma_wait3A_129, %dma_wait3A_130] : memref<320000x128xf32, #tpu.memory_space<hbm>> -> memref<40x128xf32, #tpu.memory_space<hbm>>
          %dma_wait3A_132 = arith.constant 0 : i32
          %dma_wait3A_133 = arith.constant 0 : i32
          %dma_wait3A_134 = tpu.memref_slice %arg3[%dma_wait3A_132, %dma_wait3A_133] : memref<320000x128xf32, #tpu.memory_space<hbm>> -> memref<40x128xf32, #tpu.memory_space<hbm>>
          tpu.wait_dma2 semaphore(%arg18 : memref<!tpu.dma_semaphore, #tpu.memory_space<semaphore_mem>>) src(%dma_wait3A_134 : memref<40x128xf32, #tpu.memory_space<hbm>>) dst(%arg9 : memref<40x128xf32, #tpu.memory_space<vmem>>)
        } else {
        }
        %lt3A_103 = arith.constant 49 : i32
        %lt3A_104 = arith.cmpi slt, %add3A_97, %lt3A_103 : i32
        %convert_element_type3A_105 = arith.extui %lt3A_104 : i1 to i32
        %cond3A_106 = arith.constant 0 : i32
        %cond3A_107 = arith.cmpi ne, %convert_element_type3A_105, %cond3A_106 : i32
        scf.if %cond3A_107 {
          %add3A_129 = arith.constant 1 : i32
          %add3A_130 = arith.addi %add3A_97, %add3A_129 : i32
          %dma_start3A_131 = arith.constant 0 : i32
          %dma_start3A_132 = tpu.memref_slice %arg7[%add3A_130, %dma_start3A_131] : memref<50x40xi32, #tpu.memory_space<vmem>> -> memref<1x40xi32, #tpu.memory_space<vmem>>
          %dma_start3A_133 = tpu.memref_squeeze %dma_start3A_132 : memref<1x40xi32, #tpu.memory_space<vmem>> -> memref<40xi32, #tpu.memory_space<vmem>>
          %dma_start3A_134 = arith.constant 0 : i32
          %dma_start3A_135 = arith.constant 0 : i32
          %dma_start3A_136 = tpu.memref_slice %arg2[%dma_start3A_134, %dma_start3A_135] : memref<10000x128xf32, #tpu.memory_space<hbm>> -> memref<10000x128xf32, #tpu.memory_space<hbm>>
          tpu.enqueue_indirect_dma source(%dma_start3A_136 : memref<10000x128xf32, #tpu.memory_space<hbm>>) target(%arg9 : memref<40x128xf32, #tpu.memory_space<vmem>>) offsets(%dma_start3A_133 : memref<40xi32, #tpu.memory_space<vmem>>) semaphore(%arg14 : memref<!tpu.dma_semaphore, #tpu.memory_space<semaphore_mem>>)
          %mul3A_137 = arith.constant 10000 : i32
          %mul3A_138 = arith.muli %add3A, %mul3A_137 : i32
          %mul3A_139 = arith.constant 50 : i32
          %mul3A_140 = arith.muli %scan3A_27, %mul3A_139 : i32
          %add3A_141 = arith.addi %mul3A_140, %add3A_130 : i32
          %mul3A_142 = arith.constant 40 : i32
          %mul3A_143 = arith.muli %add3A_141, %mul3A_142 : i32
          %add3A_144 = arith.addi %mul3A_138, %mul3A_143 : i32
          %dma_start3A_145 = arith.constant 0 : i32
          %dma_start3A_146 = tpu.memref_slice %arg3[%add3A_144, %dma_start3A_145] : memref<320000x128xf32, #tpu.memory_space<hbm>> -> memref<40x128xf32, #tpu.memory_space<hbm>>
          %dma_start3A_147 = arith.constant 0 : i32
          %dma_start3A_148 = tpu.memref_slice %arg3[%add3A_144, %dma_start3A_147] : memref<320000x128xf32, #tpu.memory_space<hbm>> -> memref<40x128xf32, #tpu.memory_space<hbm>>
          tpu.enqueue_dma source(%dma_start3A_148 : memref<40x128xf32, #tpu.memory_space<hbm>>) target(%arg11 : memref<40x128xf32, #tpu.memory_space<vmem>>) target_semaphore(%arg16 : memref<!tpu.dma_semaphore, #tpu.memory_space<semaphore_mem>>)
        } else {
        }
        %dma_wait3A_108 = arith.constant 0 : i32
        %dma_wait3A_109 = arith.constant 0 : i32
        %dma_wait3A_110 = tpu.memref_slice %arg3[%dma_wait3A_108, %dma_wait3A_109] : memref<320000x128xf32, #tpu.memory_space<hbm>> -> memref<40x128xf32, #tpu.memory_space<hbm>>
        %dma_wait3A_111 = arith.constant 0 : i32
        %dma_wait3A_112 = arith.constant 0 : i32
        %dma_wait3A_113 = tpu.memref_slice %arg3[%dma_wait3A_111, %dma_wait3A_112] : memref<320000x128xf32, #tpu.memory_space<hbm>> -> memref<40x128xf32, #tpu.memory_space<hbm>>
        tpu.wait_dma2 semaphore(%arg15 : memref<!tpu.dma_semaphore, #tpu.memory_space<semaphore_mem>>) src(%dma_wait3A_113 : memref<40x128xf32, #tpu.memory_space<hbm>>) dst(%arg10 : memref<40x128xf32, #tpu.memory_space<vmem>>)
        %dma_wait3A_114 = arith.constant 0 : i32
        %dma_wait3A_115 = arith.constant 0 : i32
        %dma_wait3A_116 = tpu.memref_slice %arg3[%dma_wait3A_114, %dma_wait3A_115] : memref<320000x128xf32, #tpu.memory_space<hbm>> -> memref<40x128xf32, #tpu.memory_space<hbm>>
        %dma_wait3A_117 = arith.constant 0 : i32
        %dma_wait3A_118 = arith.constant 0 : i32
        %dma_wait3A_119 = tpu.memref_slice %arg3[%dma_wait3A_117, %dma_wait3A_118] : memref<320000x128xf32, #tpu.memory_space<hbm>> -> memref<40x128xf32, #tpu.memory_space<hbm>>
        tpu.wait_dma2 semaphore(%arg17 : memref<!tpu.dma_semaphore, #tpu.memory_space<semaphore_mem>>) src(%dma_wait3A_119 : memref<40x128xf32, #tpu.memory_space<hbm>>) dst(%arg12 : memref<40x128xf32, #tpu.memory_space<vmem>>)
        %parallel_loop3A_120 = arith.constant 0 : i32
        %parallel_loop3A_121 = arith.constant 40 : i32
        %parallel_loop3A_122 = arith.constant 1 : i32
        scf.for %parallel_loop3A_129 = %parallel_loop3A_120 to %parallel_loop3A_121 step %parallel_loop3A_122  : i32 {
          %parallel_loop3A_130 = arith.index_cast %parallel_loop3A_129 : i32 to index
          %parallel_loop3A_131 = arith.constant 0 : index
          %parallel_loop3A_132 = tpu.vector_load %arg10[%parallel_loop3A_130, %parallel_loop3A_131] {strides = array<i32>} : memref<40x128xf32, #tpu.memory_space<vmem>>, vector<1x16xf32>,
          %parallel_loop3A_133 = vector.shape_cast %parallel_loop3A_132 : vector<1x16xf32> to vector<16xf32>
          %parallel_loop3A_134 = arith.index_cast %parallel_loop3A_129 : i32 to index
          %parallel_loop3A_135 = arith.constant 0 : index
          %parallel_loop3A_136 = tpu.vector_load %arg12[%parallel_loop3A_134, %parallel_loop3A_135] {strides = array<i32>} : memref<40x128xf32, #tpu.memory_space<vmem>>, vector<1x16xf32>,
          %parallel_loop3A_137 = vector.shape_cast %parallel_loop3A_136 : vector<1x16xf32> to vector<16xf32>
          %parallel_loop3A_138 = arith.addf %parallel_loop3A_133, %parallel_loop3A_137 : vector<16xf32>
          %parallel_loop3A_139 = arith.constant 0.000000e+00 : f32
          %parallel_loop3A_140 = vector.broadcast %parallel_loop3A_139 : f32 to vector<16xf32>
          %parallel_loop3A_141 = arith.maximumf %parallel_loop3A_138, %parallel_loop3A_140 : vector<16xf32>
          %parallel_loop3A_142 = arith.index_cast %parallel_loop3A_129 : i32 to index
          %parallel_loop3A_143 = arith.constant 0 : index
          %parallel_loop3A_144 = tpu.vector_load %arg10[%parallel_loop3A_142, %parallel_loop3A_143] {strides = array<i32>} : memref<40x128xf32, #tpu.memory_space<vmem>>, vector<1x16xf32>,
          %parallel_loop3A_145 = vector.shape_cast %parallel_loop3A_144 : vector<1x16xf32> to vector<16xf32>
          %parallel_loop3A_146 = vector.shape_cast %parallel_loop3A_141 : vector<16xf32> to vector<1x16xf32>
          tpu.vector_store %arg10[%parallel_loop3A_142, %parallel_loop3A_143], %parallel_loop3A_146 {strides = array<i32>} : memref<40x128xf32, #tpu.memory_space<vmem>>, vector<1x16xf32>,
          %parallel_loop3A_147 = arith.index_cast %parallel_loop3A_129 : i32 to index
          %parallel_loop3A_148 = arith.constant 16 : index
          %parallel_loop3A_149 = tpu.vector_load %arg10[%parallel_loop3A_147, %parallel_loop3A_148] {strides = array<i32>} : memref<40x128xf32, #tpu.memory_space<vmem>>, vector<1x16xf32>,
          %parallel_loop3A_150 = vector.shape_cast %parallel_loop3A_149 : vector<1x16xf32> to vector<16xf32>
          %parallel_loop3A_151 = arith.index_cast %parallel_loop3A_129 : i32 to index
          %parallel_loop3A_152 = arith.constant 16 : index
          %parallel_loop3A_153 = tpu.vector_load %arg12[%parallel_loop3A_151, %parallel_loop3A_152] {strides = array<i32>} : memref<40x128xf32, #tpu.memory_space<vmem>>, vector<1x16xf32>,
          %parallel_loop3A_154 = vector.shape_cast %parallel_loop3A_153 : vector<1x16xf32> to vector<16xf32>
          %parallel_loop3A_155 = arith.addf %parallel_loop3A_150, %parallel_loop3A_154 : vector<16xf32>
          %parallel_loop3A_156 = arith.constant 0.000000e+00 : f32
          %parallel_loop3A_157 = vector.broadcast %parallel_loop3A_156 : f32 to vector<16xf32>
          %parallel_loop3A_158 = arith.maximumf %parallel_loop3A_155, %parallel_loop3A_157 : vector<16xf32>
          %parallel_loop3A_159 = arith.index_cast %parallel_loop3A_129 : i32 to index
          %parallel_loop3A_160 = arith.constant 16 : index
          %parallel_loop3A_161 = tpu.vector_load %arg10[%parallel_loop3A_159, %parallel_loop3A_160] {strides = array<i32>} : memref<40x128xf32, #tpu.memory_space<vmem>>, vector<1x16xf32>,
          %parallel_loop3A_162 = vector.shape_cast %parallel_loop3A_161 : vector<1x16xf32> to vector<16xf32>
          %parallel_loop3A_163 = vector.shape_cast %parallel_loop3A_158 : vector<16xf32> to vector<1x16xf32>
          tpu.vector_store %arg10[%parallel_loop3A_159, %parallel_loop3A_160], %parallel_loop3A_163 {strides = array<i32>} : memref<40x128xf32, #tpu.memory_space<vmem>>, vector<1x16xf32>,
          %parallel_loop3A_164 = arith.index_cast %parallel_loop3A_129 : i32 to index
          %parallel_loop3A_165 = arith.constant 32 : index
          %parallel_loop3A_166 = tpu.vector_load %arg10[%parallel_loop3A_164, %parallel_loop3A_165] {strides = array<i32>} : memref<40x128xf32, #tpu.memory_space<vmem>>, vector<1x16xf32>,
          %parallel_loop3A_167 = vector.shape_cast %parallel_loop3A_166 : vector<1x16xf32> to vector<16xf32>
          %parallel_loop3A_168 = arith.index_cast %parallel_loop3A_129 : i32 to index
          %parallel_loop3A_169 = arith.constant 32 : index
          %parallel_loop3A_170 = tpu.vector_load %arg12[%parallel_loop3A_168, %parallel_loop3A_169] {strides = array<i32>} : memref<40x128xf32, #tpu.memory_space<vmem>>, vector<1x16xf32>,
          %parallel_loop3A_171 = vector.shape_cast %parallel_loop3A_170 : vector<1x16xf32> to vector<16xf32>
          %parallel_loop3A_172 = arith.addf %parallel_loop3A_167, %parallel_loop3A_171 : vector<16xf32>
          %parallel_loop3A_173 = arith.constant 0.000000e+00 : f32
          %parallel_loop3A_174 = vector.broadcast %parallel_loop3A_173 : f32 to vector<16xf32>
          %parallel_loop3A_175 = arith.maximumf %parallel_loop3A_172, %parallel_loop3A_174 : vector<16xf32>
          %parallel_loop3A_176 = arith.index_cast %parallel_loop3A_129 : i32 to index
          %parallel_loop3A_177 = arith.constant 32 : index
          %parallel_loop3A_178 = tpu.vector_load %arg10[%parallel_loop3A_176, %parallel_loop3A_177] {strides = array<i32>} : memref<40x128xf32, #tpu.memory_space<vmem>>, vector<1x16xf32>,
          %parallel_loop3A_179 = vector.shape_cast %parallel_loop3A_178 : vector<1x16xf32> to vector<16xf32>
          %parallel_loop3A_180 = vector.shape_cast %parallel_loop3A_175 : vector<16xf32> to vector<1x16xf32>
          tpu.vector_store %arg10[%parallel_loop3A_176, %parallel_loop3A_177], %parallel_loop3A_180 {strides = array<i32>} : memref<40x128xf32, #tpu.memory_space<vmem>>, vector<1x16xf32>,
          %parallel_loop3A_181 = arith.index_cast %parallel_loop3A_129 : i32 to index
          %parallel_loop3A_182 = arith.constant 48 : index
          %parallel_loop3A_183 = tpu.vector_load %arg10[%parallel_loop3A_181, %parallel_loop3A_182] {strides = array<i32>} : memref<40x128xf32, #tpu.memory_space<vmem>>, vector<1x16xf32>,
          %parallel_loop3A_184 = vector.shape_cast %parallel_loop3A_183 : vector<1x16xf32> to vector<16xf32>
          %parallel_loop3A_185 = arith.index_cast %parallel_loop3A_129 : i32 to index
          %parallel_loop3A_186 = arith.constant 48 : index
          %parallel_loop3A_187 = tpu.vector_load %arg12[%parallel_loop3A_185, %parallel_loop3A_186] {strides = array<i32>} : memref<40x128xf32, #tpu.memory_space<vmem>>, vector<1x16xf32>,
          %parallel_loop3A_188 = vector.shape_cast %parallel_loop3A_187 : vector<1x16xf32> to vector<16xf32>
          %parallel_loop3A_189 = arith.addf %parallel_loop3A_184, %parallel_loop3A_188 : vector<16xf32>
          %parallel_loop3A_190 = arith.constant 0.000000e+00 : f32
          %parallel_loop3A_191 = vector.broadcast %parallel_loop3A_190 : f32 to vector<16xf32>
          %parallel_loop3A_192 = arith.maximumf %parallel_loop3A_189, %parallel_loop3A_191 : vector<16xf32>
          %parallel_loop3A_193 = arith.index_cast %parallel_loop3A_129 : i32 to index
          %parallel_loop3A_194 = arith.constant 48 : index
          %parallel_loop3A_195 = tpu.vector_load %arg10[%parallel_loop3A_193, %parallel_loop3A_194] {strides = array<i32>} : memref<40x128xf32, #tpu.memory_space<vmem>>, vector<1x16xf32>,
          %parallel_loop3A_196 = vector.shape_cast %parallel_loop3A_195 : vector<1x16xf32> to vector<16xf32>
          %parallel_loop3A_197 = vector.shape_cast %parallel_loop3A_192 : vector<16xf32> to vector<1x16xf32>
          tpu.vector_store %arg10[%parallel_loop3A_193, %parallel_loop3A_194], %parallel_loop3A_197 {strides = array<i32>} : memref<40x128xf32, #tpu.memory_space<vmem>>, vector<1x16xf32>,
          %parallel_loop3A_198 = arith.index_cast %parallel_loop3A_129 : i32 to index
          %parallel_loop3A_199 = arith.constant 64 : index
          %parallel_loop3A_200 = tpu.vector_load %arg10[%parallel_loop3A_198, %parallel_loop3A_199] {strides = array<i32>} : memref<40x128xf32, #tpu.memory_space<vmem>>, vector<1x16xf32>,
          %parallel_loop3A_201 = vector.shape_cast %parallel_loop3A_200 : vector<1x16xf32> to vector<16xf32>
          %parallel_loop3A_202 = arith.index_cast %parallel_loop3A_129 : i32 to index
          %parallel_loop3A_203 = arith.constant 64 : index
          %parallel_loop3A_204 = tpu.vector_load %arg12[%parallel_loop3A_202, %parallel_loop3A_203] {strides = array<i32>} : memref<40x128xf32, #tpu.memory_space<vmem>>, vector<1x16xf32>,
          %parallel_loop3A_205 = vector.shape_cast %parallel_loop3A_204 : vector<1x16xf32> to vector<16xf32>
          %parallel_loop3A_206 = arith.addf %parallel_loop3A_201, %parallel_loop3A_205 : vector<16xf32>
          %parallel_loop3A_207 = arith.constant 0.000000e+00 : f32
          %parallel_loop3A_208 = vector.broadcast %parallel_loop3A_207 : f32 to vector<16xf32>
          %parallel_loop3A_209 = arith.maximumf %parallel_loop3A_206, %parallel_loop3A_208 : vector<16xf32>
          %parallel_loop3A_210 = arith.index_cast %parallel_loop3A_129 : i32 to index
          %parallel_loop3A_211 = arith.constant 64 : index
          %parallel_loop3A_212 = tpu.vector_load %arg10[%parallel_loop3A_210, %parallel_loop3A_211] {strides = array<i32>} : memref<40x128xf32, #tpu.memory_space<vmem>>, vector<1x16xf32>,
          %parallel_loop3A_213 = vector.shape_cast %parallel_loop3A_212 : vector<1x16xf32> to vector<16xf32>
          %parallel_loop3A_214 = vector.shape_cast %parallel_loop3A_209 : vector<16xf32> to vector<1x16xf32>
          tpu.vector_store %arg10[%parallel_loop3A_210, %parallel_loop3A_211], %parallel_loop3A_214 {strides = array<i32>} : memref<40x128xf32, #tpu.memory_space<vmem>>, vector<1x16xf32>,
          %parallel_loop3A_215 = arith.index_cast %parallel_loop3A_129 : i32 to index
          %parallel_loop3A_216 = arith.constant 80 : index
          %parallel_loop3A_217 = tpu.vector_load %arg10[%parallel_loop3A_215, %parallel_loop3A_216] {strides = array<i32>} : memref<40x128xf32, #tpu.memory_space<vmem>>, vector<1x16xf32>,
          %parallel_loop3A_218 = vector.shape_cast %parallel_loop3A_217 : vector<1x16xf32> to vector<16xf32>
          %parallel_loop3A_219 = arith.index_cast %parallel_loop3A_129 : i32 to index
          %parallel_loop3A_220 = arith.constant 80 : index
          %parallel_loop3A_221 = tpu.vector_load %arg12[%parallel_loop3A_219, %parallel_loop3A_220] {strides = array<i32>} : memref<40x128xf32, #tpu.memory_space<vmem>>, vector<1x16xf32>,
          %parallel_loop3A_222 = vector.shape_cast %parallel_loop3A_221 : vector<1x16xf32> to vector<16xf32>
          %parallel_loop3A_223 = arith.addf %parallel_loop3A_218, %parallel_loop3A_222 : vector<16xf32>
          %parallel_loop3A_224 = arith.constant 0.000000e+00 : f32
          %parallel_loop3A_225 = vector.broadcast %parallel_loop3A_224 : f32 to vector<16xf32>
          %parallel_loop3A_226 = arith.maximumf %parallel_loop3A_223, %parallel_loop3A_225 : vector<16xf32>
          %parallel_loop3A_227 = arith.index_cast %parallel_loop3A_129 : i32 to index
          %parallel_loop3A_228 = arith.constant 80 : index
          %parallel_loop3A_229 = tpu.vector_load %arg10[%parallel_loop3A_227, %parallel_loop3A_228] {strides = array<i32>} : memref<40x128xf32, #tpu.memory_space<vmem>>, vector<1x16xf32>,
          %parallel_loop3A_230 = vector.shape_cast %parallel_loop3A_229 : vector<1x16xf32> to vector<16xf32>
          %parallel_loop3A_231 = vector.shape_cast %parallel_loop3A_226 : vector<16xf32> to vector<1x16xf32>
          tpu.vector_store %arg10[%parallel_loop3A_227, %parallel_loop3A_228], %parallel_loop3A_231 {strides = array<i32>} : memref<40x128xf32, #tpu.memory_space<vmem>>, vector<1x16xf32>,
          %parallel_loop3A_232 = arith.index_cast %parallel_loop3A_129 : i32 to index
          %parallel_loop3A_233 = arith.constant 96 : index
          %parallel_loop3A_234 = tpu.vector_load %arg10[%parallel_loop3A_232, %parallel_loop3A_233] {strides = array<i32>} : memref<40x128xf32, #tpu.memory_space<vmem>>, vector<1x16xf32>,
          %parallel_loop3A_235 = vector.shape_cast %parallel_loop3A_234 : vector<1x16xf32> to vector<16xf32>
          %parallel_loop3A_236 = arith.index_cast %parallel_loop3A_129 : i32 to index
          %parallel_loop3A_237 = arith.constant 96 : index
          %parallel_loop3A_238 = tpu.vector_load %arg12[%parallel_loop3A_236, %parallel_loop3A_237] {strides = array<i32>} : memref<40x128xf32, #tpu.memory_space<vmem>>, vector<1x16xf32>,
          %parallel_loop3A_239 = vector.shape_cast %parallel_loop3A_238 : vector<1x16xf32> to vector<16xf32>
          %parallel_loop3A_240 = arith.addf %parallel_loop3A_235, %parallel_loop3A_239 : vector<16xf32>
          %parallel_loop3A_241 = arith.constant 0.000000e+00 : f32
          %parallel_loop3A_242 = vector.broadcast %parallel_loop3A_241 : f32 to vector<16xf32>
          %parallel_loop3A_243 = arith.maximumf %parallel_loop3A_240, %parallel_loop3A_242 : vector<16xf32>
          %parallel_loop3A_244 = arith.index_cast %parallel_loop3A_129 : i32 to index
          %parallel_loop3A_245 = arith.constant 96 : index
          %parallel_loop3A_246 = tpu.vector_load %arg10[%parallel_loop3A_244, %parallel_loop3A_245] {strides = array<i32>} : memref<40x128xf32, #tpu.memory_space<vmem>>, vector<1x16xf32>,
          %parallel_loop3A_247 = vector.shape_cast %parallel_loop3A_246 : vector<1x16xf32> to vector<16xf32>
          %parallel_loop3A_248 = vector.shape_cast %parallel_loop3A_243 : vector<16xf32> to vector<1x16xf32>
          tpu.vector_store %arg10[%parallel_loop3A_244, %parallel_loop3A_245], %parallel_loop3A_248 {strides = array<i32>} : memref<40x128xf32, #tpu.memory_space<vmem>>, vector<1x16xf32>,
          %parallel_loop3A_249 = arith.index_cast %parallel_loop3A_129 : i32 to index
          %parallel_loop3A_250 = arith.constant 112 : index
          %parallel_loop3A_251 = tpu.vector_load %arg10[%parallel_loop3A_249, %parallel_loop3A_250] {strides = array<i32>} : memref<40x128xf32, #tpu.memory_space<vmem>>, vector<1x16xf32>,
          %parallel_loop3A_252 = vector.shape_cast %parallel_loop3A_251 : vector<1x16xf32> to vector<16xf32>
          %parallel_loop3A_253 = arith.index_cast %parallel_loop3A_129 : i32 to index
          %parallel_loop3A_254 = arith.constant 112 : index
          %parallel_loop3A_255 = tpu.vector_load %arg12[%parallel_loop3A_253, %parallel_loop3A_254] {strides = array<i32>} : memref<40x128xf32, #tpu.memory_space<vmem>>, vector<1x16xf32>,
          %parallel_loop3A_256 = vector.shape_cast %parallel_loop3A_255 : vector<1x16xf32> to vector<16xf32>
          %parallel_loop3A_257 = arith.addf %parallel_loop3A_252, %parallel_loop3A_256 : vector<16xf32>
          %parallel_loop3A_258 = arith.constant 0.000000e+00 : f32
          %parallel_loop3A_259 = vector.broadcast %parallel_loop3A_258 : f32 to vector<16xf32>
          %parallel_loop3A_260 = arith.maximumf %parallel_loop3A_257, %parallel_loop3A_259 : vector<16xf32>
          %parallel_loop3A_261 = arith.index_cast %parallel_loop3A_129 : i32 to index
          %parallel_loop3A_262 = arith.constant 112 : index
          %parallel_loop3A_263 = tpu.vector_load %arg10[%parallel_loop3A_261, %parallel_loop3A_262] {strides = array<i32>} : memref<40x128xf32, #tpu.memory_space<vmem>>, vector<1x16xf32>,
          %parallel_loop3A_264 = vector.shape_cast %parallel_loop3A_263 : vector<1x16xf32> to vector<16xf32>
          %parallel_loop3A_265 = vector.shape_cast %parallel_loop3A_260 : vector<16xf32> to vector<1x16xf32>
          tpu.vector_store %arg10[%parallel_loop3A_261, %parallel_loop3A_262], %parallel_loop3A_265 {strides = array<i32>} : memref<40x128xf32, #tpu.memory_space<vmem>>, vector<1x16xf32>,
        } {sc.loop_unroll_factor = 4 : i64, sc.parallel_access}
        %dma_start3A_123 = arith.constant 0 : i32
        %dma_start3A_124 = tpu.memref_slice %arg8[%add3A_97, %dma_start3A_123] : memref<50x40xi32, #tpu.memory_space<vmem>> -> memref<1x40xi32, #tpu.memory_space<vmem>>
        %dma_start3A_125 = tpu.memref_squeeze %dma_start3A_124 : memref<1x40xi32, #tpu.memory_space<vmem>> -> memref<40xi32, #tpu.memory_space<vmem>>
        %dma_start3A_126 = arith.constant 0 : i32
        %dma_start3A_127 = arith.constant 0 : i32
        %dma_start3A_128 = tpu.memref_slice %arg13[%dma_start3A_126, %dma_start3A_127] : memref<10000x128xf32, #tpu.memory_space<vmem_shared>> -> memref<10000x128xf32, #tpu.memory_space<vmem_shared>>
        tpu.enqueue_indirect_dma source(%arg10 : memref<40x128xf32, #tpu.memory_space<vmem>>) target(%dma_start3A_128 : memref<10000x128xf32, #tpu.memory_space<vmem_shared>>) offsets(%dma_start3A_125 : memref<40xi32, #tpu.memory_space<vmem>>) semaphore(%arg19 : memref<!tpu.dma_semaphore, #tpu.memory_space<semaphore_mem>>) {add = true}
      }
      %scan3A_59 = arith.constant 25 : i32
    }
    %scan3A_11 = arith.constant 5 : i32
    %dma_wait3A = arith.constant 0 : i32
    %dma_wait3A_12 = arith.constant 0 : i32
    %dma_wait3A_13 = tpu.memref_slice %arg3[%dma_wait3A, %dma_wait3A_12] : memref<320000x128xf32, #tpu.memory_space<hbm>> -> memref<40x128xf32, #tpu.memory_space<hbm>>
    %dma_wait3A_14 = arith.constant 0 : i32
    %dma_wait3A_15 = arith.constant 0 : i32
    %dma_wait3A_16 = tpu.memref_slice %arg3[%dma_wait3A_14, %dma_wait3A_15] : memref<320000x128xf32, #tpu.memory_space<hbm>> -> memref<40x128xf32, #tpu.memory_space<hbm>>
    tpu.wait_dma2 semaphore(%arg19 : memref<!tpu.dma_semaphore, #tpu.memory_space<semaphore_mem>>) src(%dma_wait3A_16 : memref<40x128xf32, #tpu.memory_space<hbm>>) dst(%arg10 : memref<40x128xf32, #tpu.memory_space<vmem>>)
    %barrier3A_17 = arith.constant 0 : index
    tpu.barrier barrier_id(%barrier3A_17)
    %mul3A_18 = arith.constant 624 : i32
    %mul3A_19 = arith.muli %arg1, %mul3A_18 : i32
    %mul3A_20 = arith.constant 624 : i32
    %mul3A_21 = arith.muli %arg1, %mul3A_20 : i32
    "tpu.region"() ({
      %run_scoped3A = tpu.sem_alloc : memref<!tpu.dma_semaphore, #tpu.memory_space<semaphore_mem>>
      %dma_start3A = arith.constant 0 : i32
      %dma_start3A_27 = tpu.memref_slice %arg6[%arg0, %mul3A_21, %dma_start3A] : memref<2x10000x128xf32, #tpu.memory_space<hbm>> -> memref<1x624x128xf32, #tpu.memory_space<hbm>>
      %dma_start3A_28 = tpu.memref_squeeze %dma_start3A_27 : memref<1x624x128xf32, #tpu.memory_space<hbm>> -> memref<624x128xf32, #tpu.memory_space<hbm>>
      %dma_start3A_29 = arith.constant 0 : i32
      %dma_start3A_30 = tpu.memref_slice %arg13[%mul3A_19, %dma_start3A_29] : memref<10000x128xf32, #tpu.memory_space<vmem_shared>> -> memref<624x128xf32, #tpu.memory_space<vmem_shared>>
      tpu.enqueue_dma source(%dma_start3A_30 : memref<624x128xf32, #tpu.memory_space<vmem_shared>>) target(%dma_start3A_28 : memref<624x128xf32, #tpu.memory_space<hbm>>) target_semaphore(%run_scoped3A : memref<!tpu.dma_semaphore, #tpu.memory_space<semaphore_mem>>)
      %dma_wait3A_31 = arith.constant 0 : i32
      %dma_wait3A_32 = tpu.memref_slice %arg6[%arg0, %mul3A_21, %dma_wait3A_31] : memref<2x10000x128xf32, #tpu.memory_space<hbm>> -> memref<1x624x128xf32, #tpu.memory_space<hbm>>
      %dma_wait3A_33 = tpu.memref_squeeze %dma_wait3A_32 : memref<1x624x128xf32, #tpu.memory_space<hbm>> -> memref<624x128xf32, #tpu.memory_space<hbm>>
      %dma_wait3A_34 = arith.constant 0 : i32
      %dma_wait3A_35 = tpu.memref_slice %arg13[%mul3A_19, %dma_wait3A_34] : memref<10000x128xf32, #tpu.memory_space<vmem_shared>> -> memref<624x128xf32, #tpu.memory_space<vmem_shared>>
      tpu.wait_dma2 semaphore(%run_scoped3A : memref<!tpu.dma_semaphore, #tpu.memory_space<semaphore_mem>>) src(%dma_wait3A_35 : memref<624x128xf32, #tpu.memory_space<vmem_shared>>) dst(%dma_wait3A_33 : memref<624x128xf32, #tpu.memory_space<hbm>>)
      tpu.yield
    }) : () -> ()
    %eq3A_22 = arith.constant 15 : i32
    %eq3A_23 = arith.cmpi eq, %arg1, %eq3A_22 : i32
    %convert_element_type3A_24 = arith.extui %eq3A_23 : i1 to i32
    %cond3A_25 = arith.constant 0 : i32
    %cond3A_26 = arith.cmpi ne, %convert_element_type3A_24, %cond3A_25 : i32
    scf.if %cond3A_26 {
      "tpu.region"() ({
        %run_scoped3A = tpu.sem_alloc : memref<!tpu.dma_semaphore, #tpu.memory_space<semaphore_mem>>
        %dma_start3A = arith.constant 9984 : i32
        %dma_start3A_27 = arith.constant 0 : i32
        %dma_start3A_28 = tpu.memref_slice %arg6[%arg0, %dma_start3A, %dma_start3A_27] : memref<2x10000x128xf32, #tpu.memory_space<hbm>> -> memref<1x16x128xf32, #tpu.memory_space<hbm>>
        %dma_start3A_29 = tpu.memref_squeeze %dma_start3A_28 : memref<1x16x128xf32, #tpu.memory_space<hbm>> -> memref<16x128xf32, #tpu.memory_space<hbm>>
        %dma_start3A_30 = arith.constant 9984 : i32
        %dma_start3A_31 = arith.constant 0 : i32
        %dma_start3A_32 = tpu.memref_slice %arg13[%dma_start3A_30, %dma_start3A_31] : memref<10000x128xf32, #tpu.memory_space<vmem_shared>> -> memref<16x128xf32, #tpu.memory_space<vmem_shared>>
        tpu.enqueue_dma source(%dma_start3A_32 : memref<16x128xf32, #tpu.memory_space<vmem_shared>>) target(%dma_start3A_29 : memref<16x128xf32, #tpu.memory_space<hbm>>) target_semaphore(%run_scoped3A : memref<!tpu.dma_semaphore, #tpu.memory_space<semaphore_mem>>)
        %dma_wait3A_33 = arith.constant 9984 : i32
        %dma_wait3A_34 = arith.constant 0 : i32
        %dma_wait3A_35 = tpu.memref_slice %arg6[%arg0, %dma_wait3A_33, %dma_wait3A_34] : memref<2x10000x128xf32, #tpu.memory_space<hbm>> -> memref<1x16x128xf32, #tpu.memory_space<hbm>>
        %dma_wait3A_36 = tpu.memref_squeeze %dma_wait3A_35 : memref<1x16x128xf32, #tpu.memory_space<hbm>> -> memref<16x128xf32, #tpu.memory_space<hbm>>
        %dma_wait3A_37 = arith.constant 9984 : i32
        %dma_wait3A_38 = arith.constant 0 : i32
        %dma_wait3A_39 = tpu.memref_slice %arg13[%dma_wait3A_37, %dma_wait3A_38] : memref<10000x128xf32, #tpu.memory_space<vmem_shared>> -> memref<16x128xf32, #tpu.memory_space<vmem_shared>>
        tpu.wait_dma2 semaphore(%run_scoped3A : memref<!tpu.dma_semaphore, #tpu.memory_space<semaphore_mem>>) src(%dma_wait3A_39 : memref<16x128xf32, #tpu.memory_space<vmem_shared>>) dst(%dma_wait3A_36 : memref<16x128xf32, #tpu.memory_space<hbm>>)
        tpu.yield
      }) : () -> ()
    } else {
    }
    return
  }
}

#map = affine_map<(d0, d1) -> (0, 0)>
#map1 = affine_map<(d0, d1) -> (0, 0, 0, 0, 0)>
#map2 = affine_map<(d0, d1) -> (0, 0, 0)>
module attributes {stable_mosaic.version = 14 : i64} {
  func.func @_conv_sc(%arg0: i32, %arg1: i32, %arg2: memref<10000x128xf32, #tpu.memory_space<hbm>>, %arg3: memref<320000x128xf32, #tpu.memory_space<hbm>>, %arg4: memref<2x32x5x50x40xi32, #tpu.memory_space<hbm>>, %arg5: memref<10000x128xf32, #tpu.memory_space<hbm>>, %arg6: memref<2x10000x128xf32, #tpu.memory_space<hbm>>, %arg7: memref<50x40xi32, #tpu.memory_space<vmem>>, %arg8: memref<50x40xi32, #tpu.memory_space<vmem>>, %arg9: memref<40x128xf32, #tpu.memory_space<vmem>>, %arg10: memref<40x128xf32, #tpu.memory_space<vmem>>, %arg11: memref<40x128xf32, #tpu.memory_space<vmem>>, %arg12: memref<40x128xf32, #tpu.memory_space<vmem>>, %arg13: memref<10000x128xf32, #tpu.memory_space<vmem_shared>>, %arg14: memref<!tpu.dma_semaphore, #tpu.memory_space<semaphore_mem>>, %arg15: memref<!tpu.dma_semaphore, #tpu.memory_space<semaphore_mem>>, %arg16: memref<!tpu.dma_semaphore, #tpu.memory_space<semaphore_mem>>, %arg17: memref<!tpu.dma_semaphore, #tpu.memory_space<semaphore_mem>>, %arg18: memref<!tpu.dma_semaphore, #tpu.memory_space<semaphore_mem>>, %arg19: memref<!tpu.dma_semaphore, #tpu.memory_space<semaphore_mem>>) attributes {dimension_semantics = [#tpu.dimension_semantics<core_parallel>, #tpu.dimension_semantics<subcore_parallel>], iteration_bounds = array<i64: 2, 16>, scalar_prefetch = 0 : i64, scratch_operands = 13 : i64, tpu.core_type = #tpu.core_type<sc_vector_subcore>, window_params = [{transform_indices = #map}, {transform_indices = #map}, {transform_indices = #map1}, {transform_indices = #map}, {transform_indices = #map2}]} {
    %mul3A = arith.constant 2 : i32
    %mul3A_0 = arith.muli %arg1, %mul3A : i32
    %add3A = arith.addi %mul3A_0, %arg0 : i32
    %mul3A_1 = arith.constant 624 : i32
    %mul3A_2 = arith.muli %arg1, %mul3A_1 : i32
    %mul3A_3 = arith.constant 624 : i32
    %mul3A_4 = arith.muli %arg1, %mul3A_3 : i32
    "tpu.region"() ({
      %run_scoped3A = tpu.sem_alloc : memref<!tpu.dma_semaphore, #tpu.memory_space<semaphore_mem>>
      %dma_start3A = arith.constant 0 : i32
      %dma_start3A_27 = tpu.memref_slice %arg13[%mul3A_4, %dma_start3A] : memref<10000x128xf32, #tpu.memory_space<vmem_shared>> -> memref<624x128xf32, #tpu.memory_space<vmem_shared>>
      %dma_start3A_28 = arith.constant 0 : i32
      %dma_start3A_29 = tpu.memref_slice %arg5[%mul3A_2, %dma_start3A_28] : memref<10000x128xf32, #tpu.memory_space<hbm>> -> memref<624x128xf32, #tpu.memory_space<hbm>>
      tpu.enqueue_dma source(%dma_start3A_29 : memref<624x128xf32, #tpu.memory_space<hbm>>) target(%dma_start3A_27 : memref<624x128xf32, #tpu.memory_space<vmem_shared>>) target_semaphore(%run_scoped3A : memref<!tpu.dma_semaphore, #tpu.memory_space<semaphore_mem>>)
      %dma_wait3A_30 = arith.constant 0 : i32
      %dma_wait3A_31 = tpu.memref_slice %arg13[%mul3A_4, %dma_wait3A_30] : memref<10000x128xf32, #tpu.memory_space<vmem_shared>> -> memref<624x128xf32, #tpu.memory_space<vmem_shared>>
      %dma_wait3A_32 = arith.constant 0 : i32
      %dma_wait3A_33 = tpu.memref_slice %arg5[%mul3A_2, %dma_wait3A_32] : memref<10000x128xf32, #tpu.memory_space<hbm>> -> memref<624x128xf32, #tpu.memory_space<hbm>>
      tpu.wait_dma2 semaphore(%run_scoped3A : memref<!tpu.dma_semaphore, #tpu.memory_space<semaphore_mem>>) src(%dma_wait3A_33 : memref<624x128xf32, #tpu.memory_space<hbm>>) dst(%dma_wait3A_31 : memref<624x128xf32, #tpu.memory_space<vmem_shared>>)
      tpu.yield
    }) : () -> ()
    %eq3A = arith.constant 15 : i32
    %eq3A_5 = arith.cmpi eq, %arg1, %eq3A : i32
    %convert_element_type3A = arith.extui %eq3A_5 : i1 to i32
    %cond3A = arith.constant 0 : i32
    %cond3A_6 = arith.cmpi ne, %convert_element_type3A, %cond3A : i32
    scf.if %cond3A_6 {
      "tpu.region"() ({
        %run_scoped3A = tpu.sem_alloc : memref<!tpu.dma_semaphore, #tpu.memory_space<semaphore_mem>>
        %dma_start3A = arith.constant 9984 : i32
        %dma_start3A_27 = arith.constant 0 : i32
        %dma_start3A_28 = tpu.memref_slice %arg13[%dma_start3A, %dma_start3A_27] : memref<10000x128xf32, #tpu.memory_space<vmem_shared>> -> memref<16x128xf32, #tpu.memory_space<vmem_shared>>
        %dma_start3A_29 = arith.constant 9984 : i32
        %dma_start3A_30 = arith.constant 0 : i32
        %dma_start3A_31 = tpu.memref_slice %arg5[%dma_start3A_29, %dma_start3A_30] : memref<10000x128xf32, #tpu.memory_space<hbm>> -> memref<16x128xf32, #tpu.memory_space<hbm>>
        tpu.enqueue_dma source(%dma_start3A_31 : memref<16x128xf32, #tpu.memory_space<hbm>>) target(%dma_start3A_28 : memref<16x128xf32, #tpu.memory_space<vmem_shared>>) target_semaphore(%run_scoped3A : memref<!tpu.dma_semaphore, #tpu.memory_space<semaphore_mem>>)
        %dma_wait3A_32 = arith.constant 9984 : i32
        %dma_wait3A_33 = arith.constant 0 : i32
        %dma_wait3A_34 = tpu.memref_slice %arg13[%dma_wait3A_32, %dma_wait3A_33] : memref<10000x128xf32, #tpu.memory_space<vmem_shared>> -> memref<16x128xf32, #tpu.memory_space<vmem_shared>>
        %dma_wait3A_35 = arith.constant 9984 : i32
        %dma_wait3A_36 = arith.constant 0 : i32
        %dma_wait3A_37 = tpu.memref_slice %arg5[%dma_wait3A_35, %dma_wait3A_36] : memref<10000x128xf32, #tpu.memory_space<hbm>> -> memref<16x128xf32, #tpu.memory_space<hbm>>
        tpu.wait_dma2 semaphore(%run_scoped3A : memref<!tpu.dma_semaphore, #tpu.memory_space<semaphore_mem>>) src(%dma_wait3A_37 : memref<16x128xf32, #tpu.memory_space<hbm>>) dst(%dma_wait3A_34 : memref<16x128xf32, #tpu.memory_space<vmem_shared>>)
        tpu.yield
      }) : () -> ()
    } else {
    }
    %barrier3A = arith.constant 0 : index
    tpu.barrier barrier_id(%barrier3A)
    %scan3A = arith.constant 0 : i32
    %scan3A_7 = arith.constant 0 : i32
    %scan3A_8 = arith.constant 5 : i32
    %scan3A_9 = arith.addi %scan3A_7, %scan3A_8 : i32
    %scan3A_10 = arith.constant 1 : i32
    scf.for %scan3A_27 = %scan3A_7 to %scan3A_9 step %scan3A_10  : i32 {
      %mul3A_28 = arith.constant 50 : i32
      %mul3A_29 = arith.muli %scan3A_27, %mul3A_28 : i32
      %gt3A = arith.constant 0 : i32
      %gt3A_30 = arith.cmpi sgt, %scan3A_27, %gt3A : i32
      %convert_element_type3A_31 = arith.extui %gt3A_30 : i1 to i32
      %cond3A_32 = arith.constant 0 : i32
      %cond3A_33 = arith.cmpi ne, %convert_element_type3A_31, %cond3A_32 : i32
      scf.if %cond3A_33 {
        %dma_wait3A_60 = arith.constant 0 : i32
        %dma_wait3A_61 = arith.constant 0 : i32
        %dma_wait3A_62 = tpu.memref_slice %arg3[%dma_wait3A_60, %dma_wait3A_61] : memref<320000x128xf32, #tpu.memory_space<hbm>> -> memref<40x128xf32, #tpu.memory_space<hbm>>
        %dma_wait3A_63 = arith.constant 0 : i32
        %dma_wait3A_64 = arith.constant 0 : i32
        %dma_wait3A_65 = tpu.memref_slice %arg3[%dma_wait3A_63, %dma_wait3A_64] : memref<320000x128xf32, #tpu.memory_space<hbm>> -> memref<40x128xf32, #tpu.memory_space<hbm>>
        tpu.wait_dma2 semaphore(%arg19 : memref<!tpu.dma_semaphore, #tpu.memory_space<semaphore_mem>>) src(%dma_wait3A_65 : memref<40x128xf32, #tpu.memory_space<hbm>>) dst(%arg10 : memref<40x128xf32, #tpu.memory_space<vmem>>)
      } else {
      }
      %run_scoped3A = arith.constant 0 : i32
      "tpu.region"() ({
        %run_scoped3A_60 = tpu.sem_alloc : memref<!tpu.dma_semaphore, #tpu.memory_space<semaphore_mem>>
        %dma_start3A_61 = arith.constant 0 : i32
        %dma_start3A_62 = arith.constant 0 : i32
        %dma_start3A_63 = tpu.memref_slice %arg4[%run_scoped3A, %add3A, %scan3A_27, %dma_start3A_61, %dma_start3A_62] : memref<2x32x5x50x40xi32, #tpu.memory_space<hbm>> -> memref<1x1x1x50x40xi32, #tpu.memory_space<hbm>>
        %dma_start3A_64 = tpu.memref_squeeze %dma_start3A_63 : memref<1x1x1x50x40xi32, #tpu.memory_space<hbm>> -> memref<50x40xi32, #tpu.memory_space<hbm>>
        %dma_start3A_65 = arith.constant 0 : i32
        %dma_start3A_66 = arith.constant 0 : i32
        %dma_start3A_67 = tpu.memref_slice %arg4[%run_scoped3A, %add3A, %scan3A_27, %dma_start3A_65, %dma_start3A_66] : memref<2x32x5x50x40xi32, #tpu.memory_space<hbm>> -> memref<1x1x1x50x40xi32, #tpu.memory_space<hbm>>
        %dma_start3A_68 = tpu.memref_squeeze %dma_start3A_67 : memref<1x1x1x50x40xi32, #tpu.memory_space<hbm>> -> memref<50x40xi32, #tpu.memory_space<hbm>>
        tpu.enqueue_dma source(%dma_start3A_68 : memref<50x40xi32, #tpu.memory_space<hbm>>) target(%arg7 : memref<50x40xi32, #tpu.memory_space<vmem>>) target_semaphore(%run_scoped3A_60 : memref<!tpu.dma_semaphore, #tpu.memory_space<semaphore_mem>>)
        %dma_wait3A_69 = arith.constant 0 : i32
        %dma_wait3A_70 = arith.constant 0 : i32
        %dma_wait3A_71 = tpu.memref_slice %arg4[%run_scoped3A, %add3A, %scan3A_27, %dma_wait3A_69, %dma_wait3A_70] : memref<2x32x5x50x40xi32, #tpu.memory_space<hbm>> -> memref<1x1x1x50x40xi32, #tpu.memory_space<hbm>>
        %dma_wait3A_72 = tpu.memref_squeeze %dma_wait3A_71 : memref<1x1x1x50x40xi32, #tpu.memory_space<hbm>> -> memref<50x40xi32, #tpu.memory_space<hbm>>
        %dma_wait3A_73 = arith.constant 0 : i32
        %dma_wait3A_74 = arith.constant 0 : i32
        %dma_wait3A_75 = tpu.memref_slice %arg4[%run_scoped3A, %add3A, %scan3A_27, %dma_wait3A_73, %dma_wait3A_74] : memref<2x32x5x50x40xi32, #tpu.memory_space<hbm>> -> memref<1x1x1x50x40xi32, #tpu.memory_space<hbm>>
        %dma_wait3A_76 = tpu.memref_squeeze %dma_wait3A_75 : memref<1x1x1x50x40xi32, #tpu.memory_space<hbm>> -> memref<50x40xi32, #tpu.memory_space<hbm>>
        tpu.wait_dma2 semaphore(%run_scoped3A_60 : memref<!tpu.dma_semaphore, #tpu.memory_space<semaphore_mem>>) src(%dma_wait3A_76 : memref<50x40xi32, #tpu.memory_space<hbm>>) dst(%arg7 : memref<50x40xi32, #tpu.memory_space<vmem>>)
        tpu.yield
      }) : () -> ()
      %run_scoped3A_34 = arith.constant 1 : i32
      "tpu.region"() ({
        %run_scoped3A_60 = tpu.sem_alloc : memref<!tpu.dma_semaphore, #tpu.memory_space<semaphore_mem>>
        %dma_start3A_61 = arith.constant 0 : i32
        %dma_start3A_62 = arith.constant 0 : i32
        %dma_start3A_63 = tpu.memref_slice %arg4[%run_scoped3A_34, %add3A, %scan3A_27, %dma_start3A_61, %dma_start3A_62] : memref<2x32x5x50x40xi32, #tpu.memory_space<hbm>> -> memref<1x1x1x50x40xi32, #tpu.memory_space<hbm>>
        %dma_start3A_64 = tpu.memref_squeeze %dma_start3A_63 : memref<1x1x1x50x40xi32, #tpu.memory_space<hbm>> -> memref<50x40xi32, #tpu.memory_space<hbm>>
        %dma_start3A_65 = arith.constant 0 : i32
        %dma_start3A_66 = arith.constant 0 : i32
        %dma_start3A_67 = tpu.memref_slice %arg4[%run_scoped3A_34, %add3A, %scan3A_27, %dma_start3A_65, %dma_start3A_66] : memref<2x32x5x50x40xi32, #tpu.memory_space<hbm>> -> memref<1x1x1x50x40xi32, #tpu.memory_space<hbm>>
        %dma_start3A_68 = tpu.memref_squeeze %dma_start3A_67 : memref<1x1x1x50x40xi32, #tpu.memory_space<hbm>> -> memref<50x40xi32, #tpu.memory_space<hbm>>
        tpu.enqueue_dma source(%dma_start3A_68 : memref<50x40xi32, #tpu.memory_space<hbm>>) target(%arg8 : memref<50x40xi32, #tpu.memory_space<vmem>>) target_semaphore(%run_scoped3A_60 : memref<!tpu.dma_semaphore, #tpu.memory_space<semaphore_mem>>)
        %dma_wait3A_69 = arith.constant 0 : i32
        %dma_wait3A_70 = arith.constant 0 : i32
        %dma_wait3A_71 = tpu.memref_slice %arg4[%run_scoped3A_34, %add3A, %scan3A_27, %dma_wait3A_69, %dma_wait3A_70] : memref<2x32x5x50x40xi32, #tpu.memory_space<hbm>> -> memref<1x1x1x50x40xi32, #tpu.memory_space<hbm>>
        %dma_wait3A_72 = tpu.memref_squeeze %dma_wait3A_71 : memref<1x1x1x50x40xi32, #tpu.memory_space<hbm>> -> memref<50x40xi32, #tpu.memory_space<hbm>>
        %dma_wait3A_73 = arith.constant 0 : i32
        %dma_wait3A_74 = arith.constant 0 : i32
        %dma_wait3A_75 = tpu.memref_slice %arg4[%run_scoped3A_34, %add3A, %scan3A_27, %dma_wait3A_73, %dma_wait3A_74] : memref<2x32x5x50x40xi32, #tpu.memory_space<hbm>> -> memref<1x1x1x50x40xi32, #tpu.memory_space<hbm>>
        %dma_wait3A_76 = tpu.memref_squeeze %dma_wait3A_75 : memref<1x1x1x50x40xi32, #tpu.memory_space<hbm>> -> memref<50x40xi32, #tpu.memory_space<hbm>>
        tpu.wait_dma2 semaphore(%run_scoped3A_60 : memref<!tpu.dma_semaphore, #tpu.memory_space<semaphore_mem>>) src(%dma_wait3A_76 : memref<50x40xi32, #tpu.memory_space<hbm>>) dst(%arg8 : memref<50x40xi32, #tpu.memory_space<vmem>>)
        tpu.yield
      }) : () -> ()
      %dma_start3A = arith.constant 0 : i32
      %dma_start3A_35 = arith.constant 0 : i32
      %dma_start3A_36 = tpu.memref_slice %arg7[%dma_start3A, %dma_start3A_35] : memref<50x40xi32, #tpu.memory_space<vmem>> -> memref<1x40xi32, #tpu.memory_space<vmem>>
      %dma_start3A_37 = tpu.memref_squeeze %dma_start3A_36 : memref<1x40xi32, #tpu.memory_space<vmem>> -> memref<40xi32, #tpu.memory_space<vmem>>
      %dma_start3A_38 = arith.constant 0 : i32
      %dma_start3A_39 = arith.constant 0 : i32
      %dma_start3A_40 = tpu.memref_slice %arg2[%dma_start3A_38, %dma_start3A_39] : memref<10000x128xf32, #tpu.memory_space<hbm>> -> memref<10000x128xf32, #tpu.memory_space<hbm>>
      tpu.enqueue_indirect_dma source(%dma_start3A_40 : memref<10000x128xf32, #tpu.memory_space<hbm>>) target(%arg9 : memref<40x128xf32, #tpu.memory_space<vmem>>) offsets(%dma_start3A_37 : memref<40xi32, #tpu.memory_space<vmem>>) semaphore(%arg14 : memref<!tpu.dma_semaphore, #tpu.memory_space<semaphore_mem>>)
      %mul3A_41 = arith.constant 10000 : i32
      %mul3A_42 = arith.muli %add3A, %mul3A_41 : i32
      %mul3A_43 = arith.constant 50 : i32
      %mul3A_44 = arith.muli %scan3A_27, %mul3A_43 : i32
      %add3A_45 = arith.constant 0 : i32
      %add3A_46 = arith.addi %mul3A_44, %add3A_45 : i32
      %mul3A_47 = arith.constant 40 : i32
      %mul3A_48 = arith.muli %add3A_46, %mul3A_47 : i32
      %add3A_49 = arith.addi %mul3A_42, %mul3A_48 : i32
      %dma_start3A_50 = arith.constant 0 : i32
      %dma_start3A_51 = tpu.memref_slice %arg3[%add3A_49, %dma_start3A_50] : memref<320000x128xf32, #tpu.memory_space<hbm>> -> memref<40x128xf32, #tpu.memory_space<hbm>>
      %dma_start3A_52 = arith.constant 0 : i32
      %dma_start3A_53 = tpu.memref_slice %arg3[%add3A_49, %dma_start3A_52] : memref<320000x128xf32, #tpu.memory_space<hbm>> -> memref<40x128xf32, #tpu.memory_space<hbm>>
      tpu.enqueue_dma source(%dma_start3A_53 : memref<40x128xf32, #tpu.memory_space<hbm>>) target(%arg11 : memref<40x128xf32, #tpu.memory_space<vmem>>) target_semaphore(%arg16 : memref<!tpu.dma_semaphore, #tpu.memory_space<semaphore_mem>>)
      %scan3A_54 = arith.constant 0 : i32
      %scan3A_55 = arith.constant 0 : i32
      %scan3A_56 = arith.constant 25 : i32
      %scan3A_57 = arith.addi %scan3A_55, %scan3A_56 : i32
      %scan3A_58 = arith.constant 1 : i32
      scf.for %scan3A_60 = %scan3A_55 to %scan3A_57 step %scan3A_58  : i32 {
        %mul3A_61 = arith.constant 2 : i32
        %mul3A_62 = arith.muli %mul3A_61, %scan3A_60 : i32
        %add3A_63 = arith.constant 0 : i32
        %add3A_64 = arith.addi %mul3A_62, %add3A_63 : i32
        %gt3A_65 = arith.constant 0 : i32
        %gt3A_66 = arith.cmpi sgt, %add3A_64, %gt3A_65 : i32
        %convert_element_type3A_67 = arith.extui %gt3A_66 : i1 to i32
        %cond3A_68 = arith.constant 0 : i32
        %cond3A_69 = arith.cmpi ne, %convert_element_type3A_67, %cond3A_68 : i32
        scf.if %cond3A_69 {
          %dma_wait3A_129 = arith.constant 0 : i32
          %dma_wait3A_130 = arith.constant 0 : i32
          %dma_wait3A_131 = tpu.memref_slice %arg3[%dma_wait3A_129, %dma_wait3A_130] : memref<320000x128xf32, #tpu.memory_space<hbm>> -> memref<40x128xf32, #tpu.memory_space<hbm>>
          %dma_wait3A_132 = arith.constant 0 : i32
          %dma_wait3A_133 = arith.constant 0 : i32
          %dma_wait3A_134 = tpu.memref_slice %arg3[%dma_wait3A_132, %dma_wait3A_133] : memref<320000x128xf32, #tpu.memory_space<hbm>> -> memref<40x128xf32, #tpu.memory_space<hbm>>
          tpu.wait_dma2 semaphore(%arg19 : memref<!tpu.dma_semaphore, #tpu.memory_space<semaphore_mem>>) src(%dma_wait3A_134 : memref<40x128xf32, #tpu.memory_space<hbm>>) dst(%arg10 : memref<40x128xf32, #tpu.memory_space<vmem>>)
        } else {
        }
        %lt3A = arith.constant 49 : i32
        %lt3A_70 = arith.cmpi slt, %add3A_64, %lt3A : i32
        %convert_element_type3A_71 = arith.extui %lt3A_70 : i1 to i32
        %cond3A_72 = arith.constant 0 : i32
        %cond3A_73 = arith.cmpi ne, %convert_element_type3A_71, %cond3A_72 : i32
        scf.if %cond3A_73 {
          %add3A_129 = arith.constant 1 : i32
          %add3A_130 = arith.addi %add3A_64, %add3A_129 : i32
          %dma_start3A_131 = arith.constant 0 : i32
          %dma_start3A_132 = tpu.memref_slice %arg7[%add3A_130, %dma_start3A_131] : memref<50x40xi32, #tpu.memory_space<vmem>> -> memref<1x40xi32, #tpu.memory_space<vmem>>
          %dma_start3A_133 = tpu.memref_squeeze %dma_start3A_132 : memref<1x40xi32, #tpu.memory_space<vmem>> -> memref<40xi32, #tpu.memory_space<vmem>>
          %dma_start3A_134 = arith.constant 0 : i32
          %dma_start3A_135 = arith.constant 0 : i32
          %dma_start3A_136 = tpu.memref_slice %arg2[%dma_start3A_134, %dma_start3A_135] : memref<10000x128xf32, #tpu.memory_space<hbm>> -> memref<10000x128xf32, #tpu.memory_space<hbm>>
          tpu.enqueue_indirect_dma source(%dma_start3A_136 : memref<10000x128xf32, #tpu.memory_space<hbm>>) target(%arg10 : memref<40x128xf32, #tpu.memory_space<vmem>>) offsets(%dma_start3A_133 : memref<40xi32, #tpu.memory_space<vmem>>) semaphore(%arg15 : memref<!tpu.dma_semaphore, #tpu.memory_space<semaphore_mem>>)
          %mul3A_137 = arith.constant 10000 : i32
          %mul3A_138 = arith.muli %add3A, %mul3A_137 : i32
          %mul3A_139 = arith.constant 50 : i32
          %mul3A_140 = arith.muli %scan3A_27, %mul3A_139 : i32
          %add3A_141 = arith.addi %mul3A_140, %add3A_130 : i32
          %mul3A_142 = arith.constant 40 : i32
          %mul3A_143 = arith.muli %add3A_141, %mul3A_142 : i32
          %add3A_144 = arith.addi %mul3A_138, %mul3A_143 : i32
          %dma_start3A_145 = arith.constant 0 : i32
          %dma_start3A_146 = tpu.memref_slice %arg3[%add3A_144, %dma_start3A_145] : memref<320000x128xf32, #tpu.memory_space<hbm>> -> memref<40x128xf32, #tpu.memory_space<hbm>>
          %dma_start3A_147 = arith.constant 0 : i32
          %dma_start3A_148 = tpu.memref_slice %arg3[%add3A_144, %dma_start3A_147] : memref<320000x128xf32, #tpu.memory_space<hbm>> -> memref<40x128xf32, #tpu.memory_space<hbm>>
          tpu.enqueue_dma source(%dma_start3A_148 : memref<40x128xf32, #tpu.memory_space<hbm>>) target(%arg12 : memref<40x128xf32, #tpu.memory_space<vmem>>) target_semaphore(%arg17 : memref<!tpu.dma_semaphore, #tpu.memory_space<semaphore_mem>>)
        } else {
        }
        %dma_wait3A_74 = arith.constant 0 : i32
        %dma_wait3A_75 = arith.constant 0 : i32
        %dma_wait3A_76 = tpu.memref_slice %arg3[%dma_wait3A_74, %dma_wait3A_75] : memref<320000x128xf32, #tpu.memory_space<hbm>> -> memref<40x128xf32, #tpu.memory_space<hbm>>
        %dma_wait3A_77 = arith.constant 0 : i32
        %dma_wait3A_78 = arith.constant 0 : i32
        %dma_wait3A_79 = tpu.memref_slice %arg3[%dma_wait3A_77, %dma_wait3A_78] : memref<320000x128xf32, #tpu.memory_space<hbm>> -> memref<40x128xf32, #tpu.memory_space<hbm>>
        tpu.wait_dma2 semaphore(%arg14 : memref<!tpu.dma_semaphore, #tpu.memory_space<semaphore_mem>>) src(%dma_wait3A_79 : memref<40x128xf32, #tpu.memory_space<hbm>>) dst(%arg9 : memref<40x128xf32, #tpu.memory_space<vmem>>)
        %dma_wait3A_80 = arith.constant 0 : i32
        %dma_wait3A_81 = arith.constant 0 : i32
        %dma_wait3A_82 = tpu.memref_slice %arg3[%dma_wait3A_80, %dma_wait3A_81] : memref<320000x128xf32, #tpu.memory_space<hbm>> -> memref<40x128xf32, #tpu.memory_space<hbm>>
        %dma_wait3A_83 = arith.constant 0 : i32
        %dma_wait3A_84 = arith.constant 0 : i32
        %dma_wait3A_85 = tpu.memref_slice %arg3[%dma_wait3A_83, %dma_wait3A_84] : memref<320000x128xf32, #tpu.memory_space<hbm>> -> memref<40x128xf32, #tpu.memory_space<hbm>>
        tpu.wait_dma2 semaphore(%arg16 : memref<!tpu.dma_semaphore, #tpu.memory_space<semaphore_mem>>) src(%dma_wait3A_85 : memref<40x128xf32, #tpu.memory_space<hbm>>) dst(%arg11 : memref<40x128xf32, #tpu.memory_space<vmem>>)
        %parallel_loop3A = arith.constant 0 : i32
        %parallel_loop3A_86 = arith.constant 40 : i32
        %parallel_loop3A_87 = arith.constant 1 : i32
        scf.for %parallel_loop3A_129 = %parallel_loop3A to %parallel_loop3A_86 step %parallel_loop3A_87  : i32 {
          %parallel_loop3A_130 = arith.index_cast %parallel_loop3A_129 : i32 to index
          %parallel_loop3A_131 = arith.constant 0 : index
          %parallel_loop3A_132 = tpu.vector_load %arg9[%parallel_loop3A_130, %parallel_loop3A_131] {strides = array<i32>} : memref<40x128xf32, #tpu.memory_space<vmem>>, vector<1x16xf32>,
          %parallel_loop3A_133 = vector.shape_cast %parallel_loop3A_132 : vector<1x16xf32> to vector<16xf32>
          %parallel_loop3A_134 = arith.index_cast %parallel_loop3A_129 : i32 to index
          %parallel_loop3A_135 = arith.constant 0 : index
          %parallel_loop3A_136 = tpu.vector_load %arg11[%parallel_loop3A_134, %parallel_loop3A_135] {strides = array<i32>} : memref<40x128xf32, #tpu.memory_space<vmem>>, vector<1x16xf32>,
          %parallel_loop3A_137 = vector.shape_cast %parallel_loop3A_136 : vector<1x16xf32> to vector<16xf32>
          %parallel_loop3A_138 = arith.addf %parallel_loop3A_133, %parallel_loop3A_137 : vector<16xf32>
          %parallel_loop3A_139 = arith.constant 0.000000e+00 : f32
          %parallel_loop3A_140 = vector.broadcast %parallel_loop3A_139 : f32 to vector<16xf32>
          %parallel_loop3A_141 = arith.maximumf %parallel_loop3A_138, %parallel_loop3A_140 : vector<16xf32>
          %parallel_loop3A_142 = arith.index_cast %parallel_loop3A_129 : i32 to index
          %parallel_loop3A_143 = arith.constant 0 : index
          %parallel_loop3A_144 = tpu.vector_load %arg9[%parallel_loop3A_142, %parallel_loop3A_143] {strides = array<i32>} : memref<40x128xf32, #tpu.memory_space<vmem>>, vector<1x16xf32>,
          %parallel_loop3A_145 = vector.shape_cast %parallel_loop3A_144 : vector<1x16xf32> to vector<16xf32>
          %parallel_loop3A_146 = vector.shape_cast %parallel_loop3A_141 : vector<16xf32> to vector<1x16xf32>
          tpu.vector_store %arg9[%parallel_loop3A_142, %parallel_loop3A_143], %parallel_loop3A_146 {strides = array<i32>} : memref<40x128xf32, #tpu.memory_space<vmem>>, vector<1x16xf32>,
          %parallel_loop3A_147 = arith.index_cast %parallel_loop3A_129 : i32 to index
          %parallel_loop3A_148 = arith.constant 16 : index
          %parallel_loop3A_149 = tpu.vector_load %arg9[%parallel_loop3A_147, %parallel_loop3A_148] {strides = array<i32>} : memref<40x128xf32, #tpu.memory_space<vmem>>, vector<1x16xf32>,
          %parallel_loop3A_150 = vector.shape_cast %parallel_loop3A_149 : vector<1x16xf32> to vector<16xf32>
          %parallel_loop3A_151 = arith.index_cast %parallel_loop3A_129 : i32 to index
          %parallel_loop3A_152 = arith.constant 16 : index
          %parallel_loop3A_153 = tpu.vector_load %arg11[%parallel_loop3A_151, %parallel_loop3A_152] {strides = array<i32>} : memref<40x128xf32, #tpu.memory_space<vmem>>, vector<1x16xf32>,
          %parallel_loop3A_154 = vector.shape_cast %parallel_loop3A_153 : vector<1x16xf32> to vector<16xf32>
          %parallel_loop3A_155 = arith.addf %parallel_loop3A_150, %parallel_loop3A_154 : vector<16xf32>
          %parallel_loop3A_156 = arith.constant 0.000000e+00 : f32
          %parallel_loop3A_157 = vector.broadcast %parallel_loop3A_156 : f32 to vector<16xf32>
          %parallel_loop3A_158 = arith.maximumf %parallel_loop3A_155, %parallel_loop3A_157 : vector<16xf32>
          %parallel_loop3A_159 = arith.index_cast %parallel_loop3A_129 : i32 to index
          %parallel_loop3A_160 = arith.constant 16 : index
          %parallel_loop3A_161 = tpu.vector_load %arg9[%parallel_loop3A_159, %parallel_loop3A_160] {strides = array<i32>} : memref<40x128xf32, #tpu.memory_space<vmem>>, vector<1x16xf32>,
          %parallel_loop3A_162 = vector.shape_cast %parallel_loop3A_161 : vector<1x16xf32> to vector<16xf32>
          %parallel_loop3A_163 = vector.shape_cast %parallel_loop3A_158 : vector<16xf32> to vector<1x16xf32>
          tpu.vector_store %arg9[%parallel_loop3A_159, %parallel_loop3A_160], %parallel_loop3A_163 {strides = array<i32>} : memref<40x128xf32, #tpu.memory_space<vmem>>, vector<1x16xf32>,
          %parallel_loop3A_164 = arith.index_cast %parallel_loop3A_129 : i32 to index
          %parallel_loop3A_165 = arith.constant 32 : index
          %parallel_loop3A_166 = tpu.vector_load %arg9[%parallel_loop3A_164, %parallel_loop3A_165] {strides = array<i32>} : memref<40x128xf32, #tpu.memory_space<vmem>>, vector<1x16xf32>,
          %parallel_loop3A_167 = vector.shape_cast %parallel_loop3A_166 : vector<1x16xf32> to vector<16xf32>
          %parallel_loop3A_168 = arith.index_cast %parallel_loop3A_129 : i32 to index
          %parallel_loop3A_169 = arith.constant 32 : index
          %parallel_loop3A_170 = tpu.vector_load %arg11[%parallel_loop3A_168, %parallel_loop3A_169] {strides = array<i32>} : memref<40x128xf32, #tpu.memory_space<vmem>>, vector<1x16xf32>,
          %parallel_loop3A_171 = vector.shape_cast %parallel_loop3A_170 : vector<1x16xf32> to vector<16xf32>
          %parallel_loop3A_172 = arith.addf %parallel_loop3A_167, %parallel_loop3A_171 : vector<16xf32>
          %parallel_loop3A_173 = arith.constant 0.000000e+00 : f32
          %parallel_loop3A_174 = vector.broadcast %parallel_loop3A_173 : f32 to vector<16xf32>
          %parallel_loop3A_175 = arith.maximumf %parallel_loop3A_172, %parallel_loop3A_174 : vector<16xf32>
          %parallel_loop3A_176 = arith.index_cast %parallel_loop3A_129 : i32 to index
          %parallel_loop3A_177 = arith.constant 32 : index
          %parallel_loop3A_178 = tpu.vector_load %arg9[%parallel_loop3A_176, %parallel_loop3A_177] {strides = array<i32>} : memref<40x128xf32, #tpu.memory_space<vmem>>, vector<1x16xf32>,
          %parallel_loop3A_179 = vector.shape_cast %parallel_loop3A_178 : vector<1x16xf32> to vector<16xf32>
          %parallel_loop3A_180 = vector.shape_cast %parallel_loop3A_175 : vector<16xf32> to vector<1x16xf32>
          tpu.vector_store %arg9[%parallel_loop3A_176, %parallel_loop3A_177], %parallel_loop3A_180 {strides = array<i32>} : memref<40x128xf32, #tpu.memory_space<vmem>>, vector<1x16xf32>,
          %parallel_loop3A_181 = arith.index_cast %parallel_loop3A_129 : i32 to index
          %parallel_loop3A_182 = arith.constant 48 : index
          %parallel_loop3A_183 = tpu.vector_load %arg9[%parallel_loop3A_181, %parallel_loop3A_182] {strides = array<i32>} : memref<40x128xf32, #tpu.memory_space<vmem>>, vector<1x16xf32>,
          %parallel_loop3A_184 = vector.shape_cast %parallel_loop3A_183 : vector<1x16xf32> to vector<16xf32>
          %parallel_loop3A_185 = arith.index_cast %parallel_loop3A_129 : i32 to index
          %parallel_loop3A_186 = arith.constant 48 : index
          %parallel_loop3A_187 = tpu.vector_load %arg11[%parallel_loop3A_185, %parallel_loop3A_186] {strides = array<i32>} : memref<40x128xf32, #tpu.memory_space<vmem>>, vector<1x16xf32>,
          %parallel_loop3A_188 = vector.shape_cast %parallel_loop3A_187 : vector<1x16xf32> to vector<16xf32>
          %parallel_loop3A_189 = arith.addf %parallel_loop3A_184, %parallel_loop3A_188 : vector<16xf32>
          %parallel_loop3A_190 = arith.constant 0.000000e+00 : f32
          %parallel_loop3A_191 = vector.broadcast %parallel_loop3A_190 : f32 to vector<16xf32>
          %parallel_loop3A_192 = arith.maximumf %parallel_loop3A_189, %parallel_loop3A_191 : vector<16xf32>
          %parallel_loop3A_193 = arith.index_cast %parallel_loop3A_129 : i32 to index
          %parallel_loop3A_194 = arith.constant 48 : index
          %parallel_loop3A_195 = tpu.vector_load %arg9[%parallel_loop3A_193, %parallel_loop3A_194] {strides = array<i32>} : memref<40x128xf32, #tpu.memory_space<vmem>>, vector<1x16xf32>,
          %parallel_loop3A_196 = vector.shape_cast %parallel_loop3A_195 : vector<1x16xf32> to vector<16xf32>
          %parallel_loop3A_197 = vector.shape_cast %parallel_loop3A_192 : vector<16xf32> to vector<1x16xf32>
          tpu.vector_store %arg9[%parallel_loop3A_193, %parallel_loop3A_194], %parallel_loop3A_197 {strides = array<i32>} : memref<40x128xf32, #tpu.memory_space<vmem>>, vector<1x16xf32>,
          %parallel_loop3A_198 = arith.index_cast %parallel_loop3A_129 : i32 to index
          %parallel_loop3A_199 = arith.constant 64 : index
          %parallel_loop3A_200 = tpu.vector_load %arg9[%parallel_loop3A_198, %parallel_loop3A_199] {strides = array<i32>} : memref<40x128xf32, #tpu.memory_space<vmem>>, vector<1x16xf32>,
          %parallel_loop3A_201 = vector.shape_cast %parallel_loop3A_200 : vector<1x16xf32> to vector<16xf32>
          %parallel_loop3A_202 = arith.index_cast %parallel_loop3A_129 : i32 to index
          %parallel_loop3A_203 = arith.constant 64 : index
          %parallel_loop3A_204 = tpu.vector_load %arg11[%parallel_loop3A_202, %parallel_loop3A_203] {strides = array<i32>} : memref<40x128xf32, #tpu.memory_space<vmem>>, vector<1x16xf32>,
          %parallel_loop3A_205 = vector.shape_cast %parallel_loop3A_204 : vector<1x16xf32> to vector<16xf32>
          %parallel_loop3A_206 = arith.addf %parallel_loop3A_201, %parallel_loop3A_205 : vector<16xf32>
          %parallel_loop3A_207 = arith.constant 0.000000e+00 : f32
          %parallel_loop3A_208 = vector.broadcast %parallel_loop3A_207 : f32 to vector<16xf32>
          %parallel_loop3A_209 = arith.maximumf %parallel_loop3A_206, %parallel_loop3A_208 : vector<16xf32>
          %parallel_loop3A_210 = arith.index_cast %parallel_loop3A_129 : i32 to index
          %parallel_loop3A_211 = arith.constant 64 : index
          %parallel_loop3A_212 = tpu.vector_load %arg9[%parallel_loop3A_210, %parallel_loop3A_211] {strides = array<i32>} : memref<40x128xf32, #tpu.memory_space<vmem>>, vector<1x16xf32>,
          %parallel_loop3A_213 = vector.shape_cast %parallel_loop3A_212 : vector<1x16xf32> to vector<16xf32>
          %parallel_loop3A_214 = vector.shape_cast %parallel_loop3A_209 : vector<16xf32> to vector<1x16xf32>
          tpu.vector_store %arg9[%parallel_loop3A_210, %parallel_loop3A_211], %parallel_loop3A_214 {strides = array<i32>} : memref<40x128xf32, #tpu.memory_space<vmem>>, vector<1x16xf32>,
          %parallel_loop3A_215 = arith.index_cast %parallel_loop3A_129 : i32 to index
          %parallel_loop3A_216 = arith.constant 80 : index
          %parallel_loop3A_217 = tpu.vector_load %arg9[%parallel_loop3A_215, %parallel_loop3A_216] {strides = array<i32>} : memref<40x128xf32, #tpu.memory_space<vmem>>, vector<1x16xf32>,
          %parallel_loop3A_218 = vector.shape_cast %parallel_loop3A_217 : vector<1x16xf32> to vector<16xf32>
          %parallel_loop3A_219 = arith.index_cast %parallel_loop3A_129 : i32 to index
          %parallel_loop3A_220 = arith.constant 80 : index
          %parallel_loop3A_221 = tpu.vector_load %arg11[%parallel_loop3A_219, %parallel_loop3A_220] {strides = array<i32>} : memref<40x128xf32, #tpu.memory_space<vmem>>, vector<1x16xf32>,
          %parallel_loop3A_222 = vector.shape_cast %parallel_loop3A_221 : vector<1x16xf32> to vector<16xf32>
          %parallel_loop3A_223 = arith.addf %parallel_loop3A_218, %parallel_loop3A_222 : vector<16xf32>
          %parallel_loop3A_224 = arith.constant 0.000000e+00 : f32
          %parallel_loop3A_225 = vector.broadcast %parallel_loop3A_224 : f32 to vector<16xf32>
          %parallel_loop3A_226 = arith.maximumf %parallel_loop3A_223, %parallel_loop3A_225 : vector<16xf32>
          %parallel_loop3A_227 = arith.index_cast %parallel_loop3A_129 : i32 to index
          %parallel_loop3A_228 = arith.constant 80 : index
          %parallel_loop3A_229 = tpu.vector_load %arg9[%parallel_loop3A_227, %parallel_loop3A_228] {strides = array<i32>} : memref<40x128xf32, #tpu.memory_space<vmem>>, vector<1x16xf32>,
          %parallel_loop3A_230 = vector.shape_cast %parallel_loop3A_229 : vector<1x16xf32> to vector<16xf32>
          %parallel_loop3A_231 = vector.shape_cast %parallel_loop3A_226 : vector<16xf32> to vector<1x16xf32>
          tpu.vector_store %arg9[%parallel_loop3A_227, %parallel_loop3A_228], %parallel_loop3A_231 {strides = array<i32>} : memref<40x128xf32, #tpu.memory_space<vmem>>, vector<1x16xf32>,
          %parallel_loop3A_232 = arith.index_cast %parallel_loop3A_129 : i32 to index
          %parallel_loop3A_233 = arith.constant 96 : index
          %parallel_loop3A_234 = tpu.vector_load %arg9[%parallel_loop3A_232, %parallel_loop3A_233] {strides = array<i32>} : memref<40x128xf32, #tpu.memory_space<vmem>>, vector<1x16xf32>,
          %parallel_loop3A_235 = vector.shape_cast %parallel_loop3A_234 : vector<1x16xf32> to vector<16xf32>
          %parallel_loop3A_236 = arith.index_cast %parallel_loop3A_129 : i32 to index
          %parallel_loop3A_237 = arith.constant 96 : index
          %parallel_loop3A_238 = tpu.vector_load %arg11[%parallel_loop3A_236, %parallel_loop3A_237] {strides = array<i32>} : memref<40x128xf32, #tpu.memory_space<vmem>>, vector<1x16xf32>,
          %parallel_loop3A_239 = vector.shape_cast %parallel_loop3A_238 : vector<1x16xf32> to vector<16xf32>
          %parallel_loop3A_240 = arith.addf %parallel_loop3A_235, %parallel_loop3A_239 : vector<16xf32>
          %parallel_loop3A_241 = arith.constant 0.000000e+00 : f32
          %parallel_loop3A_242 = vector.broadcast %parallel_loop3A_241 : f32 to vector<16xf32>
          %parallel_loop3A_243 = arith.maximumf %parallel_loop3A_240, %parallel_loop3A_242 : vector<16xf32>
          %parallel_loop3A_244 = arith.index_cast %parallel_loop3A_129 : i32 to index
          %parallel_loop3A_245 = arith.constant 96 : index
          %parallel_loop3A_246 = tpu.vector_load %arg9[%parallel_loop3A_244, %parallel_loop3A_245] {strides = array<i32>} : memref<40x128xf32, #tpu.memory_space<vmem>>, vector<1x16xf32>,
          %parallel_loop3A_247 = vector.shape_cast %parallel_loop3A_246 : vector<1x16xf32> to vector<16xf32>
          %parallel_loop3A_248 = vector.shape_cast %parallel_loop3A_243 : vector<16xf32> to vector<1x16xf32>
          tpu.vector_store %arg9[%parallel_loop3A_244, %parallel_loop3A_245], %parallel_loop3A_248 {strides = array<i32>} : memref<40x128xf32, #tpu.memory_space<vmem>>, vector<1x16xf32>,
          %parallel_loop3A_249 = arith.index_cast %parallel_loop3A_129 : i32 to index
          %parallel_loop3A_250 = arith.constant 112 : index
          %parallel_loop3A_251 = tpu.vector_load %arg9[%parallel_loop3A_249, %parallel_loop3A_250] {strides = array<i32>} : memref<40x128xf32, #tpu.memory_space<vmem>>, vector<1x16xf32>,
          %parallel_loop3A_252 = vector.shape_cast %parallel_loop3A_251 : vector<1x16xf32> to vector<16xf32>
          %parallel_loop3A_253 = arith.index_cast %parallel_loop3A_129 : i32 to index
          %parallel_loop3A_254 = arith.constant 112 : index
          %parallel_loop3A_255 = tpu.vector_load %arg11[%parallel_loop3A_253, %parallel_loop3A_254] {strides = array<i32>} : memref<40x128xf32, #tpu.memory_space<vmem>>, vector<1x16xf32>,
          %parallel_loop3A_256 = vector.shape_cast %parallel_loop3A_255 : vector<1x16xf32> to vector<16xf32>
          %parallel_loop3A_257 = arith.addf %parallel_loop3A_252, %parallel_loop3A_256 : vector<16xf32>
          %parallel_loop3A_258 = arith.constant 0.000000e+00 : f32
          %parallel_loop3A_259 = vector.broadcast %parallel_loop3A_258 : f32 to vector<16xf32>
          %parallel_loop3A_260 = arith.maximumf %parallel_loop3A_257, %parallel_loop3A_259 : vector<16xf32>
          %parallel_loop3A_261 = arith.index_cast %parallel_loop3A_129 : i32 to index
          %parallel_loop3A_262 = arith.constant 112 : index
          %parallel_loop3A_263 = tpu.vector_load %arg9[%parallel_loop3A_261, %parallel_loop3A_262] {strides = array<i32>} : memref<40x128xf32, #tpu.memory_space<vmem>>, vector<1x16xf32>,
          %parallel_loop3A_264 = vector.shape_cast %parallel_loop3A_263 : vector<1x16xf32> to vector<16xf32>
          %parallel_loop3A_265 = vector.shape_cast %parallel_loop3A_260 : vector<16xf32> to vector<1x16xf32>
          tpu.vector_store %arg9[%parallel_loop3A_261, %parallel_loop3A_262], %parallel_loop3A_265 {strides = array<i32>} : memref<40x128xf32, #tpu.memory_space<vmem>>, vector<1x16xf32>,
        } {sc.loop_unroll_factor = 4 : i64, sc.parallel_access}
        %dma_start3A_88 = arith.constant 0 : i32
        %dma_start3A_89 = tpu.memref_slice %arg8[%add3A_64, %dma_start3A_88] : memref<50x40xi32, #tpu.memory_space<vmem>> -> memref<1x40xi32, #tpu.memory_space<vmem>>
        %dma_start3A_90 = tpu.memref_squeeze %dma_start3A_89 : memref<1x40xi32, #tpu.memory_space<vmem>> -> memref<40xi32, #tpu.memory_space<vmem>>
        %dma_start3A_91 = arith.constant 0 : i32
        %dma_start3A_92 = arith.constant 0 : i32
        %dma_start3A_93 = tpu.memref_slice %arg13[%dma_start3A_91, %dma_start3A_92] : memref<10000x128xf32, #tpu.memory_space<vmem_shared>> -> memref<10000x128xf32, #tpu.memory_space<vmem_shared>>
        tpu.enqueue_indirect_dma source(%arg9 : memref<40x128xf32, #tpu.memory_space<vmem>>) target(%dma_start3A_93 : memref<10000x128xf32, #tpu.memory_space<vmem_shared>>) offsets(%dma_start3A_90 : memref<40xi32, #tpu.memory_space<vmem>>) semaphore(%arg18 : memref<!tpu.dma_semaphore, #tpu.memory_space<semaphore_mem>>) {add = true}
        %mul3A_94 = arith.constant 2 : i32
        %mul3A_95 = arith.muli %mul3A_94, %scan3A_60 : i32
        %add3A_96 = arith.constant 1 : i32
        %add3A_97 = arith.addi %mul3A_95, %add3A_96 : i32
        %gt3A_98 = arith.constant 0 : i32
        %gt3A_99 = arith.cmpi sgt, %add3A_97, %gt3A_98 : i32
        %convert_element_type3A_100 = arith.extui %gt3A_99 : i1 to i32
        %cond3A_101 = arith.constant 0 : i32
        %cond3A_102 = arith.cmpi ne, %convert_element_type3A_100, %cond3A_101 : i32
        scf.if %cond3A_102 {
          %dma_wait3A_129 = arith.constant 0 : i32
          %dma_wait3A_130 = arith.constant 0 : i32
          %dma_wait3A_131 = tpu.memref_slice %arg3[%dma_wait3A_129, %dma_wait3A_130] : memref<320000x128xf32, #tpu.memory_space<hbm>> -> memref<40x128xf32, #tpu.memory_space<hbm>>
          %dma_wait3A_132 = arith.constant 0 : i32
          %dma_wait3A_133 = arith.constant 0 : i32
          %dma_wait3A_134 = tpu.memref_slice %arg3[%dma_wait3A_132, %dma_wait3A_133] : memref<320000x128xf32, #tpu.memory_space<hbm>> -> memref<40x128xf32, #tpu.memory_space<hbm>>
          tpu.wait_dma2 semaphore(%arg18 : memref<!tpu.dma_semaphore, #tpu.memory_space<semaphore_mem>>) src(%dma_wait3A_134 : memref<40x128xf32, #tpu.memory_space<hbm>>) dst(%arg9 : memref<40x128xf32, #tpu.memory_space<vmem>>)
        } else {
        }
        %lt3A_103 = arith.constant 49 : i32
        %lt3A_104 = arith.cmpi slt, %add3A_97, %lt3A_103 : i32
        %convert_element_type3A_105 = arith.extui %lt3A_104 : i1 to i32
        %cond3A_106 = arith.constant 0 : i32
        %cond3A_107 = arith.cmpi ne, %convert_element_type3A_105, %cond3A_106 : i32
        scf.if %cond3A_107 {
          %add3A_129 = arith.constant 1 : i32
          %add3A_130 = arith.addi %add3A_97, %add3A_129 : i32
          %dma_start3A_131 = arith.constant 0 : i32
          %dma_start3A_132 = tpu.memref_slice %arg7[%add3A_130, %dma_start3A_131] : memref<50x40xi32, #tpu.memory_space<vmem>> -> memref<1x40xi32, #tpu.memory_space<vmem>>
          %dma_start3A_133 = tpu.memref_squeeze %dma_start3A_132 : memref<1x40xi32, #tpu.memory_space<vmem>> -> memref<40xi32, #tpu.memory_space<vmem>>
          %dma_start3A_134 = arith.constant 0 : i32
          %dma_start3A_135 = arith.constant 0 : i32
          %dma_start3A_136 = tpu.memref_slice %arg2[%dma_start3A_134, %dma_start3A_135] : memref<10000x128xf32, #tpu.memory_space<hbm>> -> memref<10000x128xf32, #tpu.memory_space<hbm>>
          tpu.enqueue_indirect_dma source(%dma_start3A_136 : memref<10000x128xf32, #tpu.memory_space<hbm>>) target(%arg9 : memref<40x128xf32, #tpu.memory_space<vmem>>) offsets(%dma_start3A_133 : memref<40xi32, #tpu.memory_space<vmem>>) semaphore(%arg14 : memref<!tpu.dma_semaphore, #tpu.memory_space<semaphore_mem>>)
          %mul3A_137 = arith.constant 10000 : i32
          %mul3A_138 = arith.muli %add3A, %mul3A_137 : i32
          %mul3A_139 = arith.constant 50 : i32
          %mul3A_140 = arith.muli %scan3A_27, %mul3A_139 : i32
          %add3A_141 = arith.addi %mul3A_140, %add3A_130 : i32
          %mul3A_142 = arith.constant 40 : i32
          %mul3A_143 = arith.muli %add3A_141, %mul3A_142 : i32
          %add3A_144 = arith.addi %mul3A_138, %mul3A_143 : i32
          %dma_start3A_145 = arith.constant 0 : i32
          %dma_start3A_146 = tpu.memref_slice %arg3[%add3A_144, %dma_start3A_145] : memref<320000x128xf32, #tpu.memory_space<hbm>> -> memref<40x128xf32, #tpu.memory_space<hbm>>
          %dma_start3A_147 = arith.constant 0 : i32
          %dma_start3A_148 = tpu.memref_slice %arg3[%add3A_144, %dma_start3A_147] : memref<320000x128xf32, #tpu.memory_space<hbm>> -> memref<40x128xf32, #tpu.memory_space<hbm>>
          tpu.enqueue_dma source(%dma_start3A_148 : memref<40x128xf32, #tpu.memory_space<hbm>>) target(%arg11 : memref<40x128xf32, #tpu.memory_space<vmem>>) target_semaphore(%arg16 : memref<!tpu.dma_semaphore, #tpu.memory_space<semaphore_mem>>)
        } else {
        }
        %dma_wait3A_108 = arith.constant 0 : i32
        %dma_wait3A_109 = arith.constant 0 : i32
        %dma_wait3A_110 = tpu.memref_slice %arg3[%dma_wait3A_108, %dma_wait3A_109] : memref<320000x128xf32, #tpu.memory_space<hbm>> -> memref<40x128xf32, #tpu.memory_space<hbm>>
        %dma_wait3A_111 = arith.constant 0 : i32
        %dma_wait3A_112 = arith.constant 0 : i32
        %dma_wait3A_113 = tpu.memref_slice %arg3[%dma_wait3A_111, %dma_wait3A_112] : memref<320000x128xf32, #tpu.memory_space<hbm>> -> memref<40x128xf32, #tpu.memory_space<hbm>>
        tpu.wait_dma2 semaphore(%arg15 : memref<!tpu.dma_semaphore, #tpu.memory_space<semaphore_mem>>) src(%dma_wait3A_113 : memref<40x128xf32, #tpu.memory_space<hbm>>) dst(%arg10 : memref<40x128xf32, #tpu.memory_space<vmem>>)
        %dma_wait3A_114 = arith.constant 0 : i32
        %dma_wait3A_115 = arith.constant 0 : i32
        %dma_wait3A_116 = tpu.memref_slice %arg3[%dma_wait3A_114, %dma_wait3A_115] : memref<320000x128xf32, #tpu.memory_space<hbm>> -> memref<40x128xf32, #tpu.memory_space<hbm>>
        %dma_wait3A_117 = arith.constant 0 : i32
        %dma_wait3A_118 = arith.constant 0 : i32
        %dma_wait3A_119 = tpu.memref_slice %arg3[%dma_wait3A_117, %dma_wait3A_118] : memref<320000x128xf32, #tpu.memory_space<hbm>> -> memref<40x128xf32, #tpu.memory_space<hbm>>
        tpu.wait_dma2 semaphore(%arg17 : memref<!tpu.dma_semaphore, #tpu.memory_space<semaphore_mem>>) src(%dma_wait3A_119 : memref<40x128xf32, #tpu.memory_space<hbm>>) dst(%arg12 : memref<40x128xf32, #tpu.memory_space<vmem>>)
        %parallel_loop3A_120 = arith.constant 0 : i32
        %parallel_loop3A_121 = arith.constant 40 : i32
        %parallel_loop3A_122 = arith.constant 1 : i32
        scf.for %parallel_loop3A_129 = %parallel_loop3A_120 to %parallel_loop3A_121 step %parallel_loop3A_122  : i32 {
          %parallel_loop3A_130 = arith.index_cast %parallel_loop3A_129 : i32 to index
          %parallel_loop3A_131 = arith.constant 0 : index
          %parallel_loop3A_132 = tpu.vector_load %arg10[%parallel_loop3A_130, %parallel_loop3A_131] {strides = array<i32>} : memref<40x128xf32, #tpu.memory_space<vmem>>, vector<1x16xf32>,
          %parallel_loop3A_133 = vector.shape_cast %parallel_loop3A_132 : vector<1x16xf32> to vector<16xf32>
          %parallel_loop3A_134 = arith.index_cast %parallel_loop3A_129 : i32 to index
          %parallel_loop3A_135 = arith.constant 0 : index
          %parallel_loop3A_136 = tpu.vector_load %arg12[%parallel_loop3A_134, %parallel_loop3A_135] {strides = array<i32>} : memref<40x128xf32, #tpu.memory_space<vmem>>, vector<1x16xf32>,
          %parallel_loop3A_137 = vector.shape_cast %parallel_loop3A_136 : vector<1x16xf32> to vector<16xf32>
          %parallel_loop3A_138 = arith.addf %parallel_loop3A_133, %parallel_loop3A_137 : vector<16xf32>
          %parallel_loop3A_139 = arith.constant 0.000000e+00 : f32
          %parallel_loop3A_140 = vector.broadcast %parallel_loop3A_139 : f32 to vector<16xf32>
          %parallel_loop3A_141 = arith.maximumf %parallel_loop3A_138, %parallel_loop3A_140 : vector<16xf32>
          %parallel_loop3A_142 = arith.index_cast %parallel_loop3A_129 : i32 to index
          %parallel_loop3A_143 = arith.constant 0 : index
          %parallel_loop3A_144 = tpu.vector_load %arg10[%parallel_loop3A_142, %parallel_loop3A_143] {strides = array<i32>} : memref<40x128xf32, #tpu.memory_space<vmem>>, vector<1x16xf32>,
          %parallel_loop3A_145 = vector.shape_cast %parallel_loop3A_144 : vector<1x16xf32> to vector<16xf32>
          %parallel_loop3A_146 = vector.shape_cast %parallel_loop3A_141 : vector<16xf32> to vector<1x16xf32>
          tpu.vector_store %arg10[%parallel_loop3A_142, %parallel_loop3A_143], %parallel_loop3A_146 {strides = array<i32>} : memref<40x128xf32, #tpu.memory_space<vmem>>, vector<1x16xf32>,
          %parallel_loop3A_147 = arith.index_cast %parallel_loop3A_129 : i32 to index
          %parallel_loop3A_148 = arith.constant 16 : index
          %parallel_loop3A_149 = tpu.vector_load %arg10[%parallel_loop3A_147, %parallel_loop3A_148] {strides = array<i32>} : memref<40x128xf32, #tpu.memory_space<vmem>>, vector<1x16xf32>,
          %parallel_loop3A_150 = vector.shape_cast %parallel_loop3A_149 : vector<1x16xf32> to vector<16xf32>
          %parallel_loop3A_151 = arith.index_cast %parallel_loop3A_129 : i32 to index
          %parallel_loop3A_152 = arith.constant 16 : index
          %parallel_loop3A_153 = tpu.vector_load %arg12[%parallel_loop3A_151, %parallel_loop3A_152] {strides = array<i32>} : memref<40x128xf32, #tpu.memory_space<vmem>>, vector<1x16xf32>,
          %parallel_loop3A_154 = vector.shape_cast %parallel_loop3A_153 : vector<1x16xf32> to vector<16xf32>
          %parallel_loop3A_155 = arith.addf %parallel_loop3A_150, %parallel_loop3A_154 : vector<16xf32>
          %parallel_loop3A_156 = arith.constant 0.000000e+00 : f32
          %parallel_loop3A_157 = vector.broadcast %parallel_loop3A_156 : f32 to vector<16xf32>
          %parallel_loop3A_158 = arith.maximumf %parallel_loop3A_155, %parallel_loop3A_157 : vector<16xf32>
          %parallel_loop3A_159 = arith.index_cast %parallel_loop3A_129 : i32 to index
          %parallel_loop3A_160 = arith.constant 16 : index
          %parallel_loop3A_161 = tpu.vector_load %arg10[%parallel_loop3A_159, %parallel_loop3A_160] {strides = array<i32>} : memref<40x128xf32, #tpu.memory_space<vmem>>, vector<1x16xf32>,
          %parallel_loop3A_162 = vector.shape_cast %parallel_loop3A_161 : vector<1x16xf32> to vector<16xf32>
          %parallel_loop3A_163 = vector.shape_cast %parallel_loop3A_158 : vector<16xf32> to vector<1x16xf32>
          tpu.vector_store %arg10[%parallel_loop3A_159, %parallel_loop3A_160], %parallel_loop3A_163 {strides = array<i32>} : memref<40x128xf32, #tpu.memory_space<vmem>>, vector<1x16xf32>,
          %parallel_loop3A_164 = arith.index_cast %parallel_loop3A_129 : i32 to index
          %parallel_loop3A_165 = arith.constant 32 : index
          %parallel_loop3A_166 = tpu.vector_load %arg10[%parallel_loop3A_164, %parallel_loop3A_165] {strides = array<i32>} : memref<40x128xf32, #tpu.memory_space<vmem>>, vector<1x16xf32>,
          %parallel_loop3A_167 = vector.shape_cast %parallel_loop3A_166 : vector<1x16xf32> to vector<16xf32>
          %parallel_loop3A_168 = arith.index_cast %parallel_loop3A_129 : i32 to index
          %parallel_loop3A_169 = arith.constant 32 : index
          %parallel_loop3A_170 = tpu.vector_load %arg12[%parallel_loop3A_168, %parallel_loop3A_169] {strides = array<i32>} : memref<40x128xf32, #tpu.memory_space<vmem>>, vector<1x16xf32>,
          %parallel_loop3A_171 = vector.shape_cast %parallel_loop3A_170 : vector<1x16xf32> to vector<16xf32>
          %parallel_loop3A_172 = arith.addf %parallel_loop3A_167, %parallel_loop3A_171 : vector<16xf32>
          %parallel_loop3A_173 = arith.constant 0.000000e+00 : f32
          %parallel_loop3A_174 = vector.broadcast %parallel_loop3A_173 : f32 to vector<16xf32>
          %parallel_loop3A_175 = arith.maximumf %parallel_loop3A_172, %parallel_loop3A_174 : vector<16xf32>
          %parallel_loop3A_176 = arith.index_cast %parallel_loop3A_129 : i32 to index
          %parallel_loop3A_177 = arith.constant 32 : index
          %parallel_loop3A_178 = tpu.vector_load %arg10[%parallel_loop3A_176, %parallel_loop3A_177] {strides = array<i32>} : memref<40x128xf32, #tpu.memory_space<vmem>>, vector<1x16xf32>,
          %parallel_loop3A_179 = vector.shape_cast %parallel_loop3A_178 : vector<1x16xf32> to vector<16xf32>
          %parallel_loop3A_180 = vector.shape_cast %parallel_loop3A_175 : vector<16xf32> to vector<1x16xf32>
          tpu.vector_store %arg10[%parallel_loop3A_176, %parallel_loop3A_177], %parallel_loop3A_180 {strides = array<i32>} : memref<40x128xf32, #tpu.memory_space<vmem>>, vector<1x16xf32>,
          %parallel_loop3A_181 = arith.index_cast %parallel_loop3A_129 : i32 to index
          %parallel_loop3A_182 = arith.constant 48 : index
          %parallel_loop3A_183 = tpu.vector_load %arg10[%parallel_loop3A_181, %parallel_loop3A_182] {strides = array<i32>} : memref<40x128xf32, #tpu.memory_space<vmem>>, vector<1x16xf32>,
          %parallel_loop3A_184 = vector.shape_cast %parallel_loop3A_183 : vector<1x16xf32> to vector<16xf32>
          %parallel_loop3A_185 = arith.index_cast %parallel_loop3A_129 : i32 to index
          %parallel_loop3A_186 = arith.constant 48 : index
          %parallel_loop3A_187 = tpu.vector_load %arg12[%parallel_loop3A_185, %parallel_loop3A_186] {strides = array<i32>} : memref<40x128xf32, #tpu.memory_space<vmem>>, vector<1x16xf32>,
          %parallel_loop3A_188 = vector.shape_cast %parallel_loop3A_187 : vector<1x16xf32> to vector<16xf32>
          %parallel_loop3A_189 = arith.addf %parallel_loop3A_184, %parallel_loop3A_188 : vector<16xf32>
          %parallel_loop3A_190 = arith.constant 0.000000e+00 : f32
          %parallel_loop3A_191 = vector.broadcast %parallel_loop3A_190 : f32 to vector<16xf32>
          %parallel_loop3A_192 = arith.maximumf %parallel_loop3A_189, %parallel_loop3A_191 : vector<16xf32>
          %parallel_loop3A_193 = arith.index_cast %parallel_loop3A_129 : i32 to index
          %parallel_loop3A_194 = arith.constant 48 : index
          %parallel_loop3A_195 = tpu.vector_load %arg10[%parallel_loop3A_193, %parallel_loop3A_194] {strides = array<i32>} : memref<40x128xf32, #tpu.memory_space<vmem>>, vector<1x16xf32>,
          %parallel_loop3A_196 = vector.shape_cast %parallel_loop3A_195 : vector<1x16xf32> to vector<16xf32>
          %parallel_loop3A_197 = vector.shape_cast %parallel_loop3A_192 : vector<16xf32> to vector<1x16xf32>
          tpu.vector_store %arg10[%parallel_loop3A_193, %parallel_loop3A_194], %parallel_loop3A_197 {strides = array<i32>} : memref<40x128xf32, #tpu.memory_space<vmem>>, vector<1x16xf32>,
          %parallel_loop3A_198 = arith.index_cast %parallel_loop3A_129 : i32 to index
          %parallel_loop3A_199 = arith.constant 64 : index
          %parallel_loop3A_200 = tpu.vector_load %arg10[%parallel_loop3A_198, %parallel_loop3A_199] {strides = array<i32>} : memref<40x128xf32, #tpu.memory_space<vmem>>, vector<1x16xf32>,
          %parallel_loop3A_201 = vector.shape_cast %parallel_loop3A_200 : vector<1x16xf32> to vector<16xf32>
          %parallel_loop3A_202 = arith.index_cast %parallel_loop3A_129 : i32 to index
          %parallel_loop3A_203 = arith.constant 64 : index
          %parallel_loop3A_204 = tpu.vector_load %arg12[%parallel_loop3A_202, %parallel_loop3A_203] {strides = array<i32>} : memref<40x128xf32, #tpu.memory_space<vmem>>, vector<1x16xf32>,
          %parallel_loop3A_205 = vector.shape_cast %parallel_loop3A_204 : vector<1x16xf32> to vector<16xf32>
          %parallel_loop3A_206 = arith.addf %parallel_loop3A_201, %parallel_loop3A_205 : vector<16xf32>
          %parallel_loop3A_207 = arith.constant 0.000000e+00 : f32
          %parallel_loop3A_208 = vector.broadcast %parallel_loop3A_207 : f32 to vector<16xf32>
          %parallel_loop3A_209 = arith.maximumf %parallel_loop3A_206, %parallel_loop3A_208 : vector<16xf32>
          %parallel_loop3A_210 = arith.index_cast %parallel_loop3A_129 : i32 to index
          %parallel_loop3A_211 = arith.constant 64 : index
          %parallel_loop3A_212 = tpu.vector_load %arg10[%parallel_loop3A_210, %parallel_loop3A_211] {strides = array<i32>} : memref<40x128xf32, #tpu.memory_space<vmem>>, vector<1x16xf32>,
          %parallel_loop3A_213 = vector.shape_cast %parallel_loop3A_212 : vector<1x16xf32> to vector<16xf32>
          %parallel_loop3A_214 = vector.shape_cast %parallel_loop3A_209 : vector<16xf32> to vector<1x16xf32>
          tpu.vector_store %arg10[%parallel_loop3A_210, %parallel_loop3A_211], %parallel_loop3A_214 {strides = array<i32>} : memref<40x128xf32, #tpu.memory_space<vmem>>, vector<1x16xf32>,
          %parallel_loop3A_215 = arith.index_cast %parallel_loop3A_129 : i32 to index
          %parallel_loop3A_216 = arith.constant 80 : index
          %parallel_loop3A_217 = tpu.vector_load %arg10[%parallel_loop3A_215, %parallel_loop3A_216] {strides = array<i32>} : memref<40x128xf32, #tpu.memory_space<vmem>>, vector<1x16xf32>,
          %parallel_loop3A_218 = vector.shape_cast %parallel_loop3A_217 : vector<1x16xf32> to vector<16xf32>
          %parallel_loop3A_219 = arith.index_cast %parallel_loop3A_129 : i32 to index
          %parallel_loop3A_220 = arith.constant 80 : index
          %parallel_loop3A_221 = tpu.vector_load %arg12[%parallel_loop3A_219, %parallel_loop3A_220] {strides = array<i32>} : memref<40x128xf32, #tpu.memory_space<vmem>>, vector<1x16xf32>,
          %parallel_loop3A_222 = vector.shape_cast %parallel_loop3A_221 : vector<1x16xf32> to vector<16xf32>
          %parallel_loop3A_223 = arith.addf %parallel_loop3A_218, %parallel_loop3A_222 : vector<16xf32>
          %parallel_loop3A_224 = arith.constant 0.000000e+00 : f32
          %parallel_loop3A_225 = vector.broadcast %parallel_loop3A_224 : f32 to vector<16xf32>
          %parallel_loop3A_226 = arith.maximumf %parallel_loop3A_223, %parallel_loop3A_225 : vector<16xf32>
          %parallel_loop3A_227 = arith.index_cast %parallel_loop3A_129 : i32 to index
          %parallel_loop3A_228 = arith.constant 80 : index
          %parallel_loop3A_229 = tpu.vector_load %arg10[%parallel_loop3A_227, %parallel_loop3A_228] {strides = array<i32>} : memref<40x128xf32, #tpu.memory_space<vmem>>, vector<1x16xf32>,
          %parallel_loop3A_230 = vector.shape_cast %parallel_loop3A_229 : vector<1x16xf32> to vector<16xf32>
          %parallel_loop3A_231 = vector.shape_cast %parallel_loop3A_226 : vector<16xf32> to vector<1x16xf32>
          tpu.vector_store %arg10[%parallel_loop3A_227, %parallel_loop3A_228], %parallel_loop3A_231 {strides = array<i32>} : memref<40x128xf32, #tpu.memory_space<vmem>>, vector<1x16xf32>,
          %parallel_loop3A_232 = arith.index_cast %parallel_loop3A_129 : i32 to index
          %parallel_loop3A_233 = arith.constant 96 : index
          %parallel_loop3A_234 = tpu.vector_load %arg10[%parallel_loop3A_232, %parallel_loop3A_233] {strides = array<i32>} : memref<40x128xf32, #tpu.memory_space<vmem>>, vector<1x16xf32>,
          %parallel_loop3A_235 = vector.shape_cast %parallel_loop3A_234 : vector<1x16xf32> to vector<16xf32>
          %parallel_loop3A_236 = arith.index_cast %parallel_loop3A_129 : i32 to index
          %parallel_loop3A_237 = arith.constant 96 : index
          %parallel_loop3A_238 = tpu.vector_load %arg12[%parallel_loop3A_236, %parallel_loop3A_237] {strides = array<i32>} : memref<40x128xf32, #tpu.memory_space<vmem>>, vector<1x16xf32>,
          %parallel_loop3A_239 = vector.shape_cast %parallel_loop3A_238 : vector<1x16xf32> to vector<16xf32>
          %parallel_loop3A_240 = arith.addf %parallel_loop3A_235, %parallel_loop3A_239 : vector<16xf32>
          %parallel_loop3A_241 = arith.constant 0.000000e+00 : f32
          %parallel_loop3A_242 = vector.broadcast %parallel_loop3A_241 : f32 to vector<16xf32>
          %parallel_loop3A_243 = arith.maximumf %parallel_loop3A_240, %parallel_loop3A_242 : vector<16xf32>
          %parallel_loop3A_244 = arith.index_cast %parallel_loop3A_129 : i32 to index
          %parallel_loop3A_245 = arith.constant 96 : index
          %parallel_loop3A_246 = tpu.vector_load %arg10[%parallel_loop3A_244, %parallel_loop3A_245] {strides = array<i32>} : memref<40x128xf32, #tpu.memory_space<vmem>>, vector<1x16xf32>,
          %parallel_loop3A_247 = vector.shape_cast %parallel_loop3A_246 : vector<1x16xf32> to vector<16xf32>
          %parallel_loop3A_248 = vector.shape_cast %parallel_loop3A_243 : vector<16xf32> to vector<1x16xf32>
          tpu.vector_store %arg10[%parallel_loop3A_244, %parallel_loop3A_245], %parallel_loop3A_248 {strides = array<i32>} : memref<40x128xf32, #tpu.memory_space<vmem>>, vector<1x16xf32>,
          %parallel_loop3A_249 = arith.index_cast %parallel_loop3A_129 : i32 to index
          %parallel_loop3A_250 = arith.constant 112 : index
          %parallel_loop3A_251 = tpu.vector_load %arg10[%parallel_loop3A_249, %parallel_loop3A_250] {strides = array<i32>} : memref<40x128xf32, #tpu.memory_space<vmem>>, vector<1x16xf32>,
          %parallel_loop3A_252 = vector.shape_cast %parallel_loop3A_251 : vector<1x16xf32> to vector<16xf32>
          %parallel_loop3A_253 = arith.index_cast %parallel_loop3A_129 : i32 to index
          %parallel_loop3A_254 = arith.constant 112 : index
          %parallel_loop3A_255 = tpu.vector_load %arg12[%parallel_loop3A_253, %parallel_loop3A_254] {strides = array<i32>} : memref<40x128xf32, #tpu.memory_space<vmem>>, vector<1x16xf32>,
          %parallel_loop3A_256 = vector.shape_cast %parallel_loop3A_255 : vector<1x16xf32> to vector<16xf32>
          %parallel_loop3A_257 = arith.addf %parallel_loop3A_252, %parallel_loop3A_256 : vector<16xf32>
          %parallel_loop3A_258 = arith.constant 0.000000e+00 : f32
          %parallel_loop3A_259 = vector.broadcast %parallel_loop3A_258 : f32 to vector<16xf32>
          %parallel_loop3A_260 = arith.maximumf %parallel_loop3A_257, %parallel_loop3A_259 : vector<16xf32>
          %parallel_loop3A_261 = arith.index_cast %parallel_loop3A_129 : i32 to index
          %parallel_loop3A_262 = arith.constant 112 : index
          %parallel_loop3A_263 = tpu.vector_load %arg10[%parallel_loop3A_261, %parallel_loop3A_262] {strides = array<i32>} : memref<40x128xf32, #tpu.memory_space<vmem>>, vector<1x16xf32>,
          %parallel_loop3A_264 = vector.shape_cast %parallel_loop3A_263 : vector<1x16xf32> to vector<16xf32>
          %parallel_loop3A_265 = vector.shape_cast %parallel_loop3A_260 : vector<16xf32> to vector<1x16xf32>
          tpu.vector_store %arg10[%parallel_loop3A_261, %parallel_loop3A_262], %parallel_loop3A_265 {strides = array<i32>} : memref<40x128xf32, #tpu.memory_space<vmem>>, vector<1x16xf32>,
        } {sc.loop_unroll_factor = 4 : i64, sc.parallel_access}
        %dma_start3A_123 = arith.constant 0 : i32
        %dma_start3A_124 = tpu.memref_slice %arg8[%add3A_97, %dma_start3A_123] : memref<50x40xi32, #tpu.memory_space<vmem>> -> memref<1x40xi32, #tpu.memory_space<vmem>>
        %dma_start3A_125 = tpu.memref_squeeze %dma_start3A_124 : memref<1x40xi32, #tpu.memory_space<vmem>> -> memref<40xi32, #tpu.memory_space<vmem>>
        %dma_start3A_126 = arith.constant 0 : i32
        %dma_start3A_127 = arith.constant 0 : i32
        %dma_start3A_128 = tpu.memref_slice %arg13[%dma_start3A_126, %dma_start3A_127] : memref<10000x128xf32, #tpu.memory_space<vmem_shared>> -> memref<10000x128xf32, #tpu.memory_space<vmem_shared>>
        tpu.enqueue_indirect_dma source(%arg10 : memref<40x128xf32, #tpu.memory_space<vmem>>) target(%dma_start3A_128 : memref<10000x128xf32, #tpu.memory_space<vmem_shared>>) offsets(%dma_start3A_125 : memref<40xi32, #tpu.memory_space<vmem>>) semaphore(%arg19 : memref<!tpu.dma_semaphore, #tpu.memory_space<semaphore_mem>>) {add = true}
      }
      %scan3A_59 = arith.constant 25 : i32
    }
    %scan3A_11 = arith.constant 5 : i32
    %dma_wait3A = arith.constant 0 : i32
    %dma_wait3A_12 = arith.constant 0 : i32
    %dma_wait3A_13 = tpu.memref_slice %arg3[%dma_wait3A, %dma_wait3A_12] : memref<320000x128xf32, #tpu.memory_space<hbm>> -> memref<40x128xf32, #tpu.memory_space<hbm>>
    %dma_wait3A_14 = arith.constant 0 : i32
    %dma_wait3A_15 = arith.constant 0 : i32
    %dma_wait3A_16 = tpu.memref_slice %arg3[%dma_wait3A_14, %dma_wait3A_15] : memref<320000x128xf32, #tpu.memory_space<hbm>> -> memref<40x128xf32, #tpu.memory_space<hbm>>
    tpu.wait_dma2 semaphore(%arg19 : memref<!tpu.dma_semaphore, #tpu.memory_space<semaphore_mem>>) src(%dma_wait3A_16 : memref<40x128xf32, #tpu.memory_space<hbm>>) dst(%arg10 : memref<40x128xf32, #tpu.memory_space<vmem>>)
    %barrier3A_17 = arith.constant 0 : index
    tpu.barrier barrier_id(%barrier3A_17)
    %mul3A_18 = arith.constant 624 : i32
    %mul3A_19 = arith.muli %arg1, %mul3A_18 : i32
    %mul3A_20 = arith.constant 624 : i32
    %mul3A_21 = arith.muli %arg1, %mul3A_20 : i32
    "tpu.region"() ({
      %run_scoped3A = tpu.sem_alloc : memref<!tpu.dma_semaphore, #tpu.memory_space<semaphore_mem>>
      %dma_start3A = arith.constant 0 : i32
      %dma_start3A_27 = tpu.memref_slice %arg6[%arg0, %mul3A_21, %dma_start3A] : memref<2x10000x128xf32, #tpu.memory_space<hbm>> -> memref<1x624x128xf32, #tpu.memory_space<hbm>>
      %dma_start3A_28 = tpu.memref_squeeze %dma_start3A_27 : memref<1x624x128xf32, #tpu.memory_space<hbm>> -> memref<624x128xf32, #tpu.memory_space<hbm>>
      %dma_start3A_29 = arith.constant 0 : i32
      %dma_start3A_30 = tpu.memref_slice %arg13[%mul3A_19, %dma_start3A_29] : memref<10000x128xf32, #tpu.memory_space<vmem_shared>> -> memref<624x128xf32, #tpu.memory_space<vmem_shared>>
      tpu.enqueue_dma source(%dma_start3A_30 : memref<624x128xf32, #tpu.memory_space<vmem_shared>>) target(%dma_start3A_28 : memref<624x128xf32, #tpu.memory_space<hbm>>) target_semaphore(%run_scoped3A : memref<!tpu.dma_semaphore, #tpu.memory_space<semaphore_mem>>)
      %dma_wait3A_31 = arith.constant 0 : i32
      %dma_wait3A_32 = tpu.memref_slice %arg6[%arg0, %mul3A_21, %dma_wait3A_31] : memref<2x10000x128xf32, #tpu.memory_space<hbm>> -> memref<1x624x128xf32, #tpu.memory_space<hbm>>
      %dma_wait3A_33 = tpu.memref_squeeze %dma_wait3A_32 : memref<1x624x128xf32, #tpu.memory_space<hbm>> -> memref<624x128xf32, #tpu.memory_space<hbm>>
      %dma_wait3A_34 = arith.constant 0 : i32
      %dma_wait3A_35 = tpu.memref_slice %arg13[%mul3A_19, %dma_wait3A_34] : memref<10000x128xf32, #tpu.memory_space<vmem_shared>> -> memref<624x128xf32, #tpu.memory_space<vmem_shared>>
      tpu.wait_dma2 semaphore(%run_scoped3A : memref<!tpu.dma_semaphore, #tpu.memory_space<semaphore_mem>>) src(%dma_wait3A_35 : memref<624x128xf32, #tpu.memory_space<vmem_shared>>) dst(%dma_wait3A_33 : memref<624x128xf32, #tpu.memory_space<hbm>>)
      tpu.yield
    }) : () -> ()
    %eq3A_22 = arith.constant 15 : i32
    %eq3A_23 = arith.cmpi eq, %arg1, %eq3A_22 : i32
    %convert_element_type3A_24 = arith.extui %eq3A_23 : i1 to i32
    %cond3A_25 = arith.constant 0 : i32
    %cond3A_26 = arith.cmpi ne, %convert_element_type3A_24, %cond3A_25 : i32
    scf.if %cond3A_26 {
      "tpu.region"() ({
        %run_scoped3A = tpu.sem_alloc : memref<!tpu.dma_semaphore, #tpu.memory_space<semaphore_mem>>
        %dma_start3A = arith.constant 9984 : i32
        %dma_start3A_27 = arith.constant 0 : i32
        %dma_start3A_28 = tpu.memref_slice %arg6[%arg0, %dma_start3A, %dma_start3A_27] : memref<2x10000x128xf32, #tpu.memory_space<hbm>> -> memref<1x16x128xf32, #tpu.memory_space<hbm>>
        %dma_start3A_29 = tpu.memref_squeeze %dma_start3A_28 : memref<1x16x128xf32, #tpu.memory_space<hbm>> -> memref<16x128xf32, #tpu.memory_space<hbm>>
        %dma_start3A_30 = arith.constant 9984 : i32
        %dma_start3A_31 = arith.constant 0 : i32
        %dma_start3A_32 = tpu.memref_slice %arg13[%dma_start3A_30, %dma_start3A_31] : memref<10000x128xf32, #tpu.memory_space<vmem_shared>> -> memref<16x128xf32, #tpu.memory_space<vmem_shared>>
        tpu.enqueue_dma source(%dma_start3A_32 : memref<16x128xf32, #tpu.memory_space<vmem_shared>>) target(%dma_start3A_29 : memref<16x128xf32, #tpu.memory_space<hbm>>) target_semaphore(%run_scoped3A : memref<!tpu.dma_semaphore, #tpu.memory_space<semaphore_mem>>)
        %dma_wait3A_33 = arith.constant 9984 : i32
        %dma_wait3A_34 = arith.constant 0 : i32
        %dma_wait3A_35 = tpu.memref_slice %arg6[%arg0, %dma_wait3A_33, %dma_wait3A_34] : memref<2x10000x128xf32, #tpu.memory_space<hbm>> -> memref<1x16x128xf32, #tpu.memory_space<hbm>>
        %dma_wait3A_36 = tpu.memref_squeeze %dma_wait3A_35 : memref<1x16x128xf32, #tpu.memory_space<hbm>> -> memref<16x128xf32, #tpu.memory_space<hbm>>
        %dma_wait3A_37 = arith.constant 9984 : i32
        %dma_wait3A_38 = arith.constant 0 : i32
        %dma_wait3A_39 = tpu.memref_slice %arg13[%dma_wait3A_37, %dma_wait3A_38] : memref<10000x128xf32, #tpu.memory_space<vmem_shared>> -> memref<16x128xf32, #tpu.memory_space<vmem_shared>>
        tpu.wait_dma2 semaphore(%run_scoped3A : memref<!tpu.dma_semaphore, #tpu.memory_space<semaphore_mem>>) src(%dma_wait3A_39 : memref<16x128xf32, #tpu.memory_space<vmem_shared>>) dst(%dma_wait3A_36 : memref<16x128xf32, #tpu.memory_space<hbm>>)
        tpu.yield
      }) : () -> ()
    } else {
    }
    return
  }
}

#map = affine_map<(d0, d1) -> (0, 0)>
#map1 = affine_map<(d0, d1) -> (0, 0, 0, 0, 0)>
#map2 = affine_map<(d0, d1) -> (0, 0, 0)>
module attributes {stable_mosaic.version = 14 : i64} {
  func.func @_conv_sc(%arg0: i32, %arg1: i32, %arg2: memref<10000x128xf32, #tpu.memory_space<hbm>>, %arg3: memref<320000x128xf32, #tpu.memory_space<hbm>>, %arg4: memref<2x32x5x50x40xi32, #tpu.memory_space<hbm>>, %arg5: memref<10000x128xf32, #tpu.memory_space<hbm>>, %arg6: memref<2x10000x128xf32, #tpu.memory_space<hbm>>, %arg7: memref<50x40xi32, #tpu.memory_space<vmem>>, %arg8: memref<50x40xi32, #tpu.memory_space<vmem>>, %arg9: memref<40x128xf32, #tpu.memory_space<vmem>>, %arg10: memref<40x128xf32, #tpu.memory_space<vmem>>, %arg11: memref<40x128xf32, #tpu.memory_space<vmem>>, %arg12: memref<40x128xf32, #tpu.memory_space<vmem>>, %arg13: memref<10000x128xf32, #tpu.memory_space<vmem_shared>>, %arg14: memref<!tpu.dma_semaphore, #tpu.memory_space<semaphore_mem>>, %arg15: memref<!tpu.dma_semaphore, #tpu.memory_space<semaphore_mem>>, %arg16: memref<!tpu.dma_semaphore, #tpu.memory_space<semaphore_mem>>, %arg17: memref<!tpu.dma_semaphore, #tpu.memory_space<semaphore_mem>>, %arg18: memref<!tpu.dma_semaphore, #tpu.memory_space<semaphore_mem>>, %arg19: memref<!tpu.dma_semaphore, #tpu.memory_space<semaphore_mem>>) attributes {dimension_semantics = [#tpu.dimension_semantics<core_parallel>, #tpu.dimension_semantics<subcore_parallel>], iteration_bounds = array<i64: 2, 16>, scalar_prefetch = 0 : i64, scratch_operands = 13 : i64, tpu.core_type = #tpu.core_type<sc_vector_subcore>, window_params = [{transform_indices = #map}, {transform_indices = #map}, {transform_indices = #map1}, {transform_indices = #map}, {transform_indices = #map2}]} {
    %mul3A = arith.constant 2 : i32
    %mul3A_0 = arith.muli %arg1, %mul3A : i32
    %add3A = arith.addi %mul3A_0, %arg0 : i32
    %mul3A_1 = arith.constant 624 : i32
    %mul3A_2 = arith.muli %arg1, %mul3A_1 : i32
    %mul3A_3 = arith.constant 624 : i32
    %mul3A_4 = arith.muli %arg1, %mul3A_3 : i32
    "tpu.region"() ({
      %run_scoped3A = tpu.sem_alloc : memref<!tpu.dma_semaphore, #tpu.memory_space<semaphore_mem>>
      %dma_start3A = arith.constant 0 : i32
      %dma_start3A_27 = tpu.memref_slice %arg13[%mul3A_4, %dma_start3A] : memref<10000x128xf32, #tpu.memory_space<vmem_shared>> -> memref<624x128xf32, #tpu.memory_space<vmem_shared>>
      %dma_start3A_28 = arith.constant 0 : i32
      %dma_start3A_29 = tpu.memref_slice %arg5[%mul3A_2, %dma_start3A_28] : memref<10000x128xf32, #tpu.memory_space<hbm>> -> memref<624x128xf32, #tpu.memory_space<hbm>>
      tpu.enqueue_dma source(%dma_start3A_29 : memref<624x128xf32, #tpu.memory_space<hbm>>) target(%dma_start3A_27 : memref<624x128xf32, #tpu.memory_space<vmem_shared>>) target_semaphore(%run_scoped3A : memref<!tpu.dma_semaphore, #tpu.memory_space<semaphore_mem>>)
      %dma_wait3A_30 = arith.constant 0 : i32
      %dma_wait3A_31 = tpu.memref_slice %arg13[%mul3A_4, %dma_wait3A_30] : memref<10000x128xf32, #tpu.memory_space<vmem_shared>> -> memref<624x128xf32, #tpu.memory_space<vmem_shared>>
      %dma_wait3A_32 = arith.constant 0 : i32
      %dma_wait3A_33 = tpu.memref_slice %arg5[%mul3A_2, %dma_wait3A_32] : memref<10000x128xf32, #tpu.memory_space<hbm>> -> memref<624x128xf32, #tpu.memory_space<hbm>>
      tpu.wait_dma2 semaphore(%run_scoped3A : memref<!tpu.dma_semaphore, #tpu.memory_space<semaphore_mem>>) src(%dma_wait3A_33 : memref<624x128xf32, #tpu.memory_space<hbm>>) dst(%dma_wait3A_31 : memref<624x128xf32, #tpu.memory_space<vmem_shared>>)
      tpu.yield
    }) : () -> ()
    %eq3A = arith.constant 15 : i32
    %eq3A_5 = arith.cmpi eq, %arg1, %eq3A : i32
    %convert_element_type3A = arith.extui %eq3A_5 : i1 to i32
    %cond3A = arith.constant 0 : i32
    %cond3A_6 = arith.cmpi ne, %convert_element_type3A, %cond3A : i32
    scf.if %cond3A_6 {
      "tpu.region"() ({
        %run_scoped3A = tpu.sem_alloc : memref<!tpu.dma_semaphore, #tpu.memory_space<semaphore_mem>>
        %dma_start3A = arith.constant 9984 : i32
        %dma_start3A_27 = arith.constant 0 : i32
        %dma_start3A_28 = tpu.memref_slice %arg13[%dma_start3A, %dma_start3A_27] : memref<10000x128xf32, #tpu.memory_space<vmem_shared>> -> memref<16x128xf32, #tpu.memory_space<vmem_shared>>
        %dma_start3A_29 = arith.constant 9984 : i32
        %dma_start3A_30 = arith.constant 0 : i32
        %dma_start3A_31 = tpu.memref_slice %arg5[%dma_start3A_29, %dma_start3A_30] : memref<10000x128xf32, #tpu.memory_space<hbm>> -> memref<16x128xf32, #tpu.memory_space<hbm>>
        tpu.enqueue_dma source(%dma_start3A_31 : memref<16x128xf32, #tpu.memory_space<hbm>>) target(%dma_start3A_28 : memref<16x128xf32, #tpu.memory_space<vmem_shared>>) target_semaphore(%run_scoped3A : memref<!tpu.dma_semaphore, #tpu.memory_space<semaphore_mem>>)
        %dma_wait3A_32 = arith.constant 9984 : i32
        %dma_wait3A_33 = arith.constant 0 : i32
        %dma_wait3A_34 = tpu.memref_slice %arg13[%dma_wait3A_32, %dma_wait3A_33] : memref<10000x128xf32, #tpu.memory_space<vmem_shared>> -> memref<16x128xf32, #tpu.memory_space<vmem_shared>>
        %dma_wait3A_35 = arith.constant 9984 : i32
        %dma_wait3A_36 = arith.constant 0 : i32
        %dma_wait3A_37 = tpu.memref_slice %arg5[%dma_wait3A_35, %dma_wait3A_36] : memref<10000x128xf32, #tpu.memory_space<hbm>> -> memref<16x128xf32, #tpu.memory_space<hbm>>
        tpu.wait_dma2 semaphore(%run_scoped3A : memref<!tpu.dma_semaphore, #tpu.memory_space<semaphore_mem>>) src(%dma_wait3A_37 : memref<16x128xf32, #tpu.memory_space<hbm>>) dst(%dma_wait3A_34 : memref<16x128xf32, #tpu.memory_space<vmem_shared>>)
        tpu.yield
      }) : () -> ()
    } else {
    }
    %barrier3A = arith.constant 0 : index
    tpu.barrier barrier_id(%barrier3A)
    %scan3A = arith.constant 0 : i32
    %scan3A_7 = arith.constant 0 : i32
    %scan3A_8 = arith.constant 5 : i32
    %scan3A_9 = arith.addi %scan3A_7, %scan3A_8 : i32
    %scan3A_10 = arith.constant 1 : i32
    scf.for %scan3A_27 = %scan3A_7 to %scan3A_9 step %scan3A_10  : i32 {
      %mul3A_28 = arith.constant 50 : i32
      %mul3A_29 = arith.muli %scan3A_27, %mul3A_28 : i32
      %gt3A = arith.constant 0 : i32
      %gt3A_30 = arith.cmpi sgt, %scan3A_27, %gt3A : i32
      %convert_element_type3A_31 = arith.extui %gt3A_30 : i1 to i32
      %cond3A_32 = arith.constant 0 : i32
      %cond3A_33 = arith.cmpi ne, %convert_element_type3A_31, %cond3A_32 : i32
      scf.if %cond3A_33 {
        %dma_wait3A_60 = arith.constant 0 : i32
        %dma_wait3A_61 = arith.constant 0 : i32
        %dma_wait3A_62 = tpu.memref_slice %arg3[%dma_wait3A_60, %dma_wait3A_61] : memref<320000x128xf32, #tpu.memory_space<hbm>> -> memref<40x128xf32, #tpu.memory_space<hbm>>
        %dma_wait3A_63 = arith.constant 0 : i32
        %dma_wait3A_64 = arith.constant 0 : i32
        %dma_wait3A_65 = tpu.memref_slice %arg3[%dma_wait3A_63, %dma_wait3A_64] : memref<320000x128xf32, #tpu.memory_space<hbm>> -> memref<40x128xf32, #tpu.memory_space<hbm>>
        tpu.wait_dma2 semaphore(%arg19 : memref<!tpu.dma_semaphore, #tpu.memory_space<semaphore_mem>>) src(%dma_wait3A_65 : memref<40x128xf32, #tpu.memory_space<hbm>>) dst(%arg10 : memref<40x128xf32, #tpu.memory_space<vmem>>)
      } else {
      }
      %run_scoped3A = arith.constant 0 : i32
      "tpu.region"() ({
        %run_scoped3A_60 = tpu.sem_alloc : memref<!tpu.dma_semaphore, #tpu.memory_space<semaphore_mem>>
        %dma_start3A_61 = arith.constant 0 : i32
        %dma_start3A_62 = arith.constant 0 : i32
        %dma_start3A_63 = tpu.memref_slice %arg4[%run_scoped3A, %add3A, %scan3A_27, %dma_start3A_61, %dma_start3A_62] : memref<2x32x5x50x40xi32, #tpu.memory_space<hbm>> -> memref<1x1x1x50x40xi32, #tpu.memory_space<hbm>>
        %dma_start3A_64 = tpu.memref_squeeze %dma_start3A_63 : memref<1x1x1x50x40xi32, #tpu.memory_space<hbm>> -> memref<50x40xi32, #tpu.memory_space<hbm>>
        %dma_start3A_65 = arith.constant 0 : i32
        %dma_start3A_66 = arith.constant 0 : i32
        %dma_start3A_67 = tpu.memref_slice %arg4[%run_scoped3A, %add3A, %scan3A_27, %dma_start3A_65, %dma_start3A_66] : memref<2x32x5x50x40xi32, #tpu.memory_space<hbm>> -> memref<1x1x1x50x40xi32, #tpu.memory_space<hbm>>
        %dma_start3A_68 = tpu.memref_squeeze %dma_start3A_67 : memref<1x1x1x50x40xi32, #tpu.memory_space<hbm>> -> memref<50x40xi32, #tpu.memory_space<hbm>>
        tpu.enqueue_dma source(%dma_start3A_68 : memref<50x40xi32, #tpu.memory_space<hbm>>) target(%arg7 : memref<50x40xi32, #tpu.memory_space<vmem>>) target_semaphore(%run_scoped3A_60 : memref<!tpu.dma_semaphore, #tpu.memory_space<semaphore_mem>>)
        %dma_wait3A_69 = arith.constant 0 : i32
        %dma_wait3A_70 = arith.constant 0 : i32
        %dma_wait3A_71 = tpu.memref_slice %arg4[%run_scoped3A, %add3A, %scan3A_27, %dma_wait3A_69, %dma_wait3A_70] : memref<2x32x5x50x40xi32, #tpu.memory_space<hbm>> -> memref<1x1x1x50x40xi32, #tpu.memory_space<hbm>>
        %dma_wait3A_72 = tpu.memref_squeeze %dma_wait3A_71 : memref<1x1x1x50x40xi32, #tpu.memory_space<hbm>> -> memref<50x40xi32, #tpu.memory_space<hbm>>
        %dma_wait3A_73 = arith.constant 0 : i32
        %dma_wait3A_74 = arith.constant 0 : i32
        %dma_wait3A_75 = tpu.memref_slice %arg4[%run_scoped3A, %add3A, %scan3A_27, %dma_wait3A_73, %dma_wait3A_74] : memref<2x32x5x50x40xi32, #tpu.memory_space<hbm>> -> memref<1x1x1x50x40xi32, #tpu.memory_space<hbm>>
        %dma_wait3A_76 = tpu.memref_squeeze %dma_wait3A_75 : memref<1x1x1x50x40xi32, #tpu.memory_space<hbm>> -> memref<50x40xi32, #tpu.memory_space<hbm>>
        tpu.wait_dma2 semaphore(%run_scoped3A_60 : memref<!tpu.dma_semaphore, #tpu.memory_space<semaphore_mem>>) src(%dma_wait3A_76 : memref<50x40xi32, #tpu.memory_space<hbm>>) dst(%arg7 : memref<50x40xi32, #tpu.memory_space<vmem>>)
        tpu.yield
      }) : () -> ()
      %run_scoped3A_34 = arith.constant 1 : i32
      "tpu.region"() ({
        %run_scoped3A_60 = tpu.sem_alloc : memref<!tpu.dma_semaphore, #tpu.memory_space<semaphore_mem>>
        %dma_start3A_61 = arith.constant 0 : i32
        %dma_start3A_62 = arith.constant 0 : i32
        %dma_start3A_63 = tpu.memref_slice %arg4[%run_scoped3A_34, %add3A, %scan3A_27, %dma_start3A_61, %dma_start3A_62] : memref<2x32x5x50x40xi32, #tpu.memory_space<hbm>> -> memref<1x1x1x50x40xi32, #tpu.memory_space<hbm>>
        %dma_start3A_64 = tpu.memref_squeeze %dma_start3A_63 : memref<1x1x1x50x40xi32, #tpu.memory_space<hbm>> -> memref<50x40xi32, #tpu.memory_space<hbm>>
        %dma_start3A_65 = arith.constant 0 : i32
        %dma_start3A_66 = arith.constant 0 : i32
        %dma_start3A_67 = tpu.memref_slice %arg4[%run_scoped3A_34, %add3A, %scan3A_27, %dma_start3A_65, %dma_start3A_66] : memref<2x32x5x50x40xi32, #tpu.memory_space<hbm>> -> memref<1x1x1x50x40xi32, #tpu.memory_space<hbm>>
        %dma_start3A_68 = tpu.memref_squeeze %dma_start3A_67 : memref<1x1x1x50x40xi32, #tpu.memory_space<hbm>> -> memref<50x40xi32, #tpu.memory_space<hbm>>
        tpu.enqueue_dma source(%dma_start3A_68 : memref<50x40xi32, #tpu.memory_space<hbm>>) target(%arg8 : memref<50x40xi32, #tpu.memory_space<vmem>>) target_semaphore(%run_scoped3A_60 : memref<!tpu.dma_semaphore, #tpu.memory_space<semaphore_mem>>)
        %dma_wait3A_69 = arith.constant 0 : i32
        %dma_wait3A_70 = arith.constant 0 : i32
        %dma_wait3A_71 = tpu.memref_slice %arg4[%run_scoped3A_34, %add3A, %scan3A_27, %dma_wait3A_69, %dma_wait3A_70] : memref<2x32x5x50x40xi32, #tpu.memory_space<hbm>> -> memref<1x1x1x50x40xi32, #tpu.memory_space<hbm>>
        %dma_wait3A_72 = tpu.memref_squeeze %dma_wait3A_71 : memref<1x1x1x50x40xi32, #tpu.memory_space<hbm>> -> memref<50x40xi32, #tpu.memory_space<hbm>>
        %dma_wait3A_73 = arith.constant 0 : i32
        %dma_wait3A_74 = arith.constant 0 : i32
        %dma_wait3A_75 = tpu.memref_slice %arg4[%run_scoped3A_34, %add3A, %scan3A_27, %dma_wait3A_73, %dma_wait3A_74] : memref<2x32x5x50x40xi32, #tpu.memory_space<hbm>> -> memref<1x1x1x50x40xi32, #tpu.memory_space<hbm>>
        %dma_wait3A_76 = tpu.memref_squeeze %dma_wait3A_75 : memref<1x1x1x50x40xi32, #tpu.memory_space<hbm>> -> memref<50x40xi32, #tpu.memory_space<hbm>>
        tpu.wait_dma2 semaphore(%run_scoped3A_60 : memref<!tpu.dma_semaphore, #tpu.memory_space<semaphore_mem>>) src(%dma_wait3A_76 : memref<50x40xi32, #tpu.memory_space<hbm>>) dst(%arg8 : memref<50x40xi32, #tpu.memory_space<vmem>>)
        tpu.yield
      }) : () -> ()
      %dma_start3A = arith.constant 0 : i32
      %dma_start3A_35 = arith.constant 0 : i32
      %dma_start3A_36 = tpu.memref_slice %arg7[%dma_start3A, %dma_start3A_35] : memref<50x40xi32, #tpu.memory_space<vmem>> -> memref<1x40xi32, #tpu.memory_space<vmem>>
      %dma_start3A_37 = tpu.memref_squeeze %dma_start3A_36 : memref<1x40xi32, #tpu.memory_space<vmem>> -> memref<40xi32, #tpu.memory_space<vmem>>
      %dma_start3A_38 = arith.constant 0 : i32
      %dma_start3A_39 = arith.constant 0 : i32
      %dma_start3A_40 = tpu.memref_slice %arg2[%dma_start3A_38, %dma_start3A_39] : memref<10000x128xf32, #tpu.memory_space<hbm>> -> memref<10000x128xf32, #tpu.memory_space<hbm>>
      tpu.enqueue_indirect_dma source(%dma_start3A_40 : memref<10000x128xf32, #tpu.memory_space<hbm>>) target(%arg9 : memref<40x128xf32, #tpu.memory_space<vmem>>) offsets(%dma_start3A_37 : memref<40xi32, #tpu.memory_space<vmem>>) semaphore(%arg14 : memref<!tpu.dma_semaphore, #tpu.memory_space<semaphore_mem>>)
      %mul3A_41 = arith.constant 10000 : i32
      %mul3A_42 = arith.muli %add3A, %mul3A_41 : i32
      %mul3A_43 = arith.constant 50 : i32
      %mul3A_44 = arith.muli %scan3A_27, %mul3A_43 : i32
      %add3A_45 = arith.constant 0 : i32
      %add3A_46 = arith.addi %mul3A_44, %add3A_45 : i32
      %mul3A_47 = arith.constant 40 : i32
      %mul3A_48 = arith.muli %add3A_46, %mul3A_47 : i32
      %add3A_49 = arith.addi %mul3A_42, %mul3A_48 : i32
      %dma_start3A_50 = arith.constant 0 : i32
      %dma_start3A_51 = tpu.memref_slice %arg3[%add3A_49, %dma_start3A_50] : memref<320000x128xf32, #tpu.memory_space<hbm>> -> memref<40x128xf32, #tpu.memory_space<hbm>>
      %dma_start3A_52 = arith.constant 0 : i32
      %dma_start3A_53 = tpu.memref_slice %arg3[%add3A_49, %dma_start3A_52] : memref<320000x128xf32, #tpu.memory_space<hbm>> -> memref<40x128xf32, #tpu.memory_space<hbm>>
      tpu.enqueue_dma source(%dma_start3A_53 : memref<40x128xf32, #tpu.memory_space<hbm>>) target(%arg11 : memref<40x128xf32, #tpu.memory_space<vmem>>) target_semaphore(%arg16 : memref<!tpu.dma_semaphore, #tpu.memory_space<semaphore_mem>>)
      %scan3A_54 = arith.constant 0 : i32
      %scan3A_55 = arith.constant 0 : i32
      %scan3A_56 = arith.constant 25 : i32
      %scan3A_57 = arith.addi %scan3A_55, %scan3A_56 : i32
      %scan3A_58 = arith.constant 1 : i32
      scf.for %scan3A_60 = %scan3A_55 to %scan3A_57 step %scan3A_58  : i32 {
        %mul3A_61 = arith.constant 2 : i32
        %mul3A_62 = arith.muli %mul3A_61, %scan3A_60 : i32
        %add3A_63 = arith.constant 0 : i32
        %add3A_64 = arith.addi %mul3A_62, %add3A_63 : i32
        %gt3A_65 = arith.constant 0 : i32
        %gt3A_66 = arith.cmpi sgt, %add3A_64, %gt3A_65 : i32
        %convert_element_type3A_67 = arith.extui %gt3A_66 : i1 to i32
        %cond3A_68 = arith.constant 0 : i32
        %cond3A_69 = arith.cmpi ne, %convert_element_type3A_67, %cond3A_68 : i32
        scf.if %cond3A_69 {
          %dma_wait3A_129 = arith.constant 0 : i32
          %dma_wait3A_130 = arith.constant 0 : i32
          %dma_wait3A_131 = tpu.memref_slice %arg3[%dma_wait3A_129, %dma_wait3A_130] : memref<320000x128xf32, #tpu.memory_space<hbm>> -> memref<40x128xf32, #tpu.memory_space<hbm>>
          %dma_wait3A_132 = arith.constant 0 : i32
          %dma_wait3A_133 = arith.constant 0 : i32
          %dma_wait3A_134 = tpu.memref_slice %arg3[%dma_wait3A_132, %dma_wait3A_133] : memref<320000x128xf32, #tpu.memory_space<hbm>> -> memref<40x128xf32, #tpu.memory_space<hbm>>
          tpu.wait_dma2 semaphore(%arg19 : memref<!tpu.dma_semaphore, #tpu.memory_space<semaphore_mem>>) src(%dma_wait3A_134 : memref<40x128xf32, #tpu.memory_space<hbm>>) dst(%arg10 : memref<40x128xf32, #tpu.memory_space<vmem>>)
        } else {
        }
        %lt3A = arith.constant 49 : i32
        %lt3A_70 = arith.cmpi slt, %add3A_64, %lt3A : i32
        %convert_element_type3A_71 = arith.extui %lt3A_70 : i1 to i32
        %cond3A_72 = arith.constant 0 : i32
        %cond3A_73 = arith.cmpi ne, %convert_element_type3A_71, %cond3A_72 : i32
        scf.if %cond3A_73 {
          %add3A_129 = arith.constant 1 : i32
          %add3A_130 = arith.addi %add3A_64, %add3A_129 : i32
          %dma_start3A_131 = arith.constant 0 : i32
          %dma_start3A_132 = tpu.memref_slice %arg7[%add3A_130, %dma_start3A_131] : memref<50x40xi32, #tpu.memory_space<vmem>> -> memref<1x40xi32, #tpu.memory_space<vmem>>
          %dma_start3A_133 = tpu.memref_squeeze %dma_start3A_132 : memref<1x40xi32, #tpu.memory_space<vmem>> -> memref<40xi32, #tpu.memory_space<vmem>>
          %dma_start3A_134 = arith.constant 0 : i32
          %dma_start3A_135 = arith.constant 0 : i32
          %dma_start3A_136 = tpu.memref_slice %arg2[%dma_start3A_134, %dma_start3A_135] : memref<10000x128xf32, #tpu.memory_space<hbm>> -> memref<10000x128xf32, #tpu.memory_space<hbm>>
          tpu.enqueue_indirect_dma source(%dma_start3A_136 : memref<10000x128xf32, #tpu.memory_space<hbm>>) target(%arg10 : memref<40x128xf32, #tpu.memory_space<vmem>>) offsets(%dma_start3A_133 : memref<40xi32, #tpu.memory_space<vmem>>) semaphore(%arg15 : memref<!tpu.dma_semaphore, #tpu.memory_space<semaphore_mem>>)
          %mul3A_137 = arith.constant 10000 : i32
          %mul3A_138 = arith.muli %add3A, %mul3A_137 : i32
          %mul3A_139 = arith.constant 50 : i32
          %mul3A_140 = arith.muli %scan3A_27, %mul3A_139 : i32
          %add3A_141 = arith.addi %mul3A_140, %add3A_130 : i32
          %mul3A_142 = arith.constant 40 : i32
          %mul3A_143 = arith.muli %add3A_141, %mul3A_142 : i32
          %add3A_144 = arith.addi %mul3A_138, %mul3A_143 : i32
          %dma_start3A_145 = arith.constant 0 : i32
          %dma_start3A_146 = tpu.memref_slice %arg3[%add3A_144, %dma_start3A_145] : memref<320000x128xf32, #tpu.memory_space<hbm>> -> memref<40x128xf32, #tpu.memory_space<hbm>>
          %dma_start3A_147 = arith.constant 0 : i32
          %dma_start3A_148 = tpu.memref_slice %arg3[%add3A_144, %dma_start3A_147] : memref<320000x128xf32, #tpu.memory_space<hbm>> -> memref<40x128xf32, #tpu.memory_space<hbm>>
          tpu.enqueue_dma source(%dma_start3A_148 : memref<40x128xf32, #tpu.memory_space<hbm>>) target(%arg12 : memref<40x128xf32, #tpu.memory_space<vmem>>) target_semaphore(%arg17 : memref<!tpu.dma_semaphore, #tpu.memory_space<semaphore_mem>>)
        } else {
        }
        %dma_wait3A_74 = arith.constant 0 : i32
        %dma_wait3A_75 = arith.constant 0 : i32
        %dma_wait3A_76 = tpu.memref_slice %arg3[%dma_wait3A_74, %dma_wait3A_75] : memref<320000x128xf32, #tpu.memory_space<hbm>> -> memref<40x128xf32, #tpu.memory_space<hbm>>
        %dma_wait3A_77 = arith.constant 0 : i32
        %dma_wait3A_78 = arith.constant 0 : i32
        %dma_wait3A_79 = tpu.memref_slice %arg3[%dma_wait3A_77, %dma_wait3A_78] : memref<320000x128xf32, #tpu.memory_space<hbm>> -> memref<40x128xf32, #tpu.memory_space<hbm>>
        tpu.wait_dma2 semaphore(%arg14 : memref<!tpu.dma_semaphore, #tpu.memory_space<semaphore_mem>>) src(%dma_wait3A_79 : memref<40x128xf32, #tpu.memory_space<hbm>>) dst(%arg9 : memref<40x128xf32, #tpu.memory_space<vmem>>)
        %dma_wait3A_80 = arith.constant 0 : i32
        %dma_wait3A_81 = arith.constant 0 : i32
        %dma_wait3A_82 = tpu.memref_slice %arg3[%dma_wait3A_80, %dma_wait3A_81] : memref<320000x128xf32, #tpu.memory_space<hbm>> -> memref<40x128xf32, #tpu.memory_space<hbm>>
        %dma_wait3A_83 = arith.constant 0 : i32
        %dma_wait3A_84 = arith.constant 0 : i32
        %dma_wait3A_85 = tpu.memref_slice %arg3[%dma_wait3A_83, %dma_wait3A_84] : memref<320000x128xf32, #tpu.memory_space<hbm>> -> memref<40x128xf32, #tpu.memory_space<hbm>>
        tpu.wait_dma2 semaphore(%arg16 : memref<!tpu.dma_semaphore, #tpu.memory_space<semaphore_mem>>) src(%dma_wait3A_85 : memref<40x128xf32, #tpu.memory_space<hbm>>) dst(%arg11 : memref<40x128xf32, #tpu.memory_space<vmem>>)
        %parallel_loop3A = arith.constant 0 : i32
        %parallel_loop3A_86 = arith.constant 40 : i32
        %parallel_loop3A_87 = arith.constant 1 : i32
        scf.for %parallel_loop3A_129 = %parallel_loop3A to %parallel_loop3A_86 step %parallel_loop3A_87  : i32 {
          %parallel_loop3A_130 = arith.index_cast %parallel_loop3A_129 : i32 to index
          %parallel_loop3A_131 = arith.constant 0 : index
          %parallel_loop3A_132 = tpu.vector_load %arg9[%parallel_loop3A_130, %parallel_loop3A_131] {strides = array<i32>} : memref<40x128xf32, #tpu.memory_space<vmem>>, vector<1x16xf32>,
          %parallel_loop3A_133 = vector.shape_cast %parallel_loop3A_132 : vector<1x16xf32> to vector<16xf32>
          %parallel_loop3A_134 = arith.index_cast %parallel_loop3A_129 : i32 to index
          %parallel_loop3A_135 = arith.constant 0 : index
          %parallel_loop3A_136 = tpu.vector_load %arg11[%parallel_loop3A_134, %parallel_loop3A_135] {strides = array<i32>} : memref<40x128xf32, #tpu.memory_space<vmem>>, vector<1x16xf32>,
          %parallel_loop3A_137 = vector.shape_cast %parallel_loop3A_136 : vector<1x16xf32> to vector<16xf32>
          %parallel_loop3A_138 = arith.addf %parallel_loop3A_133, %parallel_loop3A_137 : vector<16xf32>
          %parallel_loop3A_139 = arith.constant 0.000000e+00 : f32
          %parallel_loop3A_140 = vector.broadcast %parallel_loop3A_139 : f32 to vector<16xf32>
          %parallel_loop3A_141 = arith.maximumf %parallel_loop3A_138, %parallel_loop3A_140 : vector<16xf32>
          %parallel_loop3A_142 = arith.index_cast %parallel_loop3A_129 : i32 to index
          %parallel_loop3A_143 = arith.constant 0 : index
          %parallel_loop3A_144 = tpu.vector_load %arg9[%parallel_loop3A_142, %parallel_loop3A_143] {strides = array<i32>} : memref<40x128xf32, #tpu.memory_space<vmem>>, vector<1x16xf32>,
          %parallel_loop3A_145 = vector.shape_cast %parallel_loop3A_144 : vector<1x16xf32> to vector<16xf32>
          %parallel_loop3A_146 = vector.shape_cast %parallel_loop3A_141 : vector<16xf32> to vector<1x16xf32>
          tpu.vector_store %arg9[%parallel_loop3A_142, %parallel_loop3A_143], %parallel_loop3A_146 {strides = array<i32>} : memref<40x128xf32, #tpu.memory_space<vmem>>, vector<1x16xf32>,
          %parallel_loop3A_147 = arith.index_cast %parallel_loop3A_129 : i32 to index
          %parallel_loop3A_148 = arith.constant 16 : index
          %parallel_loop3A_149 = tpu.vector_load %arg9[%parallel_loop3A_147, %parallel_loop3A_148] {strides = array<i32>} : memref<40x128xf32, #tpu.memory_space<vmem>>, vector<1x16xf32>,
          %parallel_loop3A_150 = vector.shape_cast %parallel_loop3A_149 : vector<1x16xf32> to vector<16xf32>
          %parallel_loop3A_151 = arith.index_cast %parallel_loop3A_129 : i32 to index
          %parallel_loop3A_152 = arith.constant 16 : index
          %parallel_loop3A_153 = tpu.vector_load %arg11[%parallel_loop3A_151, %parallel_loop3A_152] {strides = array<i32>} : memref<40x128xf32, #tpu.memory_space<vmem>>, vector<1x16xf32>,
          %parallel_loop3A_154 = vector.shape_cast %parallel_loop3A_153 : vector<1x16xf32> to vector<16xf32>
          %parallel_loop3A_155 = arith.addf %parallel_loop3A_150, %parallel_loop3A_154 : vector<16xf32>
          %parallel_loop3A_156 = arith.constant 0.000000e+00 : f32
          %parallel_loop3A_157 = vector.broadcast %parallel_loop3A_156 : f32 to vector<16xf32>
          %parallel_loop3A_158 = arith.maximumf %parallel_loop3A_155, %parallel_loop3A_157 : vector<16xf32>
          %parallel_loop3A_159 = arith.index_cast %parallel_loop3A_129 : i32 to index
          %parallel_loop3A_160 = arith.constant 16 : index
          %parallel_loop3A_161 = tpu.vector_load %arg9[%parallel_loop3A_159, %parallel_loop3A_160] {strides = array<i32>} : memref<40x128xf32, #tpu.memory_space<vmem>>, vector<1x16xf32>,
          %parallel_loop3A_162 = vector.shape_cast %parallel_loop3A_161 : vector<1x16xf32> to vector<16xf32>
          %parallel_loop3A_163 = vector.shape_cast %parallel_loop3A_158 : vector<16xf32> to vector<1x16xf32>
          tpu.vector_store %arg9[%parallel_loop3A_159, %parallel_loop3A_160], %parallel_loop3A_163 {strides = array<i32>} : memref<40x128xf32, #tpu.memory_space<vmem>>, vector<1x16xf32>,
          %parallel_loop3A_164 = arith.index_cast %parallel_loop3A_129 : i32 to index
          %parallel_loop3A_165 = arith.constant 32 : index
          %parallel_loop3A_166 = tpu.vector_load %arg9[%parallel_loop3A_164, %parallel_loop3A_165] {strides = array<i32>} : memref<40x128xf32, #tpu.memory_space<vmem>>, vector<1x16xf32>,
          %parallel_loop3A_167 = vector.shape_cast %parallel_loop3A_166 : vector<1x16xf32> to vector<16xf32>
          %parallel_loop3A_168 = arith.index_cast %parallel_loop3A_129 : i32 to index
          %parallel_loop3A_169 = arith.constant 32 : index
          %parallel_loop3A_170 = tpu.vector_load %arg11[%parallel_loop3A_168, %parallel_loop3A_169] {strides = array<i32>} : memref<40x128xf32, #tpu.memory_space<vmem>>, vector<1x16xf32>,
          %parallel_loop3A_171 = vector.shape_cast %parallel_loop3A_170 : vector<1x16xf32> to vector<16xf32>
          %parallel_loop3A_172 = arith.addf %parallel_loop3A_167, %parallel_loop3A_171 : vector<16xf32>
          %parallel_loop3A_173 = arith.constant 0.000000e+00 : f32
          %parallel_loop3A_174 = vector.broadcast %parallel_loop3A_173 : f32 to vector<16xf32>
          %parallel_loop3A_175 = arith.maximumf %parallel_loop3A_172, %parallel_loop3A_174 : vector<16xf32>
          %parallel_loop3A_176 = arith.index_cast %parallel_loop3A_129 : i32 to index
          %parallel_loop3A_177 = arith.constant 32 : index
          %parallel_loop3A_178 = tpu.vector_load %arg9[%parallel_loop3A_176, %parallel_loop3A_177] {strides = array<i32>} : memref<40x128xf32, #tpu.memory_space<vmem>>, vector<1x16xf32>,
          %parallel_loop3A_179 = vector.shape_cast %parallel_loop3A_178 : vector<1x16xf32> to vector<16xf32>
          %parallel_loop3A_180 = vector.shape_cast %parallel_loop3A_175 : vector<16xf32> to vector<1x16xf32>
          tpu.vector_store %arg9[%parallel_loop3A_176, %parallel_loop3A_177], %parallel_loop3A_180 {strides = array<i32>} : memref<40x128xf32, #tpu.memory_space<vmem>>, vector<1x16xf32>,
          %parallel_loop3A_181 = arith.index_cast %parallel_loop3A_129 : i32 to index
          %parallel_loop3A_182 = arith.constant 48 : index
          %parallel_loop3A_183 = tpu.vector_load %arg9[%parallel_loop3A_181, %parallel_loop3A_182] {strides = array<i32>} : memref<40x128xf32, #tpu.memory_space<vmem>>, vector<1x16xf32>,
          %parallel_loop3A_184 = vector.shape_cast %parallel_loop3A_183 : vector<1x16xf32> to vector<16xf32>
          %parallel_loop3A_185 = arith.index_cast %parallel_loop3A_129 : i32 to index
          %parallel_loop3A_186 = arith.constant 48 : index
          %parallel_loop3A_187 = tpu.vector_load %arg11[%parallel_loop3A_185, %parallel_loop3A_186] {strides = array<i32>} : memref<40x128xf32, #tpu.memory_space<vmem>>, vector<1x16xf32>,
          %parallel_loop3A_188 = vector.shape_cast %parallel_loop3A_187 : vector<1x16xf32> to vector<16xf32>
          %parallel_loop3A_189 = arith.addf %parallel_loop3A_184, %parallel_loop3A_188 : vector<16xf32>
          %parallel_loop3A_190 = arith.constant 0.000000e+00 : f32
          %parallel_loop3A_191 = vector.broadcast %parallel_loop3A_190 : f32 to vector<16xf32>
          %parallel_loop3A_192 = arith.maximumf %parallel_loop3A_189, %parallel_loop3A_191 : vector<16xf32>
          %parallel_loop3A_193 = arith.index_cast %parallel_loop3A_129 : i32 to index
          %parallel_loop3A_194 = arith.constant 48 : index
          %parallel_loop3A_195 = tpu.vector_load %arg9[%parallel_loop3A_193, %parallel_loop3A_194] {strides = array<i32>} : memref<40x128xf32, #tpu.memory_space<vmem>>, vector<1x16xf32>,
          %parallel_loop3A_196 = vector.shape_cast %parallel_loop3A_195 : vector<1x16xf32> to vector<16xf32>
          %parallel_loop3A_197 = vector.shape_cast %parallel_loop3A_192 : vector<16xf32> to vector<1x16xf32>
          tpu.vector_store %arg9[%parallel_loop3A_193, %parallel_loop3A_194], %parallel_loop3A_197 {strides = array<i32>} : memref<40x128xf32, #tpu.memory_space<vmem>>, vector<1x16xf32>,
          %parallel_loop3A_198 = arith.index_cast %parallel_loop3A_129 : i32 to index
          %parallel_loop3A_199 = arith.constant 64 : index
          %parallel_loop3A_200 = tpu.vector_load %arg9[%parallel_loop3A_198, %parallel_loop3A_199] {strides = array<i32>} : memref<40x128xf32, #tpu.memory_space<vmem>>, vector<1x16xf32>,
          %parallel_loop3A_201 = vector.shape_cast %parallel_loop3A_200 : vector<1x16xf32> to vector<16xf32>
          %parallel_loop3A_202 = arith.index_cast %parallel_loop3A_129 : i32 to index
          %parallel_loop3A_203 = arith.constant 64 : index
          %parallel_loop3A_204 = tpu.vector_load %arg11[%parallel_loop3A_202, %parallel_loop3A_203] {strides = array<i32>} : memref<40x128xf32, #tpu.memory_space<vmem>>, vector<1x16xf32>,
          %parallel_loop3A_205 = vector.shape_cast %parallel_loop3A_204 : vector<1x16xf32> to vector<16xf32>
          %parallel_loop3A_206 = arith.addf %parallel_loop3A_201, %parallel_loop3A_205 : vector<16xf32>
          %parallel_loop3A_207 = arith.constant 0.000000e+00 : f32
          %parallel_loop3A_208 = vector.broadcast %parallel_loop3A_207 : f32 to vector<16xf32>
          %parallel_loop3A_209 = arith.maximumf %parallel_loop3A_206, %parallel_loop3A_208 : vector<16xf32>
          %parallel_loop3A_210 = arith.index_cast %parallel_loop3A_129 : i32 to index
          %parallel_loop3A_211 = arith.constant 64 : index
          %parallel_loop3A_212 = tpu.vector_load %arg9[%parallel_loop3A_210, %parallel_loop3A_211] {strides = array<i32>} : memref<40x128xf32, #tpu.memory_space<vmem>>, vector<1x16xf32>,
          %parallel_loop3A_213 = vector.shape_cast %parallel_loop3A_212 : vector<1x16xf32> to vector<16xf32>
          %parallel_loop3A_214 = vector.shape_cast %parallel_loop3A_209 : vector<16xf32> to vector<1x16xf32>
          tpu.vector_store %arg9[%parallel_loop3A_210, %parallel_loop3A_211], %parallel_loop3A_214 {strides = array<i32>} : memref<40x128xf32, #tpu.memory_space<vmem>>, vector<1x16xf32>,
          %parallel_loop3A_215 = arith.index_cast %parallel_loop3A_129 : i32 to index
          %parallel_loop3A_216 = arith.constant 80 : index
          %parallel_loop3A_217 = tpu.vector_load %arg9[%parallel_loop3A_215, %parallel_loop3A_216] {strides = array<i32>} : memref<40x128xf32, #tpu.memory_space<vmem>>, vector<1x16xf32>,
          %parallel_loop3A_218 = vector.shape_cast %parallel_loop3A_217 : vector<1x16xf32> to vector<16xf32>
          %parallel_loop3A_219 = arith.index_cast %parallel_loop3A_129 : i32 to index
          %parallel_loop3A_220 = arith.constant 80 : index
          %parallel_loop3A_221 = tpu.vector_load %arg11[%parallel_loop3A_219, %parallel_loop3A_220] {strides = array<i32>} : memref<40x128xf32, #tpu.memory_space<vmem>>, vector<1x16xf32>,
          %parallel_loop3A_222 = vector.shape_cast %parallel_loop3A_221 : vector<1x16xf32> to vector<16xf32>
          %parallel_loop3A_223 = arith.addf %parallel_loop3A_218, %parallel_loop3A_222 : vector<16xf32>
          %parallel_loop3A_224 = arith.constant 0.000000e+00 : f32
          %parallel_loop3A_225 = vector.broadcast %parallel_loop3A_224 : f32 to vector<16xf32>
          %parallel_loop3A_226 = arith.maximumf %parallel_loop3A_223, %parallel_loop3A_225 : vector<16xf32>
          %parallel_loop3A_227 = arith.index_cast %parallel_loop3A_129 : i32 to index
          %parallel_loop3A_228 = arith.constant 80 : index
          %parallel_loop3A_229 = tpu.vector_load %arg9[%parallel_loop3A_227, %parallel_loop3A_228] {strides = array<i32>} : memref<40x128xf32, #tpu.memory_space<vmem>>, vector<1x16xf32>,
          %parallel_loop3A_230 = vector.shape_cast %parallel_loop3A_229 : vector<1x16xf32> to vector<16xf32>
          %parallel_loop3A_231 = vector.shape_cast %parallel_loop3A_226 : vector<16xf32> to vector<1x16xf32>
          tpu.vector_store %arg9[%parallel_loop3A_227, %parallel_loop3A_228], %parallel_loop3A_231 {strides = array<i32>} : memref<40x128xf32, #tpu.memory_space<vmem>>, vector<1x16xf32>,
          %parallel_loop3A_232 = arith.index_cast %parallel_loop3A_129 : i32 to index
          %parallel_loop3A_233 = arith.constant 96 : index
          %parallel_loop3A_234 = tpu.vector_load %arg9[%parallel_loop3A_232, %parallel_loop3A_233] {strides = array<i32>} : memref<40x128xf32, #tpu.memory_space<vmem>>, vector<1x16xf32>,
          %parallel_loop3A_235 = vector.shape_cast %parallel_loop3A_234 : vector<1x16xf32> to vector<16xf32>
          %parallel_loop3A_236 = arith.index_cast %parallel_loop3A_129 : i32 to index
          %parallel_loop3A_237 = arith.constant 96 : index
          %parallel_loop3A_238 = tpu.vector_load %arg11[%parallel_loop3A_236, %parallel_loop3A_237] {strides = array<i32>} : memref<40x128xf32, #tpu.memory_space<vmem>>, vector<1x16xf32>,
          %parallel_loop3A_239 = vector.shape_cast %parallel_loop3A_238 : vector<1x16xf32> to vector<16xf32>
          %parallel_loop3A_240 = arith.addf %parallel_loop3A_235, %parallel_loop3A_239 : vector<16xf32>
          %parallel_loop3A_241 = arith.constant 0.000000e+00 : f32
          %parallel_loop3A_242 = vector.broadcast %parallel_loop3A_241 : f32 to vector<16xf32>
          %parallel_loop3A_243 = arith.maximumf %parallel_loop3A_240, %parallel_loop3A_242 : vector<16xf32>
          %parallel_loop3A_244 = arith.index_cast %parallel_loop3A_129 : i32 to index
          %parallel_loop3A_245 = arith.constant 96 : index
          %parallel_loop3A_246 = tpu.vector_load %arg9[%parallel_loop3A_244, %parallel_loop3A_245] {strides = array<i32>} : memref<40x128xf32, #tpu.memory_space<vmem>>, vector<1x16xf32>,
          %parallel_loop3A_247 = vector.shape_cast %parallel_loop3A_246 : vector<1x16xf32> to vector<16xf32>
          %parallel_loop3A_248 = vector.shape_cast %parallel_loop3A_243 : vector<16xf32> to vector<1x16xf32>
          tpu.vector_store %arg9[%parallel_loop3A_244, %parallel_loop3A_245], %parallel_loop3A_248 {strides = array<i32>} : memref<40x128xf32, #tpu.memory_space<vmem>>, vector<1x16xf32>,
          %parallel_loop3A_249 = arith.index_cast %parallel_loop3A_129 : i32 to index
          %parallel_loop3A_250 = arith.constant 112 : index
          %parallel_loop3A_251 = tpu.vector_load %arg9[%parallel_loop3A_249, %parallel_loop3A_250] {strides = array<i32>} : memref<40x128xf32, #tpu.memory_space<vmem>>, vector<1x16xf32>,
          %parallel_loop3A_252 = vector.shape_cast %parallel_loop3A_251 : vector<1x16xf32> to vector<16xf32>
          %parallel_loop3A_253 = arith.index_cast %parallel_loop3A_129 : i32 to index
          %parallel_loop3A_254 = arith.constant 112 : index
          %parallel_loop3A_255 = tpu.vector_load %arg11[%parallel_loop3A_253, %parallel_loop3A_254] {strides = array<i32>} : memref<40x128xf32, #tpu.memory_space<vmem>>, vector<1x16xf32>,
          %parallel_loop3A_256 = vector.shape_cast %parallel_loop3A_255 : vector<1x16xf32> to vector<16xf32>
          %parallel_loop3A_257 = arith.addf %parallel_loop3A_252, %parallel_loop3A_256 : vector<16xf32>
          %parallel_loop3A_258 = arith.constant 0.000000e+00 : f32
          %parallel_loop3A_259 = vector.broadcast %parallel_loop3A_258 : f32 to vector<16xf32>
          %parallel_loop3A_260 = arith.maximumf %parallel_loop3A_257, %parallel_loop3A_259 : vector<16xf32>
          %parallel_loop3A_261 = arith.index_cast %parallel_loop3A_129 : i32 to index
          %parallel_loop3A_262 = arith.constant 112 : index
          %parallel_loop3A_263 = tpu.vector_load %arg9[%parallel_loop3A_261, %parallel_loop3A_262] {strides = array<i32>} : memref<40x128xf32, #tpu.memory_space<vmem>>, vector<1x16xf32>,
          %parallel_loop3A_264 = vector.shape_cast %parallel_loop3A_263 : vector<1x16xf32> to vector<16xf32>
          %parallel_loop3A_265 = vector.shape_cast %parallel_loop3A_260 : vector<16xf32> to vector<1x16xf32>
          tpu.vector_store %arg9[%parallel_loop3A_261, %parallel_loop3A_262], %parallel_loop3A_265 {strides = array<i32>} : memref<40x128xf32, #tpu.memory_space<vmem>>, vector<1x16xf32>,
        } {sc.loop_unroll_factor = 4 : i64, sc.parallel_access}
        %dma_start3A_88 = arith.constant 0 : i32
        %dma_start3A_89 = tpu.memref_slice %arg8[%add3A_64, %dma_start3A_88] : memref<50x40xi32, #tpu.memory_space<vmem>> -> memref<1x40xi32, #tpu.memory_space<vmem>>
        %dma_start3A_90 = tpu.memref_squeeze %dma_start3A_89 : memref<1x40xi32, #tpu.memory_space<vmem>> -> memref<40xi32, #tpu.memory_space<vmem>>
        %dma_start3A_91 = arith.constant 0 : i32
        %dma_start3A_92 = arith.constant 0 : i32
        %dma_start3A_93 = tpu.memref_slice %arg13[%dma_start3A_91, %dma_start3A_92] : memref<10000x128xf32, #tpu.memory_space<vmem_shared>> -> memref<10000x128xf32, #tpu.memory_space<vmem_shared>>
        tpu.enqueue_indirect_dma source(%arg9 : memref<40x128xf32, #tpu.memory_space<vmem>>) target(%dma_start3A_93 : memref<10000x128xf32, #tpu.memory_space<vmem_shared>>) offsets(%dma_start3A_90 : memref<40xi32, #tpu.memory_space<vmem>>) semaphore(%arg18 : memref<!tpu.dma_semaphore, #tpu.memory_space<semaphore_mem>>) {add = true}
        %mul3A_94 = arith.constant 2 : i32
        %mul3A_95 = arith.muli %mul3A_94, %scan3A_60 : i32
        %add3A_96 = arith.constant 1 : i32
        %add3A_97 = arith.addi %mul3A_95, %add3A_96 : i32
        %gt3A_98 = arith.constant 0 : i32
        %gt3A_99 = arith.cmpi sgt, %add3A_97, %gt3A_98 : i32
        %convert_element_type3A_100 = arith.extui %gt3A_99 : i1 to i32
        %cond3A_101 = arith.constant 0 : i32
        %cond3A_102 = arith.cmpi ne, %convert_element_type3A_100, %cond3A_101 : i32
        scf.if %cond3A_102 {
          %dma_wait3A_129 = arith.constant 0 : i32
          %dma_wait3A_130 = arith.constant 0 : i32
          %dma_wait3A_131 = tpu.memref_slice %arg3[%dma_wait3A_129, %dma_wait3A_130] : memref<320000x128xf32, #tpu.memory_space<hbm>> -> memref<40x128xf32, #tpu.memory_space<hbm>>
          %dma_wait3A_132 = arith.constant 0 : i32
          %dma_wait3A_133 = arith.constant 0 : i32
          %dma_wait3A_134 = tpu.memref_slice %arg3[%dma_wait3A_132, %dma_wait3A_133] : memref<320000x128xf32, #tpu.memory_space<hbm>> -> memref<40x128xf32, #tpu.memory_space<hbm>>
          tpu.wait_dma2 semaphore(%arg18 : memref<!tpu.dma_semaphore, #tpu.memory_space<semaphore_mem>>) src(%dma_wait3A_134 : memref<40x128xf32, #tpu.memory_space<hbm>>) dst(%arg9 : memref<40x128xf32, #tpu.memory_space<vmem>>)
        } else {
        }
        %lt3A_103 = arith.constant 49 : i32
        %lt3A_104 = arith.cmpi slt, %add3A_97, %lt3A_103 : i32
        %convert_element_type3A_105 = arith.extui %lt3A_104 : i1 to i32
        %cond3A_106 = arith.constant 0 : i32
        %cond3A_107 = arith.cmpi ne, %convert_element_type3A_105, %cond3A_106 : i32
        scf.if %cond3A_107 {
          %add3A_129 = arith.constant 1 : i32
          %add3A_130 = arith.addi %add3A_97, %add3A_129 : i32
          %dma_start3A_131 = arith.constant 0 : i32
          %dma_start3A_132 = tpu.memref_slice %arg7[%add3A_130, %dma_start3A_131] : memref<50x40xi32, #tpu.memory_space<vmem>> -> memref<1x40xi32, #tpu.memory_space<vmem>>
          %dma_start3A_133 = tpu.memref_squeeze %dma_start3A_132 : memref<1x40xi32, #tpu.memory_space<vmem>> -> memref<40xi32, #tpu.memory_space<vmem>>
          %dma_start3A_134 = arith.constant 0 : i32
          %dma_start3A_135 = arith.constant 0 : i32
          %dma_start3A_136 = tpu.memref_slice %arg2[%dma_start3A_134, %dma_start3A_135] : memref<10000x128xf32, #tpu.memory_space<hbm>> -> memref<10000x128xf32, #tpu.memory_space<hbm>>
          tpu.enqueue_indirect_dma source(%dma_start3A_136 : memref<10000x128xf32, #tpu.memory_space<hbm>>) target(%arg9 : memref<40x128xf32, #tpu.memory_space<vmem>>) offsets(%dma_start3A_133 : memref<40xi32, #tpu.memory_space<vmem>>) semaphore(%arg14 : memref<!tpu.dma_semaphore, #tpu.memory_space<semaphore_mem>>)
          %mul3A_137 = arith.constant 10000 : i32
          %mul3A_138 = arith.muli %add3A, %mul3A_137 : i32
          %mul3A_139 = arith.constant 50 : i32
          %mul3A_140 = arith.muli %scan3A_27, %mul3A_139 : i32
          %add3A_141 = arith.addi %mul3A_140, %add3A_130 : i32
          %mul3A_142 = arith.constant 40 : i32
          %mul3A_143 = arith.muli %add3A_141, %mul3A_142 : i32
          %add3A_144 = arith.addi %mul3A_138, %mul3A_143 : i32
          %dma_start3A_145 = arith.constant 0 : i32
          %dma_start3A_146 = tpu.memref_slice %arg3[%add3A_144, %dma_start3A_145] : memref<320000x128xf32, #tpu.memory_space<hbm>> -> memref<40x128xf32, #tpu.memory_space<hbm>>
          %dma_start3A_147 = arith.constant 0 : i32
          %dma_start3A_148 = tpu.memref_slice %arg3[%add3A_144, %dma_start3A_147] : memref<320000x128xf32, #tpu.memory_space<hbm>> -> memref<40x128xf32, #tpu.memory_space<hbm>>
          tpu.enqueue_dma source(%dma_start3A_148 : memref<40x128xf32, #tpu.memory_space<hbm>>) target(%arg11 : memref<40x128xf32, #tpu.memory_space<vmem>>) target_semaphore(%arg16 : memref<!tpu.dma_semaphore, #tpu.memory_space<semaphore_mem>>)
        } else {
        }
        %dma_wait3A_108 = arith.constant 0 : i32
        %dma_wait3A_109 = arith.constant 0 : i32
        %dma_wait3A_110 = tpu.memref_slice %arg3[%dma_wait3A_108, %dma_wait3A_109] : memref<320000x128xf32, #tpu.memory_space<hbm>> -> memref<40x128xf32, #tpu.memory_space<hbm>>
        %dma_wait3A_111 = arith.constant 0 : i32
        %dma_wait3A_112 = arith.constant 0 : i32
        %dma_wait3A_113 = tpu.memref_slice %arg3[%dma_wait3A_111, %dma_wait3A_112] : memref<320000x128xf32, #tpu.memory_space<hbm>> -> memref<40x128xf32, #tpu.memory_space<hbm>>
        tpu.wait_dma2 semaphore(%arg15 : memref<!tpu.dma_semaphore, #tpu.memory_space<semaphore_mem>>) src(%dma_wait3A_113 : memref<40x128xf32, #tpu.memory_space<hbm>>) dst(%arg10 : memref<40x128xf32, #tpu.memory_space<vmem>>)
        %dma_wait3A_114 = arith.constant 0 : i32
        %dma_wait3A_115 = arith.constant 0 : i32
        %dma_wait3A_116 = tpu.memref_slice %arg3[%dma_wait3A_114, %dma_wait3A_115] : memref<320000x128xf32, #tpu.memory_space<hbm>> -> memref<40x128xf32, #tpu.memory_space<hbm>>
        %dma_wait3A_117 = arith.constant 0 : i32
        %dma_wait3A_118 = arith.constant 0 : i32
        %dma_wait3A_119 = tpu.memref_slice %arg3[%dma_wait3A_117, %dma_wait3A_118] : memref<320000x128xf32, #tpu.memory_space<hbm>> -> memref<40x128xf32, #tpu.memory_space<hbm>>
        tpu.wait_dma2 semaphore(%arg17 : memref<!tpu.dma_semaphore, #tpu.memory_space<semaphore_mem>>) src(%dma_wait3A_119 : memref<40x128xf32, #tpu.memory_space<hbm>>) dst(%arg12 : memref<40x128xf32, #tpu.memory_space<vmem>>)
        %parallel_loop3A_120 = arith.constant 0 : i32
        %parallel_loop3A_121 = arith.constant 40 : i32
        %parallel_loop3A_122 = arith.constant 1 : i32
        scf.for %parallel_loop3A_129 = %parallel_loop3A_120 to %parallel_loop3A_121 step %parallel_loop3A_122  : i32 {
          %parallel_loop3A_130 = arith.index_cast %parallel_loop3A_129 : i32 to index
          %parallel_loop3A_131 = arith.constant 0 : index
          %parallel_loop3A_132 = tpu.vector_load %arg10[%parallel_loop3A_130, %parallel_loop3A_131] {strides = array<i32>} : memref<40x128xf32, #tpu.memory_space<vmem>>, vector<1x16xf32>,
          %parallel_loop3A_133 = vector.shape_cast %parallel_loop3A_132 : vector<1x16xf32> to vector<16xf32>
          %parallel_loop3A_134 = arith.index_cast %parallel_loop3A_129 : i32 to index
          %parallel_loop3A_135 = arith.constant 0 : index
          %parallel_loop3A_136 = tpu.vector_load %arg12[%parallel_loop3A_134, %parallel_loop3A_135] {strides = array<i32>} : memref<40x128xf32, #tpu.memory_space<vmem>>, vector<1x16xf32>,
          %parallel_loop3A_137 = vector.shape_cast %parallel_loop3A_136 : vector<1x16xf32> to vector<16xf32>
          %parallel_loop3A_138 = arith.addf %parallel_loop3A_133, %parallel_loop3A_137 : vector<16xf32>
          %parallel_loop3A_139 = arith.constant 0.000000e+00 : f32
          %parallel_loop3A_140 = vector.broadcast %parallel_loop3A_139 : f32 to vector<16xf32>
          %parallel_loop3A_141 = arith.maximumf %parallel_loop3A_138, %parallel_loop3A_140 : vector<16xf32>
          %parallel_loop3A_142 = arith.index_cast %parallel_loop3A_129 : i32 to index
          %parallel_loop3A_143 = arith.constant 0 : index
          %parallel_loop3A_144 = tpu.vector_load %arg10[%parallel_loop3A_142, %parallel_loop3A_143] {strides = array<i32>} : memref<40x128xf32, #tpu.memory_space<vmem>>, vector<1x16xf32>,
          %parallel_loop3A_145 = vector.shape_cast %parallel_loop3A_144 : vector<1x16xf32> to vector<16xf32>
          %parallel_loop3A_146 = vector.shape_cast %parallel_loop3A_141 : vector<16xf32> to vector<1x16xf32>
          tpu.vector_store %arg10[%parallel_loop3A_142, %parallel_loop3A_143], %parallel_loop3A_146 {strides = array<i32>} : memref<40x128xf32, #tpu.memory_space<vmem>>, vector<1x16xf32>,
          %parallel_loop3A_147 = arith.index_cast %parallel_loop3A_129 : i32 to index
          %parallel_loop3A_148 = arith.constant 16 : index
          %parallel_loop3A_149 = tpu.vector_load %arg10[%parallel_loop3A_147, %parallel_loop3A_148] {strides = array<i32>} : memref<40x128xf32, #tpu.memory_space<vmem>>, vector<1x16xf32>,
          %parallel_loop3A_150 = vector.shape_cast %parallel_loop3A_149 : vector<1x16xf32> to vector<16xf32>
          %parallel_loop3A_151 = arith.index_cast %parallel_loop3A_129 : i32 to index
          %parallel_loop3A_152 = arith.constant 16 : index
          %parallel_loop3A_153 = tpu.vector_load %arg12[%parallel_loop3A_151, %parallel_loop3A_152] {strides = array<i32>} : memref<40x128xf32, #tpu.memory_space<vmem>>, vector<1x16xf32>,
          %parallel_loop3A_154 = vector.shape_cast %parallel_loop3A_153 : vector<1x16xf32> to vector<16xf32>
          %parallel_loop3A_155 = arith.addf %parallel_loop3A_150, %parallel_loop3A_154 : vector<16xf32>
          %parallel_loop3A_156 = arith.constant 0.000000e+00 : f32
          %parallel_loop3A_157 = vector.broadcast %parallel_loop3A_156 : f32 to vector<16xf32>
          %parallel_loop3A_158 = arith.maximumf %parallel_loop3A_155, %parallel_loop3A_157 : vector<16xf32>
          %parallel_loop3A_159 = arith.index_cast %parallel_loop3A_129 : i32 to index
          %parallel_loop3A_160 = arith.constant 16 : index
          %parallel_loop3A_161 = tpu.vector_load %arg10[%parallel_loop3A_159, %parallel_loop3A_160] {strides = array<i32>} : memref<40x128xf32, #tpu.memory_space<vmem>>, vector<1x16xf32>,
          %parallel_loop3A_162 = vector.shape_cast %parallel_loop3A_161 : vector<1x16xf32> to vector<16xf32>
          %parallel_loop3A_163 = vector.shape_cast %parallel_loop3A_158 : vector<16xf32> to vector<1x16xf32>
          tpu.vector_store %arg10[%parallel_loop3A_159, %parallel_loop3A_160], %parallel_loop3A_163 {strides = array<i32>} : memref<40x128xf32, #tpu.memory_space<vmem>>, vector<1x16xf32>,
          %parallel_loop3A_164 = arith.index_cast %parallel_loop3A_129 : i32 to index
          %parallel_loop3A_165 = arith.constant 32 : index
          %parallel_loop3A_166 = tpu.vector_load %arg10[%parallel_loop3A_164, %parallel_loop3A_165] {strides = array<i32>} : memref<40x128xf32, #tpu.memory_space<vmem>>, vector<1x16xf32>,
          %parallel_loop3A_167 = vector.shape_cast %parallel_loop3A_166 : vector<1x16xf32> to vector<16xf32>
          %parallel_loop3A_168 = arith.index_cast %parallel_loop3A_129 : i32 to index
          %parallel_loop3A_169 = arith.constant 32 : index
          %parallel_loop3A_170 = tpu.vector_load %arg12[%parallel_loop3A_168, %parallel_loop3A_169] {strides = array<i32>} : memref<40x128xf32, #tpu.memory_space<vmem>>, vector<1x16xf32>,
          %parallel_loop3A_171 = vector.shape_cast %parallel_loop3A_170 : vector<1x16xf32> to vector<16xf32>
          %parallel_loop3A_172 = arith.addf %parallel_loop3A_167, %parallel_loop3A_171 : vector<16xf32>
          %parallel_loop3A_173 = arith.constant 0.000000e+00 : f32
          %parallel_loop3A_174 = vector.broadcast %parallel_loop3A_173 : f32 to vector<16xf32>
          %parallel_loop3A_175 = arith.maximumf %parallel_loop3A_172, %parallel_loop3A_174 : vector<16xf32>
          %parallel_loop3A_176 = arith.index_cast %parallel_loop3A_129 : i32 to index
          %parallel_loop3A_177 = arith.constant 32 : index
          %parallel_loop3A_178 = tpu.vector_load %arg10[%parallel_loop3A_176, %parallel_loop3A_177] {strides = array<i32>} : memref<40x128xf32, #tpu.memory_space<vmem>>, vector<1x16xf32>,
          %parallel_loop3A_179 = vector.shape_cast %parallel_loop3A_178 : vector<1x16xf32> to vector<16xf32>
          %parallel_loop3A_180 = vector.shape_cast %parallel_loop3A_175 : vector<16xf32> to vector<1x16xf32>
          tpu.vector_store %arg10[%parallel_loop3A_176, %parallel_loop3A_177], %parallel_loop3A_180 {strides = array<i32>} : memref<40x128xf32, #tpu.memory_space<vmem>>, vector<1x16xf32>,
          %parallel_loop3A_181 = arith.index_cast %parallel_loop3A_129 : i32 to index
          %parallel_loop3A_182 = arith.constant 48 : index
          %parallel_loop3A_183 = tpu.vector_load %arg10[%parallel_loop3A_181, %parallel_loop3A_182] {strides = array<i32>} : memref<40x128xf32, #tpu.memory_space<vmem>>, vector<1x16xf32>,
          %parallel_loop3A_184 = vector.shape_cast %parallel_loop3A_183 : vector<1x16xf32> to vector<16xf32>
          %parallel_loop3A_185 = arith.index_cast %parallel_loop3A_129 : i32 to index
          %parallel_loop3A_186 = arith.constant 48 : index
          %parallel_loop3A_187 = tpu.vector_load %arg12[%parallel_loop3A_185, %parallel_loop3A_186] {strides = array<i32>} : memref<40x128xf32, #tpu.memory_space<vmem>>, vector<1x16xf32>,
          %parallel_loop3A_188 = vector.shape_cast %parallel_loop3A_187 : vector<1x16xf32> to vector<16xf32>
          %parallel_loop3A_189 = arith.addf %parallel_loop3A_184, %parallel_loop3A_188 : vector<16xf32>
          %parallel_loop3A_190 = arith.constant 0.000000e+00 : f32
          %parallel_loop3A_191 = vector.broadcast %parallel_loop3A_190 : f32 to vector<16xf32>
          %parallel_loop3A_192 = arith.maximumf %parallel_loop3A_189, %parallel_loop3A_191 : vector<16xf32>
          %parallel_loop3A_193 = arith.index_cast %parallel_loop3A_129 : i32 to index
          %parallel_loop3A_194 = arith.constant 48 : index
          %parallel_loop3A_195 = tpu.vector_load %arg10[%parallel_loop3A_193, %parallel_loop3A_194] {strides = array<i32>} : memref<40x128xf32, #tpu.memory_space<vmem>>, vector<1x16xf32>,
          %parallel_loop3A_196 = vector.shape_cast %parallel_loop3A_195 : vector<1x16xf32> to vector<16xf32>
          %parallel_loop3A_197 = vector.shape_cast %parallel_loop3A_192 : vector<16xf32> to vector<1x16xf32>
          tpu.vector_store %arg10[%parallel_loop3A_193, %parallel_loop3A_194], %parallel_loop3A_197 {strides = array<i32>} : memref<40x128xf32, #tpu.memory_space<vmem>>, vector<1x16xf32>,
          %parallel_loop3A_198 = arith.index_cast %parallel_loop3A_129 : i32 to index
          %parallel_loop3A_199 = arith.constant 64 : index
          %parallel_loop3A_200 = tpu.vector_load %arg10[%parallel_loop3A_198, %parallel_loop3A_199] {strides = array<i32>} : memref<40x128xf32, #tpu.memory_space<vmem>>, vector<1x16xf32>,
          %parallel_loop3A_201 = vector.shape_cast %parallel_loop3A_200 : vector<1x16xf32> to vector<16xf32>
          %parallel_loop3A_202 = arith.index_cast %parallel_loop3A_129 : i32 to index
          %parallel_loop3A_203 = arith.constant 64 : index
          %parallel_loop3A_204 = tpu.vector_load %arg12[%parallel_loop3A_202, %parallel_loop3A_203] {strides = array<i32>} : memref<40x128xf32, #tpu.memory_space<vmem>>, vector<1x16xf32>,
          %parallel_loop3A_205 = vector.shape_cast %parallel_loop3A_204 : vector<1x16xf32> to vector<16xf32>
          %parallel_loop3A_206 = arith.addf %parallel_loop3A_201, %parallel_loop3A_205 : vector<16xf32>
          %parallel_loop3A_207 = arith.constant 0.000000e+00 : f32
          %parallel_loop3A_208 = vector.broadcast %parallel_loop3A_207 : f32 to vector<16xf32>
          %parallel_loop3A_209 = arith.maximumf %parallel_loop3A_206, %parallel_loop3A_208 : vector<16xf32>
          %parallel_loop3A_210 = arith.index_cast %parallel_loop3A_129 : i32 to index
          %parallel_loop3A_211 = arith.constant 64 : index
          %parallel_loop3A_212 = tpu.vector_load %arg10[%parallel_loop3A_210, %parallel_loop3A_211] {strides = array<i32>} : memref<40x128xf32, #tpu.memory_space<vmem>>, vector<1x16xf32>,
          %parallel_loop3A_213 = vector.shape_cast %parallel_loop3A_212 : vector<1x16xf32> to vector<16xf32>
          %parallel_loop3A_214 = vector.shape_cast %parallel_loop3A_209 : vector<16xf32> to vector<1x16xf32>
          tpu.vector_store %arg10[%parallel_loop3A_210, %parallel_loop3A_211], %parallel_loop3A_214 {strides = array<i32>} : memref<40x128xf32, #tpu.memory_space<vmem>>, vector<1x16xf32>,
          %parallel_loop3A_215 = arith.index_cast %parallel_loop3A_129 : i32 to index
          %parallel_loop3A_216 = arith.constant 80 : index
          %parallel_loop3A_217 = tpu.vector_load %arg10[%parallel_loop3A_215, %parallel_loop3A_216] {strides = array<i32>} : memref<40x128xf32, #tpu.memory_space<vmem>>, vector<1x16xf32>,
          %parallel_loop3A_218 = vector.shape_cast %parallel_loop3A_217 : vector<1x16xf32> to vector<16xf32>
          %parallel_loop3A_219 = arith.index_cast %parallel_loop3A_129 : i32 to index
          %parallel_loop3A_220 = arith.constant 80 : index
          %parallel_loop3A_221 = tpu.vector_load %arg12[%parallel_loop3A_219, %parallel_loop3A_220] {strides = array<i32>} : memref<40x128xf32, #tpu.memory_space<vmem>>, vector<1x16xf32>,
          %parallel_loop3A_222 = vector.shape_cast %parallel_loop3A_221 : vector<1x16xf32> to vector<16xf32>
          %parallel_loop3A_223 = arith.addf %parallel_loop3A_218, %parallel_loop3A_222 : vector<16xf32>
          %parallel_loop3A_224 = arith.constant 0.000000e+00 : f32
          %parallel_loop3A_225 = vector.broadcast %parallel_loop3A_224 : f32 to vector<16xf32>
          %parallel_loop3A_226 = arith.maximumf %parallel_loop3A_223, %parallel_loop3A_225 : vector<16xf32>
          %parallel_loop3A_227 = arith.index_cast %parallel_loop3A_129 : i32 to index
          %parallel_loop3A_228 = arith.constant 80 : index
          %parallel_loop3A_229 = tpu.vector_load %arg10[%parallel_loop3A_227, %parallel_loop3A_228] {strides = array<i32>} : memref<40x128xf32, #tpu.memory_space<vmem>>, vector<1x16xf32>,
          %parallel_loop3A_230 = vector.shape_cast %parallel_loop3A_229 : vector<1x16xf32> to vector<16xf32>
          %parallel_loop3A_231 = vector.shape_cast %parallel_loop3A_226 : vector<16xf32> to vector<1x16xf32>
          tpu.vector_store %arg10[%parallel_loop3A_227, %parallel_loop3A_228], %parallel_loop3A_231 {strides = array<i32>} : memref<40x128xf32, #tpu.memory_space<vmem>>, vector<1x16xf32>,
          %parallel_loop3A_232 = arith.index_cast %parallel_loop3A_129 : i32 to index
          %parallel_loop3A_233 = arith.constant 96 : index
          %parallel_loop3A_234 = tpu.vector_load %arg10[%parallel_loop3A_232, %parallel_loop3A_233] {strides = array<i32>} : memref<40x128xf32, #tpu.memory_space<vmem>>, vector<1x16xf32>,
          %parallel_loop3A_235 = vector.shape_cast %parallel_loop3A_234 : vector<1x16xf32> to vector<16xf32>
          %parallel_loop3A_236 = arith.index_cast %parallel_loop3A_129 : i32 to index
          %parallel_loop3A_237 = arith.constant 96 : index
          %parallel_loop3A_238 = tpu.vector_load %arg12[%parallel_loop3A_236, %parallel_loop3A_237] {strides = array<i32>} : memref<40x128xf32, #tpu.memory_space<vmem>>, vector<1x16xf32>,
          %parallel_loop3A_239 = vector.shape_cast %parallel_loop3A_238 : vector<1x16xf32> to vector<16xf32>
          %parallel_loop3A_240 = arith.addf %parallel_loop3A_235, %parallel_loop3A_239 : vector<16xf32>
          %parallel_loop3A_241 = arith.constant 0.000000e+00 : f32
          %parallel_loop3A_242 = vector.broadcast %parallel_loop3A_241 : f32 to vector<16xf32>
          %parallel_loop3A_243 = arith.maximumf %parallel_loop3A_240, %parallel_loop3A_242 : vector<16xf32>
          %parallel_loop3A_244 = arith.index_cast %parallel_loop3A_129 : i32 to index
          %parallel_loop3A_245 = arith.constant 96 : index
          %parallel_loop3A_246 = tpu.vector_load %arg10[%parallel_loop3A_244, %parallel_loop3A_245] {strides = array<i32>} : memref<40x128xf32, #tpu.memory_space<vmem>>, vector<1x16xf32>,
          %parallel_loop3A_247 = vector.shape_cast %parallel_loop3A_246 : vector<1x16xf32> to vector<16xf32>
          %parallel_loop3A_248 = vector.shape_cast %parallel_loop3A_243 : vector<16xf32> to vector<1x16xf32>
          tpu.vector_store %arg10[%parallel_loop3A_244, %parallel_loop3A_245], %parallel_loop3A_248 {strides = array<i32>} : memref<40x128xf32, #tpu.memory_space<vmem>>, vector<1x16xf32>,
          %parallel_loop3A_249 = arith.index_cast %parallel_loop3A_129 : i32 to index
          %parallel_loop3A_250 = arith.constant 112 : index
          %parallel_loop3A_251 = tpu.vector_load %arg10[%parallel_loop3A_249, %parallel_loop3A_250] {strides = array<i32>} : memref<40x128xf32, #tpu.memory_space<vmem>>, vector<1x16xf32>,
          %parallel_loop3A_252 = vector.shape_cast %parallel_loop3A_251 : vector<1x16xf32> to vector<16xf32>
          %parallel_loop3A_253 = arith.index_cast %parallel_loop3A_129 : i32 to index
          %parallel_loop3A_254 = arith.constant 112 : index
          %parallel_loop3A_255 = tpu.vector_load %arg12[%parallel_loop3A_253, %parallel_loop3A_254] {strides = array<i32>} : memref<40x128xf32, #tpu.memory_space<vmem>>, vector<1x16xf32>,
          %parallel_loop3A_256 = vector.shape_cast %parallel_loop3A_255 : vector<1x16xf32> to vector<16xf32>
          %parallel_loop3A_257 = arith.addf %parallel_loop3A_252, %parallel_loop3A_256 : vector<16xf32>
          %parallel_loop3A_258 = arith.constant 0.000000e+00 : f32
          %parallel_loop3A_259 = vector.broadcast %parallel_loop3A_258 : f32 to vector<16xf32>
          %parallel_loop3A_260 = arith.maximumf %parallel_loop3A_257, %parallel_loop3A_259 : vector<16xf32>
          %parallel_loop3A_261 = arith.index_cast %parallel_loop3A_129 : i32 to index
          %parallel_loop3A_262 = arith.constant 112 : index
          %parallel_loop3A_263 = tpu.vector_load %arg10[%parallel_loop3A_261, %parallel_loop3A_262] {strides = array<i32>} : memref<40x128xf32, #tpu.memory_space<vmem>>, vector<1x16xf32>,
          %parallel_loop3A_264 = vector.shape_cast %parallel_loop3A_263 : vector<1x16xf32> to vector<16xf32>
          %parallel_loop3A_265 = vector.shape_cast %parallel_loop3A_260 : vector<16xf32> to vector<1x16xf32>
          tpu.vector_store %arg10[%parallel_loop3A_261, %parallel_loop3A_262], %parallel_loop3A_265 {strides = array<i32>} : memref<40x128xf32, #tpu.memory_space<vmem>>, vector<1x16xf32>,
        } {sc.loop_unroll_factor = 4 : i64, sc.parallel_access}
        %dma_start3A_123 = arith.constant 0 : i32
        %dma_start3A_124 = tpu.memref_slice %arg8[%add3A_97, %dma_start3A_123] : memref<50x40xi32, #tpu.memory_space<vmem>> -> memref<1x40xi32, #tpu.memory_space<vmem>>
        %dma_start3A_125 = tpu.memref_squeeze %dma_start3A_124 : memref<1x40xi32, #tpu.memory_space<vmem>> -> memref<40xi32, #tpu.memory_space<vmem>>
        %dma_start3A_126 = arith.constant 0 : i32
        %dma_start3A_127 = arith.constant 0 : i32
        %dma_start3A_128 = tpu.memref_slice %arg13[%dma_start3A_126, %dma_start3A_127] : memref<10000x128xf32, #tpu.memory_space<vmem_shared>> -> memref<10000x128xf32, #tpu.memory_space<vmem_shared>>
        tpu.enqueue_indirect_dma source(%arg10 : memref<40x128xf32, #tpu.memory_space<vmem>>) target(%dma_start3A_128 : memref<10000x128xf32, #tpu.memory_space<vmem_shared>>) offsets(%dma_start3A_125 : memref<40xi32, #tpu.memory_space<vmem>>) semaphore(%arg19 : memref<!tpu.dma_semaphore, #tpu.memory_space<semaphore_mem>>) {add = true}
      }
      %scan3A_59 = arith.constant 25 : i32
    }
    %scan3A_11 = arith.constant 5 : i32
    %dma_wait3A = arith.constant 0 : i32
    %dma_wait3A_12 = arith.constant 0 : i32
    %dma_wait3A_13 = tpu.memref_slice %arg3[%dma_wait3A, %dma_wait3A_12] : memref<320000x128xf32, #tpu.memory_space<hbm>> -> memref<40x128xf32, #tpu.memory_space<hbm>>
    %dma_wait3A_14 = arith.constant 0 : i32
    %dma_wait3A_15 = arith.constant 0 : i32
    %dma_wait3A_16 = tpu.memref_slice %arg3[%dma_wait3A_14, %dma_wait3A_15] : memref<320000x128xf32, #tpu.memory_space<hbm>> -> memref<40x128xf32, #tpu.memory_space<hbm>>
    tpu.wait_dma2 semaphore(%arg19 : memref<!tpu.dma_semaphore, #tpu.memory_space<semaphore_mem>>) src(%dma_wait3A_16 : memref<40x128xf32, #tpu.memory_space<hbm>>) dst(%arg10 : memref<40x128xf32, #tpu.memory_space<vmem>>)
    %barrier3A_17 = arith.constant 0 : index
    tpu.barrier barrier_id(%barrier3A_17)
    %mul3A_18 = arith.constant 624 : i32
    %mul3A_19 = arith.muli %arg1, %mul3A_18 : i32
    %mul3A_20 = arith.constant 624 : i32
    %mul3A_21 = arith.muli %arg1, %mul3A_20 : i32
    "tpu.region"() ({
      %run_scoped3A = tpu.sem_alloc : memref<!tpu.dma_semaphore, #tpu.memory_space<semaphore_mem>>
      %dma_start3A = arith.constant 0 : i32
      %dma_start3A_27 = tpu.memref_slice %arg6[%arg0, %mul3A_21, %dma_start3A] : memref<2x10000x128xf32, #tpu.memory_space<hbm>> -> memref<1x624x128xf32, #tpu.memory_space<hbm>>
      %dma_start3A_28 = tpu.memref_squeeze %dma_start3A_27 : memref<1x624x128xf32, #tpu.memory_space<hbm>> -> memref<624x128xf32, #tpu.memory_space<hbm>>
      %dma_start3A_29 = arith.constant 0 : i32
      %dma_start3A_30 = tpu.memref_slice %arg13[%mul3A_19, %dma_start3A_29] : memref<10000x128xf32, #tpu.memory_space<vmem_shared>> -> memref<624x128xf32, #tpu.memory_space<vmem_shared>>
      tpu.enqueue_dma source(%dma_start3A_30 : memref<624x128xf32, #tpu.memory_space<vmem_shared>>) target(%dma_start3A_28 : memref<624x128xf32, #tpu.memory_space<hbm>>) target_semaphore(%run_scoped3A : memref<!tpu.dma_semaphore, #tpu.memory_space<semaphore_mem>>)
      %dma_wait3A_31 = arith.constant 0 : i32
      %dma_wait3A_32 = tpu.memref_slice %arg6[%arg0, %mul3A_21, %dma_wait3A_31] : memref<2x10000x128xf32, #tpu.memory_space<hbm>> -> memref<1x624x128xf32, #tpu.memory_space<hbm>>
      %dma_wait3A_33 = tpu.memref_squeeze %dma_wait3A_32 : memref<1x624x128xf32, #tpu.memory_space<hbm>> -> memref<624x128xf32, #tpu.memory_space<hbm>>
      %dma_wait3A_34 = arith.constant 0 : i32
      %dma_wait3A_35 = tpu.memref_slice %arg13[%mul3A_19, %dma_wait3A_34] : memref<10000x128xf32, #tpu.memory_space<vmem_shared>> -> memref<624x128xf32, #tpu.memory_space<vmem_shared>>
      tpu.wait_dma2 semaphore(%run_scoped3A : memref<!tpu.dma_semaphore, #tpu.memory_space<semaphore_mem>>) src(%dma_wait3A_35 : memref<624x128xf32, #tpu.memory_space<vmem_shared>>) dst(%dma_wait3A_33 : memref<624x128xf32, #tpu.memory_space<hbm>>)
      tpu.yield
    }) : () -> ()
    %eq3A_22 = arith.constant 15 : i32
    %eq3A_23 = arith.cmpi eq, %arg1, %eq3A_22 : i32
    %convert_element_type3A_24 = arith.extui %eq3A_23 : i1 to i32
    %cond3A_25 = arith.constant 0 : i32
    %cond3A_26 = arith.cmpi ne, %convert_element_type3A_24, %cond3A_25 : i32
    scf.if %cond3A_26 {
      "tpu.region"() ({
        %run_scoped3A = tpu.sem_alloc : memref<!tpu.dma_semaphore, #tpu.memory_space<semaphore_mem>>
        %dma_start3A = arith.constant 9984 : i32
        %dma_start3A_27 = arith.constant 0 : i32
        %dma_start3A_28 = tpu.memref_slice %arg6[%arg0, %dma_start3A, %dma_start3A_27] : memref<2x10000x128xf32, #tpu.memory_space<hbm>> -> memref<1x16x128xf32, #tpu.memory_space<hbm>>
        %dma_start3A_29 = tpu.memref_squeeze %dma_start3A_28 : memref<1x16x128xf32, #tpu.memory_space<hbm>> -> memref<16x128xf32, #tpu.memory_space<hbm>>
        %dma_start3A_30 = arith.constant 9984 : i32
        %dma_start3A_31 = arith.constant 0 : i32
        %dma_start3A_32 = tpu.memref_slice %arg13[%dma_start3A_30, %dma_start3A_31] : memref<10000x128xf32, #tpu.memory_space<vmem_shared>> -> memref<16x128xf32, #tpu.memory_space<vmem_shared>>
        tpu.enqueue_dma source(%dma_start3A_32 : memref<16x128xf32, #tpu.memory_space<vmem_shared>>) target(%dma_start3A_29 : memref<16x128xf32, #tpu.memory_space<hbm>>) target_semaphore(%run_scoped3A : memref<!tpu.dma_semaphore, #tpu.memory_space<semaphore_mem>>)
        %dma_wait3A_33 = arith.constant 9984 : i32
        %dma_wait3A_34 = arith.constant 0 : i32
        %dma_wait3A_35 = tpu.memref_slice %arg6[%arg0, %dma_wait3A_33, %dma_wait3A_34] : memref<2x10000x128xf32, #tpu.memory_space<hbm>> -> memref<1x16x128xf32, #tpu.memory_space<hbm>>
        %dma_wait3A_36 = tpu.memref_squeeze %dma_wait3A_35 : memref<1x16x128xf32, #tpu.memory_space<hbm>> -> memref<16x128xf32, #tpu.memory_space<hbm>>
        %dma_wait3A_37 = arith.constant 9984 : i32
        %dma_wait3A_38 = arith.constant 0 : i32
        %dma_wait3A_39 = tpu.memref_slice %arg13[%dma_wait3A_37, %dma_wait3A_38] : memref<10000x128xf32, #tpu.memory_space<vmem_shared>> -> memref<16x128xf32, #tpu.memory_space<vmem_shared>>
        tpu.wait_dma2 semaphore(%run_scoped3A : memref<!tpu.dma_semaphore, #tpu.memory_space<semaphore_mem>>) src(%dma_wait3A_39 : memref<16x128xf32, #tpu.memory_space<vmem_shared>>) dst(%dma_wait3A_36 : memref<16x128xf32, #tpu.memory_space<hbm>>)
        tpu.yield
      }) : () -> ()
    } else {
    }
    return
  }
}

#map = affine_map<(d0, d1) -> (0, 0)>
#map1 = affine_map<(d0, d1) -> (0, 0, 0, 0, 0)>
module attributes {stable_mosaic.version = 14 : i64} {
  func.func @_cls_sc(%arg0: i32, %arg1: i32, %arg2: memref<10000x128xf32, #tpu.memory_space<hbm>>, %arg3: memref<10000x128xf32, #tpu.memory_space<hbm>>, %arg4: memref<320000x128xf32, #tpu.memory_space<hbm>>, %arg5: memref<2x32x5x50x40xi32, #tpu.memory_space<hbm>>, %arg6: memref<320000x128xf32, #tpu.memory_space<hbm>>, %arg7: memref<50x40xi32, #tpu.memory_space<vmem>>, %arg8: memref<50x40xi32, #tpu.memory_space<vmem>>, %arg9: memref<40x128xf32, #tpu.memory_space<vmem>>, %arg10: memref<40x128xf32, #tpu.memory_space<vmem>>, %arg11: memref<40x128xf32, #tpu.memory_space<vmem>>, %arg12: memref<40x128xf32, #tpu.memory_space<vmem>>, %arg13: memref<40x128xf32, #tpu.memory_space<vmem>>, %arg14: memref<40x128xf32, #tpu.memory_space<vmem>>, %arg15: memref<!tpu.dma_semaphore, #tpu.memory_space<semaphore_mem>>, %arg16: memref<!tpu.dma_semaphore, #tpu.memory_space<semaphore_mem>>, %arg17: memref<!tpu.dma_semaphore, #tpu.memory_space<semaphore_mem>>, %arg18: memref<!tpu.dma_semaphore, #tpu.memory_space<semaphore_mem>>, %arg19: memref<!tpu.dma_semaphore, #tpu.memory_space<semaphore_mem>>, %arg20: memref<!tpu.dma_semaphore, #tpu.memory_space<semaphore_mem>>, %arg21: memref<!tpu.dma_semaphore, #tpu.memory_space<semaphore_mem>>, %arg22: memref<!tpu.dma_semaphore, #tpu.memory_space<semaphore_mem>>) attributes {dimension_semantics = [#tpu.dimension_semantics<core_parallel>, #tpu.dimension_semantics<subcore_parallel>], iteration_bounds = array<i64: 2, 16>, scalar_prefetch = 0 : i64, scratch_operands = 16 : i64, tpu.core_type = #tpu.core_type<sc_vector_subcore>, window_params = [{transform_indices = #map}, {transform_indices = #map}, {transform_indices = #map}, {transform_indices = #map1}, {transform_indices = #map}]} {
    %mul3A = arith.constant 2 : i32
    %mul3A_0 = arith.muli %arg1, %mul3A : i32
    %add3A = arith.addi %mul3A_0, %arg0 : i32
    %scan3A = arith.constant 0 : i32
    %scan3A_1 = arith.constant 0 : i32
    %scan3A_2 = arith.constant 5 : i32
    %scan3A_3 = arith.addi %scan3A_1, %scan3A_2 : i32
    %scan3A_4 = arith.constant 1 : i32
    scf.for %scan3A_11 = %scan3A_1 to %scan3A_3 step %scan3A_4  : i32 {
      %gt3A = arith.constant 0 : i32
      %gt3A_12 = arith.cmpi sgt, %scan3A_11, %gt3A : i32
      %convert_element_type3A = arith.extui %gt3A_12 : i1 to i32
      %cond3A = arith.constant 0 : i32
      %cond3A_13 = arith.cmpi ne, %convert_element_type3A, %cond3A : i32
      scf.if %cond3A_13 {
        %dma_wait3A_47 = arith.constant 0 : i32
        %dma_wait3A_48 = arith.constant 0 : i32
        %dma_wait3A_49 = tpu.memref_slice %arg4[%dma_wait3A_47, %dma_wait3A_48] : memref<320000x128xf32, #tpu.memory_space<hbm>> -> memref<40x128xf32, #tpu.memory_space<hbm>>
        %dma_wait3A_50 = arith.constant 0 : i32
        %dma_wait3A_51 = arith.constant 0 : i32
        %dma_wait3A_52 = tpu.memref_slice %arg4[%dma_wait3A_50, %dma_wait3A_51] : memref<320000x128xf32, #tpu.memory_space<hbm>> -> memref<40x128xf32, #tpu.memory_space<hbm>>
        tpu.wait_dma2 semaphore(%arg22 : memref<!tpu.dma_semaphore, #tpu.memory_space<semaphore_mem>>) src(%dma_wait3A_52 : memref<40x128xf32, #tpu.memory_space<hbm>>) dst(%arg10 : memref<40x128xf32, #tpu.memory_space<vmem>>)
      } else {
      }
      %run_scoped3A = arith.constant 0 : i32
      "tpu.region"() ({
        %run_scoped3A_47 = tpu.sem_alloc : memref<!tpu.dma_semaphore, #tpu.memory_space<semaphore_mem>>
        %dma_start3A_48 = arith.constant 0 : i32
        %dma_start3A_49 = arith.constant 0 : i32
        %dma_start3A_50 = tpu.memref_slice %arg5[%run_scoped3A, %add3A, %scan3A_11, %dma_start3A_48, %dma_start3A_49] : memref<2x32x5x50x40xi32, #tpu.memory_space<hbm>> -> memref<1x1x1x50x40xi32, #tpu.memory_space<hbm>>
        %dma_start3A_51 = tpu.memref_squeeze %dma_start3A_50 : memref<1x1x1x50x40xi32, #tpu.memory_space<hbm>> -> memref<50x40xi32, #tpu.memory_space<hbm>>
        %dma_start3A_52 = arith.constant 0 : i32
        %dma_start3A_53 = arith.constant 0 : i32
        %dma_start3A_54 = tpu.memref_slice %arg5[%run_scoped3A, %add3A, %scan3A_11, %dma_start3A_52, %dma_start3A_53] : memref<2x32x5x50x40xi32, #tpu.memory_space<hbm>> -> memref<1x1x1x50x40xi32, #tpu.memory_space<hbm>>
        %dma_start3A_55 = tpu.memref_squeeze %dma_start3A_54 : memref<1x1x1x50x40xi32, #tpu.memory_space<hbm>> -> memref<50x40xi32, #tpu.memory_space<hbm>>
        tpu.enqueue_dma source(%dma_start3A_55 : memref<50x40xi32, #tpu.memory_space<hbm>>) target(%arg7 : memref<50x40xi32, #tpu.memory_space<vmem>>) target_semaphore(%run_scoped3A_47 : memref<!tpu.dma_semaphore, #tpu.memory_space<semaphore_mem>>)
        %dma_wait3A_56 = arith.constant 0 : i32
        %dma_wait3A_57 = arith.constant 0 : i32
        %dma_wait3A_58 = tpu.memref_slice %arg5[%run_scoped3A, %add3A, %scan3A_11, %dma_wait3A_56, %dma_wait3A_57] : memref<2x32x5x50x40xi32, #tpu.memory_space<hbm>> -> memref<1x1x1x50x40xi32, #tpu.memory_space<hbm>>
        %dma_wait3A_59 = tpu.memref_squeeze %dma_wait3A_58 : memref<1x1x1x50x40xi32, #tpu.memory_space<hbm>> -> memref<50x40xi32, #tpu.memory_space<hbm>>
        %dma_wait3A_60 = arith.constant 0 : i32
        %dma_wait3A_61 = arith.constant 0 : i32
        %dma_wait3A_62 = tpu.memref_slice %arg5[%run_scoped3A, %add3A, %scan3A_11, %dma_wait3A_60, %dma_wait3A_61] : memref<2x32x5x50x40xi32, #tpu.memory_space<hbm>> -> memref<1x1x1x50x40xi32, #tpu.memory_space<hbm>>
        %dma_wait3A_63 = tpu.memref_squeeze %dma_wait3A_62 : memref<1x1x1x50x40xi32, #tpu.memory_space<hbm>> -> memref<50x40xi32, #tpu.memory_space<hbm>>
        tpu.wait_dma2 semaphore(%run_scoped3A_47 : memref<!tpu.dma_semaphore, #tpu.memory_space<semaphore_mem>>) src(%dma_wait3A_63 : memref<50x40xi32, #tpu.memory_space<hbm>>) dst(%arg7 : memref<50x40xi32, #tpu.memory_space<vmem>>)
        tpu.yield
      }) : () -> ()
      %run_scoped3A_14 = arith.constant 1 : i32
      "tpu.region"() ({
        %run_scoped3A_47 = tpu.sem_alloc : memref<!tpu.dma_semaphore, #tpu.memory_space<semaphore_mem>>
        %dma_start3A_48 = arith.constant 0 : i32
        %dma_start3A_49 = arith.constant 0 : i32
        %dma_start3A_50 = tpu.memref_slice %arg5[%run_scoped3A_14, %add3A, %scan3A_11, %dma_start3A_48, %dma_start3A_49] : memref<2x32x5x50x40xi32, #tpu.memory_space<hbm>> -> memref<1x1x1x50x40xi32, #tpu.memory_space<hbm>>
        %dma_start3A_51 = tpu.memref_squeeze %dma_start3A_50 : memref<1x1x1x50x40xi32, #tpu.memory_space<hbm>> -> memref<50x40xi32, #tpu.memory_space<hbm>>
        %dma_start3A_52 = arith.constant 0 : i32
        %dma_start3A_53 = arith.constant 0 : i32
        %dma_start3A_54 = tpu.memref_slice %arg5[%run_scoped3A_14, %add3A, %scan3A_11, %dma_start3A_52, %dma_start3A_53] : memref<2x32x5x50x40xi32, #tpu.memory_space<hbm>> -> memref<1x1x1x50x40xi32, #tpu.memory_space<hbm>>
        %dma_start3A_55 = tpu.memref_squeeze %dma_start3A_54 : memref<1x1x1x50x40xi32, #tpu.memory_space<hbm>> -> memref<50x40xi32, #tpu.memory_space<hbm>>
        tpu.enqueue_dma source(%dma_start3A_55 : memref<50x40xi32, #tpu.memory_space<hbm>>) target(%arg8 : memref<50x40xi32, #tpu.memory_space<vmem>>) target_semaphore(%run_scoped3A_47 : memref<!tpu.dma_semaphore, #tpu.memory_space<semaphore_mem>>)
        %dma_wait3A_56 = arith.constant 0 : i32
        %dma_wait3A_57 = arith.constant 0 : i32
        %dma_wait3A_58 = tpu.memref_slice %arg5[%run_scoped3A_14, %add3A, %scan3A_11, %dma_wait3A_56, %dma_wait3A_57] : memref<2x32x5x50x40xi32, #tpu.memory_space<hbm>> -> memref<1x1x1x50x40xi32, #tpu.memory_space<hbm>>
        %dma_wait3A_59 = tpu.memref_squeeze %dma_wait3A_58 : memref<1x1x1x50x40xi32, #tpu.memory_space<hbm>> -> memref<50x40xi32, #tpu.memory_space<hbm>>
        %dma_wait3A_60 = arith.constant 0 : i32
        %dma_wait3A_61 = arith.constant 0 : i32
        %dma_wait3A_62 = tpu.memref_slice %arg5[%run_scoped3A_14, %add3A, %scan3A_11, %dma_wait3A_60, %dma_wait3A_61] : memref<2x32x5x50x40xi32, #tpu.memory_space<hbm>> -> memref<1x1x1x50x40xi32, #tpu.memory_space<hbm>>
        %dma_wait3A_63 = tpu.memref_squeeze %dma_wait3A_62 : memref<1x1x1x50x40xi32, #tpu.memory_space<hbm>> -> memref<50x40xi32, #tpu.memory_space<hbm>>
        tpu.wait_dma2 semaphore(%run_scoped3A_47 : memref<!tpu.dma_semaphore, #tpu.memory_space<semaphore_mem>>) src(%dma_wait3A_63 : memref<50x40xi32, #tpu.memory_space<hbm>>) dst(%arg8 : memref<50x40xi32, #tpu.memory_space<vmem>>)
        tpu.yield
      }) : () -> ()
      %dma_start3A = arith.constant 0 : i32
      %dma_start3A_15 = arith.constant 0 : i32
      %dma_start3A_16 = tpu.memref_slice %arg7[%dma_start3A, %dma_start3A_15] : memref<50x40xi32, #tpu.memory_space<vmem>> -> memref<1x40xi32, #tpu.memory_space<vmem>>
      %dma_start3A_17 = tpu.memref_squeeze %dma_start3A_16 : memref<1x40xi32, #tpu.memory_space<vmem>> -> memref<40xi32, #tpu.memory_space<vmem>>
      %dma_start3A_18 = arith.constant 0 : i32
      %dma_start3A_19 = arith.constant 0 : i32
      %dma_start3A_20 = tpu.memref_slice %arg2[%dma_start3A_18, %dma_start3A_19] : memref<10000x128xf32, #tpu.memory_space<hbm>> -> memref<10000x128xf32, #tpu.memory_space<hbm>>
      tpu.enqueue_indirect_dma source(%dma_start3A_20 : memref<10000x128xf32, #tpu.memory_space<hbm>>) target(%arg9 : memref<40x128xf32, #tpu.memory_space<vmem>>) offsets(%dma_start3A_17 : memref<40xi32, #tpu.memory_space<vmem>>) semaphore(%arg15 : memref<!tpu.dma_semaphore, #tpu.memory_space<semaphore_mem>>)
      %dma_start3A_21 = arith.constant 0 : i32
      %dma_start3A_22 = arith.constant 0 : i32
      %dma_start3A_23 = tpu.memref_slice %arg8[%dma_start3A_21, %dma_start3A_22] : memref<50x40xi32, #tpu.memory_space<vmem>> -> memref<1x40xi32, #tpu.memory_space<vmem>>
      %dma_start3A_24 = tpu.memref_squeeze %dma_start3A_23 : memref<1x40xi32, #tpu.memory_space<vmem>> -> memref<40xi32, #tpu.memory_space<vmem>>
      %dma_start3A_25 = arith.constant 0 : i32
      %dma_start3A_26 = arith.constant 0 : i32
      %dma_start3A_27 = tpu.memref_slice %arg3[%dma_start3A_25, %dma_start3A_26] : memref<10000x128xf32, #tpu.memory_space<hbm>> -> memref<10000x128xf32, #tpu.memory_space<hbm>>
      tpu.enqueue_indirect_dma source(%dma_start3A_27 : memref<10000x128xf32, #tpu.memory_space<hbm>>) target(%arg11 : memref<40x128xf32, #tpu.memory_space<vmem>>) offsets(%dma_start3A_24 : memref<40xi32, #tpu.memory_space<vmem>>) semaphore(%arg17 : memref<!tpu.dma_semaphore, #tpu.memory_space<semaphore_mem>>)
      %mul3A_28 = arith.constant 10000 : i32
      %mul3A_29 = arith.muli %add3A, %mul3A_28 : i32
      %mul3A_30 = arith.constant 50 : i32
      %mul3A_31 = arith.muli %scan3A_11, %mul3A_30 : i32
      %add3A_32 = arith.constant 0 : i32
      %add3A_33 = arith.addi %mul3A_31, %add3A_32 : i32
      %mul3A_34 = arith.constant 40 : i32
      %mul3A_35 = arith.muli %add3A_33, %mul3A_34 : i32
      %add3A_36 = arith.addi %mul3A_29, %mul3A_35 : i32
      %dma_start3A_37 = arith.constant 0 : i32
      %dma_start3A_38 = tpu.memref_slice %arg4[%add3A_36, %dma_start3A_37] : memref<320000x128xf32, #tpu.memory_space<hbm>> -> memref<40x128xf32, #tpu.memory_space<hbm>>
      %dma_start3A_39 = arith.constant 0 : i32
      %dma_start3A_40 = tpu.memref_slice %arg4[%add3A_36, %dma_start3A_39] : memref<320000x128xf32, #tpu.memory_space<hbm>> -> memref<40x128xf32, #tpu.memory_space<hbm>>
      tpu.enqueue_dma source(%dma_start3A_40 : memref<40x128xf32, #tpu.memory_space<hbm>>) target(%arg13 : memref<40x128xf32, #tpu.memory_space<vmem>>) target_semaphore(%arg19 : memref<!tpu.dma_semaphore, #tpu.memory_space<semaphore_mem>>)
      %scan3A_41 = arith.constant 0 : i32
      %scan3A_42 = arith.constant 0 : i32
      %scan3A_43 = arith.constant 25 : i32
      %scan3A_44 = arith.addi %scan3A_42, %scan3A_43 : i32
      %scan3A_45 = arith.constant 1 : i32
      scf.for %scan3A_47 = %scan3A_42 to %scan3A_44 step %scan3A_45  : i32 {
        %mul3A_48 = arith.constant 2 : i32
        %mul3A_49 = arith.muli %mul3A_48, %scan3A_47 : i32
        %add3A_50 = arith.constant 0 : i32
        %add3A_51 = arith.addi %mul3A_49, %add3A_50 : i32
        %gt3A_52 = arith.constant 0 : i32
        %gt3A_53 = arith.cmpi sgt, %add3A_51, %gt3A_52 : i32
        %convert_element_type3A_54 = arith.extui %gt3A_53 : i1 to i32
        %cond3A_55 = arith.constant 0 : i32
        %cond3A_56 = arith.cmpi ne, %convert_element_type3A_54, %cond3A_55 : i32
        scf.if %cond3A_56 {
          %dma_wait3A_140 = arith.constant 0 : i32
          %dma_wait3A_141 = arith.constant 0 : i32
          %dma_wait3A_142 = tpu.memref_slice %arg4[%dma_wait3A_140, %dma_wait3A_141] : memref<320000x128xf32, #tpu.memory_space<hbm>> -> memref<40x128xf32, #tpu.memory_space<hbm>>
          %dma_wait3A_143 = arith.constant 0 : i32
          %dma_wait3A_144 = arith.constant 0 : i32
          %dma_wait3A_145 = tpu.memref_slice %arg4[%dma_wait3A_143, %dma_wait3A_144] : memref<320000x128xf32, #tpu.memory_space<hbm>> -> memref<40x128xf32, #tpu.memory_space<hbm>>
          tpu.wait_dma2 semaphore(%arg22 : memref<!tpu.dma_semaphore, #tpu.memory_space<semaphore_mem>>) src(%dma_wait3A_145 : memref<40x128xf32, #tpu.memory_space<hbm>>) dst(%arg10 : memref<40x128xf32, #tpu.memory_space<vmem>>)
        } else {
        }
        %lt3A = arith.constant 49 : i32
        %lt3A_57 = arith.cmpi slt, %add3A_51, %lt3A : i32
        %convert_element_type3A_58 = arith.extui %lt3A_57 : i1 to i32
        %cond3A_59 = arith.constant 0 : i32
        %cond3A_60 = arith.cmpi ne, %convert_element_type3A_58, %cond3A_59 : i32
        scf.if %cond3A_60 {
          %add3A_140 = arith.constant 1 : i32
          %add3A_141 = arith.addi %add3A_51, %add3A_140 : i32
          %dma_start3A_142 = arith.constant 0 : i32
          %dma_start3A_143 = tpu.memref_slice %arg7[%add3A_141, %dma_start3A_142] : memref<50x40xi32, #tpu.memory_space<vmem>> -> memref<1x40xi32, #tpu.memory_space<vmem>>
          %dma_start3A_144 = tpu.memref_squeeze %dma_start3A_143 : memref<1x40xi32, #tpu.memory_space<vmem>> -> memref<40xi32, #tpu.memory_space<vmem>>
          %dma_start3A_145 = arith.constant 0 : i32
          %dma_start3A_146 = arith.constant 0 : i32
          %dma_start3A_147 = tpu.memref_slice %arg2[%dma_start3A_145, %dma_start3A_146] : memref<10000x128xf32, #tpu.memory_space<hbm>> -> memref<10000x128xf32, #tpu.memory_space<hbm>>
          tpu.enqueue_indirect_dma source(%dma_start3A_147 : memref<10000x128xf32, #tpu.memory_space<hbm>>) target(%arg10 : memref<40x128xf32, #tpu.memory_space<vmem>>) offsets(%dma_start3A_144 : memref<40xi32, #tpu.memory_space<vmem>>) semaphore(%arg16 : memref<!tpu.dma_semaphore, #tpu.memory_space<semaphore_mem>>)
          %dma_start3A_148 = arith.constant 0 : i32
          %dma_start3A_149 = tpu.memref_slice %arg8[%add3A_141, %dma_start3A_148] : memref<50x40xi32, #tpu.memory_space<vmem>> -> memref<1x40xi32, #tpu.memory_space<vmem>>
          %dma_start3A_150 = tpu.memref_squeeze %dma_start3A_149 : memref<1x40xi32, #tpu.memory_space<vmem>> -> memref<40xi32, #tpu.memory_space<vmem>>
          %dma_start3A_151 = arith.constant 0 : i32
          %dma_start3A_152 = arith.constant 0 : i32
          %dma_start3A_153 = tpu.memref_slice %arg3[%dma_start3A_151, %dma_start3A_152] : memref<10000x128xf32, #tpu.memory_space<hbm>> -> memref<10000x128xf32, #tpu.memory_space<hbm>>
          tpu.enqueue_indirect_dma source(%dma_start3A_153 : memref<10000x128xf32, #tpu.memory_space<hbm>>) target(%arg12 : memref<40x128xf32, #tpu.memory_space<vmem>>) offsets(%dma_start3A_150 : memref<40xi32, #tpu.memory_space<vmem>>) semaphore(%arg18 : memref<!tpu.dma_semaphore, #tpu.memory_space<semaphore_mem>>)
          %mul3A_154 = arith.constant 10000 : i32
          %mul3A_155 = arith.muli %add3A, %mul3A_154 : i32
          %mul3A_156 = arith.constant 50 : i32
          %mul3A_157 = arith.muli %scan3A_11, %mul3A_156 : i32
          %add3A_158 = arith.addi %mul3A_157, %add3A_141 : i32
          %mul3A_159 = arith.constant 40 : i32
          %mul3A_160 = arith.muli %add3A_158, %mul3A_159 : i32
          %add3A_161 = arith.addi %mul3A_155, %mul3A_160 : i32
          %dma_start3A_162 = arith.constant 0 : i32
          %dma_start3A_163 = tpu.memref_slice %arg4[%add3A_161, %dma_start3A_162] : memref<320000x128xf32, #tpu.memory_space<hbm>> -> memref<40x128xf32, #tpu.memory_space<hbm>>
          %dma_start3A_164 = arith.constant 0 : i32
          %dma_start3A_165 = tpu.memref_slice %arg4[%add3A_161, %dma_start3A_164] : memref<320000x128xf32, #tpu.memory_space<hbm>> -> memref<40x128xf32, #tpu.memory_space<hbm>>
          tpu.enqueue_dma source(%dma_start3A_165 : memref<40x128xf32, #tpu.memory_space<hbm>>) target(%arg14 : memref<40x128xf32, #tpu.memory_space<vmem>>) target_semaphore(%arg20 : memref<!tpu.dma_semaphore, #tpu.memory_space<semaphore_mem>>)
        } else {
        }
        %dma_wait3A_61 = arith.constant 0 : i32
        %dma_wait3A_62 = arith.constant 0 : i32
        %dma_wait3A_63 = tpu.memref_slice %arg4[%dma_wait3A_61, %dma_wait3A_62] : memref<320000x128xf32, #tpu.memory_space<hbm>> -> memref<40x128xf32, #tpu.memory_space<hbm>>
        %dma_wait3A_64 = arith.constant 0 : i32
        %dma_wait3A_65 = arith.constant 0 : i32
        %dma_wait3A_66 = tpu.memref_slice %arg4[%dma_wait3A_64, %dma_wait3A_65] : memref<320000x128xf32, #tpu.memory_space<hbm>> -> memref<40x128xf32, #tpu.memory_space<hbm>>
        tpu.wait_dma2 semaphore(%arg15 : memref<!tpu.dma_semaphore, #tpu.memory_space<semaphore_mem>>) src(%dma_wait3A_66 : memref<40x128xf32, #tpu.memory_space<hbm>>) dst(%arg9 : memref<40x128xf32, #tpu.memory_space<vmem>>)
        %dma_wait3A_67 = arith.constant 0 : i32
        %dma_wait3A_68 = arith.constant 0 : i32
        %dma_wait3A_69 = tpu.memref_slice %arg4[%dma_wait3A_67, %dma_wait3A_68] : memref<320000x128xf32, #tpu.memory_space<hbm>> -> memref<40x128xf32, #tpu.memory_space<hbm>>
        %dma_wait3A_70 = arith.constant 0 : i32
        %dma_wait3A_71 = arith.constant 0 : i32
        %dma_wait3A_72 = tpu.memref_slice %arg4[%dma_wait3A_70, %dma_wait3A_71] : memref<320000x128xf32, #tpu.memory_space<hbm>> -> memref<40x128xf32, #tpu.memory_space<hbm>>
        tpu.wait_dma2 semaphore(%arg17 : memref<!tpu.dma_semaphore, #tpu.memory_space<semaphore_mem>>) src(%dma_wait3A_72 : memref<40x128xf32, #tpu.memory_space<hbm>>) dst(%arg11 : memref<40x128xf32, #tpu.memory_space<vmem>>)
        %dma_wait3A_73 = arith.constant 0 : i32
        %dma_wait3A_74 = arith.constant 0 : i32
        %dma_wait3A_75 = tpu.memref_slice %arg4[%dma_wait3A_73, %dma_wait3A_74] : memref<320000x128xf32, #tpu.memory_space<hbm>> -> memref<40x128xf32, #tpu.memory_space<hbm>>
        %dma_wait3A_76 = arith.constant 0 : i32
        %dma_wait3A_77 = arith.constant 0 : i32
        %dma_wait3A_78 = tpu.memref_slice %arg4[%dma_wait3A_76, %dma_wait3A_77] : memref<320000x128xf32, #tpu.memory_space<hbm>> -> memref<40x128xf32, #tpu.memory_space<hbm>>
        tpu.wait_dma2 semaphore(%arg19 : memref<!tpu.dma_semaphore, #tpu.memory_space<semaphore_mem>>) src(%dma_wait3A_78 : memref<40x128xf32, #tpu.memory_space<hbm>>) dst(%arg13 : memref<40x128xf32, #tpu.memory_space<vmem>>)
        %parallel_loop3A = arith.constant 0 : i32
        %parallel_loop3A_79 = arith.constant 40 : i32
        %parallel_loop3A_80 = arith.constant 1 : i32
        scf.for %parallel_loop3A_140 = %parallel_loop3A to %parallel_loop3A_79 step %parallel_loop3A_80  : i32 {
          %parallel_loop3A_141 = arith.index_cast %parallel_loop3A_140 : i32 to index
          %parallel_loop3A_142 = arith.constant 0 : index
          %parallel_loop3A_143 = tpu.vector_load %arg9[%parallel_loop3A_141, %parallel_loop3A_142] {strides = array<i32>} : memref<40x128xf32, #tpu.memory_space<vmem>>, vector<1x16xf32>,
          %parallel_loop3A_144 = vector.shape_cast %parallel_loop3A_143 : vector<1x16xf32> to vector<16xf32>
          %parallel_loop3A_145 = arith.index_cast %parallel_loop3A_140 : i32 to index
          %parallel_loop3A_146 = arith.constant 0 : index
          %parallel_loop3A_147 = tpu.vector_load %arg11[%parallel_loop3A_145, %parallel_loop3A_146] {strides = array<i32>} : memref<40x128xf32, #tpu.memory_space<vmem>>, vector<1x16xf32>,
          %parallel_loop3A_148 = vector.shape_cast %parallel_loop3A_147 : vector<1x16xf32> to vector<16xf32>
          %parallel_loop3A_149 = arith.addf %parallel_loop3A_144, %parallel_loop3A_148 : vector<16xf32>
          %parallel_loop3A_150 = arith.index_cast %parallel_loop3A_140 : i32 to index
          %parallel_loop3A_151 = arith.constant 0 : index
          %parallel_loop3A_152 = tpu.vector_load %arg13[%parallel_loop3A_150, %parallel_loop3A_151] {strides = array<i32>} : memref<40x128xf32, #tpu.memory_space<vmem>>, vector<1x16xf32>,
          %parallel_loop3A_153 = vector.shape_cast %parallel_loop3A_152 : vector<1x16xf32> to vector<16xf32>
          %parallel_loop3A_154 = arith.addf %parallel_loop3A_149, %parallel_loop3A_153 : vector<16xf32>
          %parallel_loop3A_155 = arith.constant 0.000000e+00 : f32
          %parallel_loop3A_156 = vector.broadcast %parallel_loop3A_155 : f32 to vector<16xf32>
          %parallel_loop3A_157 = arith.maximumf %parallel_loop3A_154, %parallel_loop3A_156 : vector<16xf32>
          %parallel_loop3A_158 = arith.index_cast %parallel_loop3A_140 : i32 to index
          %parallel_loop3A_159 = arith.constant 0 : index
          %parallel_loop3A_160 = tpu.vector_load %arg9[%parallel_loop3A_158, %parallel_loop3A_159] {strides = array<i32>} : memref<40x128xf32, #tpu.memory_space<vmem>>, vector<1x16xf32>,
          %parallel_loop3A_161 = vector.shape_cast %parallel_loop3A_160 : vector<1x16xf32> to vector<16xf32>
          %parallel_loop3A_162 = vector.shape_cast %parallel_loop3A_157 : vector<16xf32> to vector<1x16xf32>
          tpu.vector_store %arg9[%parallel_loop3A_158, %parallel_loop3A_159], %parallel_loop3A_162 {strides = array<i32>} : memref<40x128xf32, #tpu.memory_space<vmem>>, vector<1x16xf32>,
          %parallel_loop3A_163 = arith.index_cast %parallel_loop3A_140 : i32 to index
          %parallel_loop3A_164 = arith.constant 16 : index
          %parallel_loop3A_165 = tpu.vector_load %arg9[%parallel_loop3A_163, %parallel_loop3A_164] {strides = array<i32>} : memref<40x128xf32, #tpu.memory_space<vmem>>, vector<1x16xf32>,
          %parallel_loop3A_166 = vector.shape_cast %parallel_loop3A_165 : vector<1x16xf32> to vector<16xf32>
          %parallel_loop3A_167 = arith.index_cast %parallel_loop3A_140 : i32 to index
          %parallel_loop3A_168 = arith.constant 16 : index
          %parallel_loop3A_169 = tpu.vector_load %arg11[%parallel_loop3A_167, %parallel_loop3A_168] {strides = array<i32>} : memref<40x128xf32, #tpu.memory_space<vmem>>, vector<1x16xf32>,
          %parallel_loop3A_170 = vector.shape_cast %parallel_loop3A_169 : vector<1x16xf32> to vector<16xf32>
          %parallel_loop3A_171 = arith.addf %parallel_loop3A_166, %parallel_loop3A_170 : vector<16xf32>
          %parallel_loop3A_172 = arith.index_cast %parallel_loop3A_140 : i32 to index
          %parallel_loop3A_173 = arith.constant 16 : index
          %parallel_loop3A_174 = tpu.vector_load %arg13[%parallel_loop3A_172, %parallel_loop3A_173] {strides = array<i32>} : memref<40x128xf32, #tpu.memory_space<vmem>>, vector<1x16xf32>,
          %parallel_loop3A_175 = vector.shape_cast %parallel_loop3A_174 : vector<1x16xf32> to vector<16xf32>
          %parallel_loop3A_176 = arith.addf %parallel_loop3A_171, %parallel_loop3A_175 : vector<16xf32>
          %parallel_loop3A_177 = arith.constant 0.000000e+00 : f32
          %parallel_loop3A_178 = vector.broadcast %parallel_loop3A_177 : f32 to vector<16xf32>
          %parallel_loop3A_179 = arith.maximumf %parallel_loop3A_176, %parallel_loop3A_178 : vector<16xf32>
          %parallel_loop3A_180 = arith.index_cast %parallel_loop3A_140 : i32 to index
          %parallel_loop3A_181 = arith.constant 16 : index
          %parallel_loop3A_182 = tpu.vector_load %arg9[%parallel_loop3A_180, %parallel_loop3A_181] {strides = array<i32>} : memref<40x128xf32, #tpu.memory_space<vmem>>, vector<1x16xf32>,
          %parallel_loop3A_183 = vector.shape_cast %parallel_loop3A_182 : vector<1x16xf32> to vector<16xf32>
          %parallel_loop3A_184 = vector.shape_cast %parallel_loop3A_179 : vector<16xf32> to vector<1x16xf32>
          tpu.vector_store %arg9[%parallel_loop3A_180, %parallel_loop3A_181], %parallel_loop3A_184 {strides = array<i32>} : memref<40x128xf32, #tpu.memory_space<vmem>>, vector<1x16xf32>,
          %parallel_loop3A_185 = arith.index_cast %parallel_loop3A_140 : i32 to index
          %parallel_loop3A_186 = arith.constant 32 : index
          %parallel_loop3A_187 = tpu.vector_load %arg9[%parallel_loop3A_185, %parallel_loop3A_186] {strides = array<i32>} : memref<40x128xf32, #tpu.memory_space<vmem>>, vector<1x16xf32>,
          %parallel_loop3A_188 = vector.shape_cast %parallel_loop3A_187 : vector<1x16xf32> to vector<16xf32>
          %parallel_loop3A_189 = arith.index_cast %parallel_loop3A_140 : i32 to index
          %parallel_loop3A_190 = arith.constant 32 : index
          %parallel_loop3A_191 = tpu.vector_load %arg11[%parallel_loop3A_189, %parallel_loop3A_190] {strides = array<i32>} : memref<40x128xf32, #tpu.memory_space<vmem>>, vector<1x16xf32>,
          %parallel_loop3A_192 = vector.shape_cast %parallel_loop3A_191 : vector<1x16xf32> to vector<16xf32>
          %parallel_loop3A_193 = arith.addf %parallel_loop3A_188, %parallel_loop3A_192 : vector<16xf32>
          %parallel_loop3A_194 = arith.index_cast %parallel_loop3A_140 : i32 to index
          %parallel_loop3A_195 = arith.constant 32 : index
          %parallel_loop3A_196 = tpu.vector_load %arg13[%parallel_loop3A_194, %parallel_loop3A_195] {strides = array<i32>} : memref<40x128xf32, #tpu.memory_space<vmem>>, vector<1x16xf32>,
          %parallel_loop3A_197 = vector.shape_cast %parallel_loop3A_196 : vector<1x16xf32> to vector<16xf32>
          %parallel_loop3A_198 = arith.addf %parallel_loop3A_193, %parallel_loop3A_197 : vector<16xf32>
          %parallel_loop3A_199 = arith.constant 0.000000e+00 : f32
          %parallel_loop3A_200 = vector.broadcast %parallel_loop3A_199 : f32 to vector<16xf32>
          %parallel_loop3A_201 = arith.maximumf %parallel_loop3A_198, %parallel_loop3A_200 : vector<16xf32>
          %parallel_loop3A_202 = arith.index_cast %parallel_loop3A_140 : i32 to index
          %parallel_loop3A_203 = arith.constant 32 : index
          %parallel_loop3A_204 = tpu.vector_load %arg9[%parallel_loop3A_202, %parallel_loop3A_203] {strides = array<i32>} : memref<40x128xf32, #tpu.memory_space<vmem>>, vector<1x16xf32>,
          %parallel_loop3A_205 = vector.shape_cast %parallel_loop3A_204 : vector<1x16xf32> to vector<16xf32>
          %parallel_loop3A_206 = vector.shape_cast %parallel_loop3A_201 : vector<16xf32> to vector<1x16xf32>
          tpu.vector_store %arg9[%parallel_loop3A_202, %parallel_loop3A_203], %parallel_loop3A_206 {strides = array<i32>} : memref<40x128xf32, #tpu.memory_space<vmem>>, vector<1x16xf32>,
          %parallel_loop3A_207 = arith.index_cast %parallel_loop3A_140 : i32 to index
          %parallel_loop3A_208 = arith.constant 48 : index
          %parallel_loop3A_209 = tpu.vector_load %arg9[%parallel_loop3A_207, %parallel_loop3A_208] {strides = array<i32>} : memref<40x128xf32, #tpu.memory_space<vmem>>, vector<1x16xf32>,
          %parallel_loop3A_210 = vector.shape_cast %parallel_loop3A_209 : vector<1x16xf32> to vector<16xf32>
          %parallel_loop3A_211 = arith.index_cast %parallel_loop3A_140 : i32 to index
          %parallel_loop3A_212 = arith.constant 48 : index
          %parallel_loop3A_213 = tpu.vector_load %arg11[%parallel_loop3A_211, %parallel_loop3A_212] {strides = array<i32>} : memref<40x128xf32, #tpu.memory_space<vmem>>, vector<1x16xf32>,
          %parallel_loop3A_214 = vector.shape_cast %parallel_loop3A_213 : vector<1x16xf32> to vector<16xf32>
          %parallel_loop3A_215 = arith.addf %parallel_loop3A_210, %parallel_loop3A_214 : vector<16xf32>
          %parallel_loop3A_216 = arith.index_cast %parallel_loop3A_140 : i32 to index
          %parallel_loop3A_217 = arith.constant 48 : index
          %parallel_loop3A_218 = tpu.vector_load %arg13[%parallel_loop3A_216, %parallel_loop3A_217] {strides = array<i32>} : memref<40x128xf32, #tpu.memory_space<vmem>>, vector<1x16xf32>,
          %parallel_loop3A_219 = vector.shape_cast %parallel_loop3A_218 : vector<1x16xf32> to vector<16xf32>
          %parallel_loop3A_220 = arith.addf %parallel_loop3A_215, %parallel_loop3A_219 : vector<16xf32>
          %parallel_loop3A_221 = arith.constant 0.000000e+00 : f32
          %parallel_loop3A_222 = vector.broadcast %parallel_loop3A_221 : f32 to vector<16xf32>
          %parallel_loop3A_223 = arith.maximumf %parallel_loop3A_220, %parallel_loop3A_222 : vector<16xf32>
          %parallel_loop3A_224 = arith.index_cast %parallel_loop3A_140 : i32 to index
          %parallel_loop3A_225 = arith.constant 48 : index
          %parallel_loop3A_226 = tpu.vector_load %arg9[%parallel_loop3A_224, %parallel_loop3A_225] {strides = array<i32>} : memref<40x128xf32, #tpu.memory_space<vmem>>, vector<1x16xf32>,
          %parallel_loop3A_227 = vector.shape_cast %parallel_loop3A_226 : vector<1x16xf32> to vector<16xf32>
          %parallel_loop3A_228 = vector.shape_cast %parallel_loop3A_223 : vector<16xf32> to vector<1x16xf32>
          tpu.vector_store %arg9[%parallel_loop3A_224, %parallel_loop3A_225], %parallel_loop3A_228 {strides = array<i32>} : memref<40x128xf32, #tpu.memory_space<vmem>>, vector<1x16xf32>,
          %parallel_loop3A_229 = arith.index_cast %parallel_loop3A_140 : i32 to index
          %parallel_loop3A_230 = arith.constant 64 : index
          %parallel_loop3A_231 = tpu.vector_load %arg9[%parallel_loop3A_229, %parallel_loop3A_230] {strides = array<i32>} : memref<40x128xf32, #tpu.memory_space<vmem>>, vector<1x16xf32>,
          %parallel_loop3A_232 = vector.shape_cast %parallel_loop3A_231 : vector<1x16xf32> to vector<16xf32>
          %parallel_loop3A_233 = arith.index_cast %parallel_loop3A_140 : i32 to index
          %parallel_loop3A_234 = arith.constant 64 : index
          %parallel_loop3A_235 = tpu.vector_load %arg11[%parallel_loop3A_233, %parallel_loop3A_234] {strides = array<i32>} : memref<40x128xf32, #tpu.memory_space<vmem>>, vector<1x16xf32>,
          %parallel_loop3A_236 = vector.shape_cast %parallel_loop3A_235 : vector<1x16xf32> to vector<16xf32>
          %parallel_loop3A_237 = arith.addf %parallel_loop3A_232, %parallel_loop3A_236 : vector<16xf32>
          %parallel_loop3A_238 = arith.index_cast %parallel_loop3A_140 : i32 to index
          %parallel_loop3A_239 = arith.constant 64 : index
          %parallel_loop3A_240 = tpu.vector_load %arg13[%parallel_loop3A_238, %parallel_loop3A_239] {strides = array<i32>} : memref<40x128xf32, #tpu.memory_space<vmem>>, vector<1x16xf32>,
          %parallel_loop3A_241 = vector.shape_cast %parallel_loop3A_240 : vector<1x16xf32> to vector<16xf32>
          %parallel_loop3A_242 = arith.addf %parallel_loop3A_237, %parallel_loop3A_241 : vector<16xf32>
          %parallel_loop3A_243 = arith.constant 0.000000e+00 : f32
          %parallel_loop3A_244 = vector.broadcast %parallel_loop3A_243 : f32 to vector<16xf32>
          %parallel_loop3A_245 = arith.maximumf %parallel_loop3A_242, %parallel_loop3A_244 : vector<16xf32>
          %parallel_loop3A_246 = arith.index_cast %parallel_loop3A_140 : i32 to index
          %parallel_loop3A_247 = arith.constant 64 : index
          %parallel_loop3A_248 = tpu.vector_load %arg9[%parallel_loop3A_246, %parallel_loop3A_247] {strides = array<i32>} : memref<40x128xf32, #tpu.memory_space<vmem>>, vector<1x16xf32>,
          %parallel_loop3A_249 = vector.shape_cast %parallel_loop3A_248 : vector<1x16xf32> to vector<16xf32>
          %parallel_loop3A_250 = vector.shape_cast %parallel_loop3A_245 : vector<16xf32> to vector<1x16xf32>
          tpu.vector_store %arg9[%parallel_loop3A_246, %parallel_loop3A_247], %parallel_loop3A_250 {strides = array<i32>} : memref<40x128xf32, #tpu.memory_space<vmem>>, vector<1x16xf32>,
          %parallel_loop3A_251 = arith.index_cast %parallel_loop3A_140 : i32 to index
          %parallel_loop3A_252 = arith.constant 80 : index
          %parallel_loop3A_253 = tpu.vector_load %arg9[%parallel_loop3A_251, %parallel_loop3A_252] {strides = array<i32>} : memref<40x128xf32, #tpu.memory_space<vmem>>, vector<1x16xf32>,
          %parallel_loop3A_254 = vector.shape_cast %parallel_loop3A_253 : vector<1x16xf32> to vector<16xf32>
          %parallel_loop3A_255 = arith.index_cast %parallel_loop3A_140 : i32 to index
          %parallel_loop3A_256 = arith.constant 80 : index
          %parallel_loop3A_257 = tpu.vector_load %arg11[%parallel_loop3A_255, %parallel_loop3A_256] {strides = array<i32>} : memref<40x128xf32, #tpu.memory_space<vmem>>, vector<1x16xf32>,
          %parallel_loop3A_258 = vector.shape_cast %parallel_loop3A_257 : vector<1x16xf32> to vector<16xf32>
          %parallel_loop3A_259 = arith.addf %parallel_loop3A_254, %parallel_loop3A_258 : vector<16xf32>
          %parallel_loop3A_260 = arith.index_cast %parallel_loop3A_140 : i32 to index
          %parallel_loop3A_261 = arith.constant 80 : index
          %parallel_loop3A_262 = tpu.vector_load %arg13[%parallel_loop3A_260, %parallel_loop3A_261] {strides = array<i32>} : memref<40x128xf32, #tpu.memory_space<vmem>>, vector<1x16xf32>,
          %parallel_loop3A_263 = vector.shape_cast %parallel_loop3A_262 : vector<1x16xf32> to vector<16xf32>
          %parallel_loop3A_264 = arith.addf %parallel_loop3A_259, %parallel_loop3A_263 : vector<16xf32>
          %parallel_loop3A_265 = arith.constant 0.000000e+00 : f32
          %parallel_loop3A_266 = vector.broadcast %parallel_loop3A_265 : f32 to vector<16xf32>
          %parallel_loop3A_267 = arith.maximumf %parallel_loop3A_264, %parallel_loop3A_266 : vector<16xf32>
          %parallel_loop3A_268 = arith.index_cast %parallel_loop3A_140 : i32 to index
          %parallel_loop3A_269 = arith.constant 80 : index
          %parallel_loop3A_270 = tpu.vector_load %arg9[%parallel_loop3A_268, %parallel_loop3A_269] {strides = array<i32>} : memref<40x128xf32, #tpu.memory_space<vmem>>, vector<1x16xf32>,
          %parallel_loop3A_271 = vector.shape_cast %parallel_loop3A_270 : vector<1x16xf32> to vector<16xf32>
          %parallel_loop3A_272 = vector.shape_cast %parallel_loop3A_267 : vector<16xf32> to vector<1x16xf32>
          tpu.vector_store %arg9[%parallel_loop3A_268, %parallel_loop3A_269], %parallel_loop3A_272 {strides = array<i32>} : memref<40x128xf32, #tpu.memory_space<vmem>>, vector<1x16xf32>,
          %parallel_loop3A_273 = arith.index_cast %parallel_loop3A_140 : i32 to index
          %parallel_loop3A_274 = arith.constant 96 : index
          %parallel_loop3A_275 = tpu.vector_load %arg9[%parallel_loop3A_273, %parallel_loop3A_274] {strides = array<i32>} : memref<40x128xf32, #tpu.memory_space<vmem>>, vector<1x16xf32>,
          %parallel_loop3A_276 = vector.shape_cast %parallel_loop3A_275 : vector<1x16xf32> to vector<16xf32>
          %parallel_loop3A_277 = arith.index_cast %parallel_loop3A_140 : i32 to index
          %parallel_loop3A_278 = arith.constant 96 : index
          %parallel_loop3A_279 = tpu.vector_load %arg11[%parallel_loop3A_277, %parallel_loop3A_278] {strides = array<i32>} : memref<40x128xf32, #tpu.memory_space<vmem>>, vector<1x16xf32>,
          %parallel_loop3A_280 = vector.shape_cast %parallel_loop3A_279 : vector<1x16xf32> to vector<16xf32>
          %parallel_loop3A_281 = arith.addf %parallel_loop3A_276, %parallel_loop3A_280 : vector<16xf32>
          %parallel_loop3A_282 = arith.index_cast %parallel_loop3A_140 : i32 to index
          %parallel_loop3A_283 = arith.constant 96 : index
          %parallel_loop3A_284 = tpu.vector_load %arg13[%parallel_loop3A_282, %parallel_loop3A_283] {strides = array<i32>} : memref<40x128xf32, #tpu.memory_space<vmem>>, vector<1x16xf32>,
          %parallel_loop3A_285 = vector.shape_cast %parallel_loop3A_284 : vector<1x16xf32> to vector<16xf32>
          %parallel_loop3A_286 = arith.addf %parallel_loop3A_281, %parallel_loop3A_285 : vector<16xf32>
          %parallel_loop3A_287 = arith.constant 0.000000e+00 : f32
          %parallel_loop3A_288 = vector.broadcast %parallel_loop3A_287 : f32 to vector<16xf32>
          %parallel_loop3A_289 = arith.maximumf %parallel_loop3A_286, %parallel_loop3A_288 : vector<16xf32>
          %parallel_loop3A_290 = arith.index_cast %parallel_loop3A_140 : i32 to index
          %parallel_loop3A_291 = arith.constant 96 : index
          %parallel_loop3A_292 = tpu.vector_load %arg9[%parallel_loop3A_290, %parallel_loop3A_291] {strides = array<i32>} : memref<40x128xf32, #tpu.memory_space<vmem>>, vector<1x16xf32>,
          %parallel_loop3A_293 = vector.shape_cast %parallel_loop3A_292 : vector<1x16xf32> to vector<16xf32>
          %parallel_loop3A_294 = vector.shape_cast %parallel_loop3A_289 : vector<16xf32> to vector<1x16xf32>
          tpu.vector_store %arg9[%parallel_loop3A_290, %parallel_loop3A_291], %parallel_loop3A_294 {strides = array<i32>} : memref<40x128xf32, #tpu.memory_space<vmem>>, vector<1x16xf32>,
          %parallel_loop3A_295 = arith.index_cast %parallel_loop3A_140 : i32 to index
          %parallel_loop3A_296 = arith.constant 112 : index
          %parallel_loop3A_297 = tpu.vector_load %arg9[%parallel_loop3A_295, %parallel_loop3A_296] {strides = array<i32>} : memref<40x128xf32, #tpu.memory_space<vmem>>, vector<1x16xf32>,
          %parallel_loop3A_298 = vector.shape_cast %parallel_loop3A_297 : vector<1x16xf32> to vector<16xf32>
          %parallel_loop3A_299 = arith.index_cast %parallel_loop3A_140 : i32 to index
          %parallel_loop3A_300 = arith.constant 112 : index
          %parallel_loop3A_301 = tpu.vector_load %arg11[%parallel_loop3A_299, %parallel_loop3A_300] {strides = array<i32>} : memref<40x128xf32, #tpu.memory_space<vmem>>, vector<1x16xf32>,
          %parallel_loop3A_302 = vector.shape_cast %parallel_loop3A_301 : vector<1x16xf32> to vector<16xf32>
          %parallel_loop3A_303 = arith.addf %parallel_loop3A_298, %parallel_loop3A_302 : vector<16xf32>
          %parallel_loop3A_304 = arith.index_cast %parallel_loop3A_140 : i32 to index
          %parallel_loop3A_305 = arith.constant 112 : index
          %parallel_loop3A_306 = tpu.vector_load %arg13[%parallel_loop3A_304, %parallel_loop3A_305] {strides = array<i32>} : memref<40x128xf32, #tpu.memory_space<vmem>>, vector<1x16xf32>,
          %parallel_loop3A_307 = vector.shape_cast %parallel_loop3A_306 : vector<1x16xf32> to vector<16xf32>
          %parallel_loop3A_308 = arith.addf %parallel_loop3A_303, %parallel_loop3A_307 : vector<16xf32>
          %parallel_loop3A_309 = arith.constant 0.000000e+00 : f32
          %parallel_loop3A_310 = vector.broadcast %parallel_loop3A_309 : f32 to vector<16xf32>
          %parallel_loop3A_311 = arith.maximumf %parallel_loop3A_308, %parallel_loop3A_310 : vector<16xf32>
          %parallel_loop3A_312 = arith.index_cast %parallel_loop3A_140 : i32 to index
          %parallel_loop3A_313 = arith.constant 112 : index
          %parallel_loop3A_314 = tpu.vector_load %arg9[%parallel_loop3A_312, %parallel_loop3A_313] {strides = array<i32>} : memref<40x128xf32, #tpu.memory_space<vmem>>, vector<1x16xf32>,
          %parallel_loop3A_315 = vector.shape_cast %parallel_loop3A_314 : vector<1x16xf32> to vector<16xf32>
          %parallel_loop3A_316 = vector.shape_cast %parallel_loop3A_311 : vector<16xf32> to vector<1x16xf32>
          tpu.vector_store %arg9[%parallel_loop3A_312, %parallel_loop3A_313], %parallel_loop3A_316 {strides = array<i32>} : memref<40x128xf32, #tpu.memory_space<vmem>>, vector<1x16xf32>,
        } {sc.loop_unroll_factor = 4 : i64, sc.parallel_access}
        %mul3A_81 = arith.constant 10000 : i32
        %mul3A_82 = arith.muli %add3A, %mul3A_81 : i32
        %mul3A_83 = arith.constant 50 : i32
        %mul3A_84 = arith.muli %scan3A_11, %mul3A_83 : i32
        %add3A_85 = arith.addi %mul3A_84, %add3A_51 : i32
        %mul3A_86 = arith.constant 40 : i32
        %mul3A_87 = arith.muli %add3A_85, %mul3A_86 : i32
        %add3A_88 = arith.addi %mul3A_82, %mul3A_87 : i32
        %dma_start3A_89 = arith.constant 0 : i32
        %dma_start3A_90 = tpu.memref_slice %arg6[%add3A_88, %dma_start3A_89] : memref<320000x128xf32, #tpu.memory_space<hbm>> -> memref<40x128xf32, #tpu.memory_space<hbm>>
        %dma_start3A_91 = arith.constant 0 : i32
        %dma_start3A_92 = tpu.memref_slice %arg6[%add3A_88, %dma_start3A_91] : memref<320000x128xf32, #tpu.memory_space<hbm>> -> memref<40x128xf32, #tpu.memory_space<hbm>>
        tpu.enqueue_dma source(%arg9 : memref<40x128xf32, #tpu.memory_space<vmem>>) target(%dma_start3A_92 : memref<40x128xf32, #tpu.memory_space<hbm>>) target_semaphore(%arg21 : memref<!tpu.dma_semaphore, #tpu.memory_space<semaphore_mem>>)
        %mul3A_93 = arith.constant 2 : i32
        %mul3A_94 = arith.muli %mul3A_93, %scan3A_47 : i32
        %add3A_95 = arith.constant 1 : i32
        %add3A_96 = arith.addi %mul3A_94, %add3A_95 : i32
        %gt3A_97 = arith.constant 0 : i32
        %gt3A_98 = arith.cmpi sgt, %add3A_96, %gt3A_97 : i32
        %convert_element_type3A_99 = arith.extui %gt3A_98 : i1 to i32
        %cond3A_100 = arith.constant 0 : i32
        %cond3A_101 = arith.cmpi ne, %convert_element_type3A_99, %cond3A_100 : i32
        scf.if %cond3A_101 {
          %dma_wait3A_140 = arith.constant 0 : i32
          %dma_wait3A_141 = arith.constant 0 : i32
          %dma_wait3A_142 = tpu.memref_slice %arg4[%dma_wait3A_140, %dma_wait3A_141] : memref<320000x128xf32, #tpu.memory_space<hbm>> -> memref<40x128xf32, #tpu.memory_space<hbm>>
          %dma_wait3A_143 = arith.constant 0 : i32
          %dma_wait3A_144 = arith.constant 0 : i32
          %dma_wait3A_145 = tpu.memref_slice %arg4[%dma_wait3A_143, %dma_wait3A_144] : memref<320000x128xf32, #tpu.memory_space<hbm>> -> memref<40x128xf32, #tpu.memory_space<hbm>>
          tpu.wait_dma2 semaphore(%arg21 : memref<!tpu.dma_semaphore, #tpu.memory_space<semaphore_mem>>) src(%dma_wait3A_145 : memref<40x128xf32, #tpu.memory_space<hbm>>) dst(%arg9 : memref<40x128xf32, #tpu.memory_space<vmem>>)
        } else {
        }
        %lt3A_102 = arith.constant 49 : i32
        %lt3A_103 = arith.cmpi slt, %add3A_96, %lt3A_102 : i32
        %convert_element_type3A_104 = arith.extui %lt3A_103 : i1 to i32
        %cond3A_105 = arith.constant 0 : i32
        %cond3A_106 = arith.cmpi ne, %convert_element_type3A_104, %cond3A_105 : i32
        scf.if %cond3A_106 {
          %add3A_140 = arith.constant 1 : i32
          %add3A_141 = arith.addi %add3A_96, %add3A_140 : i32
          %dma_start3A_142 = arith.constant 0 : i32
          %dma_start3A_143 = tpu.memref_slice %arg7[%add3A_141, %dma_start3A_142] : memref<50x40xi32, #tpu.memory_space<vmem>> -> memref<1x40xi32, #tpu.memory_space<vmem>>
          %dma_start3A_144 = tpu.memref_squeeze %dma_start3A_143 : memref<1x40xi32, #tpu.memory_space<vmem>> -> memref<40xi32, #tpu.memory_space<vmem>>
          %dma_start3A_145 = arith.constant 0 : i32
          %dma_start3A_146 = arith.constant 0 : i32
          %dma_start3A_147 = tpu.memref_slice %arg2[%dma_start3A_145, %dma_start3A_146] : memref<10000x128xf32, #tpu.memory_space<hbm>> -> memref<10000x128xf32, #tpu.memory_space<hbm>>
          tpu.enqueue_indirect_dma source(%dma_start3A_147 : memref<10000x128xf32, #tpu.memory_space<hbm>>) target(%arg9 : memref<40x128xf32, #tpu.memory_space<vmem>>) offsets(%dma_start3A_144 : memref<40xi32, #tpu.memory_space<vmem>>) semaphore(%arg15 : memref<!tpu.dma_semaphore, #tpu.memory_space<semaphore_mem>>)
          %dma_start3A_148 = arith.constant 0 : i32
          %dma_start3A_149 = tpu.memref_slice %arg8[%add3A_141, %dma_start3A_148] : memref<50x40xi32, #tpu.memory_space<vmem>> -> memref<1x40xi32, #tpu.memory_space<vmem>>
          %dma_start3A_150 = tpu.memref_squeeze %dma_start3A_149 : memref<1x40xi32, #tpu.memory_space<vmem>> -> memref<40xi32, #tpu.memory_space<vmem>>
          %dma_start3A_151 = arith.constant 0 : i32
          %dma_start3A_152 = arith.constant 0 : i32
          %dma_start3A_153 = tpu.memref_slice %arg3[%dma_start3A_151, %dma_start3A_152] : memref<10000x128xf32, #tpu.memory_space<hbm>> -> memref<10000x128xf32, #tpu.memory_space<hbm>>
          tpu.enqueue_indirect_dma source(%dma_start3A_153 : memref<10000x128xf32, #tpu.memory_space<hbm>>) target(%arg11 : memref<40x128xf32, #tpu.memory_space<vmem>>) offsets(%dma_start3A_150 : memref<40xi32, #tpu.memory_space<vmem>>) semaphore(%arg17 : memref<!tpu.dma_semaphore, #tpu.memory_space<semaphore_mem>>)
          %mul3A_154 = arith.constant 10000 : i32
          %mul3A_155 = arith.muli %add3A, %mul3A_154 : i32
          %mul3A_156 = arith.constant 50 : i32
          %mul3A_157 = arith.muli %scan3A_11, %mul3A_156 : i32
          %add3A_158 = arith.addi %mul3A_157, %add3A_141 : i32
          %mul3A_159 = arith.constant 40 : i32
          %mul3A_160 = arith.muli %add3A_158, %mul3A_159 : i32
          %add3A_161 = arith.addi %mul3A_155, %mul3A_160 : i32
          %dma_start3A_162 = arith.constant 0 : i32
          %dma_start3A_163 = tpu.memref_slice %arg4[%add3A_161, %dma_start3A_162] : memref<320000x128xf32, #tpu.memory_space<hbm>> -> memref<40x128xf32, #tpu.memory_space<hbm>>
          %dma_start3A_164 = arith.constant 0 : i32
          %dma_start3A_165 = tpu.memref_slice %arg4[%add3A_161, %dma_start3A_164] : memref<320000x128xf32, #tpu.memory_space<hbm>> -> memref<40x128xf32, #tpu.memory_space<hbm>>
          tpu.enqueue_dma source(%dma_start3A_165 : memref<40x128xf32, #tpu.memory_space<hbm>>) target(%arg13 : memref<40x128xf32, #tpu.memory_space<vmem>>) target_semaphore(%arg19 : memref<!tpu.dma_semaphore, #tpu.memory_space<semaphore_mem>>)
        } else {
        }
        %dma_wait3A_107 = arith.constant 0 : i32
        %dma_wait3A_108 = arith.constant 0 : i32
        %dma_wait3A_109 = tpu.memref_slice %arg4[%dma_wait3A_107, %dma_wait3A_108] : memref<320000x128xf32, #tpu.memory_space<hbm>> -> memref<40x128xf32, #tpu.memory_space<hbm>>
        %dma_wait3A_110 = arith.constant 0 : i32
        %dma_wait3A_111 = arith.constant 0 : i32
        %dma_wait3A_112 = tpu.memref_slice %arg4[%dma_wait3A_110, %dma_wait3A_111] : memref<320000x128xf32, #tpu.memory_space<hbm>> -> memref<40x128xf32, #tpu.memory_space<hbm>>
        tpu.wait_dma2 semaphore(%arg16 : memref<!tpu.dma_semaphore, #tpu.memory_space<semaphore_mem>>) src(%dma_wait3A_112 : memref<40x128xf32, #tpu.memory_space<hbm>>) dst(%arg10 : memref<40x128xf32, #tpu.memory_space<vmem>>)
        %dma_wait3A_113 = arith.constant 0 : i32
        %dma_wait3A_114 = arith.constant 0 : i32
        %dma_wait3A_115 = tpu.memref_slice %arg4[%dma_wait3A_113, %dma_wait3A_114] : memref<320000x128xf32, #tpu.memory_space<hbm>> -> memref<40x128xf32, #tpu.memory_space<hbm>>
        %dma_wait3A_116 = arith.constant 0 : i32
        %dma_wait3A_117 = arith.constant 0 : i32
        %dma_wait3A_118 = tpu.memref_slice %arg4[%dma_wait3A_116, %dma_wait3A_117] : memref<320000x128xf32, #tpu.memory_space<hbm>> -> memref<40x128xf32, #tpu.memory_space<hbm>>
        tpu.wait_dma2 semaphore(%arg18 : memref<!tpu.dma_semaphore, #tpu.memory_space<semaphore_mem>>) src(%dma_wait3A_118 : memref<40x128xf32, #tpu.memory_space<hbm>>) dst(%arg12 : memref<40x128xf32, #tpu.memory_space<vmem>>)
        %dma_wait3A_119 = arith.constant 0 : i32
        %dma_wait3A_120 = arith.constant 0 : i32
        %dma_wait3A_121 = tpu.memref_slice %arg4[%dma_wait3A_119, %dma_wait3A_120] : memref<320000x128xf32, #tpu.memory_space<hbm>> -> memref<40x128xf32, #tpu.memory_space<hbm>>
        %dma_wait3A_122 = arith.constant 0 : i32
        %dma_wait3A_123 = arith.constant 0 : i32
        %dma_wait3A_124 = tpu.memref_slice %arg4[%dma_wait3A_122, %dma_wait3A_123] : memref<320000x128xf32, #tpu.memory_space<hbm>> -> memref<40x128xf32, #tpu.memory_space<hbm>>
        tpu.wait_dma2 semaphore(%arg20 : memref<!tpu.dma_semaphore, #tpu.memory_space<semaphore_mem>>) src(%dma_wait3A_124 : memref<40x128xf32, #tpu.memory_space<hbm>>) dst(%arg14 : memref<40x128xf32, #tpu.memory_space<vmem>>)
        %parallel_loop3A_125 = arith.constant 0 : i32
        %parallel_loop3A_126 = arith.constant 40 : i32
        %parallel_loop3A_127 = arith.constant 1 : i32
        scf.for %parallel_loop3A_140 = %parallel_loop3A_125 to %parallel_loop3A_126 step %parallel_loop3A_127  : i32 {
          %parallel_loop3A_141 = arith.index_cast %parallel_loop3A_140 : i32 to index
          %parallel_loop3A_142 = arith.constant 0 : index
          %parallel_loop3A_143 = tpu.vector_load %arg10[%parallel_loop3A_141, %parallel_loop3A_142] {strides = array<i32>} : memref<40x128xf32, #tpu.memory_space<vmem>>, vector<1x16xf32>,
          %parallel_loop3A_144 = vector.shape_cast %parallel_loop3A_143 : vector<1x16xf32> to vector<16xf32>
          %parallel_loop3A_145 = arith.index_cast %parallel_loop3A_140 : i32 to index
          %parallel_loop3A_146 = arith.constant 0 : index
          %parallel_loop3A_147 = tpu.vector_load %arg12[%parallel_loop3A_145, %parallel_loop3A_146] {strides = array<i32>} : memref<40x128xf32, #tpu.memory_space<vmem>>, vector<1x16xf32>,
          %parallel_loop3A_148 = vector.shape_cast %parallel_loop3A_147 : vector<1x16xf32> to vector<16xf32>
          %parallel_loop3A_149 = arith.addf %parallel_loop3A_144, %parallel_loop3A_148 : vector<16xf32>
          %parallel_loop3A_150 = arith.index_cast %parallel_loop3A_140 : i32 to index
          %parallel_loop3A_151 = arith.constant 0 : index
          %parallel_loop3A_152 = tpu.vector_load %arg14[%parallel_loop3A_150, %parallel_loop3A_151] {strides = array<i32>} : memref<40x128xf32, #tpu.memory_space<vmem>>, vector<1x16xf32>,
          %parallel_loop3A_153 = vector.shape_cast %parallel_loop3A_152 : vector<1x16xf32> to vector<16xf32>
          %parallel_loop3A_154 = arith.addf %parallel_loop3A_149, %parallel_loop3A_153 : vector<16xf32>
          %parallel_loop3A_155 = arith.constant 0.000000e+00 : f32
          %parallel_loop3A_156 = vector.broadcast %parallel_loop3A_155 : f32 to vector<16xf32>
          %parallel_loop3A_157 = arith.maximumf %parallel_loop3A_154, %parallel_loop3A_156 : vector<16xf32>
          %parallel_loop3A_158 = arith.index_cast %parallel_loop3A_140 : i32 to index
          %parallel_loop3A_159 = arith.constant 0 : index
          %parallel_loop3A_160 = tpu.vector_load %arg10[%parallel_loop3A_158, %parallel_loop3A_159] {strides = array<i32>} : memref<40x128xf32, #tpu.memory_space<vmem>>, vector<1x16xf32>,
          %parallel_loop3A_161 = vector.shape_cast %parallel_loop3A_160 : vector<1x16xf32> to vector<16xf32>
          %parallel_loop3A_162 = vector.shape_cast %parallel_loop3A_157 : vector<16xf32> to vector<1x16xf32>
          tpu.vector_store %arg10[%parallel_loop3A_158, %parallel_loop3A_159], %parallel_loop3A_162 {strides = array<i32>} : memref<40x128xf32, #tpu.memory_space<vmem>>, vector<1x16xf32>,
          %parallel_loop3A_163 = arith.index_cast %parallel_loop3A_140 : i32 to index
          %parallel_loop3A_164 = arith.constant 16 : index
          %parallel_loop3A_165 = tpu.vector_load %arg10[%parallel_loop3A_163, %parallel_loop3A_164] {strides = array<i32>} : memref<40x128xf32, #tpu.memory_space<vmem>>, vector<1x16xf32>,
          %parallel_loop3A_166 = vector.shape_cast %parallel_loop3A_165 : vector<1x16xf32> to vector<16xf32>
          %parallel_loop3A_167 = arith.index_cast %parallel_loop3A_140 : i32 to index
          %parallel_loop3A_168 = arith.constant 16 : index
          %parallel_loop3A_169 = tpu.vector_load %arg12[%parallel_loop3A_167, %parallel_loop3A_168] {strides = array<i32>} : memref<40x128xf32, #tpu.memory_space<vmem>>, vector<1x16xf32>,
          %parallel_loop3A_170 = vector.shape_cast %parallel_loop3A_169 : vector<1x16xf32> to vector<16xf32>
          %parallel_loop3A_171 = arith.addf %parallel_loop3A_166, %parallel_loop3A_170 : vector<16xf32>
          %parallel_loop3A_172 = arith.index_cast %parallel_loop3A_140 : i32 to index
          %parallel_loop3A_173 = arith.constant 16 : index
          %parallel_loop3A_174 = tpu.vector_load %arg14[%parallel_loop3A_172, %parallel_loop3A_173] {strides = array<i32>} : memref<40x128xf32, #tpu.memory_space<vmem>>, vector<1x16xf32>,
          %parallel_loop3A_175 = vector.shape_cast %parallel_loop3A_174 : vector<1x16xf32> to vector<16xf32>
          %parallel_loop3A_176 = arith.addf %parallel_loop3A_171, %parallel_loop3A_175 : vector<16xf32>
          %parallel_loop3A_177 = arith.constant 0.000000e+00 : f32
          %parallel_loop3A_178 = vector.broadcast %parallel_loop3A_177 : f32 to vector<16xf32>
          %parallel_loop3A_179 = arith.maximumf %parallel_loop3A_176, %parallel_loop3A_178 : vector<16xf32>
          %parallel_loop3A_180 = arith.index_cast %parallel_loop3A_140 : i32 to index
          %parallel_loop3A_181 = arith.constant 16 : index
          %parallel_loop3A_182 = tpu.vector_load %arg10[%parallel_loop3A_180, %parallel_loop3A_181] {strides = array<i32>} : memref<40x128xf32, #tpu.memory_space<vmem>>, vector<1x16xf32>,
          %parallel_loop3A_183 = vector.shape_cast %parallel_loop3A_182 : vector<1x16xf32> to vector<16xf32>
          %parallel_loop3A_184 = vector.shape_cast %parallel_loop3A_179 : vector<16xf32> to vector<1x16xf32>
          tpu.vector_store %arg10[%parallel_loop3A_180, %parallel_loop3A_181], %parallel_loop3A_184 {strides = array<i32>} : memref<40x128xf32, #tpu.memory_space<vmem>>, vector<1x16xf32>,
          %parallel_loop3A_185 = arith.index_cast %parallel_loop3A_140 : i32 to index
          %parallel_loop3A_186 = arith.constant 32 : index
          %parallel_loop3A_187 = tpu.vector_load %arg10[%parallel_loop3A_185, %parallel_loop3A_186] {strides = array<i32>} : memref<40x128xf32, #tpu.memory_space<vmem>>, vector<1x16xf32>,
          %parallel_loop3A_188 = vector.shape_cast %parallel_loop3A_187 : vector<1x16xf32> to vector<16xf32>
          %parallel_loop3A_189 = arith.index_cast %parallel_loop3A_140 : i32 to index
          %parallel_loop3A_190 = arith.constant 32 : index
          %parallel_loop3A_191 = tpu.vector_load %arg12[%parallel_loop3A_189, %parallel_loop3A_190] {strides = array<i32>} : memref<40x128xf32, #tpu.memory_space<vmem>>, vector<1x16xf32>,
          %parallel_loop3A_192 = vector.shape_cast %parallel_loop3A_191 : vector<1x16xf32> to vector<16xf32>
          %parallel_loop3A_193 = arith.addf %parallel_loop3A_188, %parallel_loop3A_192 : vector<16xf32>
          %parallel_loop3A_194 = arith.index_cast %parallel_loop3A_140 : i32 to index
          %parallel_loop3A_195 = arith.constant 32 : index
          %parallel_loop3A_196 = tpu.vector_load %arg14[%parallel_loop3A_194, %parallel_loop3A_195] {strides = array<i32>} : memref<40x128xf32, #tpu.memory_space<vmem>>, vector<1x16xf32>,
          %parallel_loop3A_197 = vector.shape_cast %parallel_loop3A_196 : vector<1x16xf32> to vector<16xf32>
          %parallel_loop3A_198 = arith.addf %parallel_loop3A_193, %parallel_loop3A_197 : vector<16xf32>
          %parallel_loop3A_199 = arith.constant 0.000000e+00 : f32
          %parallel_loop3A_200 = vector.broadcast %parallel_loop3A_199 : f32 to vector<16xf32>
          %parallel_loop3A_201 = arith.maximumf %parallel_loop3A_198, %parallel_loop3A_200 : vector<16xf32>
          %parallel_loop3A_202 = arith.index_cast %parallel_loop3A_140 : i32 to index
          %parallel_loop3A_203 = arith.constant 32 : index
          %parallel_loop3A_204 = tpu.vector_load %arg10[%parallel_loop3A_202, %parallel_loop3A_203] {strides = array<i32>} : memref<40x128xf32, #tpu.memory_space<vmem>>, vector<1x16xf32>,
          %parallel_loop3A_205 = vector.shape_cast %parallel_loop3A_204 : vector<1x16xf32> to vector<16xf32>
          %parallel_loop3A_206 = vector.shape_cast %parallel_loop3A_201 : vector<16xf32> to vector<1x16xf32>
          tpu.vector_store %arg10[%parallel_loop3A_202, %parallel_loop3A_203], %parallel_loop3A_206 {strides = array<i32>} : memref<40x128xf32, #tpu.memory_space<vmem>>, vector<1x16xf32>,
          %parallel_loop3A_207 = arith.index_cast %parallel_loop3A_140 : i32 to index
          %parallel_loop3A_208 = arith.constant 48 : index
          %parallel_loop3A_209 = tpu.vector_load %arg10[%parallel_loop3A_207, %parallel_loop3A_208] {strides = array<i32>} : memref<40x128xf32, #tpu.memory_space<vmem>>, vector<1x16xf32>,
          %parallel_loop3A_210 = vector.shape_cast %parallel_loop3A_209 : vector<1x16xf32> to vector<16xf32>
          %parallel_loop3A_211 = arith.index_cast %parallel_loop3A_140 : i32 to index
          %parallel_loop3A_212 = arith.constant 48 : index
          %parallel_loop3A_213 = tpu.vector_load %arg12[%parallel_loop3A_211, %parallel_loop3A_212] {strides = array<i32>} : memref<40x128xf32, #tpu.memory_space<vmem>>, vector<1x16xf32>,
          %parallel_loop3A_214 = vector.shape_cast %parallel_loop3A_213 : vector<1x16xf32> to vector<16xf32>
          %parallel_loop3A_215 = arith.addf %parallel_loop3A_210, %parallel_loop3A_214 : vector<16xf32>
          %parallel_loop3A_216 = arith.index_cast %parallel_loop3A_140 : i32 to index
          %parallel_loop3A_217 = arith.constant 48 : index
          %parallel_loop3A_218 = tpu.vector_load %arg14[%parallel_loop3A_216, %parallel_loop3A_217] {strides = array<i32>} : memref<40x128xf32, #tpu.memory_space<vmem>>, vector<1x16xf32>,
          %parallel_loop3A_219 = vector.shape_cast %parallel_loop3A_218 : vector<1x16xf32> to vector<16xf32>
          %parallel_loop3A_220 = arith.addf %parallel_loop3A_215, %parallel_loop3A_219 : vector<16xf32>
          %parallel_loop3A_221 = arith.constant 0.000000e+00 : f32
          %parallel_loop3A_222 = vector.broadcast %parallel_loop3A_221 : f32 to vector<16xf32>
          %parallel_loop3A_223 = arith.maximumf %parallel_loop3A_220, %parallel_loop3A_222 : vector<16xf32>
          %parallel_loop3A_224 = arith.index_cast %parallel_loop3A_140 : i32 to index
          %parallel_loop3A_225 = arith.constant 48 : index
          %parallel_loop3A_226 = tpu.vector_load %arg10[%parallel_loop3A_224, %parallel_loop3A_225] {strides = array<i32>} : memref<40x128xf32, #tpu.memory_space<vmem>>, vector<1x16xf32>,
          %parallel_loop3A_227 = vector.shape_cast %parallel_loop3A_226 : vector<1x16xf32> to vector<16xf32>
          %parallel_loop3A_228 = vector.shape_cast %parallel_loop3A_223 : vector<16xf32> to vector<1x16xf32>
          tpu.vector_store %arg10[%parallel_loop3A_224, %parallel_loop3A_225], %parallel_loop3A_228 {strides = array<i32>} : memref<40x128xf32, #tpu.memory_space<vmem>>, vector<1x16xf32>,
          %parallel_loop3A_229 = arith.index_cast %parallel_loop3A_140 : i32 to index
          %parallel_loop3A_230 = arith.constant 64 : index
          %parallel_loop3A_231 = tpu.vector_load %arg10[%parallel_loop3A_229, %parallel_loop3A_230] {strides = array<i32>} : memref<40x128xf32, #tpu.memory_space<vmem>>, vector<1x16xf32>,
          %parallel_loop3A_232 = vector.shape_cast %parallel_loop3A_231 : vector<1x16xf32> to vector<16xf32>
          %parallel_loop3A_233 = arith.index_cast %parallel_loop3A_140 : i32 to index
          %parallel_loop3A_234 = arith.constant 64 : index
          %parallel_loop3A_235 = tpu.vector_load %arg12[%parallel_loop3A_233, %parallel_loop3A_234] {strides = array<i32>} : memref<40x128xf32, #tpu.memory_space<vmem>>, vector<1x16xf32>,
          %parallel_loop3A_236 = vector.shape_cast %parallel_loop3A_235 : vector<1x16xf32> to vector<16xf32>
          %parallel_loop3A_237 = arith.addf %parallel_loop3A_232, %parallel_loop3A_236 : vector<16xf32>
          %parallel_loop3A_238 = arith.index_cast %parallel_loop3A_140 : i32 to index
          %parallel_loop3A_239 = arith.constant 64 : index
          %parallel_loop3A_240 = tpu.vector_load %arg14[%parallel_loop3A_238, %parallel_loop3A_239] {strides = array<i32>} : memref<40x128xf32, #tpu.memory_space<vmem>>, vector<1x16xf32>,
          %parallel_loop3A_241 = vector.shape_cast %parallel_loop3A_240 : vector<1x16xf32> to vector<16xf32>
          %parallel_loop3A_242 = arith.addf %parallel_loop3A_237, %parallel_loop3A_241 : vector<16xf32>
          %parallel_loop3A_243 = arith.constant 0.000000e+00 : f32
          %parallel_loop3A_244 = vector.broadcast %parallel_loop3A_243 : f32 to vector<16xf32>
          %parallel_loop3A_245 = arith.maximumf %parallel_loop3A_242, %parallel_loop3A_244 : vector<16xf32>
          %parallel_loop3A_246 = arith.index_cast %parallel_loop3A_140 : i32 to index
          %parallel_loop3A_247 = arith.constant 64 : index
          %parallel_loop3A_248 = tpu.vector_load %arg10[%parallel_loop3A_246, %parallel_loop3A_247] {strides = array<i32>} : memref<40x128xf32, #tpu.memory_space<vmem>>, vector<1x16xf32>,
          %parallel_loop3A_249 = vector.shape_cast %parallel_loop3A_248 : vector<1x16xf32> to vector<16xf32>
          %parallel_loop3A_250 = vector.shape_cast %parallel_loop3A_245 : vector<16xf32> to vector<1x16xf32>
          tpu.vector_store %arg10[%parallel_loop3A_246, %parallel_loop3A_247], %parallel_loop3A_250 {strides = array<i32>} : memref<40x128xf32, #tpu.memory_space<vmem>>, vector<1x16xf32>,
          %parallel_loop3A_251 = arith.index_cast %parallel_loop3A_140 : i32 to index
          %parallel_loop3A_252 = arith.constant 80 : index
          %parallel_loop3A_253 = tpu.vector_load %arg10[%parallel_loop3A_251, %parallel_loop3A_252] {strides = array<i32>} : memref<40x128xf32, #tpu.memory_space<vmem>>, vector<1x16xf32>,
          %parallel_loop3A_254 = vector.shape_cast %parallel_loop3A_253 : vector<1x16xf32> to vector<16xf32>
          %parallel_loop3A_255 = arith.index_cast %parallel_loop3A_140 : i32 to index
          %parallel_loop3A_256 = arith.constant 80 : index
          %parallel_loop3A_257 = tpu.vector_load %arg12[%parallel_loop3A_255, %parallel_loop3A_256] {strides = array<i32>} : memref<40x128xf32, #tpu.memory_space<vmem>>, vector<1x16xf32>,
          %parallel_loop3A_258 = vector.shape_cast %parallel_loop3A_257 : vector<1x16xf32> to vector<16xf32>
          %parallel_loop3A_259 = arith.addf %parallel_loop3A_254, %parallel_loop3A_258 : vector<16xf32>
          %parallel_loop3A_260 = arith.index_cast %parallel_loop3A_140 : i32 to index
          %parallel_loop3A_261 = arith.constant 80 : index
          %parallel_loop3A_262 = tpu.vector_load %arg14[%parallel_loop3A_260, %parallel_loop3A_261] {strides = array<i32>} : memref<40x128xf32, #tpu.memory_space<vmem>>, vector<1x16xf32>,
          %parallel_loop3A_263 = vector.shape_cast %parallel_loop3A_262 : vector<1x16xf32> to vector<16xf32>
          %parallel_loop3A_264 = arith.addf %parallel_loop3A_259, %parallel_loop3A_263 : vector<16xf32>
          %parallel_loop3A_265 = arith.constant 0.000000e+00 : f32
          %parallel_loop3A_266 = vector.broadcast %parallel_loop3A_265 : f32 to vector<16xf32>
          %parallel_loop3A_267 = arith.maximumf %parallel_loop3A_264, %parallel_loop3A_266 : vector<16xf32>
          %parallel_loop3A_268 = arith.index_cast %parallel_loop3A_140 : i32 to index
          %parallel_loop3A_269 = arith.constant 80 : index
          %parallel_loop3A_270 = tpu.vector_load %arg10[%parallel_loop3A_268, %parallel_loop3A_269] {strides = array<i32>} : memref<40x128xf32, #tpu.memory_space<vmem>>, vector<1x16xf32>,
          %parallel_loop3A_271 = vector.shape_cast %parallel_loop3A_270 : vector<1x16xf32> to vector<16xf32>
          %parallel_loop3A_272 = vector.shape_cast %parallel_loop3A_267 : vector<16xf32> to vector<1x16xf32>
          tpu.vector_store %arg10[%parallel_loop3A_268, %parallel_loop3A_269], %parallel_loop3A_272 {strides = array<i32>} : memref<40x128xf32, #tpu.memory_space<vmem>>, vector<1x16xf32>,
          %parallel_loop3A_273 = arith.index_cast %parallel_loop3A_140 : i32 to index
          %parallel_loop3A_274 = arith.constant 96 : index
          %parallel_loop3A_275 = tpu.vector_load %arg10[%parallel_loop3A_273, %parallel_loop3A_274] {strides = array<i32>} : memref<40x128xf32, #tpu.memory_space<vmem>>, vector<1x16xf32>,
          %parallel_loop3A_276 = vector.shape_cast %parallel_loop3A_275 : vector<1x16xf32> to vector<16xf32>
          %parallel_loop3A_277 = arith.index_cast %parallel_loop3A_140 : i32 to index
          %parallel_loop3A_278 = arith.constant 96 : index
          %parallel_loop3A_279 = tpu.vector_load %arg12[%parallel_loop3A_277, %parallel_loop3A_278] {strides = array<i32>} : memref<40x128xf32, #tpu.memory_space<vmem>>, vector<1x16xf32>,
          %parallel_loop3A_280 = vector.shape_cast %parallel_loop3A_279 : vector<1x16xf32> to vector<16xf32>
          %parallel_loop3A_281 = arith.addf %parallel_loop3A_276, %parallel_loop3A_280 : vector<16xf32>
          %parallel_loop3A_282 = arith.index_cast %parallel_loop3A_140 : i32 to index
          %parallel_loop3A_283 = arith.constant 96 : index
          %parallel_loop3A_284 = tpu.vector_load %arg14[%parallel_loop3A_282, %parallel_loop3A_283] {strides = array<i32>} : memref<40x128xf32, #tpu.memory_space<vmem>>, vector<1x16xf32>,
          %parallel_loop3A_285 = vector.shape_cast %parallel_loop3A_284 : vector<1x16xf32> to vector<16xf32>
          %parallel_loop3A_286 = arith.addf %parallel_loop3A_281, %parallel_loop3A_285 : vector<16xf32>
          %parallel_loop3A_287 = arith.constant 0.000000e+00 : f32
          %parallel_loop3A_288 = vector.broadcast %parallel_loop3A_287 : f32 to vector<16xf32>
          %parallel_loop3A_289 = arith.maximumf %parallel_loop3A_286, %parallel_loop3A_288 : vector<16xf32>
          %parallel_loop3A_290 = arith.index_cast %parallel_loop3A_140 : i32 to index
          %parallel_loop3A_291 = arith.constant 96 : index
          %parallel_loop3A_292 = tpu.vector_load %arg10[%parallel_loop3A_290, %parallel_loop3A_291] {strides = array<i32>} : memref<40x128xf32, #tpu.memory_space<vmem>>, vector<1x16xf32>,
          %parallel_loop3A_293 = vector.shape_cast %parallel_loop3A_292 : vector<1x16xf32> to vector<16xf32>
          %parallel_loop3A_294 = vector.shape_cast %parallel_loop3A_289 : vector<16xf32> to vector<1x16xf32>
          tpu.vector_store %arg10[%parallel_loop3A_290, %parallel_loop3A_291], %parallel_loop3A_294 {strides = array<i32>} : memref<40x128xf32, #tpu.memory_space<vmem>>, vector<1x16xf32>,
          %parallel_loop3A_295 = arith.index_cast %parallel_loop3A_140 : i32 to index
          %parallel_loop3A_296 = arith.constant 112 : index
          %parallel_loop3A_297 = tpu.vector_load %arg10[%parallel_loop3A_295, %parallel_loop3A_296] {strides = array<i32>} : memref<40x128xf32, #tpu.memory_space<vmem>>, vector<1x16xf32>,
          %parallel_loop3A_298 = vector.shape_cast %parallel_loop3A_297 : vector<1x16xf32> to vector<16xf32>
          %parallel_loop3A_299 = arith.index_cast %parallel_loop3A_140 : i32 to index
          %parallel_loop3A_300 = arith.constant 112 : index
          %parallel_loop3A_301 = tpu.vector_load %arg12[%parallel_loop3A_299, %parallel_loop3A_300] {strides = array<i32>} : memref<40x128xf32, #tpu.memory_space<vmem>>, vector<1x16xf32>,
          %parallel_loop3A_302 = vector.shape_cast %parallel_loop3A_301 : vector<1x16xf32> to vector<16xf32>
          %parallel_loop3A_303 = arith.addf %parallel_loop3A_298, %parallel_loop3A_302 : vector<16xf32>
          %parallel_loop3A_304 = arith.index_cast %parallel_loop3A_140 : i32 to index
          %parallel_loop3A_305 = arith.constant 112 : index
          %parallel_loop3A_306 = tpu.vector_load %arg14[%parallel_loop3A_304, %parallel_loop3A_305] {strides = array<i32>} : memref<40x128xf32, #tpu.memory_space<vmem>>, vector<1x16xf32>,
          %parallel_loop3A_307 = vector.shape_cast %parallel_loop3A_306 : vector<1x16xf32> to vector<16xf32>
          %parallel_loop3A_308 = arith.addf %parallel_loop3A_303, %parallel_loop3A_307 : vector<16xf32>
          %parallel_loop3A_309 = arith.constant 0.000000e+00 : f32
          %parallel_loop3A_310 = vector.broadcast %parallel_loop3A_309 : f32 to vector<16xf32>
          %parallel_loop3A_311 = arith.maximumf %parallel_loop3A_308, %parallel_loop3A_310 : vector<16xf32>
          %parallel_loop3A_312 = arith.index_cast %parallel_loop3A_140 : i32 to index
          %parallel_loop3A_313 = arith.constant 112 : index
          %parallel_loop3A_314 = tpu.vector_load %arg10[%parallel_loop3A_312, %parallel_loop3A_313] {strides = array<i32>} : memref<40x128xf32, #tpu.memory_space<vmem>>, vector<1x16xf32>,
          %parallel_loop3A_315 = vector.shape_cast %parallel_loop3A_314 : vector<1x16xf32> to vector<16xf32>
          %parallel_loop3A_316 = vector.shape_cast %parallel_loop3A_311 : vector<16xf32> to vector<1x16xf32>
          tpu.vector_store %arg10[%parallel_loop3A_312, %parallel_loop3A_313], %parallel_loop3A_316 {strides = array<i32>} : memref<40x128xf32, #tpu.memory_space<vmem>>, vector<1x16xf32>,
        } {sc.loop_unroll_factor = 4 : i64, sc.parallel_access}
        %mul3A_128 = arith.constant 10000 : i32
        %mul3A_129 = arith.muli %add3A, %mul3A_128 : i32
        %mul3A_130 = arith.constant 50 : i32
        %mul3A_131 = arith.muli %scan3A_11, %mul3A_130 : i32
        %add3A_132 = arith.addi %mul3A_131, %add3A_96 : i32
        %mul3A_133 = arith.constant 40 : i32
        %mul3A_134 = arith.muli %add3A_132, %mul3A_133 : i32
        %add3A_135 = arith.addi %mul3A_129, %mul3A_134 : i32
        %dma_start3A_136 = arith.constant 0 : i32
        %dma_start3A_137 = tpu.memref_slice %arg6[%add3A_135, %dma_start3A_136] : memref<320000x128xf32, #tpu.memory_space<hbm>> -> memref<40x128xf32, #tpu.memory_space<hbm>>
        %dma_start3A_138 = arith.constant 0 : i32
        %dma_start3A_139 = tpu.memref_slice %arg6[%add3A_135, %dma_start3A_138] : memref<320000x128xf32, #tpu.memory_space<hbm>> -> memref<40x128xf32, #tpu.memory_space<hbm>>
        tpu.enqueue_dma source(%arg10 : memref<40x128xf32, #tpu.memory_space<vmem>>) target(%dma_start3A_139 : memref<40x128xf32, #tpu.memory_space<hbm>>) target_semaphore(%arg22 : memref<!tpu.dma_semaphore, #tpu.memory_space<semaphore_mem>>)
      }
      %scan3A_46 = arith.constant 25 : i32
    }
    %scan3A_5 = arith.constant 5 : i32
    %dma_wait3A = arith.constant 0 : i32
    %dma_wait3A_6 = arith.constant 0 : i32
    %dma_wait3A_7 = tpu.memref_slice %arg4[%dma_wait3A, %dma_wait3A_6] : memref<320000x128xf32, #tpu.memory_space<hbm>> -> memref<40x128xf32, #tpu.memory_space<hbm>>
    %dma_wait3A_8 = arith.constant 0 : i32
    %dma_wait3A_9 = arith.constant 0 : i32
    %dma_wait3A_10 = tpu.memref_slice %arg4[%dma_wait3A_8, %dma_wait3A_9] : memref<320000x128xf32, #tpu.memory_space<hbm>> -> memref<40x128xf32, #tpu.memory_space<hbm>>
    tpu.wait_dma2 semaphore(%arg22 : memref<!tpu.dma_semaphore, #tpu.memory_space<semaphore_mem>>) src(%dma_wait3A_10 : memref<40x128xf32, #tpu.memory_space<hbm>>) dst(%arg10 : memref<40x128xf32, #tpu.memory_space<vmem>>)
    return
  }
}

module attributes {stable_mosaic.version = 14 : i64} {
  func.func @_edge_lin_body(%arg0: i32, %arg1: memref<16x2560xf32, #tpu.memory_space<vmem>>, %arg2: memref<16x128xf32, #tpu.memory_space<vmem>>, %arg3: memref<1x128xf32, #tpu.memory_space<vmem>>, %arg4: memref<2560x128xf32, #tpu.memory_space<vmem>>) attributes {dimension_semantics = [#tpu.dimension_semantics<arbitrary>], iteration_bounds = array<i64: 125>, scalar_prefetch = 0 : i64, scratch_operands = 0 : i64, tpu.core_type = #tpu.core_type<tc>, window_params = [{transform_indices = @transform_0, window_bounds = array<i64: 16, 2560>}, {pipeline_mode = #tpu.pipeline_mode<synchronous>, transform_indices = @transform_1, window_bounds = array<i64: 16, 128>}, {pipeline_mode = #tpu.pipeline_mode<synchronous>, transform_indices = @transform_2, window_bounds = array<i64: 1, 128>}, {transform_indices = @transform_3, window_bounds = array<i64: 2560, 128>}]} {
    %get3A = arith.constant 0 : index
    %get3A_0 = arith.constant 0 : index
    %get3A_1 = vector.load %arg1[%get3A, %get3A_0] : memref<16x2560xf32, #tpu.memory_space<vmem>>, vector<16x2560xf32>
    %get3A_2 = arith.constant 0 : index
    %get3A_3 = arith.constant 0 : index
    %get3A_4 = vector.load %arg2[%get3A_2, %get3A_3] : memref<16x128xf32, #tpu.memory_space<vmem>>, vector<16x128xf32>
    %dot_general3A = arith.constant dense<0.000000e+00> : vector<2560x128xf32>
    %dot_general3A_5 = tpu.matmul %get3A_1, %get3A_4, %dot_general3A {dimension_numbers = #tpu.dot_dimension_numbers<[0], [0], [1], [1], [0, 1, 1, 1], [], []>, transpose_lhs_hint = false} : vector<16x2560xf32>, vector<16x128xf32>, vector<2560x128xf32> -> vector<2560x128xf32>
    %get3A_6 = arith.constant 0 : index
    %get3A_7 = arith.constant 0 : index
    %get3A_8 = vector.load %arg3[%get3A_6, %get3A_7] : memref<1x128xf32, #tpu.memory_space<vmem>>, vector<1x128xf32>
    %add3A = vector.broadcast %get3A_8 : vector<1x128xf32> to vector<2560x128xf32>
    %add3A_9 = arith.addf %dot_general3A_5, %add3A : vector<2560x128xf32>
    %swap3A = arith.constant 0 : index
    %swap3A_10 = arith.constant 0 : index
    %swap3A_11 = vector.load %arg4[%swap3A, %swap3A_10] : memref<2560x128xf32, #tpu.memory_space<vmem>>, vector<2560x128xf32>
    tpu.vector_store %arg4[%swap3A, %swap3A_10], %add3A_9 {strides = array<i32>} : memref<2560x128xf32, #tpu.memory_space<vmem>>, vector<2560x128xf32>,
    return
  }
  func.func @transform_0(%arg0: i32) -> (i32, i32) {
    %c0_i32 = arith.constant 0 : i32
    %c0_i32_0 = arith.constant 0 : i32
    return %c0_i32, %arg0 : i32, i32
  }
  func.func @transform_1(%arg0: i32) -> (i32, i32) {
    %c0_i32 = arith.constant 0 : i32
    %c0_i32_0 = arith.constant 0 : i32
    %c0_i32_1 = arith.constant 0 : i32
    return %c0_i32, %c0_i32_0 : i32, i32
  }
  func.func @transform_2(%arg0: i32) -> (i32, i32) {
    %c0_i32 = arith.constant 0 : i32
    %c0_i32_0 = arith.constant 0 : i32
    %c0_i32_1 = arith.constant 0 : i32
    return %c0_i32, %c0_i32_0 : i32, i32
  }
  func.func @transform_3(%arg0: i32) -> (i32, i32) {
    %c0_i32 = arith.constant 0 : i32
    %c0_i32_0 = arith.constant 0 : i32
    return %arg0, %c0_i32 : i32, i32
  }
}

module attributes {stable_mosaic.version = 14 : i64} {
  func.func @_lin_body(%arg0: i32, %arg1: memref<1000x128xf32, #tpu.memory_space<vmem>>, %arg2: memref<128x128xf32, #tpu.memory_space<vmem>>, %arg3: memref<1x128xf32, #tpu.memory_space<vmem>>, %arg4: memref<1000x128xf32, #tpu.memory_space<vmem>>) attributes {dimension_semantics = [#tpu.dimension_semantics<arbitrary>], iteration_bounds = array<i64: 10>, scalar_prefetch = 0 : i64, scratch_operands = 0 : i64, tpu.core_type = #tpu.core_type<tc>, window_params = [{transform_indices = @transform_0, window_bounds = array<i64: 1000, 128>}, {pipeline_mode = #tpu.pipeline_mode<synchronous>, transform_indices = @transform_1, window_bounds = array<i64: 128, 128>}, {pipeline_mode = #tpu.pipeline_mode<synchronous>, transform_indices = @transform_2, window_bounds = array<i64: 1, 128>}, {transform_indices = @transform_3, window_bounds = array<i64: 1000, 128>}]} {
    %get3A = arith.constant 0 : index
    %get3A_0 = arith.constant 0 : index
    %get3A_1 = vector.load %arg1[%get3A, %get3A_0] : memref<1000x128xf32, #tpu.memory_space<vmem>>, vector<1000x128xf32>
    %get3A_2 = arith.constant 0 : index
    %get3A_3 = arith.constant 0 : index
    %get3A_4 = vector.load %arg2[%get3A_2, %get3A_3] : memref<128x128xf32, #tpu.memory_space<vmem>>, vector<128x128xf32>
    %dot_general3A = arith.constant dense<0.000000e+00> : vector<1000x128xf32>
    %dot_general3A_5 = tpu.matmul %get3A_1, %get3A_4, %dot_general3A {dimension_numbers = #tpu.dot_dimension_numbers<[1], [0], [0], [1], [0, 0, 1, 1], [], []>, transpose_lhs_hint = false} : vector<1000x128xf32>, vector<128x128xf32>, vector<1000x128xf32> -> vector<1000x128xf32>
    %get3A_6 = arith.constant 0 : index
    %get3A_7 = arith.constant 0 : index
    %get3A_8 = vector.load %arg3[%get3A_6, %get3A_7] : memref<1x128xf32, #tpu.memory_space<vmem>>, vector<1x128xf32>
    %add3A = vector.broadcast %get3A_8 : vector<1x128xf32> to vector<1000x128xf32>
    %add3A_9 = arith.addf %dot_general3A_5, %add3A : vector<1000x128xf32>
    %swap3A = arith.constant 0 : index
    %swap3A_10 = arith.constant 0 : index
    %swap3A_11 = vector.load %arg4[%swap3A, %swap3A_10] : memref<1000x128xf32, #tpu.memory_space<vmem>>, vector<1000x128xf32>
    tpu.vector_store %arg4[%swap3A, %swap3A_10], %add3A_9 {strides = array<i32>} : memref<1000x128xf32, #tpu.memory_space<vmem>>, vector<1000x128xf32>,
    return
  }
  func.func @transform_0(%arg0: i32) -> (i32, i32) {
    %c0_i32 = arith.constant 0 : i32
    %c0_i32_0 = arith.constant 0 : i32
    return %arg0, %c0_i32 : i32, i32
  }
  func.func @transform_1(%arg0: i32) -> (i32, i32) {
    %c0_i32 = arith.constant 0 : i32
    %c0_i32_0 = arith.constant 0 : i32
    %c0_i32_1 = arith.constant 0 : i32
    return %c0_i32, %c0_i32_0 : i32, i32
  }
  func.func @transform_2(%arg0: i32) -> (i32, i32) {
    %c0_i32 = arith.constant 0 : i32
    %c0_i32_0 = arith.constant 0 : i32
    %c0_i32_1 = arith.constant 0 : i32
    return %c0_i32, %c0_i32_0 : i32, i32
  }
  func.func @transform_3(%arg0: i32) -> (i32, i32) {
    %c0_i32 = arith.constant 0 : i32
    %c0_i32_0 = arith.constant 0 : i32
    return %arg0, %c0_i32 : i32, i32
  }
}

module attributes {stable_mosaic.version = 14 : i64} {
  func.func @_conv_mlp_body(%arg0: i32, %arg1: memref<1000x128xf32, #tpu.memory_space<vmem>>, %arg2: memref<1x1000x128xf32, #tpu.memory_space<vmem>>, %arg3: memref<1x1000x128xf32, #tpu.memory_space<vmem>>, %arg4: memref<128x128xf32, #tpu.memory_space<vmem>>, %arg5: memref<1x128xf32, #tpu.memory_space<vmem>>, %arg6: memref<128x128xf32, #tpu.memory_space<vmem>>, %arg7: memref<1x128xf32, #tpu.memory_space<vmem>>, %arg8: memref<1000x128xf32, #tpu.memory_space<vmem>>) attributes {dimension_semantics = [#tpu.dimension_semantics<arbitrary>], iteration_bounds = array<i64: 10>, scalar_prefetch = 0 : i64, scratch_operands = 0 : i64, tpu.core_type = #tpu.core_type<tc>, window_params = [{transform_indices = @transform_0, window_bounds = array<i64: 1000, 128>}, {transform_indices = @transform_1, window_bounds = array<i64: 1, 1000, 128>}, {transform_indices = @transform_2, window_bounds = array<i64: 1, 1000, 128>}, {pipeline_mode = #tpu.pipeline_mode<synchronous>, transform_indices = @transform_3, window_bounds = array<i64: 128, 128>}, {pipeline_mode = #tpu.pipeline_mode<synchronous>, transform_indices = @transform_4, window_bounds = array<i64: 1, 128>}, {pipeline_mode = #tpu.pipeline_mode<synchronous>, transform_indices = @transform_5, window_bounds = array<i64: 128, 128>}, {pipeline_mode = #tpu.pipeline_mode<synchronous>, transform_indices = @transform_6, window_bounds = array<i64: 1, 128>}, {transform_indices = @transform_7, window_bounds = array<i64: 1000, 128>}]} {
    %get3A = arith.constant 0 : index
    %get3A_0 = arith.constant 0 : index
    %get3A_1 = vector.load %arg1[%get3A, %get3A_0] : memref<1000x128xf32, #tpu.memory_space<vmem>>, vector<1000x128xf32>
    %get3A_2 = arith.constant 0 : index
    %get3A_3 = arith.constant 0 : index
    %get3A_4 = arith.constant 0 : index
    %get3A_5 = vector.load %arg2[%get3A_2, %get3A_3, %get3A_4] : memref<1x1000x128xf32, #tpu.memory_space<vmem>>, vector<1x1000x128xf32>
    %get3A_6 = vector.shape_cast %get3A_5 : vector<1x1000x128xf32> to vector<1000x128xf32>
    %add3A = arith.addf %get3A_1, %get3A_6 : vector<1000x128xf32>
    %get3A_7 = arith.constant 0 : index
    %get3A_8 = arith.constant 0 : index
    %get3A_9 = arith.constant 0 : index
    %get3A_10 = vector.load %arg3[%get3A_7, %get3A_8, %get3A_9] : memref<1x1000x128xf32, #tpu.memory_space<vmem>>, vector<1x1000x128xf32>
    %get3A_11 = vector.shape_cast %get3A_10 : vector<1x1000x128xf32> to vector<1000x128xf32>
    %add3A_12 = arith.addf %add3A, %get3A_11 : vector<1000x128xf32>
    %get3A_13 = arith.constant 0 : index
    %get3A_14 = arith.constant 0 : index
    %get3A_15 = vector.load %arg4[%get3A_13, %get3A_14] : memref<128x128xf32, #tpu.memory_space<vmem>>, vector<128x128xf32>
    %dot_general3A = arith.constant dense<0.000000e+00> : vector<1000x128xf32>
    %dot_general3A_16 = tpu.matmul %add3A_12, %get3A_15, %dot_general3A {dimension_numbers = #tpu.dot_dimension_numbers<[1], [0], [0], [1], [0, 0, 1, 1], [], []>, transpose_lhs_hint = false} : vector<1000x128xf32>, vector<128x128xf32>, vector<1000x128xf32> -> vector<1000x128xf32>
    %get3A_17 = arith.constant 0 : index
    %get3A_18 = arith.constant 0 : index
    %get3A_19 = vector.load %arg5[%get3A_17, %get3A_18] : memref<1x128xf32, #tpu.memory_space<vmem>>, vector<1x128xf32>
    %add3A_20 = vector.broadcast %get3A_19 : vector<1x128xf32> to vector<1000x128xf32>
    %add3A_21 = arith.addf %dot_general3A_16, %add3A_20 : vector<1000x128xf32>
    %max3A = arith.constant 0.000000e+00 : f32
    %max3A_22 = vector.broadcast %max3A : f32 to vector<1000x128xf32>
    %max3A_23 = arith.maximumf %add3A_21, %max3A_22 : vector<1000x128xf32>
    %get3A_24 = arith.constant 0 : index
    %get3A_25 = arith.constant 0 : index
    %get3A_26 = vector.load %arg6[%get3A_24, %get3A_25] : memref<128x128xf32, #tpu.memory_space<vmem>>, vector<128x128xf32>
    %dot_general3A_27 = arith.constant dense<0.000000e+00> : vector<1000x128xf32>
    %dot_general3A_28 = tpu.matmul %max3A_23, %get3A_26, %dot_general3A_27 {dimension_numbers = #tpu.dot_dimension_numbers<[1], [0], [0], [1], [0, 0, 1, 1], [], []>, transpose_lhs_hint = false} : vector<1000x128xf32>, vector<128x128xf32>, vector<1000x128xf32> -> vector<1000x128xf32>
    %get3A_29 = arith.constant 0 : index
    %get3A_30 = arith.constant 0 : index
    %get3A_31 = vector.load %arg7[%get3A_29, %get3A_30] : memref<1x128xf32, #tpu.memory_space<vmem>>, vector<1x128xf32>
    %add3A_32 = vector.broadcast %get3A_31 : vector<1x128xf32> to vector<1000x128xf32>
    %add3A_33 = arith.addf %dot_general3A_28, %add3A_32 : vector<1000x128xf32>
    %max3A_34 = arith.constant 0.000000e+00 : f32
    %max3A_35 = vector.broadcast %max3A_34 : f32 to vector<1000x128xf32>
    %max3A_36 = arith.maximumf %add3A_33, %max3A_35 : vector<1000x128xf32>
    %swap3A = arith.constant 0 : index
    %swap3A_37 = arith.constant 0 : index
    %swap3A_38 = vector.load %arg8[%swap3A, %swap3A_37] : memref<1000x128xf32, #tpu.memory_space<vmem>>, vector<1000x128xf32>
    tpu.vector_store %arg8[%swap3A, %swap3A_37], %max3A_36 {strides = array<i32>} : memref<1000x128xf32, #tpu.memory_space<vmem>>, vector<1000x128xf32>,
    return
  }
  func.func @transform_0(%arg0: i32) -> (i32, i32) {
    %c0_i32 = arith.constant 0 : i32
    %c0_i32_0 = arith.constant 0 : i32
    return %arg0, %c0_i32 : i32, i32
  }
  func.func @transform_1(%arg0: i32) -> (i32, i32, i32) {
    %c0_i32 = arith.constant 0 : i32
    %c0_i32_0 = arith.constant 0 : i32
    %c0_i32_1 = arith.constant 0 : i32
    return %c0_i32, %arg0, %c0_i32_0 : i32, i32, i32
  }
  func.func @transform_2(%arg0: i32) -> (i32, i32, i32) {
    %c1_i32 = arith.constant 1 : i32
    %c0_i32 = arith.constant 0 : i32
    %c0_i32_0 = arith.constant 0 : i32
    return %c1_i32, %arg0, %c0_i32 : i32, i32, i32
  }
  func.func @transform_3(%arg0: i32) -> (i32, i32) {
    %c0_i32 = arith.constant 0 : i32
    %c0_i32_0 = arith.constant 0 : i32
    %c0_i32_1 = arith.constant 0 : i32
    return %c0_i32, %c0_i32_0 : i32, i32
  }
  func.func @transform_4(%arg0: i32) -> (i32, i32) {
    %c0_i32 = arith.constant 0 : i32
    %c0_i32_0 = arith.constant 0 : i32
    %c0_i32_1 = arith.constant 0 : i32
    return %c0_i32, %c0_i32_0 : i32, i32
  }
  func.func @transform_5(%arg0: i32) -> (i32, i32) {
    %c0_i32 = arith.constant 0 : i32
    %c0_i32_0 = arith.constant 0 : i32
    %c0_i32_1 = arith.constant 0 : i32
    return %c0_i32, %c0_i32_0 : i32, i32
  }
  func.func @transform_6(%arg0: i32) -> (i32, i32) {
    %c0_i32 = arith.constant 0 : i32
    %c0_i32_0 = arith.constant 0 : i32
    %c0_i32_1 = arith.constant 0 : i32
    return %c0_i32, %c0_i32_0 : i32, i32
  }
  func.func @transform_7(%arg0: i32) -> (i32, i32) {
    %c0_i32 = arith.constant 0 : i32
    %c0_i32_0 = arith.constant 0 : i32
    return %arg0, %c0_i32 : i32, i32
  }
}

module attributes {stable_mosaic.version = 14 : i64} {
  func.func @_ab_body(%arg0: i32, %arg1: memref<1000x128xf32, #tpu.memory_space<vmem>>, %arg2: memref<128x128xf32, #tpu.memory_space<vmem>>, %arg3: memref<128x128xf32, #tpu.memory_space<vmem>>, %arg4: memref<1000x128xf32, #tpu.memory_space<vmem>>, %arg5: memref<1000x128xf32, #tpu.memory_space<vmem>>) attributes {dimension_semantics = [#tpu.dimension_semantics<arbitrary>], iteration_bounds = array<i64: 10>, scalar_prefetch = 0 : i64, scratch_operands = 0 : i64, tpu.core_type = #tpu.core_type<tc>, window_params = [{transform_indices = @transform_0, window_bounds = array<i64: 1000, 128>}, {pipeline_mode = #tpu.pipeline_mode<synchronous>, transform_indices = @transform_1, window_bounds = array<i64: 128, 128>}, {pipeline_mode = #tpu.pipeline_mode<synchronous>, transform_indices = @transform_2, window_bounds = array<i64: 128, 128>}, {transform_indices = @transform_3, window_bounds = array<i64: 1000, 128>}, {transform_indices = @transform_4, window_bounds = array<i64: 1000, 128>}]} {
    %get3A = arith.constant 0 : index
    %get3A_0 = arith.constant 0 : index
    %get3A_1 = vector.load %arg1[%get3A, %get3A_0] : memref<1000x128xf32, #tpu.memory_space<vmem>>, vector<1000x128xf32>
    %get3A_2 = arith.constant 0 : index
    %get3A_3 = arith.constant 0 : index
    %get3A_4 = vector.load %arg2[%get3A_2, %get3A_3] : memref<128x128xf32, #tpu.memory_space<vmem>>, vector<128x128xf32>
    %dot_general3A = arith.constant dense<0.000000e+00> : vector<1000x128xf32>
    %dot_general3A_5 = tpu.matmul %get3A_1, %get3A_4, %dot_general3A {dimension_numbers = #tpu.dot_dimension_numbers<[1], [0], [0], [1], [0, 0, 1, 1], [], []>, transpose_lhs_hint = false} : vector<1000x128xf32>, vector<128x128xf32>, vector<1000x128xf32> -> vector<1000x128xf32>
    %swap3A = arith.constant 0 : index
    %swap3A_6 = arith.constant 0 : index
    %swap3A_7 = vector.load %arg4[%swap3A, %swap3A_6] : memref<1000x128xf32, #tpu.memory_space<vmem>>, vector<1000x128xf32>
    tpu.vector_store %arg4[%swap3A, %swap3A_6], %dot_general3A_5 {strides = array<i32>} : memref<1000x128xf32, #tpu.memory_space<vmem>>, vector<1000x128xf32>,
    %get3A_8 = arith.constant 0 : index
    %get3A_9 = arith.constant 0 : index
    %get3A_10 = vector.load %arg3[%get3A_8, %get3A_9] : memref<128x128xf32, #tpu.memory_space<vmem>>, vector<128x128xf32>
    %dot_general3A_11 = arith.constant dense<0.000000e+00> : vector<1000x128xf32>
    %dot_general3A_12 = tpu.matmul %get3A_1, %get3A_10, %dot_general3A_11 {dimension_numbers = #tpu.dot_dimension_numbers<[1], [0], [0], [1], [0, 0, 1, 1], [], []>, transpose_lhs_hint = false} : vector<1000x128xf32>, vector<128x128xf32>, vector<1000x128xf32> -> vector<1000x128xf32>
    %swap3A_13 = arith.constant 0 : index
    %swap3A_14 = arith.constant 0 : index
    %swap3A_15 = vector.load %arg5[%swap3A_13, %swap3A_14] : memref<1000x128xf32, #tpu.memory_space<vmem>>, vector<1000x128xf32>
    tpu.vector_store %arg5[%swap3A_13, %swap3A_14], %dot_general3A_12 {strides = array<i32>} : memref<1000x128xf32, #tpu.memory_space<vmem>>, vector<1000x128xf32>,
    return
  }
  func.func @transform_0(%arg0: i32) -> (i32, i32) {
    %c0_i32 = arith.constant 0 : i32
    %c0_i32_0 = arith.constant 0 : i32
    return %arg0, %c0_i32 : i32, i32
  }
  func.func @transform_1(%arg0: i32) -> (i32, i32) {
    %c0_i32 = arith.constant 0 : i32
    %c0_i32_0 = arith.constant 0 : i32
    %c0_i32_1 = arith.constant 0 : i32
    return %c0_i32, %c0_i32_0 : i32, i32
  }
  func.func @transform_2(%arg0: i32) -> (i32, i32) {
    %c0_i32 = arith.constant 0 : i32
    %c0_i32_0 = arith.constant 0 : i32
    %c0_i32_1 = arith.constant 0 : i32
    return %c0_i32, %c0_i32_0 : i32, i32
  }
  func.func @transform_3(%arg0: i32) -> (i32, i32) {
    %c0_i32 = arith.constant 0 : i32
    %c0_i32_0 = arith.constant 0 : i32
    return %arg0, %c0_i32 : i32, i32
  }
  func.func @transform_4(%arg0: i32) -> (i32, i32) {
    %c0_i32 = arith.constant 0 : i32
    %c0_i32_0 = arith.constant 0 : i32
    return %arg0, %c0_i32 : i32, i32
  }
}

module attributes {stable_mosaic.version = 14 : i64} {
  func.func @_final_body(%arg0: i32, %arg1: memref<2560x128xf32, #tpu.memory_space<vmem>>, %arg2: memref<128xf32, #tpu.memory_space<vmem>>, %arg3: memref<128xf32, #tpu.memory_space<vmem>>, %arg4: memref<1x1x2560xf32, #tpu.memory_space<vmem>>, %arg5: memref<1x1x2560xf32, #tpu.memory_space<vmem>>) attributes {dimension_semantics = [#tpu.dimension_semantics<arbitrary>], iteration_bounds = array<i64: 125>, scalar_prefetch = 0 : i64, scratch_operands = 0 : i64, tpu.core_type = #tpu.core_type<tc>, window_params = [{transform_indices = @transform_0, window_bounds = array<i64: 2560, 128>}, {pipeline_mode = #tpu.pipeline_mode<synchronous>, transform_indices = @transform_1, window_bounds = array<i64: 128>}, {pipeline_mode = #tpu.pipeline_mode<synchronous>, transform_indices = @transform_2, window_bounds = array<i64: 128>}, {transform_indices = @transform_3, window_bounds = array<i64: 1, 1, 2560>}, {transform_indices = @transform_4, window_bounds = array<i64: 1, 1, 2560>}]} {
    %get3A = arith.constant 0 : index
    %get3A_0 = arith.constant 0 : index
    %get3A_1 = vector.load %arg1[%get3A, %get3A_0] : memref<2560x128xf32, #tpu.memory_space<vmem>>, vector<2560x128xf32>
    %get3A_2 = arith.constant 0 : index
    %get3A_3 = vector.load %arg2[%get3A_2] : memref<128xf32, #tpu.memory_space<vmem>>, vector<128xf32>
    %dot_general3A = arith.constant dense<0.000000e+00> : vector<2560xf32>
    %dot_general3A_4 = tpu.matmul %get3A_1, %get3A_3, %dot_general3A {dimension_numbers = #tpu.dot_dimension_numbers<[1], [0], [0], [], [0, 0], [], []>, transpose_lhs_hint = false} : vector<2560x128xf32>, vector<128xf32>, vector<2560xf32> -> vector<2560xf32>
    %swap3A = arith.constant 0 : index
    %swap3A_5 = arith.constant 0 : index
    %swap3A_6 = arith.constant 0 : index
    %swap3A_7 = vector.load %arg4[%swap3A, %swap3A_5, %swap3A_6] : memref<1x1x2560xf32, #tpu.memory_space<vmem>>, vector<1x1x2560xf32>
    %swap3A_8 = vector.shape_cast %swap3A_7 : vector<1x1x2560xf32> to vector<2560xf32>
    %swap3A_9 = vector.shape_cast %dot_general3A_4 : vector<2560xf32> to vector<1x1x2560xf32>
    tpu.vector_store %arg4[%swap3A, %swap3A_5, %swap3A_6], %swap3A_9 {strides = array<i32>} : memref<1x1x2560xf32, #tpu.memory_space<vmem>>, vector<1x1x2560xf32>,
    %get3A_10 = arith.constant 0 : index
    %get3A_11 = vector.load %arg3[%get3A_10] : memref<128xf32, #tpu.memory_space<vmem>>, vector<128xf32>
    %dot_general3A_12 = arith.constant dense<0.000000e+00> : vector<2560xf32>
    %dot_general3A_13 = tpu.matmul %get3A_1, %get3A_11, %dot_general3A_12 {dimension_numbers = #tpu.dot_dimension_numbers<[1], [0], [0], [], [0, 0], [], []>, transpose_lhs_hint = false} : vector<2560x128xf32>, vector<128xf32>, vector<2560xf32> -> vector<2560xf32>
    %swap3A_14 = arith.constant 0 : index
    %swap3A_15 = arith.constant 0 : index
    %swap3A_16 = arith.constant 0 : index
    %swap3A_17 = vector.load %arg5[%swap3A_14, %swap3A_15, %swap3A_16] : memref<1x1x2560xf32, #tpu.memory_space<vmem>>, vector<1x1x2560xf32>
    %swap3A_18 = vector.shape_cast %swap3A_17 : vector<1x1x2560xf32> to vector<2560xf32>
    %swap3A_19 = vector.shape_cast %dot_general3A_13 : vector<2560xf32> to vector<1x1x2560xf32>
    tpu.vector_store %arg5[%swap3A_14, %swap3A_15, %swap3A_16], %swap3A_19 {strides = array<i32>} : memref<1x1x2560xf32, #tpu.memory_space<vmem>>, vector<1x1x2560xf32>,
    return
  }
  func.func @transform_0(%arg0: i32) -> (i32, i32) {
    %c0_i32 = arith.constant 0 : i32
    %c0_i32_0 = arith.constant 0 : i32
    return %arg0, %c0_i32 : i32, i32
  }
  func.func @transform_1(%arg0: i32) -> i32 {
    %c0_i32 = arith.constant 0 : i32
    %c0_i32_0 = arith.constant 0 : i32
    return %c0_i32 : i32
  }
  func.func @transform_2(%arg0: i32) -> i32 {
    %c0_i32 = arith.constant 0 : i32
    %c0_i32_0 = arith.constant 0 : i32
    return %c0_i32 : i32
  }
  func.func @transform_3(%arg0: i32) -> (i32, i32, i32) {
    %c0_i32 = arith.constant 0 : i32
    %c0_i32_0 = arith.constant 0 : i32
    %c0_i32_1 = arith.constant 0 : i32
    return %arg0, %c0_i32, %c0_i32_0 : i32, i32, i32
  }
  func.func @transform_4(%arg0: i32) -> (i32, i32, i32) {
    %c0_i32 = arith.constant 0 : i32
    %c0_i32_0 = arith.constant 0 : i32
    %c0_i32_1 = arith.constant 0 : i32
    return %arg0, %c0_i32, %c0_i32_0 : i32, i32, i32
  }
}

</mosaic_0001>

<sc_bundles>
// kernel: kernel.16.cloned.1.call-start
scs
__scs_entry_jumppad:
0x0: {  	(pc) =	sbr.rel $0x88, $3  }
0x1: {  	(tag) =	ssettag $0x0;
	lr =	simm.s32 $0x1  }
0x2: {  	[smem:$0x3F86] =	sst lr;
	_ =	strace $0xD0000000  }
0x3: {  	_ = 	snop  }
0x4: {  	_ = 	snop  }
0x5: {  	_ = 	snop  }
0x6: {  	_ = 	snop  }
0x7: {  	_ = 	snop  }
__scs_overlays_trampoline_lowered:
0x8: {  	[smem:$0x3F95] =	sst s0  }
0x9: {  	[smem:$0x3F96] =	sst s1  }
0xa: {  	[smem:$0x3F97] =	sst s2  }
0xb: {  	[smem:$0x3F98] =	sst s3  }
0xc: {  	[smem:$0x3F99] =	sst s4  }
0xd: {  	[smem:$0x3F9A] =	sst s5  }
0xe: {  	[smem:$0x3F9B] =	sst s6  }
0xf: {  	[smem:$0x3F9C] =	sst s7  }
0x10: {  	[smem:$0x3F9D] =	sst s8  }
0x11: {  	[smem:$0x3F9E] =	sst s9;
	s0 =	simm.s32 @!p0 $0x0  }
0x12: {  	s1 =	sld [smem:$0x3F84];
	s0 =	simm.s32 @p0 $0x1  }
0x13: {  	[smem:$0x3F9F] =	sst s0;
	s0 =	simm.s32 @!p1 $0x0  }
0x14: {  	s2 =	sld [smem:$0x3F83];
	s0 =	simm.s32 @p1 $0x1  }
0x15: {  	[smem:$0x3FA0] =	sst s0;
	s0 =	simm.s32 @!p2 $0x0  }
0x16: {  	s3 =	sld [smem:$0x3FDB];
	s0 =	simm.s32 @p2 $0x1  }
0x17: {  	s4 =	simm.s32 $0x1BF5;
	[smem:$0x3FA2] =	sst s0  }
0x18: {  	s0 =	sld [smem:$0x3F85];
	_ =	swait.ge [sflag:s4], $0x0  }
0x19: {  	s7 =	sld [smem:$0x3F86]  }
0x1a: {  	s8 =	sadd.s32 $0xFFFFE003, lr  }
0x1b: {  	s9 =	sadd.s32 $0xFFFFFEF7, lr;
	s5 =	simm.s32 $0xFFFFFFFF;
	p2 =	slt.u32 s8, $0xFFFFF086  }
0x1c: {  	p1 =	slt.u32 s9, $0xF7A;
	s5 =	simm.s32 @!p2 $0x0  }
0x1d: {  	s5 =	simm.s32 @p1 $0x1;
	p0 =	seq.s32 s7, s2  }
0x1e: {  	s7 =	smul.u32 @!p0 $0xF7A, s2;
	p2 =	seq.s32 @!p0 s5, $0x0  }
0x1f: {  	s9 =	smul.u32 $0xF7A, s1;
	s8 =	simm.s32 @!p0 $0x1BF5;
	p2 =	por !p2, p0  }
0x20: {  	[sflag:s8] =	ssyncset.s32 @!p0 $0xFFFFF086;
	s6 =	sadd.s32 @!p0 s3, s7;
	s7 =	simm.s32 @!p0 $0x108  }
0x21: {  	s3 =	sadd.s32 s3, s9;
	s6 =	sadd.s32 @!p0 $0x88, s6;
	s7 =	simm.s32 @p2 $0x1082  }
0x22: {  	[simem:s7], [sflag:s8] =	dma.local @!p0 [hbm:s6], $0xF7A  }
0x23: {  	s9 =	sor.u32 $0xD0000000, s2;
	s6 =	simm.s32 $0x108;
	_ =	swait.ge @!p0 [sflag:s8], $0x0  }
0x24: {  	s3 =	sadd.s32 $0x88, s3;
	s6 =	simm.s32 @!p1 $0x1082;
	[sflag:s4] =	ssyncset.s32 $0xFFFFF086  }
0x25: {  	[simem:s6], [sflag:s4] =	dma.local [hbm:s3], $0xF7A  }
0x26: {  	[smem:$0x3F86] =	sst s1;
	(tag) =	ssettag s2;
	_ =	strace s9  }
0x27: {  	s1 =	sld [smem:$0x3F96]  }
0x28: {  	s2 =	sld [smem:$0x3F97]  }
0x29: {  	s4 =	sld [smem:$0x3F99]  }
0x2a: {  	p0 =	seq.s32 s5, $0x0;
	s5 =	sld [smem:$0x3F9A]  }
0x2b: {  	s6 =	sld [smem:$0x3F9B]  }
0x2c: {  	s7 =	sld [smem:$0x3F9C]  }
0x2d: {  	s3 =	simm.s32 $0x108;
	s8 =	sld [smem:$0x3F9D]  }
0x2e: {  	s3 =	simm.s32 @!p0 $0x1082;
	s9 =	sld [smem:$0x3F9E]  }
0x2f: {  	lr =	sadd.s32 s0, s3;
	s0 =	sld [smem:$0x3F95]  }
0x30: {  	s3 =	sld [smem:$0x3F98]  }
0x31: {  	[smem:$0x3FA1] =	sst s10  }
0x32: {  	s10 =	sld [smem:$0x3F9F];
	_ =	sdelay $0x3  }
0x33: {  	p0 =	seq.s32 s10, $0x1;
	s10 =	sld [smem:$0x3FA1];
	_ =	sdelay $0x3  }
0x34: {  	[smem:$0x3FA1] =	sst s10  }
0x35: {  	s10 =	sld [smem:$0x3FA0];
	_ =	sdelay $0x3  }
0x36: {  	p1 =	seq.s32 s10, $0x1;
	s10 =	sld [smem:$0x3FA1];
	_ =	sdelay $0x3  }
0x37: {  	[smem:$0x3FA1] =	sst s10  }
0x38: {  	s10 =	sld [smem:$0x3FA2]  }
0x39: {  	_ = 	snop;
	(pc) =	sbr.ind lr, $3  }
0x3a: {  	_ = 	snop  }
0x3b: {  	_ = 	snop  }
0x3c: {  	p2 =	seq.s32 s10, $0x1;
	s10 =	sld [smem:$0x3FA1]  }
0x3d: {  	_ =	shalt  }
0x3e: {  	_ =	shalt  }
0x3f: {  	_ =	shalt  }
0x40: {  	_ =	shalt  }
0x41: {  	_ =	shalt  }
0x42: {  	_ =	shalt  }
0x43: {  	_ =	shalt  }
0x44: {  	_ =	shalt  }
0x45: {  	_ =	shalt  }
0x46: {  	_ =	shalt  }
0x47: {  	_ =	shalt  }
0x48: {  	_ =	shalt  }
0x49: {  	_ =	shalt  }
0x4a: {  	_ =	shalt  }
0x4b: {  	_ =	shalt  }
0x4c: {  	_ =	shalt  }
0x4d: {  	_ =	shalt  }
0x4e: {  	_ =	shalt  }
0x4f: {  	_ =	shalt  }
0x50: {  	_ =	shalt  }
0x51: {  	_ =	shalt  }
0x52: {  	_ =	shalt  }
0x53: {  	_ =	shalt  }
0x54: {  	_ =	shalt  }
0x55: {  	_ =	shalt  }
0x56: {  	_ =	shalt  }
0x57: {  	_ =	shalt  }
0x58: {  	_ =	shalt  }
0x59: {  	_ =	shalt  }
0x5a: {  	_ =	shalt  }
0x5b: {  	_ =	shalt  }
0x5c: {  	_ =	shalt  }
0x5d: {  	_ =	shalt  }
0x5e: {  	_ =	shalt  }
0x5f: {  	_ =	shalt  }
0x60: {  	_ =	shalt  }
0x61: {  	_ =	shalt  }
0x62: {  	_ =	shalt  }
0x63: {  	_ =	shalt  }
0x64: {  	_ =	shalt  }
0x65: {  	_ =	shalt  }
0x66: {  	_ =	shalt  }
0x67: {  	_ =	shalt  }
0x68: {  	_ =	shalt  }
0x69: {  	_ =	shalt  }
0x6a: {  	_ =	shalt  }
0x6b: {  	_ =	shalt  }
0x6c: {  	_ =	shalt  }
0x6d: {  	_ =	shalt  }
0x6e: {  	_ =	shalt  }
0x6f: {  	_ =	shalt  }
0x70: {  	_ =	shalt  }
0x71: {  	_ =	shalt  }
0x72: {  	_ =	shalt  }
0x73: {  	_ =	shalt  }
0x74: {  	_ =	shalt  }
0x75: {  	_ =	shalt  }
0x76: {  	_ =	shalt  }
0x77: {  	_ =	shalt  }
0x78: {  	_ =	shalt  }
0x79: {  	_ =	shalt  }
0x7a: {  	_ =	shalt  }
0x7b: {  	_ =	shalt  }
0x7c: {  	_ =	shalt  }
0x7d: {  	_ =	shalt  }
0x7e: {  	_ =	shalt  }
0x7f: {  	_ =	shalt  }
0x80: {  	_ =	shalt  }
0x81: {  	_ =	shalt  }
0x82: {  	_ =	shalt  }
0x83: {  	_ =	shalt  }
0x84: {  	_ =	shalt  }
0x85: {  	_ =	shalt  }
0x86: {  	_ =	shalt  }
0x87: {  	_ =	shalt  }
.Lfunc_end0:
.L_simem_size_0:
called_computation_lowered:
.L_overlay_start_0:
0x88: {  	s2 =	sld [smem:$0x3FD9]  }
0x89: {  	s3 =	sld [smem:$0x3FFE];
	_ =	sdelay $0x1  }
0x8a: {  	s1 =	srdreg.scid  }
0x8b: {  	s0 =	sand.u32 $0x1, s1  }
0x8c: {  	s16 =	sshll.u32 s0, $0xA;
	s2 =	sadd.s32 s3, s2  }
0x8d: {  	s2 =	sadd.s32 s2, s16  }
0x8e: {  	[smem:$0x3FAD] =	sst s2  }
0x8f: {  	_ = 	snop  }
0x90: {  	(tm) =	ssettm $0x1  }
0x91: {  	s17 =	sld [smem:$0x3FFB];
	_ =	sdelay $0x3  }
0x92: {  	_ =	strace s17  }
0x93: {  	s2 =	sld [smem:$0x3FFC];
	_ =	sdelay $0x3  }
0x94: {  	_ =	strace s2  }
0x95: {  	s2 =	sld [smem:$0x3FFD];
	_ =	sdelay $0x3  }
0x96: {  	_ =	strace s2  }
0x97: {  	_ =	strace $0x8FFFFFFF  }
0x98: {  	s18 =	sld [smem:$0x3FDB];
	_ =	sdelay $0x1  }
0x99: {  	s19 =	simm.s32 $_scs_section_size  }
0x9a: {  	s4 =	simm.s32 $_size__tile_overlayer_lowered;
	s5 =	simm.s32 $_tile_overlayer_lowered  }
0x9b: {  	s22 =	simm.s32 $0x1BFF;
	s21 =	sshll.u32 s5, $0x1;
	s2 =	sadd.s32 s19, s18  }
0x9c: {  	s6 =	simm.s32 $0x0;
	s20 =	sshll.u32 s4, $0x1;
	s4 =	sadd.s32 s21, s2  }
0x9d: {  	[timem:s6], [sflag:s22] =	dma.local [hbm:s4], s20  }
0x9e: {  	_ =	swait.ge [sflag:s22], s20  }
0x9f: {  	s3 =	ssub.s32 $0x0, s20;
	[sflag:s22] =	ssyncset.done $0x0  }
0xa0: {  	[sflag:s22] =	ssyncadd.s32 s3;
	_ =	sdelay $0x1  }
0xa1: {  	s23 =	simm.s32 $0x1B8B  }
0xa2: {  	_ =	swait.ge [sflag:s23], $0x1  }
0xa3: {  	[sflag:s23] =	ssyncset.done $0x0  }
0xa4: {  	s25 =	simm.s32 $0x1B8E;
	s24 =	sld [smem:$0x3FFE];
	[sflag:s23] =	ssyncadd.s32 $0xFFFFFFFF  }
0xa5: {  	s26 =	simm.s32 $execute0_lowered;
	[smem:$0x3FD2] =	sst s25  }
0xa6: {  	s4 =	sshll.u32 s26, $0x1;
	_ =	strace $0x80000046;
	[dreg:$0x1] =	wrdreg $0xFFFFFFFF  }
0xa7: {  	s28 =	simm.s32 $_size_execute0_lowered;
	s2 =	sadd.s32 s2, s4;
	[dreg:$0x0] =	wrdreg $0x0  }
0xa8: {  	s4 =	sshll.u32 s28, $0x1;
	[dreg:$0x2] =	wrdreg s2  }
0xa9: {  	[dreg:$0x3] =	wrdreg s4  }
0xaa: {  	[dreg:$0x4] =	wrdreg $0xC0  }
0xab: {  	_ =	task [dreg:s6], $0x5FFFF  }
0xac: {  	[dreg:$0x1] =	wrdreg $0xFFFFFFFF  }
0xad: {  	[dreg:$0x0] =	wrdreg $0x60  }
0xae: {  	[dreg:$0x2] =	wrdreg s24  }
0xaf: {  	[dreg:$0x3] =	wrdreg $0x88000  }
0xb0: {  	[dreg:$0x4] =	wrdreg $0x9  }
0xb1: {  	_ =	task.clear_ibuf [dreg:s6], $0x5FFFF;
	_ =	strace $0x90000046  }
0xb2: {  	s29 =	simm.s32 $0x9;
	_ =	strace $0x80000048  }
0xb3: {  	_ =	swait.ge [sflag:s29], $0x1  }
0xb4: {  	[sflag:s29] =	ssyncadd.s32 $0xFFFFFFFF  }
0xb5: {  	_ =	strace $0x90000048  }
0xb6: {  	_ =	sfence  }
0xb7: {  	s30 =	sld [smem:$0x0];
	_ =	sdelay $0x2  }
0xb8: {  	s31 =	sshll.u32 s1, $0xD;
	s1 =	sshrl.u32 s1, $0x2  }
0xb9: {  	s3 =	sand.u32 $0x4000, s31;
	s1 =	sadd.s32 s1, s30  }
0xba: {  	s0 =	sor.u32 s3, s0;
	s1 =	sshll.u32 s1, $0x11  }
0xbb: {  	s0 =	sor.u32 s1, s0  }
0xbc: {  	s0 =	sadd.s32 $0x8F2B, s0  }
0xbd: {  	[sflag:s0] =	ssyncadd.remote.s32 $0x1  }
0xbe: {  	_ =	sfence.sel $0xFFFF  }
0xbf: {  	[dreg:$0x0] =	wrdreg $0xFFFFFFFF;
	(pc) =	sbr.abs _section_cstart, $3  }
0xc0: {  	[dreg:$0x1] =	wrdreg $0xFFFFFFFF  }
0xc1: {  	_ =	task.clear_ibuf [dreg:s6], $0x2FFFF;
	_ =	strace $0x9FFFFFFF  }
0xc2: {  	(tm) =	ssettm $0x7FFFFFFF  }
0xc3: {  	_ =	shalt  }
tec
execute0_lowered:
.L_overlay_start_1:
0x0: {  	(tag) =	ssettag $0x1  }
0x1: {  	s0 =	rddreg [dreg:$0x0]  }
0x2: {  	s2 =	rddreg [dreg:$0x1]  }
0x3: {  	s3 =	simm.s32 $0x0;
	s14 =	stileid.u32;
	s7 =	srdreg.scid  }
0x4: {  	s16 =	simm.s32 $0x7;
	s18 =	simm.s32 $0x1C00;
	s19 =	simm.s32 $0x28  }
0x5: {  	s20 =	simm.s32 $0x3800;
	s28 =	simm.s32 $0x2;
	s29 =	simm.s32 $0x4  }
0x6: {  	s31 =	simm.s32 $0x0;
	[smem:$0x7FF] =	sst s3;
	s1 =	smul.u32 $0x13800, s14  }
0x7: {  	s4 =	sadd.s32 $0x52EE00, s0;
	s5 =	sadd.s32 $0x4CE00, s0;
	s6 =	sadd.s32 $0x6E00, s0  }
0x8: {  	s7 =	sand.u32 $0x1, s7;
	s10 =	smul.u32 $0x4E000, s14;
	s12 =	sadd.s32 $0x57D200, s0  }
0x9: {  	s13 =	sshll.u32 s14, $0x1;
	s23 =	sshll.u32 s14, $0x6;
	p0 =	sne.s32 s14, $0xF  }
0xa: {  	_ =	strace $0x80000047;
	s9 =	ssub.s32 $0x2, s7;
	s21 =	sor.u32 s7, s13  }
0xb: {  	s7 =	smul.u32 $0x138800, s7;
	s15 =	sor.u32 $0x1C07, s23;
	s23 =	simm.s32 $0x7400  }
0xc: {  	s8 =	sshrl.u32 s1, $0x3;
	s11 =	sshrl.u32 s9, $0x1;
	s10 =	sshrl.u32 s10, $0x2  }
0xd: {  	[dreg:$0x4] =	wrdreg s15;
	s8 =	sadd.s32 s8, s0;
	s9 =	ssub.s32 s9, s11  }
0xe: {  	s22 =	sadd.s32 s10, s2;
	s0 =	sadd.s32 $0x57D000, s0;
	s10 =	smul.u32 $0x8C00, s21  }
0xf: {  	s24 =	sadd.s32 s1, s7;
	s25 =	sshrl.u32 s7, $0x3;
	s11 =	smul.u32 $0x2710, s21  }
0x10: {  	s21 =	simm.s32 $0x6000;
	s8 =	sadd.s32 $0x556000, s8;
	[dreg:$0x5] =	wrdreg s0  }
0x11: {  	s0 =	sshrl.u32 s24, $0x3;
	s30 =	smax.u32 s9, $0x1;
	[dreg:$0x3] =	wrdreg s8  }
0x12: {  	s1 =	sadd.s32 s12, s25;
	s7 =	sshrl.u32 s22, $0x3;
	[dreg:$0x8] =	wrdreg s30  }
0x13: {  	s22 =	simm.s32 $0x4C00;
	s0 =	sadd.s32 s12, s0;
	[dreg:$0x9] =	wrdreg s7  }
0x14: {  	s8 =	sadd.s32 $0x138000, s2;
	s26 =	sadd.s32 $0x27000, s1;
	[dreg:$0x6] =	wrdreg s0  }
0x15: {  	s24 =	simm.s32 $0x1;
	[dreg:$0x7] =	wrdreg s26;
	s8 =	sshrl.u32 @!p0 s8, $0x3  }
0x16: {  	s25 =	simm.s32 $0x3;
	s26 =	simm.s32 $0x5;
	[dreg:$0xa] =	wrdreg s8  }
.LBB2_1:
0x17: {  	s0 =	rddreg [dreg:$0x3]  }
0x18: {  	[spmem:s7], [sflag:s15] =	dma.local [hbm:s0], $0x2700  }
0x19: {  	_ =	swait.ge [sflag:s16], $0x2700  }
0x1a: {  	[sflag:s16] =	ssyncset.done $0x0  }
0x1b: {  	s0 =	rddreg [dreg:$0x5];
	[sflag:s16] =	ssyncadd.s32 $0xFFFFD900  }
0x1c: {  	[spmem:s8], [sflag:s15] =	dma.local @!p0 [hbm:s0], $0x100  }
0x1d: {  	s0 =	simm.s32 @!p0 $0x7  }
0x1e: {  	_ =	swait.ge @!p0 [sflag:s0], $0x100  }
0x1f: {  	[sflag:s0] =	ssyncset.done @!p0 $0x0  }
0x20: {  	[sflag:s0] =	ssyncadd.s32 @!p0 $0xFFFFFF00  }
0x21: {  	s0 =	simm.s32 $0x0;
	[bflag:$0x0] =	sbarrier.arrive $0xFFFF  }
.LBB2_2:
0x22: {  	p1 =	seq.s32 s0, $0x0;
	s1 =	smul.u32 $0x1C00, s0  }
0x23: {  	s7 =	simm.s32 @!p1 $0x6  }
0x24: {  	_ =	swait.ge @!p1 [sflag:s7], $0x1400;
	s1 =	sadd.s32 s10, s1  }
0x25: {  	[sflag:s7] =	ssyncset.done @!p1 $0x0;
	s1 =	sshrl.u32 s1, $0x3  }
0x26: {  	[sflag:s7] =	ssyncadd.s32 @!p1 $0xFFFFEC00;
	s17 =	sadd.s32 s6, s1;
	s1 =	simm.s32 $0x0  }
0x27: {  	[tilespmem:s1], [sflag:$0x7] =	stream.linear.gather [hbm4b:s17+s1], $0x1900, $0x38;
	[tilespmem:$0x1C080] =	vst v63  }
0x28: {  	_ =	swait.ge [sflag:s16], $0x1900  }
0x29: {  	[sflag:s16] =	ssyncset.done $0x0  }
0x2a: {  	s30 =	smul.u32 $0x7D0, s0;
	s7 =	sadd.s32 $0x23000, s17;
	[sflag:s16] =	ssyncadd.s32 $0xFFFFE700  }
0x2b: {  	[tilespmem:s18], [sflag:$0x7] =	stream.linear.gather [hbm4b:s7+s1], $0x1900, $0x38;
	[tilespmem:$0x1C080] =	vst v63  }
0x2c: {  	_ =	swait.ge [sflag:s16], $0x1900  }
0x2d: {  	s7 =	sadd.s32 s11, s30;
	[sflag:s16] =	ssyncset.done $0x0  }
0x2e: {  	s7 =	sshll.u32 s7, $0x4;
	[sflag:s16] =	ssyncadd.s32 $0xFFFFE700  }
0x2f: {  	[tilespmem:s20], [sflag:$0x1] =	stream.indirect.gather [hbm4b:s4+s19], $0x80, s1, s19, $0xb8;
	[tilespmem:$0x1C080] =	vst v63  }
0x30: {  	s7 =	sadd.s32 s5, s7  }
0x31: {  	[tilespmem:s21], [sflag:$0x3] =	stream.linear.gather [hbm4b:s7+s1], $0x1400, $0x38;
	[tilespmem:$0x1C080] =	vst v63  }
0x32: {  	s7 =	smul.u32 $0x32, s0  }
.LBB2_3:
0x33: {  	p1 =	seq.s32 s1, $0x0  }
0x34: {  	s12 =	sshll.u32 s1, $0x1;
	s8 =	simm.s32 @!p1 $0x6  }
0x35: {  	s13 =	sor.u32 $0x1, s12;
	_ =	swait.ge @!p1 [sflag:s8], $0x1400  }
0x36: {  	s9 =	sshll.u32 s13, $0x9;
	s14 =	sadd.s32 s7, s13;
	[sflag:s8] =	ssyncset.done @!p1 $0x0  }
0x37: {  	s9 =	sshrl.u32 s9, $0x2;
	s17 =	smul.u32 $0x28, s14;
	[sflag:s8] =	ssyncadd.s32 @!p1 $0xFFFFEC00  }
0x38: {  	[tilespmem:s22], [sflag:$0x2] =	stream.indirect.gather [hbm4b:s4+s19], $0x80, s9, s19, $0xb8;
	[tilespmem:$0x1C080] =	vst v63  }
0x39: {  	s8 =	sadd.s32 s11, s17  }
0x3a: {  	s8 =	sshll.u32 s8, $0x4  }
0x3b: {  	s8 =	sadd.s32 s5, s8  }
0x3c: {  	[tilespmem:s23], [sflag:$0x4] =	stream.linear.gather [hbm4b:s8+s3], $0x1400, $0x38;
	[tilespmem:$0x1C080] =	vst v63  }
0x3d: {  	_ =	swait.ge [sflag:s24], $0x1400  }
0x3e: {  	[sflag:s24] =	ssyncset.done $0x0  }
0x3f: {  	[sflag:s24] =	ssyncadd.s32 $0xFFFFEC00  }
0x40: {  	_ =	swait.ge [sflag:s25], $0x1400  }
0x41: {  	[sflag:s25] =	ssyncset.done $0x0  }
0x42: {  	s14 =	simm.s32 $0x3900;
	[sflag:s25] =	ssyncadd.s32 $0xFFFFEC00  }
0x43: {  	s30 =	simm.s32 $0x6100;
	v0 =	vld [tilespmem:s14+$0x80]  }
0x44: {  	v1 =	vld [tilespmem:s30+$0x80]  }
0x45: {  	v2 =	vld [tilespmem:s30+$0xFFFFFF00]  }
0x46: {  	v3 =	vld [tilespmem:s14+$0xFFFFFF80]  }
0x47: {  	v4 =	vld [tilespmem:s30+$0xFFFFFF80]  }
0x48: {  	v5 =	vld [tilespmem:s30+$0x0]  }
0x49: {  	v0 =	vadd.f32 v1, v0;
	v1 =	vld [tilespmem:s14+$0x0]  }
0x4a: {  	v6 =	vld [tilespmem:s14+$0xFFFFFF00]  }
0x4b: {  	v0 =	vmax.f32 v0, $0.0e+00  }
0x4c: {  	v3 =	vadd.f32 v4, v3;
	[tilespmem:s14+$0x80] =	vst v0;
	v0 =	vld [tilespmem:s14+$0x90]  }
0x4d: {  	v7 =	vld [tilespmem:s30+$0x90]  }
0x4e: {  	v8 =	vld [tilespmem:s14+$0xFFFFFF90];
	v3 =	vmax.f32 v3, $0.0e+00;
	v1 =	vadd.f32 v5, v1  }
0x4f: {  	v4 =	vld [tilespmem:s14+$0xFFFFFF10];
	v2 =	vadd.f32 v2, v6;
	[tilespmem:s14+$0xFFFFFF80] =	vst v3  }
0x50: {  	v5 =	vld [tilespmem:s30+$0xFFFFFF90];
	v1 =	vmax.f32 v1, $0.0e+00  }
0x51: {  	v2 =	vmax.f32 v2, $0.0e+00;
	v3 =	vld [tilespmem:s14+$0x10];
	[tilespmem:s14+$0x0] =	vst v1  }
0x52: {  	[tilespmem:s14+$0xFFFFFF00] =	vst v2;
	v0 =	vadd.f32 v7, v0;
	v1 =	vld [tilespmem:s30+$0x10]  }
0x53: {  	v2 =	vld [tilespmem:s30+$0xFFFFFF10]  }
0x54: {  	v0 =	vmax.f32 v0, $0.0e+00  }
0x55: {  	v5 =	vadd.f32 v5, v8;
	[tilespmem:s14+$0x90] =	vst v0;
	v0 =	vld [tilespmem:s14+$0xA0]  }
0x56: {  	v7 =	vld [tilespmem:s30+$0xA0]  }
0x57: {  	v6 =	vld [tilespmem:s14+$0xFFFFFF20];
	v5 =	vmax.f32 v5, $0.0e+00;
	v1 =	vadd.f32 v1, v3  }
0x58: {  	v2 =	vadd.f32 v2, v4;
	v8 =	vld [tilespmem:s14+$0xFFFFFFA0];
	[tilespmem:s14+$0xFFFFFF90] =	vst v5  }
0x59: {  	v4 =	vld [tilespmem:s30+$0xFFFFFFA0];
	v1 =	vmax.f32 v1, $0.0e+00  }
0x5a: {  	v2 =	vmax.f32 v2, $0.0e+00;
	v3 =	vld [tilespmem:s14+$0x20];
	[tilespmem:s14+$0x10] =	vst v1  }
0x5b: {  	[tilespmem:s14+$0xFFFFFF10] =	vst v2;
	v0 =	vadd.f32 v7, v0;
	v1 =	vld [tilespmem:s30+$0x20]  }
0x5c: {  	v2 =	vld [tilespmem:s30+$0xFFFFFF20]  }
0x5d: {  	v0 =	vmax.f32 v0, $0.0e+00  }
0x5e: {  	v4 =	vadd.f32 v4, v8;
	[tilespmem:s14+$0xA0] =	vst v0;
	v0 =	vld [tilespmem:s14+$0xB0]  }
0x5f: {  	v7 =	vld [tilespmem:s30+$0xB0]  }
0x60: {  	v9 =	vld [tilespmem:s14+$0x30];
	v4 =	vmax.f32 v4, $0.0e+00;
	v1 =	vadd.f32 v1, v3  }
0x61: {  	v2 =	vadd.f32 v2, v6;
	v8 =	vld [tilespmem:s14+$0xFFFFFFB0];
	[tilespmem:s14+$0xFFFFFFA0] =	vst v4  }
0x62: {  	v3 =	vld [tilespmem:s30+$0xFFFFFFB0];
	v1 =	vmax.f32 v1, $0.0e+00  }
0x63: {  	v5 =	vld [tilespmem:s14+$0xFFFFFF30];
	[tilespmem:s14+$0x20] =	vst v1;
	v1 =	vmax.f32 v2, $0.0e+00  }
0x64: {  	v0 =	vadd.f32 v7, v0;
	[tilespmem:s14+$0xFFFFFF20] =	vst v1;
	v1 =	vld [tilespmem:s30+$0x30]  }
0x65: {  	v6 =	vld [tilespmem:s30+$0xFFFFFF30]  }
0x66: {  	v10 =	vld [tilespmem:s14+$0xFFFFFF40];
	v0 =	vmax.f32 v0, $0.0e+00  }
0x67: {  	v3 =	vadd.f32 v3, v8;
	[tilespmem:s14+$0xB0] =	vst v0;
	v0 =	vld [tilespmem:s14+$0xC0]  }
0x68: {  	v7 =	vld [tilespmem:s30+$0xC0]  }
0x69: {  	v11 =	vld [tilespmem:s14+$0xFFFFFFD0];
	v3 =	vmax.f32 v3, $0.0e+00;
	v1 =	vadd.f32 v1, v9  }
0x6a: {  	v4 =	vld [tilespmem:s14+$0xFFFFFFC0];
	[tilespmem:s14+$0xFFFFFFB0] =	vst v3;
	v5 =	vadd.f32 v6, v5  }
0x6b: {  	v6 =	vld [tilespmem:s30+$0xFFFFFFC0];
	v1 =	vmax.f32 v1, $0.0e+00  }
0x6c: {  	v2 =	vld [tilespmem:s14+$0x40];
	[tilespmem:s14+$0x30] =	vst v1;
	v1 =	vmax.f32 v5, $0.0e+00  }
0x6d: {  	v0 =	vadd.f32 v7, v0;
	v5 =	vld [tilespmem:s30+$0x40];
	[tilespmem:s14+$0xFFFFFF30] =	vst v1  }
0x6e: {  	v1 =	vld [tilespmem:s30+$0xFFFFFF40]  }
0x6f: {  	v8 =	vld [tilespmem:s14+$0xFFFFFF50];
	v0 =	vmax.f32 v0, $0.0e+00  }
0x70: {  	[tilespmem:s14+$0xC0] =	vst v0;
	v0 =	vadd.f32 v6, v4;
	v6 =	vld [tilespmem:s14+$0xD0]  }
0x71: {  	v7 =	vld [tilespmem:s30+$0xD0]  }
0x72: {  	v3 =	vld [tilespmem:s14+$0xFFFFFF60];
	v0 =	vmax.f32 v0, $0.0e+00;
	v2 =	vadd.f32 v5, v2  }
0x73: {  	v9 =	vld [tilespmem:s14+$0x50];
	[tilespmem:s14+$0xFFFFFFC0] =	vst v0;
	v0 =	vadd.f32 v1, v10  }
0x74: {  	v1 =	vld [tilespmem:s30+$0xFFFFFFD0];
	v2 =	vmax.f32 v2, $0.0e+00  }
0x75: {  	v4 =	vld [tilespmem:s14+$0xFFFFFFE0];
	[tilespmem:s14+$0x40] =	vst v2;
	v0 =	vmax.f32 v0, $0.0e+00  }
0x76: {  	v2 =	vld [tilespmem:s30+$0x50];
	v6 =	vadd.f32 v7, v6;
	[tilespmem:s14+$0xFFFFFF40] =	vst v0  }
0x77: {  	v0 =	vld [tilespmem:s30+$0xFFFFFF50]  }
0x78: {  	v5 =	vld [tilespmem:s14+$0x60];
	v6 =	vmax.f32 v6, $0.0e+00  }
0x79: {  	v1 =	vadd.f32 v1, v11;
	[tilespmem:s14+$0xD0] =	vst v6;
	v6 =	vld [tilespmem:s14+$0xE0]  }
0x7a: {  	v10 =	vld [tilespmem:s30+$0xE0]  }
0x7b: {  	v1 =	vmax.f32 v1, $0.0e+00;
	v7 =	vadd.f32 v2, v9;
	v2 =	vld [tilespmem:s14+$0xFFFFFF70]  }
0x7c: {  	[tilespmem:s14+$0xFFFFFFD0] =	vst v1;
	v0 =	vadd.f32 v0, v8;
	v1 =	vld [tilespmem:s14+$0xFFFFFFF0]  }
0x7d: {  	v8 =	vmax.f32 v7, $0.0e+00;
	v7 =	vld [tilespmem:s30+$0xFFFFFFE0]  }
0x7e: {  	[tilespmem:s14+$0x50] =	vst v8;
	v8 =	vmax.f32 v0, $0.0e+00;
	v0 =	vld [tilespmem:s14+$0x70]  }
0x7f: {  	[tilespmem:s14+$0xFFFFFF50] =	vst v8;
	v8 =	vld [tilespmem:s30+$0x60];
	v6 =	vadd.f32 v10, v6  }
0x80: {  	v9 =	vld [tilespmem:s30+$0xFFFFFF60]  }
0x81: {  	s15 =	simm.s32 $0x0;
	s17 =	simm.s32 $0x3B00;
	s8 =	simm.s32 $0x6100;
	v10 =	vmax.f32 v6, $0.0e+00;
	v6 =	vld [tilespmem:s14+$0xF0]  }
.LBB2_4:
0x82: {  	v11 =	vld [tilespmem:s17+$0x80];
	v4 =	vadd.f32 v7, v4;
	[tilespmem:s14+$0xE0] =	vst v10  }
0x83: {  	s8 =	sadd.s32 $0x200, s8;
	v7 =	vld [tilespmem:s30+$0xF0]  }
0x84: {  	s15 =	sadd.s32 $0x4, s15;
	v10 =	vld [tilespmem:s8+$0x80];
	v4 =	vmax.f32 v4, $0.0e+00;
	v5 =	vadd.f32 v8, v5  }
0x85: {  	p1 =	slt.u32 s15, $0x24;
	v8 =	vld [tilespmem:s8+$0xFFFFFF00];
	v3 =	vadd.f32 v9, v3;
	[tilespmem:s14+$0xFFFFFFE0] =	vst v4  }
0x86: {  	v4 =	vld [tilespmem:s17+$0xFFFFFF80];
	v5 =	vmax.f32 v5, $0.0e+00  }
0x87: {  	v9 =	vld [tilespmem:s8+$0xFFFFFF80];
	v3 =	vmax.f32 v3, $0.0e+00;
	[tilespmem:s14+$0x60] =	vst v5  }
0x88: {  	v5 =	vld [tilespmem:s17+$0x0];
	[tilespmem:s14+$0xFFFFFF60] =	vst v3;
	v3 =	vadd.f32 v7, v6  }
0x89: {  	v6 =	vld [tilespmem:s8+$0x0];
	v7 =	vadd.f32 v10, v11  }
0x8a: {  	v10 =	vld [tilespmem:s17+$0xFFFFFF00];
	v3 =	vmax.f32 v3, $0.0e+00  }
0x8b: {  	v11 =	vld [tilespmem:s17+$0xFFFFFF10];
	v7 =	vmax.f32 v7, $0.0e+00;
	[tilespmem:s14+$0xF0] =	vst v3  }
0x8c: {  	v3 =	vadd.f32 v9, v4;
	[tilespmem:s17+$0x80] =	vst v7;
	v4 =	vld [tilespmem:s17+$0x90]  }
0x8d: {  	v7 =	vld [tilespmem:s8+$0x90]  }
0x8e: {  	v3 =	vmax.f32 v3, $0.0e+00;
	v9 =	vld [tilespmem:s17+$0xFFFFFF90];
	v5 =	vadd.f32 v6, v5  }
0x8f: {  	v6 =	vadd.f32 v8, v10;
	[tilespmem:s17+$0xFFFFFF80] =	vst v3;
	v3 =	vld [tilespmem:s17+$0x10]  }
0x90: {  	v8 =	vld [tilespmem:s8+$0xFFFFFF90];
	v5 =	vmax.f32 v5, $0.0e+00  }
0x91: {  	v6 =	vmax.f32 v6, $0.0e+00;
	v10 =	vld [tilespmem:s17+$0xFFFFFF20];
	[tilespmem:s17+$0x0] =	vst v5  }
0x92: {  	[tilespmem:s17+$0xFFFFFF00] =	vst v6;
	v5 =	vld [tilespmem:s8+$0x10];
	v4 =	vadd.f32 v7, v4  }
0x93: {  	v6 =	vld [tilespmem:s8+$0xFFFFFF10]  }
0x94: {  	v7 =	vld [tilespmem:s17+$0xFFFFFFA0];
	v4 =	vmax.f32 v4, $0.0e+00  }
0x95: {  	v8 =	vadd.f32 v8, v9;
	[tilespmem:s17+$0x90] =	vst v4;
	v4 =	vld [tilespmem:s17+$0xA0]  }
0x96: {  	v9 =	vld [tilespmem:s8+$0xA0]  }
0x97: {  	v8 =	vmax.f32 v8, $0.0e+00;
	v3 =	vadd.f32 v5, v3;
	v5 =	vld [tilespmem:s17+$0x20]  }
0x98: {  	v6 =	vadd.f32 v6, v11;
	v11 =	vld [tilespmem:s17+$0xFFFFFF30];
	[tilespmem:s17+$0xFFFFFF90] =	vst v8  }
0x99: {  	v8 =	vld [tilespmem:s8+$0xFFFFFFA0];
	v3 =	vmax.f32 v3, $0.0e+00  }
0x9a: {  	v6 =	vmax.f32 v6, $0.0e+00;
	v12 =	vld [tilespmem:s17+$0xFFFFFFB0];
	[tilespmem:s17+$0x10] =	vst v3  }
0x9b: {  	[tilespmem:s17+$0xFFFFFF10] =	vst v6;
	v3 =	vld [tilespmem:s8+$0x20];
	v4 =	vadd.f32 v9, v4  }
0x9c: {  	v6 =	vld [tilespmem:s8+$0xFFFFFF20]  }
0x9d: {  	v9 =	vld [tilespmem:s17+$0x30];
	v4 =	vmax.f32 v4, $0.0e+00  }
0x9e: {  	v7 =	vadd.f32 v8, v7;
	[tilespmem:s17+$0xA0] =	vst v4;
	v4 =	vld [tilespmem:s17+$0xB0]  }
0x9f: {  	v8 =	vld [tilespmem:s8+$0xB0]  }
0xa0: {  	v13 =	vld [tilespmem:s17+$0xFFFFFF40];
	v7 =	vmax.f32 v7, $0.0e+00;
	v3 =	vadd.f32 v3, v5  }
0xa1: {  	v5 =	vadd.f32 v6, v10;
	[tilespmem:s17+$0xFFFFFFA0] =	vst v7;
	v6 =	vld [tilespmem:s17+$0xFFFFFFC0]  }
0xa2: {  	v7 =	vld [tilespmem:s8+$0xFFFFFFB0];
	v3 =	vmax.f32 v3, $0.0e+00  }
0xa3: {  	v5 =	vmax.f32 v5, $0.0e+00;
	[tilespmem:s17+$0x20] =	vst v3;
	v10 =	vld [tilespmem:s17+$0x40]  }
0xa4: {  	[tilespmem:s17+$0xFFFFFF20] =	vst v5;
	v3 =	vld [tilespmem:s8+$0x30];
	v4 =	vadd.f32 v8, v4  }
0xa5: {  	v5 =	vld [tilespmem:s8+$0xFFFFFF30]  }
0xa6: {  	v8 =	vld [tilespmem:s17+$0xFFFFFF50];
	v4 =	vmax.f32 v4, $0.0e+00  }
0xa7: {  	v7 =	vadd.f32 v7, v12;
	[tilespmem:s17+$0xB0] =	vst v4;
	v4 =	vld [tilespmem:s17+$0xC0]  }
0xa8: {  	v12 =	vld [tilespmem:s8+$0xC0]  }
0xa9: {  	v7 =	vmax.f32 v7, $0.0e+00;
	v14 =	vld [tilespmem:s17+$0xFFFFFFD0];
	v3 =	vadd.f32 v3, v9  }
0xaa: {  	v5 =	vadd.f32 v5, v11;
	[tilespmem:s17+$0xFFFFFFB0] =	vst v7;
	v7 =	vld [tilespmem:s17+$0x50]  }
0xab: {  	v9 =	vld [tilespmem:s8+$0xFFFFFFC0];
	v11 =	vmax.f32 v3, $0.0e+00  }
0xac: {  	v5 =	vmax.f32 v5, $0.0e+00;
	v3 =	vld [tilespmem:s17+$0xFFFFFF60];
	[tilespmem:s17+$0x30] =	vst v11  }
0xad: {  	[tilespmem:s17+$0xFFFFFF30] =	vst v5;
	v5 =	vld [tilespmem:s8+$0x40];
	v11 =	vadd.f32 v12, v4  }
0xae: {  	v12 =	vld [tilespmem:s8+$0xFFFFFF40]  }
0xaf: {  	v4 =	vld [tilespmem:s17+$0xFFFFFFE0];
	v11 =	vmax.f32 v11, $0.0e+00  }
0xb0: {  	v6 =	vadd.f32 v9, v6;
	[tilespmem:s17+$0xC0] =	vst v11;
	v9 =	vld [tilespmem:s17+$0xD0]  }
0xb1: {  	v11 =	vld [tilespmem:s8+$0xD0]  }
0xb2: {  	v6 =	vmax.f32 v6, $0.0e+00;
	v10 =	vadd.f32 v5, v10;
	v5 =	vld [tilespmem:s17+$0x60]  }
0xb3: {  	v12 =	vadd.f32 v12, v13;
	[tilespmem:s17+$0xFFFFFFC0] =	vst v6;
	v6 =	vld [tilespmem:s30+$0xFFFFFF70]  }
0xb4: {  	v13 =	vld [tilespmem:s8+$0xFFFFFFD0];
	v10 =	vmax.f32 v10, $0.0e+00  }
0xb5: {  	v12 =	vmax.f32 v12, $0.0e+00;
	[tilespmem:s17+$0x40] =	vst v10;
	v10 =	vld [tilespmem:s30+$0xFFFFFFF0]  }
0xb6: {  	[tilespmem:s17+$0xFFFFFF40] =	vst v12;
	v12 =	vld [tilespmem:s8+$0x50];
	v9 =	vadd.f32 v11, v9  }
0xb7: {  	v11 =	vld [tilespmem:s8+$0xFFFFFF50]  }
0xb8: {  	v9 =	vmax.f32 v9, $0.0e+00;
	v2 =	vadd.f32 v6, v2;
	v6 =	vld [tilespmem:s30+$0x70];
	s30 =	smov.u32 s8  }
0xb9: {  	v13 =	vadd.f32 v13, v14;
	[tilespmem:s17+$0xD0] =	vst v9;
	v9 =	vld [tilespmem:s17+$0xE0]  }
0xba: {  	v14 =	vld [tilespmem:s8+$0xE0];
	v15 =	vmax.f32 v2, $0.0e+00;
	v10 =	vadd.f32 v10, v1  }
0xbb: {  	v2 =	vld [tilespmem:s17+$0xFFFFFF70];
	v1 =	vmax.f32 v13, $0.0e+00;
	v12 =	vadd.f32 v12, v7;
	[tilespmem:s14+$0xFFFFFF70] =	vst v15  }
0xbc: {  	v8 =	vadd.f32 v11, v8;
	[tilespmem:s17+$0xFFFFFFD0] =	vst v1;
	v1 =	vld [tilespmem:s17+$0xFFFFFFF0];
	v10 =	vmax.f32 v10, $0.0e+00  }
.Ltmp0:
0xbd: {  	v7 =	vld [tilespmem:s8+$0xFFFFFFE0];
	v11 =	vmax.f32 v12, $0.0e+00;
	[tilespmem:s14+$0xFFFFFFF0] =	vst v10;
	v6 =	vadd.f32 v6, v0;
	(pc) =	sbr.rel @p1 .LBB2_4-.Ltmp0, $4  }
0xbe: {  	v8 =	vmax.f32 v8, $0.0e+00;
	[tilespmem:s17+$0x50] =	vst v11;
	v0 =	vld [tilespmem:s17+$0x70]  }
0xbf: {  	[tilespmem:s17+$0xFFFFFF50] =	vst v8;
	v8 =	vld [tilespmem:s8+$0x60];
	v10 =	vadd.f32 v14, v9;
	v6 =	vmax.f32 v6, $0.0e+00  }
0xc0: {  	v9 =	vld [tilespmem:s8+$0xFFFFFF60];
	[tilespmem:s14+$0x70] =	vst v6;
	s14 =	smov.u32 s17  }
0xc1: {  	s17 =	sadd.s32 $0x200, s17;
	v10 =	vmax.f32 v10, $0.0e+00;
	v6 =	vld [tilespmem:s14+$0xF0]  }
0xc2: {  	_ =	sdelay $0x2  }
0xc3: {  	v3 =	vadd.f32 v9, v3  }
0xc4: {  	v4 =	vadd.f32 v7, v4  }
0xc5: {  	[tilespmem:s14+$0xE0] =	vst v10;
	v5 =	vadd.f32 v8, v5;
	v3 =	vmax.f32 v3, $0.0e+00  }
0xc6: {  	v7 =	vld [tilespmem:s30+$0xF0];
	v4 =	vmax.f32 v4, $0.0e+00;
	[tilespmem:s14+$0xFFFFFF60] =	vst v3  }
0xc7: {  	[tilespmem:s14+$0xFFFFFFE0] =	vst v4;
	v3 =	vmax.f32 v5, $0.0e+00;
	v4 =	vld [tilespmem:s30+$0xFFFFFF70]  }
0xc8: {  	[tilespmem:s14+$0x60] =	vst v3;
	v3 =	vld [tilespmem:s30+$0xFFFFFFF0]  }
0xc9: {  	v5 =	vld [tilespmem:s30+$0x70];
	_ =	sdelay $0x1  }
0xca: {  	v6 =	vadd.f32 v7, v6  }
0xcb: {  	v2 =	vadd.f32 v4, v2  }
0xcc: {  	v4 =	vmax.f32 v6, $0.0e+00;
	v1 =	vadd.f32 v3, v1  }
0xcd: {  	[tilespmem:s14+$0xF0] =	vst v4;
	v0 =	vadd.f32 v5, v0;
	v2 =	vmax.f32 v2, $0.0e+00  }
0xce: {  	s8 =	sshll.u32 s1, $0x8;
	v1 =	vmax.f32 v1, $0.0e+00;
	[tilespmem:s14+$0xFFFFFF70] =	vst v2  }
0xcf: {  	p1 =	sgt.u32 s13, $0x30;
	s8 =	sand.u32 $0x3FFFFF00, s8;
	[tilespmem:s14+$0xFFFFFFF0] =	vst v1;
	v0 =	vmax.f32 v0, $0.0e+00  }
0xd0: {  	s13 =	simm.s32 @!p1 $0x28;
	s8 =	sadd.s32 $0x1C00, s8;
	[tilespmem:s14+$0x70] =	vst v0  }
0xd1: {  	[spmem:s2] =	stream.indirect.scatter.add.f32 [tilespmem:s20], [sflag:$0x5], $0x80, s8, s19, $0xb8;
	[tilespmem:$0x1C080] =	vst v63  }
0xd2: {  	s14 =	simm.s32 @!p1 $0x3800;
	s8 =	sadd.s32 @!p1 $0x2, s12;
	_ =	swait.ge [sflag:s26], $0x1400  }
0xd3: {  	s12 =	sshll.u32 @!p1 s8, $0x7;
	s8 =	sadd.s32 @!p1 s7, s8;
	[sflag:s26] =	ssyncset.done $0x0  }
0xd4: {  	s12 =	sand.u32 @!p1 $0x3FFFFF80, s12;
	s8 =	smul.u32 @!p1 $0x28, s8;
	[sflag:s26] =	ssyncadd.s32 $0xFFFFEC00  }
0xd5: {  	[tilespmem:s14], [sflag:$0x1] =	stream.indirect.gather @!p1 [hbm4b:s4+s13], $0x80, s12, s13, $0xb8;
	[tilespmem:$0x1C080] =	vst v63  }
0xd6: {  	s8 =	sadd.s32 @!p1 s11, s8  }
0xd7: {  	s8 =	sshll.u32 @!p1 s8, $0x4  }
0xd8: {  	s12 =	simm.s32 @!p1 $0x0;
	s13 =	simm.s32 @!p1 $0x6000;
	s8 =	sadd.s32 @!p1 s5, s8  }
0xd9: {  	[tilespmem:s13], [sflag:$0x3] =	stream.linear.gather @!p1 [hbm4b:s8+s12], $0x1400, $0x38;
	[tilespmem:$0x1C080] =	vst v63  }
0xda: {  	_ =	swait.ge [sflag:s28], $0x1400  }
0xdb: {  	[sflag:s28] =	ssyncset.done $0x0  }
0xdc: {  	[sflag:s28] =	ssyncadd.s32 $0xFFFFEC00  }
0xdd: {  	_ =	swait.ge [sflag:s29], $0x1400  }
0xde: {  	[sflag:s29] =	ssyncset.done $0x0  }
0xdf: {  	s12 =	simm.s32 $0x4D00;
	[sflag:s29] =	ssyncadd.s32 $0xFFFFEC00  }
0xe0: {  	s13 =	simm.s32 $0x7500;
	v0 =	vld [tilespmem:s12+$0x80]  }
0xe1: {  	v1 =	vld [tilespmem:s13+$0x80]  }
0xe2: {  	v2 =	vld [tilespmem:s13+$0xFFFFFF00]  }
0xe3: {  	v3 =	vld [tilespmem:s12+$0xFFFFFF80]  }
0xe4: {  	v4 =	vld [tilespmem:s13+$0xFFFFFF80]  }
0xe5: {  	v5 =	vld [tilespmem:s13+$0x0]  }
0xe6: {  	v0 =	vadd.f32 v1, v0;
	v1 =	vld [tilespmem:s12+$0x0]  }
0xe7: {  	v6 =	vld [tilespmem:s12+$0xFFFFFF00]  }
0xe8: {  	v0 =	vmax.f32 v0, $0.0e+00  }
0xe9: {  	v3 =	vadd.f32 v4, v3;
	[tilespmem:s12+$0x80] =	vst v0;
	v0 =	vld [tilespmem:s12+$0x90]  }
0xea: {  	v7 =	vld [tilespmem:s13+$0x90]  }
0xeb: {  	v8 =	vld [tilespmem:s12+$0xFFFFFF90];
	v3 =	vmax.f32 v3, $0.0e+00;
	v1 =	vadd.f32 v5, v1  }
0xec: {  	v4 =	vld [tilespmem:s12+$0xFFFFFF10];
	v2 =	vadd.f32 v2, v6;
	[tilespmem:s12+$0xFFFFFF80] =	vst v3  }
0xed: {  	v5 =	vld [tilespmem:s13+$0xFFFFFF90];
	v1 =	vmax.f32 v1, $0.0e+00  }
0xee: {  	v2 =	vmax.f32 v2, $0.0e+00;
	v3 =	vld [tilespmem:s12+$0x10];
	[tilespmem:s12+$0x0] =	vst v1  }
0xef: {  	[tilespmem:s12+$0xFFFFFF00] =	vst v2;
	v0 =	vadd.f32 v7, v0;
	v1 =	vld [tilespmem:s13+$0x10]  }
0xf0: {  	v2 =	vld [tilespmem:s13+$0xFFFFFF10]  }
0xf1: {  	v0 =	vmax.f32 v0, $0.0e+00  }
0xf2: {  	v5 =	vadd.f32 v5, v8;
	[tilespmem:s12+$0x90] =	vst v0;
	v0 =	vld [tilespmem:s12+$0xA0]  }
0xf3: {  	v7 =	vld [tilespmem:s13+$0xA0]  }
0xf4: {  	v6 =	vld [tilespmem:s12+$0xFFFFFF20];
	v5 =	vmax.f32 v5, $0.0e+00;
	v1 =	vadd.f32 v1, v3  }
0xf5: {  	v2 =	vadd.f32 v2, v4;
	v8 =	vld [tilespmem:s12+$0xFFFFFFA0];
	[tilespmem:s12+$0xFFFFFF90] =	vst v5  }
0xf6: {  	v4 =	vld [tilespmem:s13+$0xFFFFFFA0];
	v1 =	vmax.f32 v1, $0.0e+00  }
0xf7: {  	v2 =	vmax.f32 v2, $0.0e+00;
	v3 =	vld [tilespmem:s12+$0x20];
	[tilespmem:s12+$0x10] =	vst v1  }
0xf8: {  	[tilespmem:s12+$0xFFFFFF10] =	vst v2;
	v0 =	vadd.f32 v7, v0;
	v1 =	vld [tilespmem:s13+$0x20]  }
0xf9: {  	v2 =	vld [tilespmem:s13+$0xFFFFFF20]  }
0xfa: {  	v0 =	vmax.f32 v0, $0.0e+00  }
0xfb: {  	v4 =	vadd.f32 v4, v8;
	[tilespmem:s12+$0xA0] =	vst v0;
	v0 =	vld [tilespmem:s12+$0xB0]  }
0xfc: {  	v7 =	vld [tilespmem:s13+$0xB0]  }
0xfd: {  	v9 =	vld [tilespmem:s12+$0x30];
	v4 =	vmax.f32 v4, $0.0e+00;
	v1 =	vadd.f32 v1, v3  }
0xfe: {  	v2 =	vadd.f32 v2, v6;
	v8 =	vld [tilespmem:s12+$0xFFFFFFB0];
	[tilespmem:s12+$0xFFFFFFA0] =	vst v4  }
0xff: {  	v3 =	vld [tilespmem:s13+$0xFFFFFFB0];
	v1 =	vmax.f32 v1, $0.0e+00  }
0x100: {  	v5 =	vld [tilespmem:s12+$0xFFFFFF30];
	[tilespmem:s12+$0x20] =	vst v1;
	v1 =	vmax.f32 v2, $0.0e+00  }
0x101: {  	v0 =	vadd.f32 v7, v0;
	[tilespmem:s12+$0xFFFFFF20] =	vst v1;
	v1 =	vld [tilespmem:s13+$0x30]  }
0x102: {  	v6 =	vld [tilespmem:s13+$0xFFFFFF30]  }
0x103: {  	v10 =	vld [tilespmem:s12+$0xFFFFFF40];
	v0 =	vmax.f32 v0, $0.0e+00  }
0x104: {  	v3 =	vadd.f32 v3, v8;
	[tilespmem:s12+$0xB0] =	vst v0;
	v0 =	vld [tilespmem:s12+$0xC0]  }
0x105: {  	v7 =	vld [tilespmem:s13+$0xC0]  }
0x106: {  	v11 =	vld [tilespmem:s12+$0xFFFFFFD0];
	v3 =	vmax.f32 v3, $0.0e+00;
	v1 =	vadd.f32 v1, v9  }
0x107: {  	v4 =	vld [tilespmem:s12+$0xFFFFFFC0];
	[tilespmem:s12+$0xFFFFFFB0] =	vst v3;
	v5 =	vadd.f32 v6, v5  }
0x108: {  	v6 =	vld [tilespmem:s13+$0xFFFFFFC0];
	v1 =	vmax.f32 v1, $0.0e+00  }
0x109: {  	v2 =	vld [tilespmem:s12+$0x40];
	[tilespmem:s12+$0x30] =	vst v1;
	v1 =	vmax.f32 v5, $0.0e+00  }
0x10a: {  	v0 =	vadd.f32 v7, v0;
	v5 =	vld [tilespmem:s13+$0x40];
	[tilespmem:s12+$0xFFFFFF30] =	vst v1  }
0x10b: {  	v1 =	vld [tilespmem:s13+$0xFFFFFF40]  }
0x10c: {  	v8 =	vld [tilespmem:s12+$0xFFFFFF50];
	v0 =	vmax.f32 v0, $0.0e+00  }
0x10d: {  	[tilespmem:s12+$0xC0] =	vst v0;
	v0 =	vadd.f32 v6, v4;
	v6 =	vld [tilespmem:s12+$0xD0]  }
0x10e: {  	v7 =	vld [tilespmem:s13+$0xD0]  }
0x10f: {  	v3 =	vld [tilespmem:s12+$0xFFFFFF60];
	v0 =	vmax.f32 v0, $0.0e+00;
	v2 =	vadd.f32 v5, v2  }
0x110: {  	v9 =	vld [tilespmem:s12+$0x50];
	[tilespmem:s12+$0xFFFFFFC0] =	vst v0;
	v0 =	vadd.f32 v1, v10  }
0x111: {  	v1 =	vld [tilespmem:s13+$0xFFFFFFD0];
	v2 =	vmax.f32 v2, $0.0e+00  }
0x112: {  	v4 =	vld [tilespmem:s12+$0xFFFFFFE0];
	[tilespmem:s12+$0x40] =	vst v2;
	v0 =	vmax.f32 v0, $0.0e+00  }
0x113: {  	v2 =	vld [tilespmem:s13+$0x50];
	v6 =	vadd.f32 v7, v6;
	[tilespmem:s12+$0xFFFFFF40] =	vst v0  }
0x114: {  	v0 =	vld [tilespmem:s13+$0xFFFFFF50]  }
0x115: {  	v5 =	vld [tilespmem:s12+$0x60];
	v6 =	vmax.f32 v6, $0.0e+00  }
0x116: {  	v1 =	vadd.f32 v1, v11;
	[tilespmem:s12+$0xD0] =	vst v6;
	v6 =	vld [tilespmem:s12+$0xE0]  }
0x117: {  	v10 =	vld [tilespmem:s13+$0xE0]  }
0x118: {  	v1 =	vmax.f32 v1, $0.0e+00;
	v7 =	vadd.f32 v2, v9;
	v2 =	vld [tilespmem:s12+$0xFFFFFF70]  }
0x119: {  	[tilespmem:s12+$0xFFFFFFD0] =	vst v1;
	v0 =	vadd.f32 v0, v8;
	v1 =	vld [tilespmem:s12+$0xFFFFFFF0]  }
0x11a: {  	v8 =	vmax.f32 v7, $0.0e+00;
	v7 =	vld [tilespmem:s13+$0xFFFFFFE0]  }
0x11b: {  	[tilespmem:s12+$0x50] =	vst v8;
	v8 =	vmax.f32 v0, $0.0e+00;
	v0 =	vld [tilespmem:s12+$0x70]  }
0x11c: {  	[tilespmem:s12+$0xFFFFFF50] =	vst v8;
	v8 =	vld [tilespmem:s13+$0x60];
	v6 =	vadd.f32 v10, v6  }
0x11d: {  	v9 =	vld [tilespmem:s13+$0xFFFFFF60]  }
0x11e: {  	s15 =	simm.s32 $0x4F00;
	s14 =	simm.s32 $0x0;
	s8 =	simm.s32 $0x7500;
	v10 =	vmax.f32 v6, $0.0e+00;
	v6 =	vld [tilespmem:s12+$0xF0]  }
.LBB2_6:
0x11f: {  	v11 =	vld [tilespmem:s15+$0x80];
	v4 =	vadd.f32 v7, v4;
	[tilespmem:s12+$0xE0] =	vst v10  }
0x120: {  	s8 =	sadd.s32 $0x200, s8;
	v7 =	vld [tilespmem:s13+$0xF0]  }
0x121: {  	s14 =	sadd.s32 $0x4, s14;
	v10 =	vld [tilespmem:s8+$0x80];
	v4 =	vmax.f32 v4, $0.0e+00;
	v5 =	vadd.f32 v8, v5  }
0x122: {  	p1 =	slt.u32 s14, $0x24;
	v8 =	vld [tilespmem:s8+$0xFFFFFF00];
	v3 =	vadd.f32 v9, v3;
	[tilespmem:s12+$0xFFFFFFE0] =	vst v4  }
0x123: {  	v4 =	vld [tilespmem:s15+$0xFFFFFF80];
	v5 =	vmax.f32 v5, $0.0e+00  }
0x124: {  	v9 =	vld [tilespmem:s8+$0xFFFFFF80];
	v3 =	vmax.f32 v3, $0.0e+00;
	[tilespmem:s12+$0x60] =	vst v5  }
0x125: {  	v5 =	vld [tilespmem:s15+$0x0];
	[tilespmem:s12+$0xFFFFFF60] =	vst v3;
	v3 =	vadd.f32 v7, v6  }
0x126: {  	v6 =	vld [tilespmem:s8+$0x0];
	v7 =	vadd.f32 v10, v11  }
0x127: {  	v10 =	vld [tilespmem:s15+$0xFFFFFF00];
	v3 =	vmax.f32 v3, $0.0e+00  }
0x128: {  	v11 =	vld [tilespmem:s15+$0xFFFFFF10];
	v7 =	vmax.f32 v7, $0.0e+00;
	[tilespmem:s12+$0xF0] =	vst v3  }
0x129: {  	v3 =	vadd.f32 v9, v4;
	[tilespmem:s15+$0x80] =	vst v7;
	v4 =	vld [tilespmem:s15+$0x90]  }
0x12a: {  	v7 =	vld [tilespmem:s8+$0x90]  }
0x12b: {  	v3 =	vmax.f32 v3, $0.0e+00;
	v9 =	vld [tilespmem:s15+$0xFFFFFF90];
	v5 =	vadd.f32 v6, v5  }
0x12c: {  	v6 =	vadd.f32 v8, v10;
	[tilespmem:s15+$0xFFFFFF80] =	vst v3;
	v3 =	vld [tilespmem:s15+$0x10]  }
0x12d: {  	v8 =	vld [tilespmem:s8+$0xFFFFFF90];
	v5 =	vmax.f32 v5, $0.0e+00  }
0x12e: {  	v6 =	vmax.f32 v6, $0.0e+00;
	v10 =	vld [tilespmem:s15+$0xFFFFFF20];
	[tilespmem:s15+$0x0] =	vst v5  }
0x12f: {  	[tilespmem:s15+$0xFFFFFF00] =	vst v6;
	v5 =	vld [tilespmem:s8+$0x10];
	v4 =	vadd.f32 v7, v4  }
0x130: {  	v6 =	vld [tilespmem:s8+$0xFFFFFF10]  }
0x131: {  	v7 =	vld [tilespmem:s15+$0xFFFFFFA0];
	v4 =	vmax.f32 v4, $0.0e+00  }
0x132: {  	v8 =	vadd.f32 v8, v9;
	[tilespmem:s15+$0x90] =	vst v4;
	v4 =	vld [tilespmem:s15+$0xA0]  }
0x133: {  	v9 =	vld [tilespmem:s8+$0xA0]  }
0x134: {  	v8 =	vmax.f32 v8, $0.0e+00;
	v3 =	vadd.f32 v5, v3;
	v5 =	vld [tilespmem:s15+$0x20]  }
0x135: {  	v6 =	vadd.f32 v6, v11;
	v11 =	vld [tilespmem:s15+$0xFFFFFF30];
	[tilespmem:s15+$0xFFFFFF90] =	vst v8  }
0x136: {  	v8 =	vld [tilespmem:s8+$0xFFFFFFA0];
	v3 =	vmax.f32 v3, $0.0e+00  }
0x137: {  	v6 =	vmax.f32 v6, $0.0e+00;
	v12 =	vld [tilespmem:s15+$0xFFFFFFB0];
	[tilespmem:s15+$0x10] =	vst v3  }
0x138: {  	[tilespmem:s15+$0xFFFFFF10] =	vst v6;
	v3 =	vld [tilespmem:s8+$0x20];
	v4 =	vadd.f32 v9, v4  }
0x139: {  	v6 =	vld [tilespmem:s8+$0xFFFFFF20]  }
0x13a: {  	v9 =	vld [tilespmem:s15+$0x30];
	v4 =	vmax.f32 v4, $0.0e+00  }
0x13b: {  	v7 =	vadd.f32 v8, v7;
	[tilespmem:s15+$0xA0] =	vst v4;
	v4 =	vld [tilespmem:s15+$0xB0]  }
0x13c: {  	v8 =	vld [tilespmem:s8+$0xB0]  }
0x13d: {  	v13 =	vld [tilespmem:s15+$0xFFFFFF40];
	v7 =	vmax.f32 v7, $0.0e+00;
	v3 =	vadd.f32 v3, v5  }
0x13e: {  	v5 =	vadd.f32 v6, v10;
	[tilespmem:s15+$0xFFFFFFA0] =	vst v7;
	v6 =	vld [tilespmem:s15+$0xFFFFFFC0]  }
0x13f: {  	v7 =	vld [tilespmem:s8+$0xFFFFFFB0];
	v3 =	vmax.f32 v3, $0.0e+00  }
0x140: {  	v5 =	vmax.f32 v5, $0.0e+00;
	[tilespmem:s15+$0x20] =	vst v3;
	v10 =	vld [tilespmem:s15+$0x40]  }
0x141: {  	[tilespmem:s15+$0xFFFFFF20] =	vst v5;
	v3 =	vld [tilespmem:s8+$0x30];
	v4 =	vadd.f32 v8, v4  }
0x142: {  	v5 =	vld [tilespmem:s8+$0xFFFFFF30]  }
0x143: {  	v8 =	vld [tilespmem:s15+$0xFFFFFF50];
	v4 =	vmax.f32 v4, $0.0e+00  }
0x144: {  	v7 =	vadd.f32 v7, v12;
	[tilespmem:s15+$0xB0] =	vst v4;
	v4 =	vld [tilespmem:s15+$0xC0]  }
0x145: {  	v12 =	vld [tilespmem:s8+$0xC0]  }
0x146: {  	v7 =	vmax.f32 v7, $0.0e+00;
	v14 =	vld [tilespmem:s15+$0xFFFFFFD0];
	v3 =	vadd.f32 v3, v9  }
0x147: {  	v5 =	vadd.f32 v5, v11;
	[tilespmem:s15+$0xFFFFFFB0] =	vst v7;
	v7 =	vld [tilespmem:s15+$0x50]  }
0x148: {  	v9 =	vld [tilespmem:s8+$0xFFFFFFC0];
	v11 =	vmax.f32 v3, $0.0e+00  }
0x149: {  	v5 =	vmax.f32 v5, $0.0e+00;
	v3 =	vld [tilespmem:s15+$0xFFFFFF60];
	[tilespmem:s15+$0x30] =	vst v11  }
0x14a: {  	[tilespmem:s15+$0xFFFFFF30] =	vst v5;
	v5 =	vld [tilespmem:s8+$0x40];
	v11 =	vadd.f32 v12, v4  }
0x14b: {  	v12 =	vld [tilespmem:s8+$0xFFFFFF40]  }
0x14c: {  	v4 =	vld [tilespmem:s15+$0xFFFFFFE0];
	v11 =	vmax.f32 v11, $0.0e+00  }
0x14d: {  	v6 =	vadd.f32 v9, v6;
	[tilespmem:s15+$0xC0] =	vst v11;
	v9 =	vld [tilespmem:s15+$0xD0]  }
0x14e: {  	v11 =	vld [tilespmem:s8+$0xD0]  }
0x14f: {  	v6 =	vmax.f32 v6, $0.0e+00;
	v10 =	vadd.f32 v5, v10;
	v5 =	vld [tilespmem:s15+$0x60]  }
0x150: {  	v12 =	vadd.f32 v12, v13;
	[tilespmem:s15+$0xFFFFFFC0] =	vst v6;
	v6 =	vld [tilespmem:s13+$0xFFFFFF70]  }
0x151: {  	v13 =	vld [tilespmem:s8+$0xFFFFFFD0];
	v10 =	vmax.f32 v10, $0.0e+00  }
0x152: {  	v12 =	vmax.f32 v12, $0.0e+00;
	[tilespmem:s15+$0x40] =	vst v10;
	v10 =	vld [tilespmem:s13+$0xFFFFFFF0]  }
0x153: {  	[tilespmem:s15+$0xFFFFFF40] =	vst v12;
	v12 =	vld [tilespmem:s8+$0x50];
	v9 =	vadd.f32 v11, v9  }
0x154: {  	v11 =	vld [tilespmem:s8+$0xFFFFFF50]  }
0x155: {  	v9 =	vmax.f32 v9, $0.0e+00;
	v2 =	vadd.f32 v6, v2;
	v6 =	vld [tilespmem:s13+$0x70];
	s13 =	smov.u32 s8  }
0x156: {  	v13 =	vadd.f32 v13, v14;
	[tilespmem:s15+$0xD0] =	vst v9;
	v9 =	vld [tilespmem:s15+$0xE0]  }
0x157: {  	v14 =	vld [tilespmem:s8+$0xE0];
	v15 =	vmax.f32 v2, $0.0e+00;
	v10 =	vadd.f32 v10, v1  }
0x158: {  	v2 =	vld [tilespmem:s15+$0xFFFFFF70];
	v1 =	vmax.f32 v13, $0.0e+00;
	v12 =	vadd.f32 v12, v7;
	[tilespmem:s12+$0xFFFFFF70] =	vst v15  }
0x159: {  	v8 =	vadd.f32 v11, v8;
	[tilespmem:s15+$0xFFFFFFD0] =	vst v1;
	v1 =	vld [tilespmem:s15+$0xFFFFFFF0];
	v10 =	vmax.f32 v10, $0.0e+00  }
.Ltmp1:
0x15a: {  	v7 =	vld [tilespmem:s8+$0xFFFFFFE0];
	v11 =	vmax.f32 v12, $0.0e+00;
	[tilespmem:s12+$0xFFFFFFF0] =	vst v10;
	v6 =	vadd.f32 v6, v0;
	(pc) =	sbr.rel @p1 .LBB2_6-.Ltmp1, $4  }
0x15b: {  	v8 =	vmax.f32 v8, $0.0e+00;
	[tilespmem:s15+$0x50] =	vst v11;
	v0 =	vld [tilespmem:s15+$0x70]  }
0x15c: {  	[tilespmem:s15+$0xFFFFFF50] =	vst v8;
	v8 =	vld [tilespmem:s8+$0x60];
	v10 =	vadd.f32 v14, v9;
	v6 =	vmax.f32 v6, $0.0e+00  }
0x15d: {  	v9 =	vld [tilespmem:s8+$0xFFFFFF60];
	[tilespmem:s12+$0x70] =	vst v6;
	s12 =	smov.u32 s15  }
0x15e: {  	s15 =	sadd.s32 $0x200, s15;
	v10 =	vmax.f32 v10, $0.0e+00;
	v6 =	vld [tilespmem:s12+$0xF0]  }
0x15f: {  	_ = 	snop  }
0x160: {  	v4 =	vadd.f32 v7, v4  }
0x161: {  	v5 =	vadd.f32 v8, v5  }
0x162: {  	[tilespmem:s12+$0xE0] =	vst v10;
	v4 =	vmax.f32 v4, $0.0e+00;
	v3 =	vadd.f32 v9, v3  }
0x163: {  	v58 =	vld [tilespmem:s13+$0xF0];
	[tilespmem:s12+$0xFFFFFFE0] =	vst v4;
	v59 =	vmax.f32 v5, $0.0e+00  }
0x164: {  	v61 =	vld [tilespmem:s13+$0xFFFFFFF0];
	v3 =	vmax.f32 v3, $0.0e+00;
	[tilespmem:s12+$0x60] =	vst v59  }
0x165: {  	[tilespmem:s12+$0xFFFFFF60] =	vst v3;
	v62 =	vld [tilespmem:s13+$0x70]  }
0x166: {  	v60 =	vld [tilespmem:s13+$0xFFFFFF70];
	_ =	sdelay $0x1  }
0x167: {  	v6 =	vadd.f32 v58, v6  }
0x168: {  	s1 =	sadd.s32 $0x1, s1;
	v1 =	vadd.f32 v61, v1  }
0x169: {  	p1 =	sne.s32 s1, $0x19;
	v63 =	vmax.f32 v6, $0.0e+00;
	v0 =	vadd.f32 v62, v0  }
.Ltmp2:
0x16a: {  	[tilespmem:s12+$0xF0] =	vst v63;
	v1 =	vmax.f32 v1, $0.0e+00;
	v2 =	vadd.f32 v60, v2;
	(pc) =	sbr.rel @p1 .LBB2_3-.Ltmp2, $4  }
0x16b: {  	[tilespmem:s12+$0xFFFFFFF0] =	vst v1;
	v0 =	vmax.f32 v0, $0.0e+00  }
0x16c: {  	v2 =	vmax.f32 v2, $0.0e+00;
	[tilespmem:s12+$0x70] =	vst v0  }
0x16d: {  	s8 =	sadd.s32 $0x1C00, s9;
	[tilespmem:s12+$0xFFFFFF70] =	vst v2  }
0x16e: {  	[spmem:s2] =	stream.indirect.scatter.add.f32 [tilespmem:s22], [sflag:$0x6], $0x80, s8, s19, $0xb8;
	[tilespmem:$0x1C080] =	vst v63  }
0x16f: {  	s0 =	sadd.s32 $0x1, s0  }
0x170: {  	p1 =	sne.s32 s0, $0x5  }
.Ltmp3:
0x171: {  	_ = 	snop;
	(pc) =	sbr.rel @p1 .LBB2_2-.Ltmp3, $1  }
0x172: {  	_ =	sdelay $0x3  }
0x173: {  	s0 =	simm.s32 $0x6  }
0x174: {  	_ =	swait.ge [sflag:s0], $0x1400  }
0x175: {  	[sflag:s0] =	ssyncset.done $0x0  }
0x176: {  	[sflag:s0] =	ssyncadd.s32 $0xFFFFEC00  }
0x177: {  	[bflag:$0x0] =	sbarrier.arrive $0xFFFF  }
0x178: {  	s15 =	rddreg [dreg:$0x4]  }
0x179: {  	s30 =	rddreg [dreg:$0x6]  }
0x17a: {  	s7 =	rddreg [dreg:$0x9]  }
0x17b: {  	[hbm:s30], [sflag:s15] =	dma.local [spmem:s7], $0x2700  }
0x17c: {  	_ =	swait.ge [sflag:s16], $0x2700  }
0x17d: {  	[sflag:s16] =	ssyncset.done $0x0;
	s0 =	rddreg [dreg:$0x7]  }
0x17e: {  	s8 =	rddreg [dreg:$0xa];
	[sflag:s16] =	ssyncadd.s32 $0xFFFFD900  }
0x17f: {  	[hbm:s0], [sflag:s15] =	dma.local @!p0 [spmem:s8], $0x100  }
0x180: {  	s0 =	simm.s32 @!p0 $0x7  }
0x181: {  	_ =	swait.ge @!p0 [sflag:s0], $0x100  }
0x182: {  	s31 =	sadd.s32 $0x1, s31;
	s1 =	rddreg [dreg:$0x8]  }
0x183: {  	p1 =	sne.s32 s31, s1  }
.Ltmp4:
0x184: {  	_ = 	snop;
	(pc) =	sbr.rel @p1 .LBB2_1-.Ltmp4, $3  }
0x185: {  	_ =	sdelay $0x1  }
0x186: {  	[sflag:s0] =	ssyncset.done @!p0 $0x0  }
0x187: {  	[sflag:s0] =	ssyncadd.s32 @!p0 $0xFFFFFF00  }
0x188: {  	_ =	sfence.sel $0x180000  }
0x189: {  	[bflag:$0x0] =	sbarrier.arrive $0xFFFF  }
0x18a: {  	_ =	strace $0x90000047  }
0x18b: {  	s0 =	stileid.u32;
	[bflag:$0x2] =	sbarrier.arrive $0xFFFF  }
0x18c: {  	p0 =	sne.s32 s0, $0x0;
	s0 =	rddreg [dreg:$0x2]  }
0x18d: {  	s0 =	sadd.s32 @!p0 $0x100000, s0  }
0x18e: {  	[sflag:s0] =	ssyncadd.tile.s32 @!p0 $0x1;
	_ =	shalt  }
.Lfunc_end2:
_tile_overlayer_lowered:
.L_overlay_start_2:
0x18f: {  	(tag) =	ssettag $0x2  }
0x190: {  	s0 =	rddreg [dreg:$0x0];
	s2 =	stileid.u32  }
0x191: {  	s1 =	rddreg [dreg:$0x1];
	p0 =	sne.s32 s2, $0x0  }
0x192: {  	s3 =	rddreg [dreg:$0x2];
	[bflag:$0x3] =	sbarrier.arrive $0xFFFF;
	s2 =	simm.s32 @!p0 $0x1C07  }
0x193: {  	[timem:s3], [sflag:s2] =	dma.local @!p0 [hbm:s0], s1  }
0x194: {  	s0 =	simm.s32 @!p0 $0x7  }
0x195: {  	_ =	swait.ge @!p0 [sflag:s0], s1  }
0x196: {  	s1 =	ssub.s32 @!p0 $0x0, s1;
	[sflag:s0] =	ssyncset.done @!p0 $0x0  }
0x197: {  	[sflag:s0] =	ssyncadd.s32 @!p0 s1  }
0x198: {  	[bflag:$0x3] =	sbarrier.arrive $0xFFFF  }
0x199: {  	_ =	shalt  }

// kernel: kernel.19.cloned.1.call-start
scs
__scs_entry_jumppad:
0x0: {  	(pc) =	sbr.rel $0x88, $3  }
0x1: {  	(tag) =	ssettag $0x0;
	lr =	simm.s32 $0x1  }
0x2: {  	[smem:$0x3F86] =	sst lr;
	_ =	strace $0xD0000000  }
0x3: {  	_ = 	snop  }
0x4: {  	_ = 	snop  }
0x5: {  	_ = 	snop  }
0x6: {  	_ = 	snop  }
0x7: {  	_ = 	snop  }
__scs_overlays_trampoline_lowered:
0x8: {  	[smem:$0x3F95] =	sst s0  }
0x9: {  	[smem:$0x3F96] =	sst s1  }
0xa: {  	[smem:$0x3F97] =	sst s2  }
0xb: {  	[smem:$0x3F98] =	sst s3  }
0xc: {  	[smem:$0x3F99] =	sst s4  }
0xd: {  	[smem:$0x3F9A] =	sst s5  }
0xe: {  	[smem:$0x3F9B] =	sst s6  }
0xf: {  	[smem:$0x3F9C] =	sst s7  }
0x10: {  	[smem:$0x3F9D] =	sst s8  }
0x11: {  	[smem:$0x3F9E] =	sst s9;
	s0 =	simm.s32 @!p0 $0x0  }
0x12: {  	s1 =	sld [smem:$0x3F84];
	s0 =	simm.s32 @p0 $0x1  }
0x13: {  	[smem:$0x3F9F] =	sst s0;
	s0 =	simm.s32 @!p1 $0x0  }
0x14: {  	s2 =	sld [smem:$0x3F83];
	s0 =	simm.s32 @p1 $0x1  }
0x15: {  	[smem:$0x3FA0] =	sst s0;
	s0 =	simm.s32 @!p2 $0x0  }
0x16: {  	s3 =	sld [smem:$0x3FDB];
	s0 =	simm.s32 @p2 $0x1  }
0x17: {  	s4 =	simm.s32 $0x1BF5;
	[smem:$0x3FA2] =	sst s0  }
0x18: {  	s0 =	sld [smem:$0x3F85];
	_ =	swait.ge [sflag:s4], $0x0  }
0x19: {  	s7 =	sld [smem:$0x3F86]  }
0x1a: {  	s8 =	sadd.s32 $0xFFFFE003, lr  }
0x1b: {  	s9 =	sadd.s32 $0xFFFFFEF7, lr;
	s5 =	simm.s32 $0xFFFFFFFF;
	p2 =	slt.u32 s8, $0xFFFFF086  }
0x1c: {  	p1 =	slt.u32 s9, $0xF7A;
	s5 =	simm.s32 @!p2 $0x0  }
0x1d: {  	s5 =	simm.s32 @p1 $0x1;
	p0 =	seq.s32 s7, s2  }
0x1e: {  	s7 =	smul.u32 @!p0 $0xF7A, s2;
	p2 =	seq.s32 @!p0 s5, $0x0  }
0x1f: {  	s9 =	smul.u32 $0xF7A, s1;
	s8 =	simm.s32 @!p0 $0x1BF5;
	p2 =	por !p2, p0  }
0x20: {  	[sflag:s8] =	ssyncset.s32 @!p0 $0xFFFFF086;
	s6 =	sadd.s32 @!p0 s3, s7;
	s7 =	simm.s32 @!p0 $0x108  }
0x21: {  	s3 =	sadd.s32 s3, s9;
	s6 =	sadd.s32 @!p0 $0x88, s6;
	s7 =	simm.s32 @p2 $0x1082  }
0x22: {  	[simem:s7], [sflag:s8] =	dma.local @!p0 [hbm:s6], $0xF7A  }
0x23: {  	s9 =	sor.u32 $0xD0000000, s2;
	s6 =	simm.s32 $0x108;
	_ =	swait.ge @!p0 [sflag:s8], $0x0  }
0x24: {  	s3 =	sadd.s32 $0x88, s3;
	s6 =	simm.s32 @!p1 $0x1082;
	[sflag:s4] =	ssyncset.s32 $0xFFFFF086  }
0x25: {  	[simem:s6], [sflag:s4] =	dma.local [hbm:s3], $0xF7A  }
0x26: {  	[smem:$0x3F86] =	sst s1;
	(tag) =	ssettag s2;
	_ =	strace s9  }
0x27: {  	s1 =	sld [smem:$0x3F96]  }
0x28: {  	s2 =	sld [smem:$0x3F97]  }
0x29: {  	s4 =	sld [smem:$0x3F99]  }
0x2a: {  	p0 =	seq.s32 s5, $0x0;
	s5 =	sld [smem:$0x3F9A]  }
0x2b: {  	s6 =	sld [smem:$0x3F9B]  }
0x2c: {  	s7 =	sld [smem:$0x3F9C]  }
0x2d: {  	s3 =	simm.s32 $0x108;
	s8 =	sld [smem:$0x3F9D]  }
0x2e: {  	s3 =	simm.s32 @!p0 $0x1082;
	s9 =	sld [smem:$0x3F9E]  }
0x2f: {  	lr =	sadd.s32 s0, s3;
	s0 =	sld [smem:$0x3F95]  }
0x30: {  	s3 =	sld [smem:$0x3F98]  }
0x31: {  	[smem:$0x3FA1] =	sst s10  }
0x32: {  	s10 =	sld [smem:$0x3F9F];
	_ =	sdelay $0x3  }
0x33: {  	p0 =	seq.s32 s10, $0x1;
	s10 =	sld [smem:$0x3FA1];
	_ =	sdelay $0x3  }
0x34: {  	[smem:$0x3FA1] =	sst s10  }
0x35: {  	s10 =	sld [smem:$0x3FA0];
	_ =	sdelay $0x3  }
0x36: {  	p1 =	seq.s32 s10, $0x1;
	s10 =	sld [smem:$0x3FA1];
	_ =	sdelay $0x3  }
0x37: {  	[smem:$0x3FA1] =	sst s10  }
0x38: {  	s10 =	sld [smem:$0x3FA2]  }
0x39: {  	_ = 	snop;
	(pc) =	sbr.ind lr, $3  }
0x3a: {  	_ = 	snop  }
0x3b: {  	_ = 	snop  }
0x3c: {  	p2 =	seq.s32 s10, $0x1;
	s10 =	sld [smem:$0x3FA1]  }
0x3d: {  	_ =	shalt  }
0x3e: {  	_ =	shalt  }
0x3f: {  	_ =	shalt  }
0x40: {  	_ =	shalt  }
0x41: {  	_ =	shalt  }
0x42: {  	_ =	shalt  }
0x43: {  	_ =	shalt  }
0x44: {  	_ =	shalt  }
0x45: {  	_ =	shalt  }
0x46: {  	_ =	shalt  }
0x47: {  	_ =	shalt  }
0x48: {  	_ =	shalt  }
0x49: {  	_ =	shalt  }
0x4a: {  	_ =	shalt  }
0x4b: {  	_ =	shalt  }
0x4c: {  	_ =	shalt  }
0x4d: {  	_ =	shalt  }
0x4e: {  	_ =	shalt  }
0x4f: {  	_ =	shalt  }
0x50: {  	_ =	shalt  }
0x51: {  	_ =	shalt  }
0x52: {  	_ =	shalt  }
0x53: {  	_ =	shalt  }
0x54: {  	_ =	shalt  }
0x55: {  	_ =	shalt  }
0x56: {  	_ =	shalt  }
0x57: {  	_ =	shalt  }
0x58: {  	_ =	shalt  }
0x59: {  	_ =	shalt  }
0x5a: {  	_ =	shalt  }
0x5b: {  	_ =	shalt  }
0x5c: {  	_ =	shalt  }
0x5d: {  	_ =	shalt  }
0x5e: {  	_ =	shalt  }
0x5f: {  	_ =	shalt  }
0x60: {  	_ =	shalt  }
0x61: {  	_ =	shalt  }
0x62: {  	_ =	shalt  }
0x63: {  	_ =	shalt  }
0x64: {  	_ =	shalt  }
0x65: {  	_ =	shalt  }
0x66: {  	_ =	shalt  }
0x67: {  	_ =	shalt  }
0x68: {  	_ =	shalt  }
0x69: {  	_ =	shalt  }
0x6a: {  	_ =	shalt  }
0x6b: {  	_ =	shalt  }
0x6c: {  	_ =	shalt  }
0x6d: {  	_ =	shalt  }
0x6e: {  	_ =	shalt  }
0x6f: {  	_ =	shalt  }
0x70: {  	_ =	shalt  }
0x71: {  	_ =	shalt  }
0x72: {  	_ =	shalt  }
0x73: {  	_ =	shalt  }
0x74: {  	_ =	shalt  }
0x75: {  	_ =	shalt  }
0x76: {  	_ =	shalt  }
0x77: {  	_ =	shalt  }
0x78: {  	_ =	shalt  }
0x79: {  	_ =	shalt  }
0x7a: {  	_ =	shalt  }
0x7b: {  	_ =	shalt  }
0x7c: {  	_ =	shalt  }
0x7d: {  	_ =	shalt  }
0x7e: {  	_ =	shalt  }
0x7f: {  	_ =	shalt  }
0x80: {  	_ =	shalt  }
0x81: {  	_ =	shalt  }
0x82: {  	_ =	shalt  }
0x83: {  	_ =	shalt  }
0x84: {  	_ =	shalt  }
0x85: {  	_ =	shalt  }
0x86: {  	_ =	shalt  }
0x87: {  	_ =	shalt  }
.Lfunc_end0:
.L_simem_size_0:
called_computation.1_lowered:
.L_overlay_start_0:
0x88: {  	s2 =	sld [smem:$0x3FD9]  }
0x89: {  	s3 =	sld [smem:$0x3FFE];
	_ =	sdelay $0x1  }
0x8a: {  	s1 =	srdreg.scid  }
0x8b: {  	s0 =	sand.u32 $0x1, s1  }
0x8c: {  	s16 =	sshll.u32 s0, $0xA;
	s2 =	sadd.s32 s3, s2  }
0x8d: {  	s2 =	sadd.s32 s2, s16  }
0x8e: {  	[smem:$0x3FAD] =	sst s2  }
0x8f: {  	_ = 	snop  }
0x90: {  	(tm) =	ssettm $0x1  }
0x91: {  	s17 =	sld [smem:$0x3FFB];
	_ =	sdelay $0x3  }
0x92: {  	_ =	strace s17  }
0x93: {  	s2 =	sld [smem:$0x3FFC];
	_ =	sdelay $0x3  }
0x94: {  	_ =	strace s2  }
0x95: {  	s2 =	sld [smem:$0x3FFD];
	_ =	sdelay $0x3  }
0x96: {  	_ =	strace s2  }
0x97: {  	_ =	strace $0x8FFFFFFF  }
0x98: {  	s18 =	sld [smem:$0x3FDB];
	_ =	sdelay $0x1  }
0x99: {  	s19 =	simm.s32 $_scs_section_size  }
0x9a: {  	s4 =	simm.s32 $_size__tile_overlayer_lowered;
	s5 =	simm.s32 $_tile_overlayer_lowered  }
0x9b: {  	s22 =	simm.s32 $0x1BFF;
	s21 =	sshll.u32 s5, $0x1;
	s2 =	sadd.s32 s19, s18  }
0x9c: {  	s6 =	simm.s32 $0x0;
	s20 =	sshll.u32 s4, $0x1;
	s4 =	sadd.s32 s21, s2  }
0x9d: {  	[timem:s6], [sflag:s22] =	dma.local [hbm:s4], s20  }
0x9e: {  	_ =	swait.ge [sflag:s22], s20  }
0x9f: {  	s3 =	ssub.s32 $0x0, s20;
	[sflag:s22] =	ssyncset.done $0x0  }
0xa0: {  	[sflag:s22] =	ssyncadd.s32 s3;
	_ =	sdelay $0x1  }
0xa1: {  	s23 =	simm.s32 $0x1B8B  }
0xa2: {  	_ =	swait.ge [sflag:s23], $0x1  }
0xa3: {  	[sflag:s23] =	ssyncset.done $0x0  }
0xa4: {  	s25 =	simm.s32 $0x1B8E;
	s24 =	sld [smem:$0x3FFE];
	[sflag:s23] =	ssyncadd.s32 $0xFFFFFFFF  }
0xa5: {  	s26 =	simm.s32 $execute0_lowered;
	[smem:$0x3FD2] =	sst s25  }
0xa6: {  	s4 =	sshll.u32 s26, $0x1;
	_ =	strace $0x80000049;
	[dreg:$0x1] =	wrdreg $0xFFFFFFFF  }
0xa7: {  	s28 =	simm.s32 $_size_execute0_lowered;
	s2 =	sadd.s32 s2, s4;
	[dreg:$0x0] =	wrdreg $0x0  }
0xa8: {  	s4 =	sshll.u32 s28, $0x1;
	[dreg:$0x2] =	wrdreg s2  }
0xa9: {  	[dreg:$0x3] =	wrdreg s4  }
0xaa: {  	[dreg:$0x4] =	wrdreg $0xC0  }
0xab: {  	_ =	task [dreg:s6], $0x5FFFF  }
0xac: {  	[dreg:$0x1] =	wrdreg $0xFFFFFFFF  }
0xad: {  	[dreg:$0x0] =	wrdreg $0x60  }
0xae: {  	[dreg:$0x2] =	wrdreg s24  }
0xaf: {  	[dreg:$0x3] =	wrdreg $0x88000  }
0xb0: {  	[dreg:$0x4] =	wrdreg $0x9  }
0xb1: {  	_ =	task.clear_ibuf [dreg:s6], $0x5FFFF;
	_ =	strace $0x90000049  }
0xb2: {  	s29 =	simm.s32 $0x9;
	_ =	strace $0x8000004B  }
0xb3: {  	_ =	swait.ge [sflag:s29], $0x1  }
0xb4: {  	[sflag:s29] =	ssyncadd.s32 $0xFFFFFFFF  }
0xb5: {  	_ =	strace $0x9000004B  }
0xb6: {  	_ =	sfence  }
0xb7: {  	s30 =	sld [smem:$0x0];
	_ =	sdelay $0x2  }
0xb8: {  	s31 =	sshll.u32 s1, $0xD;
	s1 =	sshrl.u32 s1, $0x2  }
0xb9: {  	s3 =	sand.u32 $0x4000, s31;
	s1 =	sadd.s32 s1, s30  }
0xba: {  	s0 =	sor.u32 s3, s0;
	s1 =	sshll.u32 s1, $0x11  }
0xbb: {  	s0 =	sor.u32 s1, s0  }
0xbc: {  	s0 =	sadd.s32 $0x8F2B, s0  }
0xbd: {  	[sflag:s0] =	ssyncadd.remote.s32 $0x1  }
0xbe: {  	_ =	sfence.sel $0xFFFF  }
0xbf: {  	[dreg:$0x0] =	wrdreg $0xFFFFFFFF;
	(pc) =	sbr.abs _section_cstart, $3  }
0xc0: {  	[dreg:$0x1] =	wrdreg $0xFFFFFFFF  }
0xc1: {  	_ =	task.clear_ibuf [dreg:s6], $0x2FFFF;
	_ =	strace $0x9FFFFFFF  }
0xc2: {  	(tm) =	ssettm $0x7FFFFFFF  }
0xc3: {  	_ =	shalt  }
tec
execute0_lowered:
.L_overlay_start_1:
0x0: {  	(tag) =	ssettag $0x1  }
0x1: {  	s0 =	rddreg [dreg:$0x0]  }
0x2: {  	s2 =	rddreg [dreg:$0x1]  }
0x3: {  	s3 =	simm.s32 $0x0;
	s14 =	stileid.u32;
	s7 =	srdreg.scid  }
0x4: {  	s16 =	simm.s32 $0x7;
	s18 =	simm.s32 $0x1C00;
	s19 =	simm.s32 $0x28  }
0x5: {  	s20 =	simm.s32 $0x3800;
	s28 =	simm.s32 $0x2;
	s29 =	simm.s32 $0x4  }
0x6: {  	s31 =	simm.s32 $0x0;
	[smem:$0x7FF] =	sst s3;
	s4 =	sadd.s32 $0x57D200, s0  }
0x7: {  	s1 =	smul.u32 $0x13800, s14;
	s5 =	sadd.s32 $0x5CB400, s0;
	s6 =	sadd.s32 $0x6E00, s0  }
0x8: {  	s7 =	sand.u32 $0x1, s7;
	s10 =	smul.u32 $0x4E000, s14;
	s12 =	sadd.s32 $0x4CE00, s0  }
0x9: {  	s13 =	sshll.u32 s14, $0x1;
	s23 =	sshll.u32 s14, $0x6;
	p0 =	sne.s32 s14, $0xF  }
0xa: {  	_ =	strace $0x8000004A;
	s9 =	ssub.s32 $0x2, s7;
	s21 =	sor.u32 s7, s13  }
0xb: {  	s7 =	smul.u32 $0x138800, s7;
	s15 =	sor.u32 $0x1C07, s23;
	s23 =	simm.s32 $0x7400  }
0xc: {  	s8 =	sshrl.u32 s1, $0x3;
	s11 =	sshrl.u32 s9, $0x1;
	s10 =	sshrl.u32 s10, $0x2  }
0xd: {  	[dreg:$0x4] =	wrdreg s15;
	s8 =	sadd.s32 s8, s0;
	s9 =	ssub.s32 s9, s11  }
0xe: {  	s22 =	sadd.s32 s10, s2;
	s0 =	sadd.s32 $0x57D000, s0;
	s10 =	smul.u32 $0x8C00, s21  }
0xf: {  	s24 =	sadd.s32 s1, s7;
	s25 =	sshrl.u32 s7, $0x3;
	s11 =	smul.u32 $0x2710, s21  }
0x10: {  	s21 =	simm.s32 $0x6000;
	s8 =	sadd.s32 $0x556000, s8;
	[dreg:$0x5] =	wrdreg s0  }
0x11: {  	s0 =	sshrl.u32 s24, $0x3;
	s30 =	smax.u32 s9, $0x1;
	[dreg:$0x3] =	wrdreg s8  }
0x12: {  	s1 =	sadd.s32 s12, s25;
	s7 =	sshrl.u32 s22, $0x3;
	[dreg:$0x8] =	wrdreg s30  }
0x13: {  	s22 =	simm.s32 $0x4C00;
	s0 =	sadd.s32 s12, s0;
	[dreg:$0x9] =	wrdreg s7  }
0x14: {  	s8 =	sadd.s32 $0x138000, s2;
	s26 =	sadd.s32 $0x27000, s1;
	[dreg:$0x6] =	wrdreg s0  }
0x15: {  	s24 =	simm.s32 $0x1;
	[dreg:$0x7] =	wrdreg s26;
	s8 =	sshrl.u32 @!p0 s8, $0x3  }
0x16: {  	s25 =	simm.s32 $0x3;
	s26 =	simm.s32 $0x5;
	[dreg:$0xa] =	wrdreg s8  }
.LBB2_1:
0x17: {  	s0 =	rddreg [dreg:$0x3]  }
0x18: {  	[spmem:s7], [sflag:s15] =	dma.local [hbm:s0], $0x2700  }
0x19: {  	_ =	swait.ge [sflag:s16], $0x2700  }
0x1a: {  	[sflag:s16] =	ssyncset.done $0x0  }
0x1b: {  	s0 =	rddreg [dreg:$0x5];
	[sflag:s16] =	ssyncadd.s32 $0xFFFFD900  }
0x1c: {  	[spmem:s8], [sflag:s15] =	dma.local @!p0 [hbm:s0], $0x100  }
0x1d: {  	s0 =	simm.s32 @!p0 $0x7  }
0x1e: {  	_ =	swait.ge @!p0 [sflag:s0], $0x100  }
0x1f: {  	[sflag:s0] =	ssyncset.done @!p0 $0x0  }
0x20: {  	[sflag:s0] =	ssyncadd.s32 @!p0 $0xFFFFFF00  }
0x21: {  	s0 =	simm.s32 $0x0;
	[bflag:$0x0] =	sbarrier.arrive $0xFFFF  }
.LBB2_2:
0x22: {  	p1 =	seq.s32 s0, $0x0;
	s1 =	smul.u32 $0x1C00, s0  }
0x23: {  	s7 =	simm.s32 @!p1 $0x6  }
0x24: {  	_ =	swait.ge @!p1 [sflag:s7], $0x1400;
	s1 =	sadd.s32 s10, s1  }
0x25: {  	[sflag:s7] =	ssyncset.done @!p1 $0x0;
	s1 =	sshrl.u32 s1, $0x3  }
0x26: {  	[sflag:s7] =	ssyncadd.s32 @!p1 $0xFFFFEC00;
	s17 =	sadd.s32 s6, s1;
	s1 =	simm.s32 $0x0  }
0x27: {  	[tilespmem:s1], [sflag:$0x7] =	stream.linear.gather [hbm4b:s17+s1], $0x1900, $0x38;
	[tilespmem:$0x1C080] =	vst v63  }
0x28: {  	_ =	swait.ge [sflag:s16], $0x1900  }
0x29: {  	[sflag:s16] =	ssyncset.done $0x0  }
0x2a: {  	s30 =	smul.u32 $0x7D0, s0;
	s7 =	sadd.s32 $0x23000, s17;
	[sflag:s16] =	ssyncadd.s32 $0xFFFFE700  }
0x2b: {  	[tilespmem:s18], [sflag:$0x7] =	stream.linear.gather [hbm4b:s7+s1], $0x1900, $0x38;
	[tilespmem:$0x1C080] =	vst v63  }
0x2c: {  	_ =	swait.ge [sflag:s16], $0x1900  }
0x2d: {  	s7 =	sadd.s32 s11, s30;
	[sflag:s16] =	ssyncset.done $0x0  }
0x2e: {  	s7 =	sshll.u32 s7, $0x4;
	[sflag:s16] =	ssyncadd.s32 $0xFFFFE700  }
0x2f: {  	[tilespmem:s20], [sflag:$0x1] =	stream.indirect.gather [hbm4b:s4+s19], $0x80, s1, s19, $0xb8;
	[tilespmem:$0x1C080] =	vst v63  }
0x30: {  	s7 =	sadd.s32 s5, s7  }
0x31: {  	[tilespmem:s21], [sflag:$0x3] =	stream.linear.gather [hbm4b:s7+s1], $0x1400, $0x38;
	[tilespmem:$0x1C080] =	vst v63  }
0x32: {  	s7 =	smul.u32 $0x32, s0  }
.LBB2_3:
0x33: {  	p1 =	seq.s32 s1, $0x0  }
0x34: {  	s12 =	sshll.u32 s1, $0x1;
	s8 =	simm.s32 @!p1 $0x6  }
0x35: {  	s13 =	sor.u32 $0x1, s12;
	_ =	swait.ge @!p1 [sflag:s8], $0x1400  }
0x36: {  	s9 =	sshll.u32 s13, $0x9;
	s14 =	sadd.s32 s7, s13;
	[sflag:s8] =	ssyncset.done @!p1 $0x0  }
0x37: {  	s9 =	sshrl.u32 s9, $0x2;
	s17 =	smul.u32 $0x28, s14;
	[sflag:s8] =	ssyncadd.s32 @!p1 $0xFFFFEC00  }
0x38: {  	[tilespmem:s22], [sflag:$0x2] =	stream.indirect.gather [hbm4b:s4+s19], $0x80, s9, s19, $0xb8;
	[tilespmem:$0x1C080] =	vst v63  }
0x39: {  	s8 =	sadd.s32 s11, s17  }
0x3a: {  	s8 =	sshll.u32 s8, $0x4  }
0x3b: {  	s8 =	sadd.s32 s5, s8  }
0x3c: {  	[tilespmem:s23], [sflag:$0x4] =	stream.linear.gather [hbm4b:s8+s3], $0x1400, $0x38;
	[tilespmem:$0x1C080] =	vst v63  }
0x3d: {  	_ =	swait.ge [sflag:s24], $0x1400  }
0x3e: {  	[sflag:s24] =	ssyncset.done $0x0  }
0x3f: {  	[sflag:s24] =	ssyncadd.s32 $0xFFFFEC00  }
0x40: {  	_ =	swait.ge [sflag:s25], $0x1400  }
0x41: {  	[sflag:s25] =	ssyncset.done $0x0  }
0x42: {  	s14 =	simm.s32 $0x3900;
	[sflag:s25] =	ssyncadd.s32 $0xFFFFEC00  }
0x43: {  	s30 =	simm.s32 $0x6100;
	v0 =	vld [tilespmem:s14+$0x80]  }
0x44: {  	v1 =	vld [tilespmem:s30+$0x80]  }
0x45: {  	v2 =	vld [tilespmem:s30+$0xFFFFFF00]  }
0x46: {  	v3 =	vld [tilespmem:s14+$0xFFFFFF80]  }
0x47: {  	v4 =	vld [tilespmem:s30+$0xFFFFFF80]  }
0x48: {  	v5 =	vld [tilespmem:s30+$0x0]  }
0x49: {  	v0 =	vadd.f32 v1, v0;
	v1 =	vld [tilespmem:s14+$0x0]  }
0x4a: {  	v6 =	vld [tilespmem:s14+$0xFFFFFF00]  }
0x4b: {  	v0 =	vmax.f32 v0, $0.0e+00  }
0x4c: {  	v3 =	vadd.f32 v4, v3;
	[tilespmem:s14+$0x80] =	vst v0;
	v0 =	vld [tilespmem:s14+$0x90]  }
0x4d: {  	v7 =	vld [tilespmem:s30+$0x90]  }
0x4e: {  	v8 =	vld [tilespmem:s14+$0xFFFFFF90];
	v3 =	vmax.f32 v3, $0.0e+00;
	v1 =	vadd.f32 v5, v1  }
0x4f: {  	v4 =	vld [tilespmem:s14+$0xFFFFFF10];
	v2 =	vadd.f32 v2, v6;
	[tilespmem:s14+$0xFFFFFF80] =	vst v3  }
0x50: {  	v5 =	vld [tilespmem:s30+$0xFFFFFF90];
	v1 =	vmax.f32 v1, $0.0e+00  }
0x51: {  	v2 =	vmax.f32 v2, $0.0e+00;
	v3 =	vld [tilespmem:s14+$0x10];
	[tilespmem:s14+$0x0] =	vst v1  }
0x52: {  	[tilespmem:s14+$0xFFFFFF00] =	vst v2;
	v0 =	vadd.f32 v7, v0;
	v1 =	vld [tilespmem:s30+$0x10]  }
0x53: {  	v2 =	vld [tilespmem:s30+$0xFFFFFF10]  }
0x54: {  	v0 =	vmax.f32 v0, $0.0e+00  }
0x55: {  	v5 =	vadd.f32 v5, v8;
	[tilespmem:s14+$0x90] =	vst v0;
	v0 =	vld [tilespmem:s14+$0xA0]  }
0x56: {  	v7 =	vld [tilespmem:s30+$0xA0]  }
0x57: {  	v6 =	vld [tilespmem:s14+$0xFFFFFF20];
	v5 =	vmax.f32 v5, $0.0e+00;
	v1 =	vadd.f32 v1, v3  }
0x58: {  	v2 =	vadd.f32 v2, v4;
	v8 =	vld [tilespmem:s14+$0xFFFFFFA0];
	[tilespmem:s14+$0xFFFFFF90] =	vst v5  }
0x59: {  	v4 =	vld [tilespmem:s30+$0xFFFFFFA0];
	v1 =	vmax.f32 v1, $0.0e+00  }
0x5a: {  	v2 =	vmax.f32 v2, $0.0e+00;
	v3 =	vld [tilespmem:s14+$0x20];
	[tilespmem:s14+$0x10] =	vst v1  }
0x5b: {  	[tilespmem:s14+$0xFFFFFF10] =	vst v2;
	v0 =	vadd.f32 v7, v0;
	v1 =	vld [tilespmem:s30+$0x20]  }
0x5c: {  	v2 =	vld [tilespmem:s30+$0xFFFFFF20]  }
0x5d: {  	v0 =	vmax.f32 v0, $0.0e+00  }
0x5e: {  	v4 =	vadd.f32 v4, v8;
	[tilespmem:s14+$0xA0] =	vst v0;
	v0 =	vld [tilespmem:s14+$0xB0]  }
0x5f: {  	v7 =	vld [tilespmem:s30+$0xB0]  }
0x60: {  	v9 =	vld [tilespmem:s14+$0x30];
	v4 =	vmax.f32 v4, $0.0e+00;
	v1 =	vadd.f32 v1, v3  }
0x61: {  	v2 =	vadd.f32 v2, v6;
	v8 =	vld [tilespmem:s14+$0xFFFFFFB0];
	[tilespmem:s14+$0xFFFFFFA0] =	vst v4  }
0x62: {  	v3 =	vld [tilespmem:s30+$0xFFFFFFB0];
	v1 =	vmax.f32 v1, $0.0e+00  }
0x63: {  	v5 =	vld [tilespmem:s14+$0xFFFFFF30];
	[tilespmem:s14+$0x20] =	vst v1;
	v1 =	vmax.f32 v2, $0.0e+00  }
0x64: {  	v0 =	vadd.f32 v7, v0;
	[tilespmem:s14+$0xFFFFFF20] =	vst v1;
	v1 =	vld [tilespmem:s30+$0x30]  }
0x65: {  	v6 =	vld [tilespmem:s30+$0xFFFFFF30]  }
0x66: {  	v10 =	vld [tilespmem:s14+$0xFFFFFF40];
	v0 =	vmax.f32 v0, $0.0e+00  }
0x67: {  	v3 =	vadd.f32 v3, v8;
	[tilespmem:s14+$0xB0] =	vst v0;
	v0 =	vld [tilespmem:s14+$0xC0]  }
0x68: {  	v7 =	vld [tilespmem:s30+$0xC0]  }
0x69: {  	v11 =	vld [tilespmem:s14+$0xFFFFFFD0];
	v3 =	vmax.f32 v3, $0.0e+00;
	v1 =	vadd.f32 v1, v9  }
0x6a: {  	v4 =	vld [tilespmem:s14+$0xFFFFFFC0];
	[tilespmem:s14+$0xFFFFFFB0] =	vst v3;
	v5 =	vadd.f32 v6, v5  }
0x6b: {  	v6 =	vld [tilespmem:s30+$0xFFFFFFC0];
	v1 =	vmax.f32 v1, $0.0e+00  }
0x6c: {  	v2 =	vld [tilespmem:s14+$0x40];
	[tilespmem:s14+$0x30] =	vst v1;
	v1 =	vmax.f32 v5, $0.0e+00  }
0x6d: {  	v0 =	vadd.f32 v7, v0;
	v5 =	vld [tilespmem:s30+$0x40];
	[tilespmem:s14+$0xFFFFFF30] =	vst v1  }
0x6e: {  	v1 =	vld [tilespmem:s30+$0xFFFFFF40]  }
0x6f: {  	v8 =	vld [tilespmem:s14+$0xFFFFFF50];
	v0 =	vmax.f32 v0, $0.0e+00  }
0x70: {  	[tilespmem:s14+$0xC0] =	vst v0;
	v0 =	vadd.f32 v6, v4;
	v6 =	vld [tilespmem:s14+$0xD0]  }
0x71: {  	v7 =	vld [tilespmem:s30+$0xD0]  }
0x72: {  	v3 =	vld [tilespmem:s14+$0xFFFFFF60];
	v0 =	vmax.f32 v0, $0.0e+00;
	v2 =	vadd.f32 v5, v2  }
0x73: {  	v9 =	vld [tilespmem:s14+$0x50];
	[tilespmem:s14+$0xFFFFFFC0] =	vst v0;
	v0 =	vadd.f32 v1, v10  }
0x74: {  	v1 =	vld [tilespmem:s30+$0xFFFFFFD0];
	v2 =	vmax.f32 v2, $0.0e+00  }
0x75: {  	v4 =	vld [tilespmem:s14+$0xFFFFFFE0];
	[tilespmem:s14+$0x40] =	vst v2;
	v0 =	vmax.f32 v0, $0.0e+00  }
0x76: {  	v2 =	vld [tilespmem:s30+$0x50];
	v6 =	vadd.f32 v7, v6;
	[tilespmem:s14+$0xFFFFFF40] =	vst v0  }
0x77: {  	v0 =	vld [tilespmem:s30+$0xFFFFFF50]  }
0x78: {  	v5 =	vld [tilespmem:s14+$0x60];
	v6 =	vmax.f32 v6, $0.0e+00  }
0x79: {  	v1 =	vadd.f32 v1, v11;
	[tilespmem:s14+$0xD0] =	vst v6;
	v6 =	vld [tilespmem:s14+$0xE0]  }
0x7a: {  	v10 =	vld [tilespmem:s30+$0xE0]  }
0x7b: {  	v1 =	vmax.f32 v1, $0.0e+00;
	v7 =	vadd.f32 v2, v9;
	v2 =	vld [tilespmem:s14+$0xFFFFFF70]  }
0x7c: {  	[tilespmem:s14+$0xFFFFFFD0] =	vst v1;
	v0 =	vadd.f32 v0, v8;
	v1 =	vld [tilespmem:s14+$0xFFFFFFF0]  }
0x7d: {  	v8 =	vmax.f32 v7, $0.0e+00;
	v7 =	vld [tilespmem:s30+$0xFFFFFFE0]  }
0x7e: {  	[tilespmem:s14+$0x50] =	vst v8;
	v8 =	vmax.f32 v0, $0.0e+00;
	v0 =	vld [tilespmem:s14+$0x70]  }
0x7f: {  	[tilespmem:s14+$0xFFFFFF50] =	vst v8;
	v8 =	vld [tilespmem:s30+$0x60];
	v6 =	vadd.f32 v10, v6  }
0x80: {  	v9 =	vld [tilespmem:s30+$0xFFFFFF60]  }
0x81: {  	s15 =	simm.s32 $0x0;
	s17 =	simm.s32 $0x3B00;
	s8 =	simm.s32 $0x6100;
	v10 =	vmax.f32 v6, $0.0e+00;
	v6 =	vld [tilespmem:s14+$0xF0]  }
.LBB2_4:
0x82: {  	v11 =	vld [tilespmem:s17+$0x80];
	v4 =	vadd.f32 v7, v4;
	[tilespmem:s14+$0xE0] =	vst v10  }
0x83: {  	s8 =	sadd.s32 $0x200, s8;
	v7 =	vld [tilespmem:s30+$0xF0]  }
0x84: {  	s15 =	sadd.s32 $0x4, s15;
	v10 =	vld [tilespmem:s8+$0x80];
	v4 =	vmax.f32 v4, $0.0e+00;
	v5 =	vadd.f32 v8, v5  }
0x85: {  	p1 =	slt.u32 s15, $0x24;
	v8 =	vld [tilespmem:s8+$0xFFFFFF00];
	v3 =	vadd.f32 v9, v3;
	[tilespmem:s14+$0xFFFFFFE0] =	vst v4  }
0x86: {  	v4 =	vld [tilespmem:s17+$0xFFFFFF80];
	v5 =	vmax.f32 v5, $0.0e+00  }
0x87: {  	v9 =	vld [tilespmem:s8+$0xFFFFFF80];
	v3 =	vmax.f32 v3, $0.0e+00;
	[tilespmem:s14+$0x60] =	vst v5  }
0x88: {  	v5 =	vld [tilespmem:s17+$0x0];
	[tilespmem:s14+$0xFFFFFF60] =	vst v3;
	v3 =	vadd.f32 v7, v6  }
0x89: {  	v6 =	vld [tilespmem:s8+$0x0];
	v7 =	vadd.f32 v10, v11  }
0x8a: {  	v10 =	vld [tilespmem:s17+$0xFFFFFF00];
	v3 =	vmax.f32 v3, $0.0e+00  }
0x8b: {  	v11 =	vld [tilespmem:s17+$0xFFFFFF10];
	v7 =	vmax.f32 v7, $0.0e+00;
	[tilespmem:s14+$0xF0] =	vst v3  }
0x8c: {  	v3 =	vadd.f32 v9, v4;
	[tilespmem:s17+$0x80] =	vst v7;
	v4 =	vld [tilespmem:s17+$0x90]  }
0x8d: {  	v7 =	vld [tilespmem:s8+$0x90]  }
0x8e: {  	v3 =	vmax.f32 v3, $0.0e+00;
	v9 =	vld [tilespmem:s17+$0xFFFFFF90];
	v5 =	vadd.f32 v6, v5  }
0x8f: {  	v6 =	vadd.f32 v8, v10;
	[tilespmem:s17+$0xFFFFFF80] =	vst v3;
	v3 =	vld [tilespmem:s17+$0x10]  }
0x90: {  	v8 =	vld [tilespmem:s8+$0xFFFFFF90];
	v5 =	vmax.f32 v5, $0.0e+00  }
0x91: {  	v6 =	vmax.f32 v6, $0.0e+00;
	v10 =	vld [tilespmem:s17+$0xFFFFFF20];
	[tilespmem:s17+$0x0] =	vst v5  }
0x92: {  	[tilespmem:s17+$0xFFFFFF00] =	vst v6;
	v5 =	vld [tilespmem:s8+$0x10];
	v4 =	vadd.f32 v7, v4  }
0x93: {  	v6 =	vld [tilespmem:s8+$0xFFFFFF10]  }
0x94: {  	v7 =	vld [tilespmem:s17+$0xFFFFFFA0];
	v4 =	vmax.f32 v4, $0.0e+00  }
0x95: {  	v8 =	vadd.f32 v8, v9;
	[tilespmem:s17+$0x90] =	vst v4;
	v4 =	vld [tilespmem:s17+$0xA0]  }
0x96: {  	v9 =	vld [tilespmem:s8+$0xA0]  }
0x97: {  	v8 =	vmax.f32 v8, $0.0e+00;
	v3 =	vadd.f32 v5, v3;
	v5 =	vld [tilespmem:s17+$0x20]  }
0x98: {  	v6 =	vadd.f32 v6, v11;
	v11 =	vld [tilespmem:s17+$0xFFFFFF30];
	[tilespmem:s17+$0xFFFFFF90] =	vst v8  }
0x99: {  	v8 =	vld [tilespmem:s8+$0xFFFFFFA0];
	v3 =	vmax.f32 v3, $0.0e+00  }
0x9a: {  	v6 =	vmax.f32 v6, $0.0e+00;
	v12 =	vld [tilespmem:s17+$0xFFFFFFB0];
	[tilespmem:s17+$0x10] =	vst v3  }
0x9b: {  	[tilespmem:s17+$0xFFFFFF10] =	vst v6;
	v3 =	vld [tilespmem:s8+$0x20];
	v4 =	vadd.f32 v9, v4  }
0x9c: {  	v6 =	vld [tilespmem:s8+$0xFFFFFF20]  }
0x9d: {  	v9 =	vld [tilespmem:s17+$0x30];
	v4 =	vmax.f32 v4, $0.0e+00  }
0x9e: {  	v7 =	vadd.f32 v8, v7;
	[tilespmem:s17+$0xA0] =	vst v4;
	v4 =	vld [tilespmem:s17+$0xB0]  }
0x9f: {  	v8 =	vld [tilespmem:s8+$0xB0]  }
0xa0: {  	v13 =	vld [tilespmem:s17+$0xFFFFFF40];
	v7 =	vmax.f32 v7, $0.0e+00;
	v3 =	vadd.f32 v3, v5  }
0xa1: {  	v5 =	vadd.f32 v6, v10;
	[tilespmem:s17+$0xFFFFFFA0] =	vst v7;
	v6 =	vld [tilespmem:s17+$0xFFFFFFC0]  }
0xa2: {  	v7 =	vld [tilespmem:s8+$0xFFFFFFB0];
	v3 =	vmax.f32 v3, $0.0e+00  }
0xa3: {  	v5 =	vmax.f32 v5, $0.0e+00;
	[tilespmem:s17+$0x20] =	vst v3;
	v10 =	vld [tilespmem:s17+$0x40]  }
0xa4: {  	[tilespmem:s17+$0xFFFFFF20] =	vst v5;
	v3 =	vld [tilespmem:s8+$0x30];
	v4 =	vadd.f32 v8, v4  }
0xa5: {  	v5 =	vld [tilespmem:s8+$0xFFFFFF30]  }
0xa6: {  	v8 =	vld [tilespmem:s17+$0xFFFFFF50];
	v4 =	vmax.f32 v4, $0.0e+00  }
0xa7: {  	v7 =	vadd.f32 v7, v12;
	[tilespmem:s17+$0xB0] =	vst v4;
	v4 =	vld [tilespmem:s17+$0xC0]  }
0xa8: {  	v12 =	vld [tilespmem:s8+$0xC0]  }
0xa9: {  	v7 =	vmax.f32 v7, $0.0e+00;
	v14 =	vld [tilespmem:s17+$0xFFFFFFD0];
	v3 =	vadd.f32 v3, v9  }
0xaa: {  	v5 =	vadd.f32 v5, v11;
	[tilespmem:s17+$0xFFFFFFB0] =	vst v7;
	v7 =	vld [tilespmem:s17+$0x50]  }
0xab: {  	v9 =	vld [tilespmem:s8+$0xFFFFFFC0];
	v11 =	vmax.f32 v3, $0.0e+00  }
0xac: {  	v5 =	vmax.f32 v5, $0.0e+00;
	v3 =	vld [tilespmem:s17+$0xFFFFFF60];
	[tilespmem:s17+$0x30] =	vst v11  }
0xad: {  	[tilespmem:s17+$0xFFFFFF30] =	vst v5;
	v5 =	vld [tilespmem:s8+$0x40];
	v11 =	vadd.f32 v12, v4  }
0xae: {  	v12 =	vld [tilespmem:s8+$0xFFFFFF40]  }
0xaf: {  	v4 =	vld [tilespmem:s17+$0xFFFFFFE0];
	v11 =	vmax.f32 v11, $0.0e+00  }
0xb0: {  	v6 =	vadd.f32 v9, v6;
	[tilespmem:s17+$0xC0] =	vst v11;
	v9 =	vld [tilespmem:s17+$0xD0]  }
0xb1: {  	v11 =	vld [tilespmem:s8+$0xD0]  }
0xb2: {  	v6 =	vmax.f32 v6, $0.0e+00;
	v10 =	vadd.f32 v5, v10;
	v5 =	vld [tilespmem:s17+$0x60]  }
0xb3: {  	v12 =	vadd.f32 v12, v13;
	[tilespmem:s17+$0xFFFFFFC0] =	vst v6;
	v6 =	vld [tilespmem:s30+$0xFFFFFF70]  }
0xb4: {  	v13 =	vld [tilespmem:s8+$0xFFFFFFD0];
	v10 =	vmax.f32 v10, $0.0e+00  }
0xb5: {  	v12 =	vmax.f32 v12, $0.0e+00;
	[tilespmem:s17+$0x40] =	vst v10;
	v10 =	vld [tilespmem:s30+$0xFFFFFFF0]  }
0xb6: {  	[tilespmem:s17+$0xFFFFFF40] =	vst v12;
	v12 =	vld [tilespmem:s8+$0x50];
	v9 =	vadd.f32 v11, v9  }
0xb7: {  	v11 =	vld [tilespmem:s8+$0xFFFFFF50]  }
0xb8: {  	v9 =	vmax.f32 v9, $0.0e+00;
	v2 =	vadd.f32 v6, v2;
	v6 =	vld [tilespmem:s30+$0x70];
	s30 =	smov.u32 s8  }
0xb9: {  	v13 =	vadd.f32 v13, v14;
	[tilespmem:s17+$0xD0] =	vst v9;
	v9 =	vld [tilespmem:s17+$0xE0]  }
0xba: {  	v14 =	vld [tilespmem:s8+$0xE0];
	v15 =	vmax.f32 v2, $0.0e+00;
	v10 =	vadd.f32 v10, v1  }
0xbb: {  	v2 =	vld [tilespmem:s17+$0xFFFFFF70];
	v1 =	vmax.f32 v13, $0.0e+00;
	v12 =	vadd.f32 v12, v7;
	[tilespmem:s14+$0xFFFFFF70] =	vst v15  }
0xbc: {  	v8 =	vadd.f32 v11, v8;
	[tilespmem:s17+$0xFFFFFFD0] =	vst v1;
	v1 =	vld [tilespmem:s17+$0xFFFFFFF0];
	v10 =	vmax.f32 v10, $0.0e+00  }
.Ltmp0:
0xbd: {  	v7 =	vld [tilespmem:s8+$0xFFFFFFE0];
	v11 =	vmax.f32 v12, $0.0e+00;
	[tilespmem:s14+$0xFFFFFFF0] =	vst v10;
	v6 =	vadd.f32 v6, v0;
	(pc) =	sbr.rel @p1 .LBB2_4-.Ltmp0, $4  }
0xbe: {  	v8 =	vmax.f32 v8, $0.0e+00;
	[tilespmem:s17+$0x50] =	vst v11;
	v0 =	vld [tilespmem:s17+$0x70]  }
0xbf: {  	[tilespmem:s17+$0xFFFFFF50] =	vst v8;
	v8 =	vld [tilespmem:s8+$0x60];
	v10 =	vadd.f32 v14, v9;
	v6 =	vmax.f32 v6, $0.0e+00  }
0xc0: {  	v9 =	vld [tilespmem:s8+$0xFFFFFF60];
	[tilespmem:s14+$0x70] =	vst v6;
	s14 =	smov.u32 s17  }
0xc1: {  	s17 =	sadd.s32 $0x200, s17;
	v10 =	vmax.f32 v10, $0.0e+00;
	v6 =	vld [tilespmem:s14+$0xF0]  }
0xc2: {  	_ =	sdelay $0x2  }
0xc3: {  	v3 =	vadd.f32 v9, v3  }
0xc4: {  	v4 =	vadd.f32 v7, v4  }
0xc5: {  	[tilespmem:s14+$0xE0] =	vst v10;
	v5 =	vadd.f32 v8, v5;
	v3 =	vmax.f32 v3, $0.0e+00  }
0xc6: {  	v7 =	vld [tilespmem:s30+$0xF0];
	v4 =	vmax.f32 v4, $0.0e+00;
	[tilespmem:s14+$0xFFFFFF60] =	vst v3  }
0xc7: {  	[tilespmem:s14+$0xFFFFFFE0] =	vst v4;
	v3 =	vmax.f32 v5, $0.0e+00;
	v4 =	vld [tilespmem:s30+$0xFFFFFF70]  }
0xc8: {  	[tilespmem:s14+$0x60] =	vst v3;
	v3 =	vld [tilespmem:s30+$0xFFFFFFF0]  }
0xc9: {  	v5 =	vld [tilespmem:s30+$0x70];
	_ =	sdelay $0x1  }
0xca: {  	v6 =	vadd.f32 v7, v6  }
0xcb: {  	v2 =	vadd.f32 v4, v2  }
0xcc: {  	v4 =	vmax.f32 v6, $0.0e+00;
	v1 =	vadd.f32 v3, v1  }
0xcd: {  	[tilespmem:s14+$0xF0] =	vst v4;
	v0 =	vadd.f32 v5, v0;
	v2 =	vmax.f32 v2, $0.0e+00  }
0xce: {  	s8 =	sshll.u32 s1, $0x8;
	v1 =	vmax.f32 v1, $0.0e+00;
	[tilespmem:s14+$0xFFFFFF70] =	vst v2  }
0xcf: {  	p1 =	sgt.u32 s13, $0x30;
	s8 =	sand.u32 $0x3FFFFF00, s8;
	[tilespmem:s14+$0xFFFFFFF0] =	vst v1;
	v0 =	vmax.f32 v0, $0.0e+00  }
0xd0: {  	s13 =	simm.s32 @!p1 $0x28;
	s8 =	sadd.s32 $0x1C00, s8;
	[tilespmem:s14+$0x70] =	vst v0  }
0xd1: {  	[spmem:s2] =	stream.indirect.scatter.add.f32 [tilespmem:s20], [sflag:$0x5], $0x80, s8, s19, $0xb8;
	[tilespmem:$0x1C080] =	vst v63  }
0xd2: {  	s14 =	simm.s32 @!p1 $0x3800;
	s8 =	sadd.s32 @!p1 $0x2, s12;
	_ =	swait.ge [sflag:s26], $0x1400  }
0xd3: {  	s12 =	sshll.u32 @!p1 s8, $0x7;
	s8 =	sadd.s32 @!p1 s7, s8;
	[sflag:s26] =	ssyncset.done $0x0  }
0xd4: {  	s12 =	sand.u32 @!p1 $0x3FFFFF80, s12;
	s8 =	smul.u32 @!p1 $0x28, s8;
	[sflag:s26] =	ssyncadd.s32 $0xFFFFEC00  }
0xd5: {  	[tilespmem:s14], [sflag:$0x1] =	stream.indirect.gather @!p1 [hbm4b:s4+s13], $0x80, s12, s13, $0xb8;
	[tilespmem:$0x1C080] =	vst v63  }
0xd6: {  	s8 =	sadd.s32 @!p1 s11, s8  }
0xd7: {  	s8 =	sshll.u32 @!p1 s8, $0x4  }
0xd8: {  	s12 =	simm.s32 @!p1 $0x0;
	s13 =	simm.s32 @!p1 $0x6000;
	s8 =	sadd.s32 @!p1 s5, s8  }
0xd9: {  	[tilespmem:s13], [sflag:$0x3] =	stream.linear.gather @!p1 [hbm4b:s8+s12], $0x1400, $0x38;
	[tilespmem:$0x1C080] =	vst v63  }
0xda: {  	_ =	swait.ge [sflag:s28], $0x1400  }
0xdb: {  	[sflag:s28] =	ssyncset.done $0x0  }
0xdc: {  	[sflag:s28] =	ssyncadd.s32 $0xFFFFEC00  }
0xdd: {  	_ =	swait.ge [sflag:s29], $0x1400  }
0xde: {  	[sflag:s29] =	ssyncset.done $0x0  }
0xdf: {  	s12 =	simm.s32 $0x4D00;
	[sflag:s29] =	ssyncadd.s32 $0xFFFFEC00  }
0xe0: {  	s13 =	simm.s32 $0x7500;
	v0 =	vld [tilespmem:s12+$0x80]  }
0xe1: {  	v1 =	vld [tilespmem:s13+$0x80]  }
0xe2: {  	v2 =	vld [tilespmem:s13+$0xFFFFFF00]  }
0xe3: {  	v3 =	vld [tilespmem:s12+$0xFFFFFF80]  }
0xe4: {  	v4 =	vld [tilespmem:s13+$0xFFFFFF80]  }
0xe5: {  	v5 =	vld [tilespmem:s13+$0x0]  }
0xe6: {  	v0 =	vadd.f32 v1, v0;
	v1 =	vld [tilespmem:s12+$0x0]  }
0xe7: {  	v6 =	vld [tilespmem:s12+$0xFFFFFF00]  }
0xe8: {  	v0 =	vmax.f32 v0, $0.0e+00  }
0xe9: {  	v3 =	vadd.f32 v4, v3;
	[tilespmem:s12+$0x80] =	vst v0;
	v0 =	vld [tilespmem:s12+$0x90]  }
0xea: {  	v7 =	vld [tilespmem:s13+$0x90]  }
0xeb: {  	v8 =	vld [tilespmem:s12+$0xFFFFFF90];
	v3 =	vmax.f32 v3, $0.0e+00;
	v1 =	vadd.f32 v5, v1  }
0xec: {  	v4 =	vld [tilespmem:s12+$0xFFFFFF10];
	v2 =	vadd.f32 v2, v6;
	[tilespmem:s12+$0xFFFFFF80] =	vst v3  }
0xed: {  	v5 =	vld [tilespmem:s13+$0xFFFFFF90];
	v1 =	vmax.f32 v1, $0.0e+00  }
0xee: {  	v2 =	vmax.f32 v2, $0.0e+00;
	v3 =	vld [tilespmem:s12+$0x10];
	[tilespmem:s12+$0x0] =	vst v1  }
0xef: {  	[tilespmem:s12+$0xFFFFFF00] =	vst v2;
	v0 =	vadd.f32 v7, v0;
	v1 =	vld [tilespmem:s13+$0x10]  }
0xf0: {  	v2 =	vld [tilespmem:s13+$0xFFFFFF10]  }
0xf1: {  	v0 =	vmax.f32 v0, $0.0e+00  }
0xf2: {  	v5 =	vadd.f32 v5, v8;
	[tilespmem:s12+$0x90] =	vst v0;
	v0 =	vld [tilespmem:s12+$0xA0]  }
0xf3: {  	v7 =	vld [tilespmem:s13+$0xA0]  }
0xf4: {  	v6 =	vld [tilespmem:s12+$0xFFFFFF20];
	v5 =	vmax.f32 v5, $0.0e+00;
	v1 =	vadd.f32 v1, v3  }
0xf5: {  	v2 =	vadd.f32 v2, v4;
	v8 =	vld [tilespmem:s12+$0xFFFFFFA0];
	[tilespmem:s12+$0xFFFFFF90] =	vst v5  }
0xf6: {  	v4 =	vld [tilespmem:s13+$0xFFFFFFA0];
	v1 =	vmax.f32 v1, $0.0e+00  }
0xf7: {  	v2 =	vmax.f32 v2, $0.0e+00;
	v3 =	vld [tilespmem:s12+$0x20];
	[tilespmem:s12+$0x10] =	vst v1  }
0xf8: {  	[tilespmem:s12+$0xFFFFFF10] =	vst v2;
	v0 =	vadd.f32 v7, v0;
	v1 =	vld [tilespmem:s13+$0x20]  }
0xf9: {  	v2 =	vld [tilespmem:s13+$0xFFFFFF20]  }
0xfa: {  	v0 =	vmax.f32 v0, $0.0e+00  }
0xfb: {  	v4 =	vadd.f32 v4, v8;
	[tilespmem:s12+$0xA0] =	vst v0;
	v0 =	vld [tilespmem:s12+$0xB0]  }
0xfc: {  	v7 =	vld [tilespmem:s13+$0xB0]  }
0xfd: {  	v9 =	vld [tilespmem:s12+$0x30];
	v4 =	vmax.f32 v4, $0.0e+00;
	v1 =	vadd.f32 v1, v3  }
0xfe: {  	v2 =	vadd.f32 v2, v6;
	v8 =	vld [tilespmem:s12+$0xFFFFFFB0];
	[tilespmem:s12+$0xFFFFFFA0] =	vst v4  }
0xff: {  	v3 =	vld [tilespmem:s13+$0xFFFFFFB0];
	v1 =	vmax.f32 v1, $0.0e+00  }
0x100: {  	v5 =	vld [tilespmem:s12+$0xFFFFFF30];
	[tilespmem:s12+$0x20] =	vst v1;
	v1 =	vmax.f32 v2, $0.0e+00  }
0x101: {  	v0 =	vadd.f32 v7, v0;
	[tilespmem:s12+$0xFFFFFF20] =	vst v1;
	v1 =	vld [tilespmem:s13+$0x30]  }
0x102: {  	v6 =	vld [tilespmem:s13+$0xFFFFFF30]  }
0x103: {  	v10 =	vld [tilespmem:s12+$0xFFFFFF40];
	v0 =	vmax.f32 v0, $0.0e+00  }
0x104: {  	v3 =	vadd.f32 v3, v8;
	[tilespmem:s12+$0xB0] =	vst v0;
	v0 =	vld [tilespmem:s12+$0xC0]  }
0x105: {  	v7 =	vld [tilespmem:s13+$0xC0]  }
0x106: {  	v11 =	vld [tilespmem:s12+$0xFFFFFFD0];
	v3 =	vmax.f32 v3, $0.0e+00;
	v1 =	vadd.f32 v1, v9  }
0x107: {  	v4 =	vld [tilespmem:s12+$0xFFFFFFC0];
	[tilespmem:s12+$0xFFFFFFB0] =	vst v3;
	v5 =	vadd.f32 v6, v5  }
0x108: {  	v6 =	vld [tilespmem:s13+$0xFFFFFFC0];
	v1 =	vmax.f32 v1, $0.0e+00  }
0x109: {  	v2 =	vld [tilespmem:s12+$0x40];
	[tilespmem:s12+$0x30] =	vst v1;
	v1 =	vmax.f32 v5, $0.0e+00  }
0x10a: {  	v0 =	vadd.f32 v7, v0;
	v5 =	vld [tilespmem:s13+$0x40];
	[tilespmem:s12+$0xFFFFFF30] =	vst v1  }
0x10b: {  	v1 =	vld [tilespmem:s13+$0xFFFFFF40]  }
0x10c: {  	v8 =	vld [tilespmem:s12+$0xFFFFFF50];
	v0 =	vmax.f32 v0, $0.0e+00  }
0x10d: {  	[tilespmem:s12+$0xC0] =	vst v0;
	v0 =	vadd.f32 v6, v4;
	v6 =	vld [tilespmem:s12+$0xD0]  }
0x10e: {  	v7 =	vld [tilespmem:s13+$0xD0]  }
0x10f: {  	v3 =	vld [tilespmem:s12+$0xFFFFFF60];
	v0 =	vmax.f32 v0, $0.0e+00;
	v2 =	vadd.f32 v5, v2  }
0x110: {  	v9 =	vld [tilespmem:s12+$0x50];
	[tilespmem:s12+$0xFFFFFFC0] =	vst v0;
	v0 =	vadd.f32 v1, v10  }
0x111: {  	v1 =	vld [tilespmem:s13+$0xFFFFFFD0];
	v2 =	vmax.f32 v2, $0.0e+00  }
0x112: {  	v4 =	vld [tilespmem:s12+$0xFFFFFFE0];
	[tilespmem:s12+$0x40] =	vst v2;
	v0 =	vmax.f32 v0, $0.0e+00  }
0x113: {  	v2 =	vld [tilespmem:s13+$0x50];
	v6 =	vadd.f32 v7, v6;
	[tilespmem:s12+$0xFFFFFF40] =	vst v0  }
0x114: {  	v0 =	vld [tilespmem:s13+$0xFFFFFF50]  }
0x115: {  	v5 =	vld [tilespmem:s12+$0x60];
	v6 =	vmax.f32 v6, $0.0e+00  }
0x116: {  	v1 =	vadd.f32 v1, v11;
	[tilespmem:s12+$0xD0] =	vst v6;
	v6 =	vld [tilespmem:s12+$0xE0]  }
0x117: {  	v10 =	vld [tilespmem:s13+$0xE0]  }
0x118: {  	v1 =	vmax.f32 v1, $0.0e+00;
	v7 =	vadd.f32 v2, v9;
	v2 =	vld [tilespmem:s12+$0xFFFFFF70]  }
0x119: {  	[tilespmem:s12+$0xFFFFFFD0] =	vst v1;
	v0 =	vadd.f32 v0, v8;
	v1 =	vld [tilespmem:s12+$0xFFFFFFF0]  }
0x11a: {  	v8 =	vmax.f32 v7, $0.0e+00;
	v7 =	vld [tilespmem:s13+$0xFFFFFFE0]  }
0x11b: {  	[tilespmem:s12+$0x50] =	vst v8;
	v8 =	vmax.f32 v0, $0.0e+00;
	v0 =	vld [tilespmem:s12+$0x70]  }
0x11c: {  	[tilespmem:s12+$0xFFFFFF50] =	vst v8;
	v8 =	vld [tilespmem:s13+$0x60];
	v6 =	vadd.f32 v10, v6  }
0x11d: {  	v9 =	vld [tilespmem:s13+$0xFFFFFF60]  }
0x11e: {  	s15 =	simm.s32 $0x4F00;
	s14 =	simm.s32 $0x0;
	s8 =	simm.s32 $0x7500;
	v10 =	vmax.f32 v6, $0.0e+00;
	v6 =	vld [tilespmem:s12+$0xF0]  }
.LBB2_6:
0x11f: {  	v11 =	vld [tilespmem:s15+$0x80];
	v4 =	vadd.f32 v7, v4;
	[tilespmem:s12+$0xE0] =	vst v10  }
0x120: {  	s8 =	sadd.s32 $0x200, s8;
	v7 =	vld [tilespmem:s13+$0xF0]  }
0x121: {  	s14 =	sadd.s32 $0x4, s14;
	v10 =	vld [tilespmem:s8+$0x80];
	v4 =	vmax.f32 v4, $0.0e+00;
	v5 =	vadd.f32 v8, v5  }
0x122: {  	p1 =	slt.u32 s14, $0x24;
	v8 =	vld [tilespmem:s8+$0xFFFFFF00];
	v3 =	vadd.f32 v9, v3;
	[tilespmem:s12+$0xFFFFFFE0] =	vst v4  }
0x123: {  	v4 =	vld [tilespmem:s15+$0xFFFFFF80];
	v5 =	vmax.f32 v5, $0.0e+00  }
0x124: {  	v9 =	vld [tilespmem:s8+$0xFFFFFF80];
	v3 =	vmax.f32 v3, $0.0e+00;
	[tilespmem:s12+$0x60] =	vst v5  }
0x125: {  	v5 =	vld [tilespmem:s15+$0x0];
	[tilespmem:s12+$0xFFFFFF60] =	vst v3;
	v3 =	vadd.f32 v7, v6  }
0x126: {  	v6 =	vld [tilespmem:s8+$0x0];
	v7 =	vadd.f32 v10, v11  }
0x127: {  	v10 =	vld [tilespmem:s15+$0xFFFFFF00];
	v3 =	vmax.f32 v3, $0.0e+00  }
0x128: {  	v11 =	vld [tilespmem:s15+$0xFFFFFF10];
	v7 =	vmax.f32 v7, $0.0e+00;
	[tilespmem:s12+$0xF0] =	vst v3  }
0x129: {  	v3 =	vadd.f32 v9, v4;
	[tilespmem:s15+$0x80] =	vst v7;
	v4 =	vld [tilespmem:s15+$0x90]  }
0x12a: {  	v7 =	vld [tilespmem:s8+$0x90]  }
0x12b: {  	v3 =	vmax.f32 v3, $0.0e+00;
	v9 =	vld [tilespmem:s15+$0xFFFFFF90];
	v5 =	vadd.f32 v6, v5  }
0x12c: {  	v6 =	vadd.f32 v8, v10;
	[tilespmem:s15+$0xFFFFFF80] =	vst v3;
	v3 =	vld [tilespmem:s15+$0x10]  }
0x12d: {  	v8 =	vld [tilespmem:s8+$0xFFFFFF90];
	v5 =	vmax.f32 v5, $0.0e+00  }
0x12e: {  	v6 =	vmax.f32 v6, $0.0e+00;
	v10 =	vld [tilespmem:s15+$0xFFFFFF20];
	[tilespmem:s15+$0x0] =	vst v5  }
0x12f: {  	[tilespmem:s15+$0xFFFFFF00] =	vst v6;
	v5 =	vld [tilespmem:s8+$0x10];
	v4 =	vadd.f32 v7, v4  }
0x130: {  	v6 =	vld [tilespmem:s8+$0xFFFFFF10]  }
0x131: {  	v7 =	vld [tilespmem:s15+$0xFFFFFFA0];
	v4 =	vmax.f32 v4, $0.0e+00  }
0x132: {  	v8 =	vadd.f32 v8, v9;
	[tilespmem:s15+$0x90] =	vst v4;
	v4 =	vld [tilespmem:s15+$0xA0]  }
0x133: {  	v9 =	vld [tilespmem:s8+$0xA0]  }
0x134: {  	v8 =	vmax.f32 v8, $0.0e+00;
	v3 =	vadd.f32 v5, v3;
	v5 =	vld [tilespmem:s15+$0x20]  }
0x135: {  	v6 =	vadd.f32 v6, v11;
	v11 =	vld [tilespmem:s15+$0xFFFFFF30];
	[tilespmem:s15+$0xFFFFFF90] =	vst v8  }
0x136: {  	v8 =	vld [tilespmem:s8+$0xFFFFFFA0];
	v3 =	vmax.f32 v3, $0.0e+00  }
0x137: {  	v6 =	vmax.f32 v6, $0.0e+00;
	v12 =	vld [tilespmem:s15+$0xFFFFFFB0];
	[tilespmem:s15+$0x10] =	vst v3  }
0x138: {  	[tilespmem:s15+$0xFFFFFF10] =	vst v6;
	v3 =	vld [tilespmem:s8+$0x20];
	v4 =	vadd.f32 v9, v4  }
0x139: {  	v6 =	vld [tilespmem:s8+$0xFFFFFF20]  }
0x13a: {  	v9 =	vld [tilespmem:s15+$0x30];
	v4 =	vmax.f32 v4, $0.0e+00  }
0x13b: {  	v7 =	vadd.f32 v8, v7;
	[tilespmem:s15+$0xA0] =	vst v4;
	v4 =	vld [tilespmem:s15+$0xB0]  }
0x13c: {  	v8 =	vld [tilespmem:s8+$0xB0]  }
0x13d: {  	v13 =	vld [tilespmem:s15+$0xFFFFFF40];
	v7 =	vmax.f32 v7, $0.0e+00;
	v3 =	vadd.f32 v3, v5  }
0x13e: {  	v5 =	vadd.f32 v6, v10;
	[tilespmem:s15+$0xFFFFFFA0] =	vst v7;
	v6 =	vld [tilespmem:s15+$0xFFFFFFC0]  }
0x13f: {  	v7 =	vld [tilespmem:s8+$0xFFFFFFB0];
	v3 =	vmax.f32 v3, $0.0e+00  }
0x140: {  	v5 =	vmax.f32 v5, $0.0e+00;
	[tilespmem:s15+$0x20] =	vst v3;
	v10 =	vld [tilespmem:s15+$0x40]  }
0x141: {  	[tilespmem:s15+$0xFFFFFF20] =	vst v5;
	v3 =	vld [tilespmem:s8+$0x30];
	v4 =	vadd.f32 v8, v4  }
0x142: {  	v5 =	vld [tilespmem:s8+$0xFFFFFF30]  }
0x143: {  	v8 =	vld [tilespmem:s15+$0xFFFFFF50];
	v4 =	vmax.f32 v4, $0.0e+00  }
0x144: {  	v7 =	vadd.f32 v7, v12;
	[tilespmem:s15+$0xB0] =	vst v4;
	v4 =	vld [tilespmem:s15+$0xC0]  }
0x145: {  	v12 =	vld [tilespmem:s8+$0xC0]  }
0x146: {  	v7 =	vmax.f32 v7, $0.0e+00;
	v14 =	vld [tilespmem:s15+$0xFFFFFFD0];
	v3 =	vadd.f32 v3, v9  }
0x147: {  	v5 =	vadd.f32 v5, v11;
	[tilespmem:s15+$0xFFFFFFB0] =	vst v7;
	v7 =	vld [tilespmem:s15+$0x50]  }
0x148: {  	v9 =	vld [tilespmem:s8+$0xFFFFFFC0];
	v11 =	vmax.f32 v3, $0.0e+00  }
0x149: {  	v5 =	vmax.f32 v5, $0.0e+00;
	v3 =	vld [tilespmem:s15+$0xFFFFFF60];
	[tilespmem:s15+$0x30] =	vst v11  }
0x14a: {  	[tilespmem:s15+$0xFFFFFF30] =	vst v5;
	v5 =	vld [tilespmem:s8+$0x40];
	v11 =	vadd.f32 v12, v4  }
0x14b: {  	v12 =	vld [tilespmem:s8+$0xFFFFFF40]  }
0x14c: {  	v4 =	vld [tilespmem:s15+$0xFFFFFFE0];
	v11 =	vmax.f32 v11, $0.0e+00  }
0x14d: {  	v6 =	vadd.f32 v9, v6;
	[tilespmem:s15+$0xC0] =	vst v11;
	v9 =	vld [tilespmem:s15+$0xD0]  }
0x14e: {  	v11 =	vld [tilespmem:s8+$0xD0]  }
0x14f: {  	v6 =	vmax.f32 v6, $0.0e+00;
	v10 =	vadd.f32 v5, v10;
	v5 =	vld [tilespmem:s15+$0x60]  }
0x150: {  	v12 =	vadd.f32 v12, v13;
	[tilespmem:s15+$0xFFFFFFC0] =	vst v6;
	v6 =	vld [tilespmem:s13+$0xFFFFFF70]  }
0x151: {  	v13 =	vld [tilespmem:s8+$0xFFFFFFD0];
	v10 =	vmax.f32 v10, $0.0e+00  }
0x152: {  	v12 =	vmax.f32 v12, $0.0e+00;
	[tilespmem:s15+$0x40] =	vst v10;
	v10 =	vld [tilespmem:s13+$0xFFFFFFF0]  }
0x153: {  	[tilespmem:s15+$0xFFFFFF40] =	vst v12;
	v12 =	vld [tilespmem:s8+$0x50];
	v9 =	vadd.f32 v11, v9  }
0x154: {  	v11 =	vld [tilespmem:s8+$0xFFFFFF50]  }
0x155: {  	v9 =	vmax.f32 v9, $0.0e+00;
	v2 =	vadd.f32 v6, v2;
	v6 =	vld [tilespmem:s13+$0x70];
	s13 =	smov.u32 s8  }
0x156: {  	v13 =	vadd.f32 v13, v14;
	[tilespmem:s15+$0xD0] =	vst v9;
	v9 =	vld [tilespmem:s15+$0xE0]  }
0x157: {  	v14 =	vld [tilespmem:s8+$0xE0];
	v15 =	vmax.f32 v2, $0.0e+00;
	v10 =	vadd.f32 v10, v1  }
0x158: {  	v2 =	vld [tilespmem:s15+$0xFFFFFF70];
	v1 =	vmax.f32 v13, $0.0e+00;
	v12 =	vadd.f32 v12, v7;
	[tilespmem:s12+$0xFFFFFF70] =	vst v15  }
0x159: {  	v8 =	vadd.f32 v11, v8;
	[tilespmem:s15+$0xFFFFFFD0] =	vst v1;
	v1 =	vld [tilespmem:s15+$0xFFFFFFF0];
	v10 =	vmax.f32 v10, $0.0e+00  }
.Ltmp1:
0x15a: {  	v7 =	vld [tilespmem:s8+$0xFFFFFFE0];
	v11 =	vmax.f32 v12, $0.0e+00;
	[tilespmem:s12+$0xFFFFFFF0] =	vst v10;
	v6 =	vadd.f32 v6, v0;
	(pc) =	sbr.rel @p1 .LBB2_6-.Ltmp1, $4  }
0x15b: {  	v8 =	vmax.f32 v8, $0.0e+00;
	[tilespmem:s15+$0x50] =	vst v11;
	v0 =	vld [tilespmem:s15+$0x70]  }
0x15c: {  	[tilespmem:s15+$0xFFFFFF50] =	vst v8;
	v8 =	vld [tilespmem:s8+$0x60];
	v10 =	vadd.f32 v14, v9;
	v6 =	vmax.f32 v6, $0.0e+00  }
0x15d: {  	v9 =	vld [tilespmem:s8+$0xFFFFFF60];
	[tilespmem:s12+$0x70] =	vst v6;
	s12 =	smov.u32 s15  }
0x15e: {  	s15 =	sadd.s32 $0x200, s15;
	v10 =	vmax.f32 v10, $0.0e+00;
	v6 =	vld [tilespmem:s12+$0xF0]  }
0x15f: {  	_ = 	snop  }
0x160: {  	v4 =	vadd.f32 v7, v4  }
0x161: {  	v5 =	vadd.f32 v8, v5  }
0x162: {  	[tilespmem:s12+$0xE0] =	vst v10;
	v4 =	vmax.f32 v4, $0.0e+00;
	v3 =	vadd.f32 v9, v3  }
0x163: {  	v58 =	vld [tilespmem:s13+$0xF0];
	[tilespmem:s12+$0xFFFFFFE0] =	vst v4;
	v59 =	vmax.f32 v5, $0.0e+00  }
0x164: {  	v61 =	vld [tilespmem:s13+$0xFFFFFFF0];
	v3 =	vmax.f32 v3, $0.0e+00;
	[tilespmem:s12+$0x60] =	vst v59  }
0x165: {  	[tilespmem:s12+$0xFFFFFF60] =	vst v3;
	v62 =	vld [tilespmem:s13+$0x70]  }
0x166: {  	v60 =	vld [tilespmem:s13+$0xFFFFFF70];
	_ =	sdelay $0x1  }
0x167: {  	v6 =	vadd.f32 v58, v6  }
0x168: {  	s1 =	sadd.s32 $0x1, s1;
	v1 =	vadd.f32 v61, v1  }
0x169: {  	p1 =	sne.s32 s1, $0x19;
	v63 =	vmax.f32 v6, $0.0e+00;
	v0 =	vadd.f32 v62, v0  }
.Ltmp2:
0x16a: {  	[tilespmem:s12+$0xF0] =	vst v63;
	v1 =	vmax.f32 v1, $0.0e+00;
	v2 =	vadd.f32 v60, v2;
	(pc) =	sbr.rel @p1 .LBB2_3-.Ltmp2, $4  }
0x16b: {  	[tilespmem:s12+$0xFFFFFFF0] =	vst v1;
	v0 =	vmax.f32 v0, $0.0e+00  }
0x16c: {  	v2 =	vmax.f32 v2, $0.0e+00;
	[tilespmem:s12+$0x70] =	vst v0  }
0x16d: {  	s8 =	sadd.s32 $0x1C00, s9;
	[tilespmem:s12+$0xFFFFFF70] =	vst v2  }
0x16e: {  	[spmem:s2] =	stream.indirect.scatter.add.f32 [tilespmem:s22], [sflag:$0x6], $0x80, s8, s19, $0xb8;
	[tilespmem:$0x1C080] =	vst v63  }
0x16f: {  	s0 =	sadd.s32 $0x1, s0  }
0x170: {  	p1 =	sne.s32 s0, $0x5  }
.Ltmp3:
0x171: {  	_ = 	snop;
	(pc) =	sbr.rel @p1 .LBB2_2-.Ltmp3, $1  }
0x172: {  	_ =	sdelay $0x3  }
0x173: {  	s0 =	simm.s32 $0x6  }
0x174: {  	_ =	swait.ge [sflag:s0], $0x1400  }
0x175: {  	[sflag:s0] =	ssyncset.done $0x0  }
0x176: {  	[sflag:s0] =	ssyncadd.s32 $0xFFFFEC00  }
0x177: {  	[bflag:$0x0] =	sbarrier.arrive $0xFFFF  }
0x178: {  	s15 =	rddreg [dreg:$0x4]  }
0x179: {  	s30 =	rddreg [dreg:$0x6]  }
0x17a: {  	s7 =	rddreg [dreg:$0x9]  }
0x17b: {  	[hbm:s30], [sflag:s15] =	dma.local [spmem:s7], $0x2700  }
0x17c: {  	_ =	swait.ge [sflag:s16], $0x2700  }
0x17d: {  	[sflag:s16] =	ssyncset.done $0x0;
	s0 =	rddreg [dreg:$0x7]  }
0x17e: {  	s8 =	rddreg [dreg:$0xa];
	[sflag:s16] =	ssyncadd.s32 $0xFFFFD900  }
0x17f: {  	[hbm:s0], [sflag:s15] =	dma.local @!p0 [spmem:s8], $0x100  }
0x180: {  	s0 =	simm.s32 @!p0 $0x7  }
0x181: {  	_ =	swait.ge @!p0 [sflag:s0], $0x100  }
0x182: {  	s31 =	sadd.s32 $0x1, s31;
	s1 =	rddreg [dreg:$0x8]  }
0x183: {  	p1 =	sne.s32 s31, s1  }
.Ltmp4:
0x184: {  	_ = 	snop;
	(pc) =	sbr.rel @p1 .LBB2_1-.Ltmp4, $3  }
0x185: {  	_ =	sdelay $0x1  }
0x186: {  	[sflag:s0] =	ssyncset.done @!p0 $0x0  }
0x187: {  	[sflag:s0] =	ssyncadd.s32 @!p0 $0xFFFFFF00  }
0x188: {  	_ =	sfence.sel $0x180000  }
0x189: {  	[bflag:$0x0] =	sbarrier.arrive $0xFFFF  }
0x18a: {  	_ =	strace $0x9000004A  }
0x18b: {  	s0 =	stileid.u32;
	[bflag:$0x2] =	sbarrier.arrive $0xFFFF  }
0x18c: {  	p0 =	sne.s32 s0, $0x0;
	s0 =	rddreg [dreg:$0x2]  }
0x18d: {  	s0 =	sadd.s32 @!p0 $0x100000, s0  }
0x18e: {  	[sflag:s0] =	ssyncadd.tile.s32 @!p0 $0x1;
	_ =	shalt  }
.Lfunc_end2:
_tile_overlayer_lowered:
.L_overlay_start_2:
0x18f: {  	(tag) =	ssettag $0x2  }
0x190: {  	s0 =	rddreg [dreg:$0x0];
	s2 =	stileid.u32  }
0x191: {  	s1 =	rddreg [dreg:$0x1];
	p0 =	sne.s32 s2, $0x0  }
0x192: {  	s3 =	rddreg [dreg:$0x2];
	[bflag:$0x3] =	sbarrier.arrive $0xFFFF;
	s2 =	simm.s32 @!p0 $0x1C07  }
0x193: {  	[timem:s3], [sflag:s2] =	dma.local @!p0 [hbm:s0], s1  }
0x194: {  	s0 =	simm.s32 @!p0 $0x7  }
0x195: {  	_ =	swait.ge @!p0 [sflag:s0], s1  }
0x196: {  	s1 =	ssub.s32 @!p0 $0x0, s1;
	[sflag:s0] =	ssyncset.done @!p0 $0x0  }
0x197: {  	[sflag:s0] =	ssyncadd.s32 @!p0 s1  }
0x198: {  	[bflag:$0x3] =	sbarrier.arrive $0xFFFF  }
0x199: {  	_ =	shalt  }

// kernel: kernel.22.cloned.1.call-start
scs
__scs_entry_jumppad:
0x0: {  	(pc) =	sbr.rel $0x88, $3  }
0x1: {  	(tag) =	ssettag $0x0;
	lr =	simm.s32 $0x1  }
0x2: {  	[smem:$0x3F86] =	sst lr;
	_ =	strace $0xD0000000  }
0x3: {  	_ = 	snop  }
0x4: {  	_ = 	snop  }
0x5: {  	_ = 	snop  }
0x6: {  	_ = 	snop  }
0x7: {  	_ = 	snop  }
__scs_overlays_trampoline_lowered:
0x8: {  	[smem:$0x3F95] =	sst s0  }
0x9: {  	[smem:$0x3F96] =	sst s1  }
0xa: {  	[smem:$0x3F97] =	sst s2  }
0xb: {  	[smem:$0x3F98] =	sst s3  }
0xc: {  	[smem:$0x3F99] =	sst s4  }
0xd: {  	[smem:$0x3F9A] =	sst s5  }
0xe: {  	[smem:$0x3F9B] =	sst s6  }
0xf: {  	[smem:$0x3F9C] =	sst s7  }
0x10: {  	[smem:$0x3F9D] =	sst s8  }
0x11: {  	[smem:$0x3F9E] =	sst s9;
	s0 =	simm.s32 @!p0 $0x0  }
0x12: {  	s1 =	sld [smem:$0x3F84];
	s0 =	simm.s32 @p0 $0x1  }
0x13: {  	[smem:$0x3F9F] =	sst s0;
	s0 =	simm.s32 @!p1 $0x0  }
0x14: {  	s2 =	sld [smem:$0x3F83];
	s0 =	simm.s32 @p1 $0x1  }
0x15: {  	[smem:$0x3FA0] =	sst s0;
	s0 =	simm.s32 @!p2 $0x0  }
0x16: {  	s3 =	sld [smem:$0x3FDB];
	s0 =	simm.s32 @p2 $0x1  }
0x17: {  	s4 =	simm.s32 $0x1BF5;
	[smem:$0x3FA2] =	sst s0  }
0x18: {  	s0 =	sld [smem:$0x3F85];
	_ =	swait.ge [sflag:s4], $0x0  }
0x19: {  	s7 =	sld [smem:$0x3F86]  }
0x1a: {  	s8 =	sadd.s32 $0xFFFFE003, lr  }
0x1b: {  	s9 =	sadd.s32 $0xFFFFFEF7, lr;
	s5 =	simm.s32 $0xFFFFFFFF;
	p2 =	slt.u32 s8, $0xFFFFF086  }
0x1c: {  	p1 =	slt.u32 s9, $0xF7A;
	s5 =	simm.s32 @!p2 $0x0  }
0x1d: {  	s5 =	simm.s32 @p1 $0x1;
	p0 =	seq.s32 s7, s2  }
0x1e: {  	s7 =	smul.u32 @!p0 $0xF7A, s2;
	p2 =	seq.s32 @!p0 s5, $0x0  }
0x1f: {  	s9 =	smul.u32 $0xF7A, s1;
	s8 =	simm.s32 @!p0 $0x1BF5;
	p2 =	por !p2, p0  }
0x20: {  	[sflag:s8] =	ssyncset.s32 @!p0 $0xFFFFF086;
	s6 =	sadd.s32 @!p0 s3, s7;
	s7 =	simm.s32 @!p0 $0x108  }
0x21: {  	s3 =	sadd.s32 s3, s9;
	s6 =	sadd.s32 @!p0 $0x88, s6;
	s7 =	simm.s32 @p2 $0x1082  }
0x22: {  	[simem:s7], [sflag:s8] =	dma.local @!p0 [hbm:s6], $0xF7A  }
0x23: {  	s9 =	sor.u32 $0xD0000000, s2;
	s6 =	simm.s32 $0x108;
	_ =	swait.ge @!p0 [sflag:s8], $0x0  }
0x24: {  	s3 =	sadd.s32 $0x88, s3;
	s6 =	simm.s32 @!p1 $0x1082;
	[sflag:s4] =	ssyncset.s32 $0xFFFFF086  }
0x25: {  	[simem:s6], [sflag:s4] =	dma.local [hbm:s3], $0xF7A  }
0x26: {  	[smem:$0x3F86] =	sst s1;
	(tag) =	ssettag s2;
	_ =	strace s9  }
0x27: {  	s1 =	sld [smem:$0x3F96]  }
0x28: {  	s2 =	sld [smem:$0x3F97]  }
0x29: {  	s4 =	sld [smem:$0x3F99]  }
0x2a: {  	p0 =	seq.s32 s5, $0x0;
	s5 =	sld [smem:$0x3F9A]  }
0x2b: {  	s6 =	sld [smem:$0x3F9B]  }
0x2c: {  	s7 =	sld [smem:$0x3F9C]  }
0x2d: {  	s3 =	simm.s32 $0x108;
	s8 =	sld [smem:$0x3F9D]  }
0x2e: {  	s3 =	simm.s32 @!p0 $0x1082;
	s9 =	sld [smem:$0x3F9E]  }
0x2f: {  	lr =	sadd.s32 s0, s3;
	s0 =	sld [smem:$0x3F95]  }
0x30: {  	s3 =	sld [smem:$0x3F98]  }
0x31: {  	[smem:$0x3FA1] =	sst s10  }
0x32: {  	s10 =	sld [smem:$0x3F9F];
	_ =	sdelay $0x3  }
0x33: {  	p0 =	seq.s32 s10, $0x1;
	s10 =	sld [smem:$0x3FA1];
	_ =	sdelay $0x3  }
0x34: {  	[smem:$0x3FA1] =	sst s10  }
0x35: {  	s10 =	sld [smem:$0x3FA0];
	_ =	sdelay $0x3  }
0x36: {  	p1 =	seq.s32 s10, $0x1;
	s10 =	sld [smem:$0x3FA1];
	_ =	sdelay $0x3  }
0x37: {  	[smem:$0x3FA1] =	sst s10  }
0x38: {  	s10 =	sld [smem:$0x3FA2]  }
0x39: {  	_ = 	snop;
	(pc) =	sbr.ind lr, $3  }
0x3a: {  	_ = 	snop  }
0x3b: {  	_ = 	snop  }
0x3c: {  	p2 =	seq.s32 s10, $0x1;
	s10 =	sld [smem:$0x3FA1]  }
0x3d: {  	_ =	shalt  }
0x3e: {  	_ =	shalt  }
0x3f: {  	_ =	shalt  }
0x40: {  	_ =	shalt  }
0x41: {  	_ =	shalt  }
0x42: {  	_ =	shalt  }
0x43: {  	_ =	shalt  }
0x44: {  	_ =	shalt  }
0x45: {  	_ =	shalt  }
0x46: {  	_ =	shalt  }
0x47: {  	_ =	shalt  }
0x48: {  	_ =	shalt  }
0x49: {  	_ =	shalt  }
0x4a: {  	_ =	shalt  }
0x4b: {  	_ =	shalt  }
0x4c: {  	_ =	shalt  }
0x4d: {  	_ =	shalt  }
0x4e: {  	_ =	shalt  }
0x4f: {  	_ =	shalt  }
0x50: {  	_ =	shalt  }
0x51: {  	_ =	shalt  }
0x52: {  	_ =	shalt  }
0x53: {  	_ =	shalt  }
0x54: {  	_ =	shalt  }
0x55: {  	_ =	shalt  }
0x56: {  	_ =	shalt  }
0x57: {  	_ =	shalt  }
0x58: {  	_ =	shalt  }
0x59: {  	_ =	shalt  }
0x5a: {  	_ =	shalt  }
0x5b: {  	_ =	shalt  }
0x5c: {  	_ =	shalt  }
0x5d: {  	_ =	shalt  }
0x5e: {  	_ =	shalt  }
0x5f: {  	_ =	shalt  }
0x60: {  	_ =	shalt  }
0x61: {  	_ =	shalt  }
0x62: {  	_ =	shalt  }
0x63: {  	_ =	shalt  }
0x64: {  	_ =	shalt  }
0x65: {  	_ =	shalt  }
0x66: {  	_ =	shalt  }
0x67: {  	_ =	shalt  }
0x68: {  	_ =	shalt  }
0x69: {  	_ =	shalt  }
0x6a: {  	_ =	shalt  }
0x6b: {  	_ =	shalt  }
0x6c: {  	_ =	shalt  }
0x6d: {  	_ =	shalt  }
0x6e: {  	_ =	shalt  }
0x6f: {  	_ =	shalt  }
0x70: {  	_ =	shalt  }
0x71: {  	_ =	shalt  }
0x72: {  	_ =	shalt  }
0x73: {  	_ =	shalt  }
0x74: {  	_ =	shalt  }
0x75: {  	_ =	shalt  }
0x76: {  	_ =	shalt  }
0x77: {  	_ =	shalt  }
0x78: {  	_ =	shalt  }
0x79: {  	_ =	shalt  }
0x7a: {  	_ =	shalt  }
0x7b: {  	_ =	shalt  }
0x7c: {  	_ =	shalt  }
0x7d: {  	_ =	shalt  }
0x7e: {  	_ =	shalt  }
0x7f: {  	_ =	shalt  }
0x80: {  	_ =	shalt  }
0x81: {  	_ =	shalt  }
0x82: {  	_ =	shalt  }
0x83: {  	_ =	shalt  }
0x84: {  	_ =	shalt  }
0x85: {  	_ =	shalt  }
0x86: {  	_ =	shalt  }
0x87: {  	_ =	shalt  }
.Lfunc_end0:
.L_simem_size_0:
called_computation.2_lowered:
.L_overlay_start_0:
0x88: {  	s2 =	sld [smem:$0x3FD9]  }
0x89: {  	s3 =	sld [smem:$0x3FFE];
	_ =	sdelay $0x1  }
0x8a: {  	s1 =	srdreg.scid  }
0x8b: {  	s0 =	sand.u32 $0x1, s1  }
0x8c: {  	s16 =	sshll.u32 s0, $0xA;
	s2 =	sadd.s32 s3, s2  }
0x8d: {  	s2 =	sadd.s32 s2, s16  }
0x8e: {  	[smem:$0x3FAD] =	sst s2  }
0x8f: {  	_ = 	snop  }
0x90: {  	(tm) =	ssettm $0x1  }
0x91: {  	s17 =	sld [smem:$0x3FFB];
	_ =	sdelay $0x3  }
0x92: {  	_ =	strace s17  }
0x93: {  	s2 =	sld [smem:$0x3FFC];
	_ =	sdelay $0x3  }
0x94: {  	_ =	strace s2  }
0x95: {  	s2 =	sld [smem:$0x3FFD];
	_ =	sdelay $0x3  }
0x96: {  	_ =	strace s2  }
0x97: {  	_ =	strace $0x8FFFFFFF  }
0x98: {  	s18 =	sld [smem:$0x3FDB];
	_ =	sdelay $0x1  }
0x99: {  	s19 =	simm.s32 $_scs_section_size  }
0x9a: {  	s4 =	simm.s32 $_size__tile_overlayer_lowered;
	s5 =	simm.s32 $_tile_overlayer_lowered  }
0x9b: {  	s22 =	simm.s32 $0x1BFF;
	s21 =	sshll.u32 s5, $0x1;
	s2 =	sadd.s32 s19, s18  }
0x9c: {  	s6 =	simm.s32 $0x0;
	s20 =	sshll.u32 s4, $0x1;
	s4 =	sadd.s32 s21, s2  }
0x9d: {  	[timem:s6], [sflag:s22] =	dma.local [hbm:s4], s20  }
0x9e: {  	_ =	swait.ge [sflag:s22], s20  }
0x9f: {  	s3 =	ssub.s32 $0x0, s20;
	[sflag:s22] =	ssyncset.done $0x0  }
0xa0: {  	[sflag:s22] =	ssyncadd.s32 s3;
	_ =	sdelay $0x1  }
0xa1: {  	s23 =	simm.s32 $0x1B8B  }
0xa2: {  	_ =	swait.ge [sflag:s23], $0x1  }
0xa3: {  	[sflag:s23] =	ssyncset.done $0x0  }
0xa4: {  	s25 =	simm.s32 $0x1B8E;
	s24 =	sld [smem:$0x3FFE];
	[sflag:s23] =	ssyncadd.s32 $0xFFFFFFFF  }
0xa5: {  	s26 =	simm.s32 $execute0_lowered;
	[smem:$0x3FD2] =	sst s25  }
0xa6: {  	s4 =	sshll.u32 s26, $0x1;
	_ =	strace $0x8000004C;
	[dreg:$0x1] =	wrdreg $0xFFFFFFFF  }
0xa7: {  	s28 =	simm.s32 $_size_execute0_lowered;
	s2 =	sadd.s32 s2, s4;
	[dreg:$0x0] =	wrdreg $0x0  }
0xa8: {  	s4 =	sshll.u32 s28, $0x1;
	[dreg:$0x2] =	wrdreg s2  }
0xa9: {  	[dreg:$0x3] =	wrdreg s4  }
0xaa: {  	[dreg:$0x4] =	wrdreg $0xC0  }
0xab: {  	_ =	task [dreg:s6], $0x5FFFF  }
0xac: {  	[dreg:$0x1] =	wrdreg $0xFFFFFFFF  }
0xad: {  	[dreg:$0x0] =	wrdreg $0x60  }
0xae: {  	[dreg:$0x2] =	wrdreg s24  }
0xaf: {  	[dreg:$0x3] =	wrdreg $0x88000  }
0xb0: {  	[dreg:$0x4] =	wrdreg $0x9  }
0xb1: {  	_ =	task.clear_ibuf [dreg:s6], $0x5FFFF;
	_ =	strace $0x9000004C  }
0xb2: {  	s29 =	simm.s32 $0x9;
	_ =	strace $0x8000004E  }
0xb3: {  	_ =	swait.ge [sflag:s29], $0x1  }
0xb4: {  	[sflag:s29] =	ssyncadd.s32 $0xFFFFFFFF  }
0xb5: {  	_ =	strace $0x9000004E  }
0xb6: {  	_ =	sfence  }
0xb7: {  	s30 =	sld [smem:$0x0];
	_ =	sdelay $0x2  }
0xb8: {  	s31 =	sshll.u32 s1, $0xD;
	s1 =	sshrl.u32 s1, $0x2  }
0xb9: {  	s3 =	sand.u32 $0x4000, s31;
	s1 =	sadd.s32 s1, s30  }
0xba: {  	s0 =	sor.u32 s3, s0;
	s1 =	sshll.u32 s1, $0x11  }
0xbb: {  	s0 =	sor.u32 s1, s0  }
0xbc: {  	s0 =	sadd.s32 $0x8F2B, s0  }
0xbd: {  	[sflag:s0] =	ssyncadd.remote.s32 $0x1  }
0xbe: {  	_ =	sfence.sel $0xFFFF  }
0xbf: {  	[dreg:$0x0] =	wrdreg $0xFFFFFFFF;
	(pc) =	sbr.abs _section_cstart, $3  }
0xc0: {  	[dreg:$0x1] =	wrdreg $0xFFFFFFFF  }
0xc1: {  	_ =	task.clear_ibuf [dreg:s6], $0x2FFFF;
	_ =	strace $0x9FFFFFFF  }
0xc2: {  	(tm) =	ssettm $0x7FFFFFFF  }
0xc3: {  	_ =	shalt  }
tec
execute0_lowered:
.L_overlay_start_1:
0x0: {  	(tag) =	ssettag $0x1  }
0x1: {  	s0 =	rddreg [dreg:$0x0]  }
0x2: {  	s2 =	rddreg [dreg:$0x1]  }
0x3: {  	s3 =	simm.s32 $0x0;
	s14 =	stileid.u32;
	s7 =	srdreg.scid  }
0x4: {  	s16 =	simm.s32 $0x7;
	s18 =	simm.s32 $0x1C00;
	s19 =	simm.s32 $0x28  }
0x5: {  	s20 =	simm.s32 $0x3800;
	s28 =	simm.s32 $0x2;
	s29 =	simm.s32 $0x4  }
0x6: {  	s31 =	simm.s32 $0x0;
	[smem:$0x7FF] =	sst s3;
	s1 =	smul.u32 $0x13800, s14  }
0x7: {  	s4 =	sadd.s32 $0x4CE00, s0;
	s5 =	sadd.s32 $0xAAD400, s0;
	s6 =	sadd.s32 $0x6E00, s0  }
0x8: {  	s7 =	sand.u32 $0x1, s7;
	s10 =	smul.u32 $0x4E000, s14;
	s12 =	sadd.s32 $0x74000, s0  }
0x9: {  	s13 =	sshll.u32 s14, $0x1;
	s23 =	sshll.u32 s14, $0x6;
	p0 =	sne.s32 s14, $0xF  }
0xa: {  	_ =	strace $0x8000004D;
	s9 =	ssub.s32 $0x2, s7;
	s21 =	sor.u32 s7, s13  }
0xb: {  	s7 =	smul.u32 $0x138800, s7;
	s15 =	sor.u32 $0x1C07, s23;
	s23 =	simm.s32 $0x7400  }
0xc: {  	s8 =	sshrl.u32 s1, $0x3;
	s11 =	sshrl.u32 s9, $0x1;
	s10 =	sshrl.u32 s10, $0x2  }
0xd: {  	[dreg:$0x4] =	wrdreg s15;
	s8 =	sadd.s32 s8, s0;
	s9 =	ssub.s32 s9, s11  }
0xe: {  	s22 =	sadd.s32 s10, s2;
	s0 =	sadd.s32 $0x57D000, s0;
	s10 =	smul.u32 $0x8C00, s21  }
0xf: {  	s24 =	sadd.s32 s1, s7;
	s25 =	sshrl.u32 s7, $0x3;
	s11 =	smul.u32 $0x2710, s21  }
0x10: {  	s21 =	simm.s32 $0x6000;
	s8 =	sadd.s32 $0x556000, s8;
	[dreg:$0x5] =	wrdreg s0  }
0x11: {  	s0 =	sshrl.u32 s24, $0x3;
	s30 =	smax.u32 s9, $0x1;
	[dreg:$0x3] =	wrdreg s8  }
0x12: {  	s1 =	sadd.s32 s12, s25;
	s7 =	sshrl.u32 s22, $0x3;
	[dreg:$0x8] =	wrdreg s30  }
0x13: {  	s22 =	simm.s32 $0x4C00;
	s0 =	sadd.s32 s12, s0;
	[dreg:$0x9] =	wrdreg s7  }
0x14: {  	s8 =	sadd.s32 $0x138000, s2;
	s26 =	sadd.s32 $0x27000, s1;
	[dreg:$0x6] =	wrdreg s0  }
0x15: {  	s24 =	simm.s32 $0x1;
	[dreg:$0x7] =	wrdreg s26;
	s8 =	sshrl.u32 @!p0 s8, $0x3  }
0x16: {  	s25 =	simm.s32 $0x3;
	s26 =	simm.s32 $0x5;
	[dreg:$0xa] =	wrdreg s8  }
.LBB2_1:
0x17: {  	s0 =	rddreg [dreg:$0x3]  }
0x18: {  	[spmem:s7], [sflag:s15] =	dma.local [hbm:s0], $0x2700  }
0x19: {  	_ =	swait.ge [sflag:s16], $0x2700  }
0x1a: {  	[sflag:s16] =	ssyncset.done $0x0  }
0x1b: {  	s0 =	rddreg [dreg:$0x5];
	[sflag:s16] =	ssyncadd.s32 $0xFFFFD900  }
0x1c: {  	[spmem:s8], [sflag:s15] =	dma.local @!p0 [hbm:s0], $0x100  }
0x1d: {  	s0 =	simm.s32 @!p0 $0x7  }
0x1e: {  	_ =	swait.ge @!p0 [sflag:s0], $0x100  }
0x1f: {  	[sflag:s0] =	ssyncset.done @!p0 $0x0  }
0x20: {  	[sflag:s0] =	ssyncadd.s32 @!p0 $0xFFFFFF00  }
0x21: {  	s0 =	simm.s32 $0x0;
	[bflag:$0x0] =	sbarrier.arrive $0xFFFF  }
.LBB2_2:
0x22: {  	p1 =	seq.s32 s0, $0x0;
	s1 =	smul.u32 $0x1C00, s0  }
0x23: {  	s7 =	simm.s32 @!p1 $0x6  }
0x24: {  	_ =	swait.ge @!p1 [sflag:s7], $0x1400;
	s1 =	sadd.s32 s10, s1  }
0x25: {  	[sflag:s7] =	ssyncset.done @!p1 $0x0;
	s1 =	sshrl.u32 s1, $0x3  }
0x26: {  	[sflag:s7] =	ssyncadd.s32 @!p1 $0xFFFFEC00;
	s17 =	sadd.s32 s6, s1;
	s1 =	simm.s32 $0x0  }
0x27: {  	[tilespmem:s1], [sflag:$0x7] =	stream.linear.gather [hbm4b:s17+s1], $0x1900, $0x38;
	[tilespmem:$0x1C080] =	vst v63  }
0x28: {  	_ =	swait.ge [sflag:s16], $0x1900  }
0x29: {  	[sflag:s16] =	ssyncset.done $0x0  }
0x2a: {  	s30 =	smul.u32 $0x7D0, s0;
	s7 =	sadd.s32 $0x23000, s17;
	[sflag:s16] =	ssyncadd.s32 $0xFFFFE700  }
0x2b: {  	[tilespmem:s18], [sflag:$0x7] =	stream.linear.gather [hbm4b:s7+s1], $0x1900, $0x38;
	[tilespmem:$0x1C080] =	vst v63  }
0x2c: {  	_ =	swait.ge [sflag:s16], $0x1900  }
0x2d: {  	s7 =	sadd.s32 s11, s30;
	[sflag:s16] =	ssyncset.done $0x0  }
0x2e: {  	s7 =	sshll.u32 s7, $0x4;
	[sflag:s16] =	ssyncadd.s32 $0xFFFFE700  }
0x2f: {  	[tilespmem:s20], [sflag:$0x1] =	stream.indirect.gather [hbm4b:s4+s19], $0x80, s1, s19, $0xb8;
	[tilespmem:$0x1C080] =	vst v63  }
0x30: {  	s7 =	sadd.s32 s5, s7  }
0x31: {  	[tilespmem:s21], [sflag:$0x3] =	stream.linear.gather [hbm4b:s7+s1], $0x1400, $0x38;
	[tilespmem:$0x1C080] =	vst v63  }
0x32: {  	s7 =	smul.u32 $0x32, s0  }
.LBB2_3:
0x33: {  	p1 =	seq.s32 s1, $0x0  }
0x34: {  	s12 =	sshll.u32 s1, $0x1;
	s8 =	simm.s32 @!p1 $0x6  }
0x35: {  	s13 =	sor.u32 $0x1, s12;
	_ =	swait.ge @!p1 [sflag:s8], $0x1400  }
0x36: {  	s9 =	sshll.u32 s13, $0x9;
	s14 =	sadd.s32 s7, s13;
	[sflag:s8] =	ssyncset.done @!p1 $0x0  }
0x37: {  	s9 =	sshrl.u32 s9, $0x2;
	s17 =	smul.u32 $0x28, s14;
	[sflag:s8] =	ssyncadd.s32 @!p1 $0xFFFFEC00  }
0x38: {  	[tilespmem:s22], [sflag:$0x2] =	stream.indirect.gather [hbm4b:s4+s19], $0x80, s9, s19, $0xb8;
	[tilespmem:$0x1C080] =	vst v63  }
0x39: {  	s8 =	sadd.s32 s11, s17  }
0x3a: {  	s8 =	sshll.u32 s8, $0x4  }
0x3b: {  	s8 =	sadd.s32 s5, s8  }
0x3c: {  	[tilespmem:s23], [sflag:$0x4] =	stream.linear.gather [hbm4b:s8+s3], $0x1400, $0x38;
	[tilespmem:$0x1C080] =	vst v63  }
0x3d: {  	_ =	swait.ge [sflag:s24], $0x1400  }
0x3e: {  	[sflag:s24] =	ssyncset.done $0x0  }
0x3f: {  	[sflag:s24] =	ssyncadd.s32 $0xFFFFEC00  }
0x40: {  	_ =	swait.ge [sflag:s25], $0x1400  }
0x41: {  	[sflag:s25] =	ssyncset.done $0x0  }
0x42: {  	s14 =	simm.s32 $0x3900;
	[sflag:s25] =	ssyncadd.s32 $0xFFFFEC00  }
0x43: {  	s30 =	simm.s32 $0x6100;
	v0 =	vld [tilespmem:s14+$0x80]  }
0x44: {  	v1 =	vld [tilespmem:s30+$0x80]  }
0x45: {  	v2 =	vld [tilespmem:s30+$0xFFFFFF00]  }
0x46: {  	v3 =	vld [tilespmem:s14+$0xFFFFFF80]  }
0x47: {  	v4 =	vld [tilespmem:s30+$0xFFFFFF80]  }
0x48: {  	v5 =	vld [tilespmem:s30+$0x0]  }
0x49: {  	v0 =	vadd.f32 v1, v0;
	v1 =	vld [tilespmem:s14+$0x0]  }
0x4a: {  	v6 =	vld [tilespmem:s14+$0xFFFFFF00]  }
0x4b: {  	v0 =	vmax.f32 v0, $0.0e+00  }
0x4c: {  	v3 =	vadd.f32 v4, v3;
	[tilespmem:s14+$0x80] =	vst v0;
	v0 =	vld [tilespmem:s14+$0x90]  }
0x4d: {  	v7 =	vld [tilespmem:s30+$0x90]  }
0x4e: {  	v8 =	vld [tilespmem:s14+$0xFFFFFF90];
	v3 =	vmax.f32 v3, $0.0e+00;
	v1 =	vadd.f32 v5, v1  }
0x4f: {  	v4 =	vld [tilespmem:s14+$0xFFFFFF10];
	v2 =	vadd.f32 v2, v6;
	[tilespmem:s14+$0xFFFFFF80] =	vst v3  }
0x50: {  	v5 =	vld [tilespmem:s30+$0xFFFFFF90];
	v1 =	vmax.f32 v1, $0.0e+00  }
0x51: {  	v2 =	vmax.f32 v2, $0.0e+00;
	v3 =	vld [tilespmem:s14+$0x10];
	[tilespmem:s14+$0x0] =	vst v1  }
0x52: {  	[tilespmem:s14+$0xFFFFFF00] =	vst v2;
	v0 =	vadd.f32 v7, v0;
	v1 =	vld [tilespmem:s30+$0x10]  }
0x53: {  	v2 =	vld [tilespmem:s30+$0xFFFFFF10]  }
0x54: {  	v0 =	vmax.f32 v0, $0.0e+00  }
0x55: {  	v5 =	vadd.f32 v5, v8;
	[tilespmem:s14+$0x90] =	vst v0;
	v0 =	vld [tilespmem:s14+$0xA0]  }
0x56: {  	v7 =	vld [tilespmem:s30+$0xA0]  }
0x57: {  	v6 =	vld [tilespmem:s14+$0xFFFFFF20];
	v5 =	vmax.f32 v5, $0.0e+00;
	v1 =	vadd.f32 v1, v3  }
0x58: {  	v2 =	vadd.f32 v2, v4;
	v8 =	vld [tilespmem:s14+$0xFFFFFFA0];
	[tilespmem:s14+$0xFFFFFF90] =	vst v5  }
0x59: {  	v4 =	vld [tilespmem:s30+$0xFFFFFFA0];
	v1 =	vmax.f32 v1, $0.0e+00  }
0x5a: {  	v2 =	vmax.f32 v2, $0.0e+00;
	v3 =	vld [tilespmem:s14+$0x20];
	[tilespmem:s14+$0x10] =	vst v1  }
0x5b: {  	[tilespmem:s14+$0xFFFFFF10] =	vst v2;
	v0 =	vadd.f32 v7, v0;
	v1 =	vld [tilespmem:s30+$0x20]  }
0x5c: {  	v2 =	vld [tilespmem:s30+$0xFFFFFF20]  }
0x5d: {  	v0 =	vmax.f32 v0, $0.0e+00  }
0x5e: {  	v4 =	vadd.f32 v4, v8;
	[tilespmem:s14+$0xA0] =	vst v0;
	v0 =	vld [tilespmem:s14+$0xB0]  }
0x5f: {  	v7 =	vld [tilespmem:s30+$0xB0]  }
0x60: {  	v9 =	vld [tilespmem:s14+$0x30];
	v4 =	vmax.f32 v4, $0.0e+00;
	v1 =	vadd.f32 v1, v3  }
0x61: {  	v2 =	vadd.f32 v2, v6;
	v8 =	vld [tilespmem:s14+$0xFFFFFFB0];
	[tilespmem:s14+$0xFFFFFFA0] =	vst v4  }
0x62: {  	v3 =	vld [tilespmem:s30+$0xFFFFFFB0];
	v1 =	vmax.f32 v1, $0.0e+00  }
0x63: {  	v5 =	vld [tilespmem:s14+$0xFFFFFF30];
	[tilespmem:s14+$0x20] =	vst v1;
	v1 =	vmax.f32 v2, $0.0e+00  }
0x64: {  	v0 =	vadd.f32 v7, v0;
	[tilespmem:s14+$0xFFFFFF20] =	vst v1;
	v1 =	vld [tilespmem:s30+$0x30]  }
0x65: {  	v6 =	vld [tilespmem:s30+$0xFFFFFF30]  }
0x66: {  	v10 =	vld [tilespmem:s14+$0xFFFFFF40];
	v0 =	vmax.f32 v0, $0.0e+00  }
0x67: {  	v3 =	vadd.f32 v3, v8;
	[tilespmem:s14+$0xB0] =	vst v0;
	v0 =	vld [tilespmem:s14+$0xC0]  }
0x68: {  	v7 =	vld [tilespmem:s30+$0xC0]  }
0x69: {  	v11 =	vld [tilespmem:s14+$0xFFFFFFD0];
	v3 =	vmax.f32 v3, $0.0e+00;
	v1 =	vadd.f32 v1, v9  }
0x6a: {  	v4 =	vld [tilespmem:s14+$0xFFFFFFC0];
	[tilespmem:s14+$0xFFFFFFB0] =	vst v3;
	v5 =	vadd.f32 v6, v5  }
0x6b: {  	v6 =	vld [tilespmem:s30+$0xFFFFFFC0];
	v1 =	vmax.f32 v1, $0.0e+00  }
0x6c: {  	v2 =	vld [tilespmem:s14+$0x40];
	[tilespmem:s14+$0x30] =	vst v1;
	v1 =	vmax.f32 v5, $0.0e+00  }
0x6d: {  	v0 =	vadd.f32 v7, v0;
	v5 =	vld [tilespmem:s30+$0x40];
	[tilespmem:s14+$0xFFFFFF30] =	vst v1  }
0x6e: {  	v1 =	vld [tilespmem:s30+$0xFFFFFF40]  }
0x6f: {  	v8 =	vld [tilespmem:s14+$0xFFFFFF50];
	v0 =	vmax.f32 v0, $0.0e+00  }
0x70: {  	[tilespmem:s14+$0xC0] =	vst v0;
	v0 =	vadd.f32 v6, v4;
	v6 =	vld [tilespmem:s14+$0xD0]  }
0x71: {  	v7 =	vld [tilespmem:s30+$0xD0]  }
0x72: {  	v3 =	vld [tilespmem:s14+$0xFFFFFF60];
	v0 =	vmax.f32 v0, $0.0e+00;
	v2 =	vadd.f32 v5, v2  }
0x73: {  	v9 =	vld [tilespmem:s14+$0x50];
	[tilespmem:s14+$0xFFFFFFC0] =	vst v0;
	v0 =	vadd.f32 v1, v10  }
0x74: {  	v1 =	vld [tilespmem:s30+$0xFFFFFFD0];
	v2 =	vmax.f32 v2, $0.0e+00  }
0x75: {  	v4 =	vld [tilespmem:s14+$0xFFFFFFE0];
	[tilespmem:s14+$0x40] =	vst v2;
	v0 =	vmax.f32 v0, $0.0e+00  }
0x76: {  	v2 =	vld [tilespmem:s30+$0x50];
	v6 =	vadd.f32 v7, v6;
	[tilespmem:s14+$0xFFFFFF40] =	vst v0  }
0x77: {  	v0 =	vld [tilespmem:s30+$0xFFFFFF50]  }
0x78: {  	v5 =	vld [tilespmem:s14+$0x60];
	v6 =	vmax.f32 v6, $0.0e+00  }
0x79: {  	v1 =	vadd.f32 v1, v11;
	[tilespmem:s14+$0xD0] =	vst v6;
	v6 =	vld [tilespmem:s14+$0xE0]  }
0x7a: {  	v10 =	vld [tilespmem:s30+$0xE0]  }
0x7b: {  	v1 =	vmax.f32 v1, $0.0e+00;
	v7 =	vadd.f32 v2, v9;
	v2 =	vld [tilespmem:s14+$0xFFFFFF70]  }
0x7c: {  	[tilespmem:s14+$0xFFFFFFD0] =	vst v1;
	v0 =	vadd.f32 v0, v8;
	v1 =	vld [tilespmem:s14+$0xFFFFFFF0]  }
0x7d: {  	v8 =	vmax.f32 v7, $0.0e+00;
	v7 =	vld [tilespmem:s30+$0xFFFFFFE0]  }
0x7e: {  	[tilespmem:s14+$0x50] =	vst v8;
	v8 =	vmax.f32 v0, $0.0e+00;
	v0 =	vld [tilespmem:s14+$0x70]  }
0x7f: {  	[tilespmem:s14+$0xFFFFFF50] =	vst v8;
	v8 =	vld [tilespmem:s30+$0x60];
	v6 =	vadd.f32 v10, v6  }
0x80: {  	v9 =	vld [tilespmem:s30+$0xFFFFFF60]  }
0x81: {  	s15 =	simm.s32 $0x0;
	s17 =	simm.s32 $0x3B00;
	s8 =	simm.s32 $0x6100;
	v10 =	vmax.f32 v6, $0.0e+00;
	v6 =	vld [tilespmem:s14+$0xF0]  }
.LBB2_4:
0x82: {  	v11 =	vld [tilespmem:s17+$0x80];
	v4 =	vadd.f32 v7, v4;
	[tilespmem:s14+$0xE0] =	vst v10  }
0x83: {  	s8 =	sadd.s32 $0x200, s8;
	v7 =	vld [tilespmem:s30+$0xF0]  }
0x84: {  	s15 =	sadd.s32 $0x4, s15;
	v10 =	vld [tilespmem:s8+$0x80];
	v4 =	vmax.f32 v4, $0.0e+00;
	v5 =	vadd.f32 v8, v5  }
0x85: {  	p1 =	slt.u32 s15, $0x24;
	v8 =	vld [tilespmem:s8+$0xFFFFFF00];
	v3 =	vadd.f32 v9, v3;
	[tilespmem:s14+$0xFFFFFFE0] =	vst v4  }
0x86: {  	v4 =	vld [tilespmem:s17+$0xFFFFFF80];
	v5 =	vmax.f32 v5, $0.0e+00  }
0x87: {  	v9 =	vld [tilespmem:s8+$0xFFFFFF80];
	v3 =	vmax.f32 v3, $0.0e+00;
	[tilespmem:s14+$0x60] =	vst v5  }
0x88: {  	v5 =	vld [tilespmem:s17+$0x0];
	[tilespmem:s14+$0xFFFFFF60] =	vst v3;
	v3 =	vadd.f32 v7, v6  }
0x89: {  	v6 =	vld [tilespmem:s8+$0x0];
	v7 =	vadd.f32 v10, v11  }
0x8a: {  	v10 =	vld [tilespmem:s17+$0xFFFFFF00];
	v3 =	vmax.f32 v3, $0.0e+00  }
0x8b: {  	v11 =	vld [tilespmem:s17+$0xFFFFFF10];
	v7 =	vmax.f32 v7, $0.0e+00;
	[tilespmem:s14+$0xF0] =	vst v3  }
0x8c: {  	v3 =	vadd.f32 v9, v4;
	[tilespmem:s17+$0x80] =	vst v7;
	v4 =	vld [tilespmem:s17+$0x90]  }
0x8d: {  	v7 =	vld [tilespmem:s8+$0x90]  }
0x8e: {  	v3 =	vmax.f32 v3, $0.0e+00;
	v9 =	vld [tilespmem:s17+$0xFFFFFF90];
	v5 =	vadd.f32 v6, v5  }
0x8f: {  	v6 =	vadd.f32 v8, v10;
	[tilespmem:s17+$0xFFFFFF80] =	vst v3;
	v3 =	vld [tilespmem:s17+$0x10]  }
0x90: {  	v8 =	vld [tilespmem:s8+$0xFFFFFF90];
	v5 =	vmax.f32 v5, $0.0e+00  }
0x91: {  	v6 =	vmax.f32 v6, $0.0e+00;
	v10 =	vld [tilespmem:s17+$0xFFFFFF20];
	[tilespmem:s17+$0x0] =	vst v5  }
0x92: {  	[tilespmem:s17+$0xFFFFFF00] =	vst v6;
	v5 =	vld [tilespmem:s8+$0x10];
	v4 =	vadd.f32 v7, v4  }
0x93: {  	v6 =	vld [tilespmem:s8+$0xFFFFFF10]  }
0x94: {  	v7 =	vld [tilespmem:s17+$0xFFFFFFA0];
	v4 =	vmax.f32 v4, $0.0e+00  }
0x95: {  	v8 =	vadd.f32 v8, v9;
	[tilespmem:s17+$0x90] =	vst v4;
	v4 =	vld [tilespmem:s17+$0xA0]  }
0x96: {  	v9 =	vld [tilespmem:s8+$0xA0]  }
0x97: {  	v8 =	vmax.f32 v8, $0.0e+00;
	v3 =	vadd.f32 v5, v3;
	v5 =	vld [tilespmem:s17+$0x20]  }
0x98: {  	v6 =	vadd.f32 v6, v11;
	v11 =	vld [tilespmem:s17+$0xFFFFFF30];
	[tilespmem:s17+$0xFFFFFF90] =	vst v8  }
0x99: {  	v8 =	vld [tilespmem:s8+$0xFFFFFFA0];
	v3 =	vmax.f32 v3, $0.0e+00  }
0x9a: {  	v6 =	vmax.f32 v6, $0.0e+00;
	v12 =	vld [tilespmem:s17+$0xFFFFFFB0];
	[tilespmem:s17+$0x10] =	vst v3  }
0x9b: {  	[tilespmem:s17+$0xFFFFFF10] =	vst v6;
	v3 =	vld [tilespmem:s8+$0x20];
	v4 =	vadd.f32 v9, v4  }
0x9c: {  	v6 =	vld [tilespmem:s8+$0xFFFFFF20]  }
0x9d: {  	v9 =	vld [tilespmem:s17+$0x30];
	v4 =	vmax.f32 v4, $0.0e+00  }
0x9e: {  	v7 =	vadd.f32 v8, v7;
	[tilespmem:s17+$0xA0] =	vst v4;
	v4 =	vld [tilespmem:s17+$0xB0]  }
0x9f: {  	v8 =	vld [tilespmem:s8+$0xB0]  }
0xa0: {  	v13 =	vld [tilespmem:s17+$0xFFFFFF40];
	v7 =	vmax.f32 v7, $0.0e+00;
	v3 =	vadd.f32 v3, v5  }
0xa1: {  	v5 =	vadd.f32 v6, v10;
	[tilespmem:s17+$0xFFFFFFA0] =	vst v7;
	v6 =	vld [tilespmem:s17+$0xFFFFFFC0]  }
0xa2: {  	v7 =	vld [tilespmem:s8+$0xFFFFFFB0];
	v3 =	vmax.f32 v3, $0.0e+00  }
0xa3: {  	v5 =	vmax.f32 v5, $0.0e+00;
	[tilespmem:s17+$0x20] =	vst v3;
	v10 =	vld [tilespmem:s17+$0x40]  }
0xa4: {  	[tilespmem:s17+$0xFFFFFF20] =	vst v5;
	v3 =	vld [tilespmem:s8+$0x30];
	v4 =	vadd.f32 v8, v4  }
0xa5: {  	v5 =	vld [tilespmem:s8+$0xFFFFFF30]  }
0xa6: {  	v8 =	vld [tilespmem:s17+$0xFFFFFF50];
	v4 =	vmax.f32 v4, $0.0e+00  }
0xa7: {  	v7 =	vadd.f32 v7, v12;
	[tilespmem:s17+$0xB0] =	vst v4;
	v4 =	vld [tilespmem:s17+$0xC0]  }
0xa8: {  	v12 =	vld [tilespmem:s8+$0xC0]  }
0xa9: {  	v7 =	vmax.f32 v7, $0.0e+00;
	v14 =	vld [tilespmem:s17+$0xFFFFFFD0];
	v3 =	vadd.f32 v3, v9  }
0xaa: {  	v5 =	vadd.f32 v5, v11;
	[tilespmem:s17+$0xFFFFFFB0] =	vst v7;
	v7 =	vld [tilespmem:s17+$0x50]  }
0xab: {  	v9 =	vld [tilespmem:s8+$0xFFFFFFC0];
	v11 =	vmax.f32 v3, $0.0e+00  }
0xac: {  	v5 =	vmax.f32 v5, $0.0e+00;
	v3 =	vld [tilespmem:s17+$0xFFFFFF60];
	[tilespmem:s17+$0x30] =	vst v11  }
0xad: {  	[tilespmem:s17+$0xFFFFFF30] =	vst v5;
	v5 =	vld [tilespmem:s8+$0x40];
	v11 =	vadd.f32 v12, v4  }
0xae: {  	v12 =	vld [tilespmem:s8+$0xFFFFFF40]  }
0xaf: {  	v4 =	vld [tilespmem:s17+$0xFFFFFFE0];
	v11 =	vmax.f32 v11, $0.0e+00  }
0xb0: {  	v6 =	vadd.f32 v9, v6;
	[tilespmem:s17+$0xC0] =	vst v11;
	v9 =	vld [tilespmem:s17+$0xD0]  }
0xb1: {  	v11 =	vld [tilespmem:s8+$0xD0]  }
0xb2: {  	v6 =	vmax.f32 v6, $0.0e+00;
	v10 =	vadd.f32 v5, v10;
	v5 =	vld [tilespmem:s17+$0x60]  }
0xb3: {  	v12 =	vadd.f32 v12, v13;
	[tilespmem:s17+$0xFFFFFFC0] =	vst v6;
	v6 =	vld [tilespmem:s30+$0xFFFFFF70]  }
0xb4: {  	v13 =	vld [tilespmem:s8+$0xFFFFFFD0];
	v10 =	vmax.f32 v10, $0.0e+00  }
0xb5: {  	v12 =	vmax.f32 v12, $0.0e+00;
	[tilespmem:s17+$0x40] =	vst v10;
	v10 =	vld [tilespmem:s30+$0xFFFFFFF0]  }
0xb6: {  	[tilespmem:s17+$0xFFFFFF40] =	vst v12;
	v12 =	vld [tilespmem:s8+$0x50];
	v9 =	vadd.f32 v11, v9  }
0xb7: {  	v11 =	vld [tilespmem:s8+$0xFFFFFF50]  }
0xb8: {  	v9 =	vmax.f32 v9, $0.0e+00;
	v2 =	vadd.f32 v6, v2;
	v6 =	vld [tilespmem:s30+$0x70];
	s30 =	smov.u32 s8  }
0xb9: {  	v13 =	vadd.f32 v13, v14;
	[tilespmem:s17+$0xD0] =	vst v9;
	v9 =	vld [tilespmem:s17+$0xE0]  }
0xba: {  	v14 =	vld [tilespmem:s8+$0xE0];
	v15 =	vmax.f32 v2, $0.0e+00;
	v10 =	vadd.f32 v10, v1  }
0xbb: {  	v2 =	vld [tilespmem:s17+$0xFFFFFF70];
	v1 =	vmax.f32 v13, $0.0e+00;
	v12 =	vadd.f32 v12, v7;
	[tilespmem:s14+$0xFFFFFF70] =	vst v15  }
0xbc: {  	v8 =	vadd.f32 v11, v8;
	[tilespmem:s17+$0xFFFFFFD0] =	vst v1;
	v1 =	vld [tilespmem:s17+$0xFFFFFFF0];
	v10 =	vmax.f32 v10, $0.0e+00  }
.Ltmp0:
0xbd: {  	v7 =	vld [tilespmem:s8+$0xFFFFFFE0];
	v11 =	vmax.f32 v12, $0.0e+00;
	[tilespmem:s14+$0xFFFFFFF0] =	vst v10;
	v6 =	vadd.f32 v6, v0;
	(pc) =	sbr.rel @p1 .LBB2_4-.Ltmp0, $4  }
0xbe: {  	v8 =	vmax.f32 v8, $0.0e+00;
	[tilespmem:s17+$0x50] =	vst v11;
	v0 =	vld [tilespmem:s17+$0x70]  }
0xbf: {  	[tilespmem:s17+$0xFFFFFF50] =	vst v8;
	v8 =	vld [tilespmem:s8+$0x60];
	v10 =	vadd.f32 v14, v9;
	v6 =	vmax.f32 v6, $0.0e+00  }
0xc0: {  	v9 =	vld [tilespmem:s8+$0xFFFFFF60];
	[tilespmem:s14+$0x70] =	vst v6;
	s14 =	smov.u32 s17  }
0xc1: {  	s17 =	sadd.s32 $0x200, s17;
	v10 =	vmax.f32 v10, $0.0e+00;
	v6 =	vld [tilespmem:s14+$0xF0]  }
0xc2: {  	_ =	sdelay $0x2  }
0xc3: {  	v3 =	vadd.f32 v9, v3  }
0xc4: {  	v4 =	vadd.f32 v7, v4  }
0xc5: {  	[tilespmem:s14+$0xE0] =	vst v10;
	v5 =	vadd.f32 v8, v5;
	v3 =	vmax.f32 v3, $0.0e+00  }
0xc6: {  	v7 =	vld [tilespmem:s30+$0xF0];
	v4 =	vmax.f32 v4, $0.0e+00;
	[tilespmem:s14+$0xFFFFFF60] =	vst v3  }
0xc7: {  	[tilespmem:s14+$0xFFFFFFE0] =	vst v4;
	v3 =	vmax.f32 v5, $0.0e+00;
	v4 =	vld [tilespmem:s30+$0xFFFFFF70]  }
0xc8: {  	[tilespmem:s14+$0x60] =	vst v3;
	v3 =	vld [tilespmem:s30+$0xFFFFFFF0]  }
0xc9: {  	v5 =	vld [tilespmem:s30+$0x70];
	_ =	sdelay $0x1  }
0xca: {  	v6 =	vadd.f32 v7, v6  }
0xcb: {  	v2 =	vadd.f32 v4, v2  }
0xcc: {  	v4 =	vmax.f32 v6, $0.0e+00;
	v1 =	vadd.f32 v3, v1  }
0xcd: {  	[tilespmem:s14+$0xF0] =	vst v4;
	v0 =	vadd.f32 v5, v0;
	v2 =	vmax.f32 v2, $0.0e+00  }
0xce: {  	s8 =	sshll.u32 s1, $0x8;
	v1 =	vmax.f32 v1, $0.0e+00;
	[tilespmem:s14+$0xFFFFFF70] =	vst v2  }
0xcf: {  	p1 =	sgt.u32 s13, $0x30;
	s8 =	sand.u32 $0x3FFFFF00, s8;
	[tilespmem:s14+$0xFFFFFFF0] =	vst v1;
	v0 =	vmax.f32 v0, $0.0e+00  }
0xd0: {  	s13 =	simm.s32 @!p1 $0x28;
	s8 =	sadd.s32 $0x1C00, s8;
	[tilespmem:s14+$0x70] =	vst v0  }
0xd1: {  	[spmem:s2] =	stream.indirect.scatter.add.f32 [tilespmem:s20], [sflag:$0x5], $0x80, s8, s19, $0xb8;
	[tilespmem:$0x1C080] =	vst v63  }
0xd2: {  	s14 =	simm.s32 @!p1 $0x3800;
	s8 =	sadd.s32 @!p1 $0x2, s12;
	_ =	swait.ge [sflag:s26], $0x1400  }
0xd3: {  	s12 =	sshll.u32 @!p1 s8, $0x7;
	s8 =	sadd.s32 @!p1 s7, s8;
	[sflag:s26] =	ssyncset.done $0x0  }
0xd4: {  	s12 =	sand.u32 @!p1 $0x3FFFFF80, s12;
	s8 =	smul.u32 @!p1 $0x28, s8;
	[sflag:s26] =	ssyncadd.s32 $0xFFFFEC00  }
0xd5: {  	[tilespmem:s14], [sflag:$0x1] =	stream.indirect.gather @!p1 [hbm4b:s4+s13], $0x80, s12, s13, $0xb8;
	[tilespmem:$0x1C080] =	vst v63  }
0xd6: {  	s8 =	sadd.s32 @!p1 s11, s8  }
0xd7: {  	s8 =	sshll.u32 @!p1 s8, $0x4  }
0xd8: {  	s12 =	simm.s32 @!p1 $0x0;
	s13 =	simm.s32 @!p1 $0x6000;
	s8 =	sadd.s32 @!p1 s5, s8  }
0xd9: {  	[tilespmem:s13], [sflag:$0x3] =	stream.linear.gather @!p1 [hbm4b:s8+s12], $0x1400, $0x38;
	[tilespmem:$0x1C080] =	vst v63  }
0xda: {  	_ =	swait.ge [sflag:s28], $0x1400  }
0xdb: {  	[sflag:s28] =	ssyncset.done $0x0  }
0xdc: {  	[sflag:s28] =	ssyncadd.s32 $0xFFFFEC00  }
0xdd: {  	_ =	swait.ge [sflag:s29], $0x1400  }
0xde: {  	[sflag:s29] =	ssyncset.done $0x0  }
0xdf: {  	s12 =	simm.s32 $0x4D00;
	[sflag:s29] =	ssyncadd.s32 $0xFFFFEC00  }
0xe0: {  	s13 =	simm.s32 $0x7500;
	v0 =	vld [tilespmem:s12+$0x80]  }
0xe1: {  	v1 =	vld [tilespmem:s13+$0x80]  }
0xe2: {  	v2 =	vld [tilespmem:s13+$0xFFFFFF00]  }
0xe3: {  	v3 =	vld [tilespmem:s12+$0xFFFFFF80]  }
0xe4: {  	v4 =	vld [tilespmem:s13+$0xFFFFFF80]  }
0xe5: {  	v5 =	vld [tilespmem:s13+$0x0]  }
0xe6: {  	v0 =	vadd.f32 v1, v0;
	v1 =	vld [tilespmem:s12+$0x0]  }
0xe7: {  	v6 =	vld [tilespmem:s12+$0xFFFFFF00]  }
0xe8: {  	v0 =	vmax.f32 v0, $0.0e+00  }
0xe9: {  	v3 =	vadd.f32 v4, v3;
	[tilespmem:s12+$0x80] =	vst v0;
	v0 =	vld [tilespmem:s12+$0x90]  }
0xea: {  	v7 =	vld [tilespmem:s13+$0x90]  }
0xeb: {  	v8 =	vld [tilespmem:s12+$0xFFFFFF90];
	v3 =	vmax.f32 v3, $0.0e+00;
	v1 =	vadd.f32 v5, v1  }
0xec: {  	v4 =	vld [tilespmem:s12+$0xFFFFFF10];
	v2 =	vadd.f32 v2, v6;
	[tilespmem:s12+$0xFFFFFF80] =	vst v3  }
0xed: {  	v5 =	vld [tilespmem:s13+$0xFFFFFF90];
	v1 =	vmax.f32 v1, $0.0e+00  }
0xee: {  	v2 =	vmax.f32 v2, $0.0e+00;
	v3 =	vld [tilespmem:s12+$0x10];
	[tilespmem:s12+$0x0] =	vst v1  }
0xef: {  	[tilespmem:s12+$0xFFFFFF00] =	vst v2;
	v0 =	vadd.f32 v7, v0;
	v1 =	vld [tilespmem:s13+$0x10]  }
0xf0: {  	v2 =	vld [tilespmem:s13+$0xFFFFFF10]  }
0xf1: {  	v0 =	vmax.f32 v0, $0.0e+00  }
0xf2: {  	v5 =	vadd.f32 v5, v8;
	[tilespmem:s12+$0x90] =	vst v0;
	v0 =	vld [tilespmem:s12+$0xA0]  }
0xf3: {  	v7 =	vld [tilespmem:s13+$0xA0]  }
0xf4: {  	v6 =	vld [tilespmem:s12+$0xFFFFFF20];
	v5 =	vmax.f32 v5, $0.0e+00;
	v1 =	vadd.f32 v1, v3  }
0xf5: {  	v2 =	vadd.f32 v2, v4;
	v8 =	vld [tilespmem:s12+$0xFFFFFFA0];
	[tilespmem:s12+$0xFFFFFF90] =	vst v5  }
0xf6: {  	v4 =	vld [tilespmem:s13+$0xFFFFFFA0];
	v1 =	vmax.f32 v1, $0.0e+00  }
0xf7: {  	v2 =	vmax.f32 v2, $0.0e+00;
	v3 =	vld [tilespmem:s12+$0x20];
	[tilespmem:s12+$0x10] =	vst v1  }
0xf8: {  	[tilespmem:s12+$0xFFFFFF10] =	vst v2;
	v0 =	vadd.f32 v7, v0;
	v1 =	vld [tilespmem:s13+$0x20]  }
0xf9: {  	v2 =	vld [tilespmem:s13+$0xFFFFFF20]  }
0xfa: {  	v0 =	vmax.f32 v0, $0.0e+00  }
0xfb: {  	v4 =	vadd.f32 v4, v8;
	[tilespmem:s12+$0xA0] =	vst v0;
	v0 =	vld [tilespmem:s12+$0xB0]  }
0xfc: {  	v7 =	vld [tilespmem:s13+$0xB0]  }
0xfd: {  	v9 =	vld [tilespmem:s12+$0x30];
	v4 =	vmax.f32 v4, $0.0e+00;
	v1 =	vadd.f32 v1, v3  }
0xfe: {  	v2 =	vadd.f32 v2, v6;
	v8 =	vld [tilespmem:s12+$0xFFFFFFB0];
	[tilespmem:s12+$0xFFFFFFA0] =	vst v4  }
0xff: {  	v3 =	vld [tilespmem:s13+$0xFFFFFFB0];
	v1 =	vmax.f32 v1, $0.0e+00  }
0x100: {  	v5 =	vld [tilespmem:s12+$0xFFFFFF30];
	[tilespmem:s12+$0x20] =	vst v1;
	v1 =	vmax.f32 v2, $0.0e+00  }
0x101: {  	v0 =	vadd.f32 v7, v0;
	[tilespmem:s12+$0xFFFFFF20] =	vst v1;
	v1 =	vld [tilespmem:s13+$0x30]  }
0x102: {  	v6 =	vld [tilespmem:s13+$0xFFFFFF30]  }
0x103: {  	v10 =	vld [tilespmem:s12+$0xFFFFFF40];
	v0 =	vmax.f32 v0, $0.0e+00  }
0x104: {  	v3 =	vadd.f32 v3, v8;
	[tilespmem:s12+$0xB0] =	vst v0;
	v0 =	vld [tilespmem:s12+$0xC0]  }
0x105: {  	v7 =	vld [tilespmem:s13+$0xC0]  }
0x106: {  	v11 =	vld [tilespmem:s12+$0xFFFFFFD0];
	v3 =	vmax.f32 v3, $0.0e+00;
	v1 =	vadd.f32 v1, v9  }
0x107: {  	v4 =	vld [tilespmem:s12+$0xFFFFFFC0];
	[tilespmem:s12+$0xFFFFFFB0] =	vst v3;
	v5 =	vadd.f32 v6, v5  }
0x108: {  	v6 =	vld [tilespmem:s13+$0xFFFFFFC0];
	v1 =	vmax.f32 v1, $0.0e+00  }
0x109: {  	v2 =	vld [tilespmem:s12+$0x40];
	[tilespmem:s12+$0x30] =	vst v1;
	v1 =	vmax.f32 v5, $0.0e+00  }
0x10a: {  	v0 =	vadd.f32 v7, v0;
	v5 =	vld [tilespmem:s13+$0x40];
	[tilespmem:s12+$0xFFFFFF30] =	vst v1  }
0x10b: {  	v1 =	vld [tilespmem:s13+$0xFFFFFF40]  }
0x10c: {  	v8 =	vld [tilespmem:s12+$0xFFFFFF50];
	v0 =	vmax.f32 v0, $0.0e+00  }
0x10d: {  	[tilespmem:s12+$0xC0] =	vst v0;
	v0 =	vadd.f32 v6, v4;
	v6 =	vld [tilespmem:s12+$0xD0]  }
0x10e: {  	v7 =	vld [tilespmem:s13+$0xD0]  }
0x10f: {  	v3 =	vld [tilespmem:s12+$0xFFFFFF60];
	v0 =	vmax.f32 v0, $0.0e+00;
	v2 =	vadd.f32 v5, v2  }
0x110: {  	v9 =	vld [tilespmem:s12+$0x50];
	[tilespmem:s12+$0xFFFFFFC0] =	vst v0;
	v0 =	vadd.f32 v1, v10  }
0x111: {  	v1 =	vld [tilespmem:s13+$0xFFFFFFD0];
	v2 =	vmax.f32 v2, $0.0e+00  }
0x112: {  	v4 =	vld [tilespmem:s12+$0xFFFFFFE0];
	[tilespmem:s12+$0x40] =	vst v2;
	v0 =	vmax.f32 v0, $0.0e+00  }
0x113: {  	v2 =	vld [tilespmem:s13+$0x50];
	v6 =	vadd.f32 v7, v6;
	[tilespmem:s12+$0xFFFFFF40] =	vst v0  }
0x114: {  	v0 =	vld [tilespmem:s13+$0xFFFFFF50]  }
0x115: {  	v5 =	vld [tilespmem:s12+$0x60];
	v6 =	vmax.f32 v6, $0.0e+00  }
0x116: {  	v1 =	vadd.f32 v1, v11;
	[tilespmem:s12+$0xD0] =	vst v6;
	v6 =	vld [tilespmem:s12+$0xE0]  }
0x117: {  	v10 =	vld [tilespmem:s13+$0xE0]  }
0x118: {  	v1 =	vmax.f32 v1, $0.0e+00;
	v7 =	vadd.f32 v2, v9;
	v2 =	vld [tilespmem:s12+$0xFFFFFF70]  }
0x119: {  	[tilespmem:s12+$0xFFFFFFD0] =	vst v1;
	v0 =	vadd.f32 v0, v8;
	v1 =	vld [tilespmem:s12+$0xFFFFFFF0]  }
0x11a: {  	v8 =	vmax.f32 v7, $0.0e+00;
	v7 =	vld [tilespmem:s13+$0xFFFFFFE0]  }
0x11b: {  	[tilespmem:s12+$0x50] =	vst v8;
	v8 =	vmax.f32 v0, $0.0e+00;
	v0 =	vld [tilespmem:s12+$0x70]  }
0x11c: {  	[tilespmem:s12+$0xFFFFFF50] =	vst v8;
	v8 =	vld [tilespmem:s13+$0x60];
	v6 =	vadd.f32 v10, v6  }
0x11d: {  	v9 =	vld [tilespmem:s13+$0xFFFFFF60]  }
0x11e: {  	s15 =	simm.s32 $0x4F00;
	s14 =	simm.s32 $0x0;
	s8 =	simm.s32 $0x7500;
	v10 =	vmax.f32 v6, $0.0e+00;
	v6 =	vld [tilespmem:s12+$0xF0]  }
.LBB2_6:
0x11f: {  	v11 =	vld [tilespmem:s15+$0x80];
	v4 =	vadd.f32 v7, v4;
	[tilespmem:s12+$0xE0] =	vst v10  }
0x120: {  	s8 =	sadd.s32 $0x200, s8;
	v7 =	vld [tilespmem:s13+$0xF0]  }
0x121: {  	s14 =	sadd.s32 $0x4, s14;
	v10 =	vld [tilespmem:s8+$0x80];
	v4 =	vmax.f32 v4, $0.0e+00;
	v5 =	vadd.f32 v8, v5  }
0x122: {  	p1 =	slt.u32 s14, $0x24;
	v8 =	vld [tilespmem:s8+$0xFFFFFF00];
	v3 =	vadd.f32 v9, v3;
	[tilespmem:s12+$0xFFFFFFE0] =	vst v4  }
0x123: {  	v4 =	vld [tilespmem:s15+$0xFFFFFF80];
	v5 =	vmax.f32 v5, $0.0e+00  }
0x124: {  	v9 =	vld [tilespmem:s8+$0xFFFFFF80];
	v3 =	vmax.f32 v3, $0.0e+00;
	[tilespmem:s12+$0x60] =	vst v5  }
0x125: {  	v5 =	vld [tilespmem:s15+$0x0];
	[tilespmem:s12+$0xFFFFFF60] =	vst v3;
	v3 =	vadd.f32 v7, v6  }
0x126: {  	v6 =	vld [tilespmem:s8+$0x0];
	v7 =	vadd.f32 v10, v11  }
0x127: {  	v10 =	vld [tilespmem:s15+$0xFFFFFF00];
	v3 =	vmax.f32 v3, $0.0e+00  }
0x128: {  	v11 =	vld [tilespmem:s15+$0xFFFFFF10];
	v7 =	vmax.f32 v7, $0.0e+00;
	[tilespmem:s12+$0xF0] =	vst v3  }
0x129: {  	v3 =	vadd.f32 v9, v4;
	[tilespmem:s15+$0x80] =	vst v7;
	v4 =	vld [tilespmem:s15+$0x90]  }
0x12a: {  	v7 =	vld [tilespmem:s8+$0x90]  }
0x12b: {  	v3 =	vmax.f32 v3, $0.0e+00;
	v9 =	vld [tilespmem:s15+$0xFFFFFF90];
	v5 =	vadd.f32 v6, v5  }
0x12c: {  	v6 =	vadd.f32 v8, v10;
	[tilespmem:s15+$0xFFFFFF80] =	vst v3;
	v3 =	vld [tilespmem:s15+$0x10]  }
0x12d: {  	v8 =	vld [tilespmem:s8+$0xFFFFFF90];
	v5 =	vmax.f32 v5, $0.0e+00  }
0x12e: {  	v6 =	vmax.f32 v6, $0.0e+00;
	v10 =	vld [tilespmem:s15+$0xFFFFFF20];
	[tilespmem:s15+$0x0] =	vst v5  }
0x12f: {  	[tilespmem:s15+$0xFFFFFF00] =	vst v6;
	v5 =	vld [tilespmem:s8+$0x10];
	v4 =	vadd.f32 v7, v4  }
0x130: {  	v6 =	vld [tilespmem:s8+$0xFFFFFF10]  }
0x131: {  	v7 =	vld [tilespmem:s15+$0xFFFFFFA0];
	v4 =	vmax.f32 v4, $0.0e+00  }
0x132: {  	v8 =	vadd.f32 v8, v9;
	[tilespmem:s15+$0x90] =	vst v4;
	v4 =	vld [tilespmem:s15+$0xA0]  }
0x133: {  	v9 =	vld [tilespmem:s8+$0xA0]  }
0x134: {  	v8 =	vmax.f32 v8, $0.0e+00;
	v3 =	vadd.f32 v5, v3;
	v5 =	vld [tilespmem:s15+$0x20]  }
0x135: {  	v6 =	vadd.f32 v6, v11;
	v11 =	vld [tilespmem:s15+$0xFFFFFF30];
	[tilespmem:s15+$0xFFFFFF90] =	vst v8  }
0x136: {  	v8 =	vld [tilespmem:s8+$0xFFFFFFA0];
	v3 =	vmax.f32 v3, $0.0e+00  }
0x137: {  	v6 =	vmax.f32 v6, $0.0e+00;
	v12 =	vld [tilespmem:s15+$0xFFFFFFB0];
	[tilespmem:s15+$0x10] =	vst v3  }
0x138: {  	[tilespmem:s15+$0xFFFFFF10] =	vst v6;
	v3 =	vld [tilespmem:s8+$0x20];
	v4 =	vadd.f32 v9, v4  }
0x139: {  	v6 =	vld [tilespmem:s8+$0xFFFFFF20]  }
0x13a: {  	v9 =	vld [tilespmem:s15+$0x30];
	v4 =	vmax.f32 v4, $0.0e+00  }
0x13b: {  	v7 =	vadd.f32 v8, v7;
	[tilespmem:s15+$0xA0] =	vst v4;
	v4 =	vld [tilespmem:s15+$0xB0]  }
0x13c: {  	v8 =	vld [tilespmem:s8+$0xB0]  }
0x13d: {  	v13 =	vld [tilespmem:s15+$0xFFFFFF40];
	v7 =	vmax.f32 v7, $0.0e+00;
	v3 =	vadd.f32 v3, v5  }
0x13e: {  	v5 =	vadd.f32 v6, v10;
	[tilespmem:s15+$0xFFFFFFA0] =	vst v7;
	v6 =	vld [tilespmem:s15+$0xFFFFFFC0]  }
0x13f: {  	v7 =	vld [tilespmem:s8+$0xFFFFFFB0];
	v3 =	vmax.f32 v3, $0.0e+00  }
0x140: {  	v5 =	vmax.f32 v5, $0.0e+00;
	[tilespmem:s15+$0x20] =	vst v3;
	v10 =	vld [tilespmem:s15+$0x40]  }
0x141: {  	[tilespmem:s15+$0xFFFFFF20] =	vst v5;
	v3 =	vld [tilespmem:s8+$0x30];
	v4 =	vadd.f32 v8, v4  }
0x142: {  	v5 =	vld [tilespmem:s8+$0xFFFFFF30]  }
0x143: {  	v8 =	vld [tilespmem:s15+$0xFFFFFF50];
	v4 =	vmax.f32 v4, $0.0e+00  }
0x144: {  	v7 =	vadd.f32 v7, v12;
	[tilespmem:s15+$0xB0] =	vst v4;
	v4 =	vld [tilespmem:s15+$0xC0]  }
0x145: {  	v12 =	vld [tilespmem:s8+$0xC0]  }
0x146: {  	v7 =	vmax.f32 v7, $0.0e+00;
	v14 =	vld [tilespmem:s15+$0xFFFFFFD0];
	v3 =	vadd.f32 v3, v9  }
0x147: {  	v5 =	vadd.f32 v5, v11;
	[tilespmem:s15+$0xFFFFFFB0] =	vst v7;
	v7 =	vld [tilespmem:s15+$0x50]  }
0x148: {  	v9 =	vld [tilespmem:s8+$0xFFFFFFC0];
	v11 =	vmax.f32 v3, $0.0e+00  }
0x149: {  	v5 =	vmax.f32 v5, $0.0e+00;
	v3 =	vld [tilespmem:s15+$0xFFFFFF60];
	[tilespmem:s15+$0x30] =	vst v11  }
0x14a: {  	[tilespmem:s15+$0xFFFFFF30] =	vst v5;
	v5 =	vld [tilespmem:s8+$0x40];
	v11 =	vadd.f32 v12, v4  }
0x14b: {  	v12 =	vld [tilespmem:s8+$0xFFFFFF40]  }
0x14c: {  	v4 =	vld [tilespmem:s15+$0xFFFFFFE0];
	v11 =	vmax.f32 v11, $0.0e+00  }
0x14d: {  	v6 =	vadd.f32 v9, v6;
	[tilespmem:s15+$0xC0] =	vst v11;
	v9 =	vld [tilespmem:s15+$0xD0]  }
0x14e: {  	v11 =	vld [tilespmem:s8+$0xD0]  }
0x14f: {  	v6 =	vmax.f32 v6, $0.0e+00;
	v10 =	vadd.f32 v5, v10;
	v5 =	vld [tilespmem:s15+$0x60]  }
0x150: {  	v12 =	vadd.f32 v12, v13;
	[tilespmem:s15+$0xFFFFFFC0] =	vst v6;
	v6 =	vld [tilespmem:s13+$0xFFFFFF70]  }
0x151: {  	v13 =	vld [tilespmem:s8+$0xFFFFFFD0];
	v10 =	vmax.f32 v10, $0.0e+00  }
0x152: {  	v12 =	vmax.f32 v12, $0.0e+00;
	[tilespmem:s15+$0x40] =	vst v10;
	v10 =	vld [tilespmem:s13+$0xFFFFFFF0]  }
0x153: {  	[tilespmem:s15+$0xFFFFFF40] =	vst v12;
	v12 =	vld [tilespmem:s8+$0x50];
	v9 =	vadd.f32 v11, v9  }
0x154: {  	v11 =	vld [tilespmem:s8+$0xFFFFFF50]  }
0x155: {  	v9 =	vmax.f32 v9, $0.0e+00;
	v2 =	vadd.f32 v6, v2;
	v6 =	vld [tilespmem:s13+$0x70];
	s13 =	smov.u32 s8  }
0x156: {  	v13 =	vadd.f32 v13, v14;
	[tilespmem:s15+$0xD0] =	vst v9;
	v9 =	vld [tilespmem:s15+$0xE0]  }
0x157: {  	v14 =	vld [tilespmem:s8+$0xE0];
	v15 =	vmax.f32 v2, $0.0e+00;
	v10 =	vadd.f32 v10, v1  }
0x158: {  	v2 =	vld [tilespmem:s15+$0xFFFFFF70];
	v1 =	vmax.f32 v13, $0.0e+00;
	v12 =	vadd.f32 v12, v7;
	[tilespmem:s12+$0xFFFFFF70] =	vst v15  }
0x159: {  	v8 =	vadd.f32 v11, v8;
	[tilespmem:s15+$0xFFFFFFD0] =	vst v1;
	v1 =	vld [tilespmem:s15+$0xFFFFFFF0];
	v10 =	vmax.f32 v10, $0.0e+00  }
.Ltmp1:
0x15a: {  	v7 =	vld [tilespmem:s8+$0xFFFFFFE0];
	v11 =	vmax.f32 v12, $0.0e+00;
	[tilespmem:s12+$0xFFFFFFF0] =	vst v10;
	v6 =	vadd.f32 v6, v0;
	(pc) =	sbr.rel @p1 .LBB2_6-.Ltmp1, $4  }
0x15b: {  	v8 =	vmax.f32 v8, $0.0e+00;
	[tilespmem:s15+$0x50] =	vst v11;
	v0 =	vld [tilespmem:s15+$0x70]  }
0x15c: {  	[tilespmem:s15+$0xFFFFFF50] =	vst v8;
	v8 =	vld [tilespmem:s8+$0x60];
	v10 =	vadd.f32 v14, v9;
	v6 =	vmax.f32 v6, $0.0e+00  }
0x15d: {  	v9 =	vld [tilespmem:s8+$0xFFFFFF60];
	[tilespmem:s12+$0x70] =	vst v6;
	s12 =	smov.u32 s15  }
0x15e: {  	s15 =	sadd.s32 $0x200, s15;
	v10 =	vmax.f32 v10, $0.0e+00;
	v6 =	vld [tilespmem:s12+$0xF0]  }
0x15f: {  	_ = 	snop  }
0x160: {  	v4 =	vadd.f32 v7, v4  }
0x161: {  	v5 =	vadd.f32 v8, v5  }
0x162: {  	[tilespmem:s12+$0xE0] =	vst v10;
	v4 =	vmax.f32 v4, $0.0e+00;
	v3 =	vadd.f32 v9, v3  }
0x163: {  	v58 =	vld [tilespmem:s13+$0xF0];
	[tilespmem:s12+$0xFFFFFFE0] =	vst v4;
	v59 =	vmax.f32 v5, $0.0e+00  }
0x164: {  	v61 =	vld [tilespmem:s13+$0xFFFFFFF0];
	v3 =	vmax.f32 v3, $0.0e+00;
	[tilespmem:s12+$0x60] =	vst v59  }
0x165: {  	[tilespmem:s12+$0xFFFFFF60] =	vst v3;
	v62 =	vld [tilespmem:s13+$0x70]  }
0x166: {  	v60 =	vld [tilespmem:s13+$0xFFFFFF70];
	_ =	sdelay $0x1  }
0x167: {  	v6 =	vadd.f32 v58, v6  }
0x168: {  	s1 =	sadd.s32 $0x1, s1;
	v1 =	vadd.f32 v61, v1  }
0x169: {  	p1 =	sne.s32 s1, $0x19;
	v63 =	vmax.f32 v6, $0.0e+00;
	v0 =	vadd.f32 v62, v0  }
.Ltmp2:
0x16a: {  	[tilespmem:s12+$0xF0] =	vst v63;
	v1 =	vmax.f32 v1, $0.0e+00;
	v2 =	vadd.f32 v60, v2;
	(pc) =	sbr.rel @p1 .LBB2_3-.Ltmp2, $4  }
0x16b: {  	[tilespmem:s12+$0xFFFFFFF0] =	vst v1;
	v0 =	vmax.f32 v0, $0.0e+00  }
0x16c: {  	v2 =	vmax.f32 v2, $0.0e+00;
	[tilespmem:s12+$0x70] =	vst v0  }
0x16d: {  	s8 =	sadd.s32 $0x1C00, s9;
	[tilespmem:s12+$0xFFFFFF70] =	vst v2  }
0x16e: {  	[spmem:s2] =	stream.indirect.scatter.add.f32 [tilespmem:s22], [sflag:$0x6], $0x80, s8, s19, $0xb8;
	[tilespmem:$0x1C080] =	vst v63  }
0x16f: {  	s0 =	sadd.s32 $0x1, s0  }
0x170: {  	p1 =	sne.s32 s0, $0x5  }
.Ltmp3:
0x171: {  	_ = 	snop;
	(pc) =	sbr.rel @p1 .LBB2_2-.Ltmp3, $1  }
0x172: {  	_ =	sdelay $0x3  }
0x173: {  	s0 =	simm.s32 $0x6  }
0x174: {  	_ =	swait.ge [sflag:s0], $0x1400  }
0x175: {  	[sflag:s0] =	ssyncset.done $0x0  }
0x176: {  	[sflag:s0] =	ssyncadd.s32 $0xFFFFEC00  }
0x177: {  	[bflag:$0x0] =	sbarrier.arrive $0xFFFF  }
0x178: {  	s15 =	rddreg [dreg:$0x4]  }
0x179: {  	s30 =	rddreg [dreg:$0x6]  }
0x17a: {  	s7 =	rddreg [dreg:$0x9]  }
0x17b: {  	[hbm:s30], [sflag:s15] =	dma.local [spmem:s7], $0x2700  }
0x17c: {  	_ =	swait.ge [sflag:s16], $0x2700  }
0x17d: {  	[sflag:s16] =	ssyncset.done $0x0;
	s0 =	rddreg [dreg:$0x7]  }
0x17e: {  	s8 =	rddreg [dreg:$0xa];
	[sflag:s16] =	ssyncadd.s32 $0xFFFFD900  }
0x17f: {  	[hbm:s0], [sflag:s15] =	dma.local @!p0 [spmem:s8], $0x100  }
0x180: {  	s0 =	simm.s32 @!p0 $0x7  }
0x181: {  	_ =	swait.ge @!p0 [sflag:s0], $0x100  }
0x182: {  	s31 =	sadd.s32 $0x1, s31;
	s1 =	rddreg [dreg:$0x8]  }
0x183: {  	p1 =	sne.s32 s31, s1  }
.Ltmp4:
0x184: {  	_ = 	snop;
	(pc) =	sbr.rel @p1 .LBB2_1-.Ltmp4, $3  }
0x185: {  	_ =	sdelay $0x1  }
0x186: {  	[sflag:s0] =	ssyncset.done @!p0 $0x0  }
0x187: {  	[sflag:s0] =	ssyncadd.s32 @!p0 $0xFFFFFF00  }
0x188: {  	_ =	sfence.sel $0x180000  }
0x189: {  	[bflag:$0x0] =	sbarrier.arrive $0xFFFF  }
0x18a: {  	_ =	strace $0x9000004D  }
0x18b: {  	s0 =	stileid.u32;
	[bflag:$0x2] =	sbarrier.arrive $0xFFFF  }
0x18c: {  	p0 =	sne.s32 s0, $0x0;
	s0 =	rddreg [dreg:$0x2]  }
0x18d: {  	s0 =	sadd.s32 @!p0 $0x100000, s0  }
0x18e: {  	[sflag:s0] =	ssyncadd.tile.s32 @!p0 $0x1;
	_ =	shalt  }
.Lfunc_end2:
_tile_overlayer_lowered:
.L_overlay_start_2:
0x18f: {  	(tag) =	ssettag $0x2  }
0x190: {  	s0 =	rddreg [dreg:$0x0];
	s2 =	stileid.u32  }
0x191: {  	s1 =	rddreg [dreg:$0x1];
	p0 =	sne.s32 s2, $0x0  }
0x192: {  	s3 =	rddreg [dreg:$0x2];
	[bflag:$0x3] =	sbarrier.arrive $0xFFFF;
	s2 =	simm.s32 @!p0 $0x1C07  }
0x193: {  	[timem:s3], [sflag:s2] =	dma.local @!p0 [hbm:s0], s1  }
0x194: {  	s0 =	simm.s32 @!p0 $0x7  }
0x195: {  	_ =	swait.ge @!p0 [sflag:s0], s1  }
0x196: {  	s1 =	ssub.s32 @!p0 $0x0, s1;
	[sflag:s0] =	ssyncset.done @!p0 $0x0  }
0x197: {  	[sflag:s0] =	ssyncadd.s32 @!p0 s1  }
0x198: {  	[bflag:$0x3] =	sbarrier.arrive $0xFFFF  }
0x199: {  	_ =	shalt  }

// kernel: kernel.25.cloned.1.call-start
scs
__scs_entry_jumppad:
0x0: {  	(pc) =	sbr.rel $0x88, $3  }
0x1: {  	(tag) =	ssettag $0x0;
	lr =	simm.s32 $0x1  }
0x2: {  	[smem:$0x3F86] =	sst lr;
	_ =	strace $0xD0000000  }
0x3: {  	_ = 	snop  }
0x4: {  	_ = 	snop  }
0x5: {  	_ = 	snop  }
0x6: {  	_ = 	snop  }
0x7: {  	_ = 	snop  }
__scs_overlays_trampoline_lowered:
0x8: {  	[smem:$0x3F95] =	sst s0  }
0x9: {  	[smem:$0x3F96] =	sst s1  }
0xa: {  	[smem:$0x3F97] =	sst s2  }
0xb: {  	[smem:$0x3F98] =	sst s3  }
0xc: {  	[smem:$0x3F99] =	sst s4  }
0xd: {  	[smem:$0x3F9A] =	sst s5  }
0xe: {  	[smem:$0x3F9B] =	sst s6  }
0xf: {  	[smem:$0x3F9C] =	sst s7  }
0x10: {  	[smem:$0x3F9D] =	sst s8  }
0x11: {  	[smem:$0x3F9E] =	sst s9;
	s0 =	simm.s32 @!p0 $0x0  }
0x12: {  	s1 =	sld [smem:$0x3F84];
	s0 =	simm.s32 @p0 $0x1  }
0x13: {  	[smem:$0x3F9F] =	sst s0;
	s0 =	simm.s32 @!p1 $0x0  }
0x14: {  	s2 =	sld [smem:$0x3F83];
	s0 =	simm.s32 @p1 $0x1  }
0x15: {  	[smem:$0x3FA0] =	sst s0;
	s0 =	simm.s32 @!p2 $0x0  }
0x16: {  	s3 =	sld [smem:$0x3FDB];
	s0 =	simm.s32 @p2 $0x1  }
0x17: {  	s4 =	simm.s32 $0x1BF5;
	[smem:$0x3FA2] =	sst s0  }
0x18: {  	s0 =	sld [smem:$0x3F85];
	_ =	swait.ge [sflag:s4], $0x0  }
0x19: {  	s7 =	sld [smem:$0x3F86]  }
0x1a: {  	s8 =	sadd.s32 $0xFFFFE003, lr  }
0x1b: {  	s9 =	sadd.s32 $0xFFFFFEF7, lr;
	s5 =	simm.s32 $0xFFFFFFFF;
	p2 =	slt.u32 s8, $0xFFFFF086  }
0x1c: {  	p1 =	slt.u32 s9, $0xF7A;
	s5 =	simm.s32 @!p2 $0x0  }
0x1d: {  	s5 =	simm.s32 @p1 $0x1;
	p0 =	seq.s32 s7, s2  }
0x1e: {  	s7 =	smul.u32 @!p0 $0xF7A, s2;
	p2 =	seq.s32 @!p0 s5, $0x0  }
0x1f: {  	s9 =	smul.u32 $0xF7A, s1;
	s8 =	simm.s32 @!p0 $0x1BF5;
	p2 =	por !p2, p0  }
0x20: {  	[sflag:s8] =	ssyncset.s32 @!p0 $0xFFFFF086;
	s6 =	sadd.s32 @!p0 s3, s7;
	s7 =	simm.s32 @!p0 $0x108  }
0x21: {  	s3 =	sadd.s32 s3, s9;
	s6 =	sadd.s32 @!p0 $0x88, s6;
	s7 =	simm.s32 @p2 $0x1082  }
0x22: {  	[simem:s7], [sflag:s8] =	dma.local @!p0 [hbm:s6], $0xF7A  }
0x23: {  	s9 =	sor.u32 $0xD0000000, s2;
	s6 =	simm.s32 $0x108;
	_ =	swait.ge @!p0 [sflag:s8], $0x0  }
0x24: {  	s3 =	sadd.s32 $0x88, s3;
	s6 =	simm.s32 @!p1 $0x1082;
	[sflag:s4] =	ssyncset.s32 $0xFFFFF086  }
0x25: {  	[simem:s6], [sflag:s4] =	dma.local [hbm:s3], $0xF7A  }
0x26: {  	[smem:$0x3F86] =	sst s1;
	(tag) =	ssettag s2;
	_ =	strace s9  }
0x27: {  	s1 =	sld [smem:$0x3F96]  }
0x28: {  	s2 =	sld [smem:$0x3F97]  }
0x29: {  	s4 =	sld [smem:$0x3F99]  }
0x2a: {  	p0 =	seq.s32 s5, $0x0;
	s5 =	sld [smem:$0x3F9A]  }
0x2b: {  	s6 =	sld [smem:$0x3F9B]  }
0x2c: {  	s7 =	sld [smem:$0x3F9C]  }
0x2d: {  	s3 =	simm.s32 $0x108;
	s8 =	sld [smem:$0x3F9D]  }
0x2e: {  	s3 =	simm.s32 @!p0 $0x1082;
	s9 =	sld [smem:$0x3F9E]  }
0x2f: {  	lr =	sadd.s32 s0, s3;
	s0 =	sld [smem:$0x3F95]  }
0x30: {  	s3 =	sld [smem:$0x3F98]  }
0x31: {  	[smem:$0x3FA1] =	sst s10  }
0x32: {  	s10 =	sld [smem:$0x3F9F];
	_ =	sdelay $0x3  }
0x33: {  	p0 =	seq.s32 s10, $0x1;
	s10 =	sld [smem:$0x3FA1];
	_ =	sdelay $0x3  }
0x34: {  	[smem:$0x3FA1] =	sst s10  }
0x35: {  	s10 =	sld [smem:$0x3FA0];
	_ =	sdelay $0x3  }
0x36: {  	p1 =	seq.s32 s10, $0x1;
	s10 =	sld [smem:$0x3FA1];
	_ =	sdelay $0x3  }
0x37: {  	[smem:$0x3FA1] =	sst s10  }
0x38: {  	s10 =	sld [smem:$0x3FA2]  }
0x39: {  	_ = 	snop;
	(pc) =	sbr.ind lr, $3  }
0x3a: {  	_ = 	snop  }
0x3b: {  	_ = 	snop  }
0x3c: {  	p2 =	seq.s32 s10, $0x1;
	s10 =	sld [smem:$0x3FA1]  }
0x3d: {  	_ =	shalt  }
0x3e: {  	_ =	shalt  }
0x3f: {  	_ =	shalt  }
0x40: {  	_ =	shalt  }
0x41: {  	_ =	shalt  }
0x42: {  	_ =	shalt  }
0x43: {  	_ =	shalt  }
0x44: {  	_ =	shalt  }
0x45: {  	_ =	shalt  }
0x46: {  	_ =	shalt  }
0x47: {  	_ =	shalt  }
0x48: {  	_ =	shalt  }
0x49: {  	_ =	shalt  }
0x4a: {  	_ =	shalt  }
0x4b: {  	_ =	shalt  }
0x4c: {  	_ =	shalt  }
0x4d: {  	_ =	shalt  }
0x4e: {  	_ =	shalt  }
0x4f: {  	_ =	shalt  }
0x50: {  	_ =	shalt  }
0x51: {  	_ =	shalt  }
0x52: {  	_ =	shalt  }
0x53: {  	_ =	shalt  }
0x54: {  	_ =	shalt  }
0x55: {  	_ =	shalt  }
0x56: {  	_ =	shalt  }
0x57: {  	_ =	shalt  }
0x58: {  	_ =	shalt  }
0x59: {  	_ =	shalt  }
0x5a: {  	_ =	shalt  }
0x5b: {  	_ =	shalt  }
0x5c: {  	_ =	shalt  }
0x5d: {  	_ =	shalt  }
0x5e: {  	_ =	shalt  }
0x5f: {  	_ =	shalt  }
0x60: {  	_ =	shalt  }
0x61: {  	_ =	shalt  }
0x62: {  	_ =	shalt  }
0x63: {  	_ =	shalt  }
0x64: {  	_ =	shalt  }
0x65: {  	_ =	shalt  }
0x66: {  	_ =	shalt  }
0x67: {  	_ =	shalt  }
0x68: {  	_ =	shalt  }
0x69: {  	_ =	shalt  }
0x6a: {  	_ =	shalt  }
0x6b: {  	_ =	shalt  }
0x6c: {  	_ =	shalt  }
0x6d: {  	_ =	shalt  }
0x6e: {  	_ =	shalt  }
0x6f: {  	_ =	shalt  }
0x70: {  	_ =	shalt  }
0x71: {  	_ =	shalt  }
0x72: {  	_ =	shalt  }
0x73: {  	_ =	shalt  }
0x74: {  	_ =	shalt  }
0x75: {  	_ =	shalt  }
0x76: {  	_ =	shalt  }
0x77: {  	_ =	shalt  }
0x78: {  	_ =	shalt  }
0x79: {  	_ =	shalt  }
0x7a: {  	_ =	shalt  }
0x7b: {  	_ =	shalt  }
0x7c: {  	_ =	shalt  }
0x7d: {  	_ =	shalt  }
0x7e: {  	_ =	shalt  }
0x7f: {  	_ =	shalt  }
0x80: {  	_ =	shalt  }
0x81: {  	_ =	shalt  }
0x82: {  	_ =	shalt  }
0x83: {  	_ =	shalt  }
0x84: {  	_ =	shalt  }
0x85: {  	_ =	shalt  }
0x86: {  	_ =	shalt  }
0x87: {  	_ =	shalt  }
.Lfunc_end0:
.L_simem_size_0:
called_computation.3_lowered:
.L_overlay_start_0:
0x88: {  	s2 =	sld [smem:$0x3FD9]  }
0x89: {  	s3 =	sld [smem:$0x3FFE];
	_ =	sdelay $0x1  }
0x8a: {  	s1 =	srdreg.scid  }
0x8b: {  	s0 =	sand.u32 $0x1, s1  }
0x8c: {  	s16 =	sshll.u32 s0, $0xA;
	s2 =	sadd.s32 s3, s2  }
0x8d: {  	s2 =	sadd.s32 s2, s16  }
0x8e: {  	[smem:$0x3FAD] =	sst s2  }
0x8f: {  	_ = 	snop  }
0x90: {  	(tm) =	ssettm $0x1  }
0x91: {  	s17 =	sld [smem:$0x3FFB];
	_ =	sdelay $0x3  }
0x92: {  	_ =	strace s17  }
0x93: {  	s2 =	sld [smem:$0x3FFC];
	_ =	sdelay $0x3  }
0x94: {  	_ =	strace s2  }
0x95: {  	s2 =	sld [smem:$0x3FFD];
	_ =	sdelay $0x3  }
0x96: {  	_ =	strace s2  }
0x97: {  	_ =	strace $0x8FFFFFFF  }
0x98: {  	s18 =	sld [smem:$0x3FDB];
	_ =	sdelay $0x1  }
0x99: {  	s19 =	simm.s32 $_scs_section_size  }
0x9a: {  	s4 =	simm.s32 $_size__tile_overlayer_lowered;
	s5 =	simm.s32 $_tile_overlayer_lowered  }
0x9b: {  	s22 =	simm.s32 $0x1BFF;
	s21 =	sshll.u32 s5, $0x1;
	s2 =	sadd.s32 s19, s18  }
0x9c: {  	s6 =	simm.s32 $0x0;
	s20 =	sshll.u32 s4, $0x1;
	s4 =	sadd.s32 s21, s2  }
0x9d: {  	[timem:s6], [sflag:s22] =	dma.local [hbm:s4], s20  }
0x9e: {  	_ =	swait.ge [sflag:s22], s20  }
0x9f: {  	s3 =	ssub.s32 $0x0, s20;
	[sflag:s22] =	ssyncset.done $0x0  }
0xa0: {  	[sflag:s22] =	ssyncadd.s32 s3;
	_ =	sdelay $0x1  }
0xa1: {  	s23 =	simm.s32 $0x1B8B  }
0xa2: {  	_ =	swait.ge [sflag:s23], $0x1  }
0xa3: {  	[sflag:s23] =	ssyncset.done $0x0  }
0xa4: {  	s25 =	simm.s32 $0x1B8E;
	s24 =	sld [smem:$0x3FFE];
	[sflag:s23] =	ssyncadd.s32 $0xFFFFFFFF  }
0xa5: {  	s26 =	simm.s32 $execute0_lowered;
	[smem:$0x3FD2] =	sst s25  }
0xa6: {  	s4 =	sshll.u32 s26, $0x1;
	_ =	strace $0x8000004F;
	[dreg:$0x1] =	wrdreg $0xFFFFFFFF  }
0xa7: {  	s28 =	simm.s32 $_size_execute0_lowered;
	s2 =	sadd.s32 s2, s4;
	[dreg:$0x0] =	wrdreg $0x0  }
0xa8: {  	s4 =	sshll.u32 s28, $0x1;
	[dreg:$0x2] =	wrdreg s2  }
0xa9: {  	[dreg:$0x3] =	wrdreg s4  }
0xaa: {  	[dreg:$0x4] =	wrdreg $0xC0  }
0xab: {  	_ =	task [dreg:s6], $0x5FFFF  }
0xac: {  	[dreg:$0x1] =	wrdreg $0xFFFFFFFF  }
0xad: {  	[dreg:$0x0] =	wrdreg $0x60  }
0xae: {  	[dreg:$0x2] =	wrdreg s24  }
0xaf: {  	[dreg:$0x3] =	wrdreg $0x9  }
0xb0: {  	_ =	task.clear_ibuf [dreg:s6], $0x4FFFF;
	_ =	strace $0x9000004F  }
0xb1: {  	s29 =	simm.s32 $0x9;
	_ =	strace $0x80000051  }
0xb2: {  	_ =	swait.ge [sflag:s29], $0x1  }
0xb3: {  	[sflag:s29] =	ssyncadd.s32 $0xFFFFFFFF  }
0xb4: {  	_ =	strace $0x90000051  }
0xb5: {  	_ =	sfence  }
0xb6: {  	s30 =	sld [smem:$0x0];
	_ =	sdelay $0x2  }
0xb7: {  	s31 =	sshll.u32 s1, $0xD;
	s1 =	sshrl.u32 s1, $0x2  }
0xb8: {  	s3 =	sand.u32 $0x4000, s31;
	s1 =	sadd.s32 s1, s30  }
0xb9: {  	s0 =	sor.u32 s3, s0;
	s1 =	sshll.u32 s1, $0x11  }
0xba: {  	s0 =	sor.u32 s1, s0  }
0xbb: {  	s0 =	sadd.s32 $0x8F2B, s0  }
0xbc: {  	[sflag:s0] =	ssyncadd.remote.s32 $0x1  }
0xbd: {  	_ =	sfence.sel $0xFFFF  }
0xbe: {  	[dreg:$0x0] =	wrdreg $0xFFFFFFFF;
	(pc) =	sbr.abs _section_cstart, $3  }
0xbf: {  	[dreg:$0x1] =	wrdreg $0xFFFFFFFF  }
0xc0: {  	_ =	task.clear_ibuf [dreg:s6], $0x2FFFF;
	_ =	strace $0x9FFFFFFF  }
0xc1: {  	(tm) =	ssettm $0x7FFFFFFF  }
tec
execute0_lowered:
.L_overlay_start_1:
0x0: {  	(tag) =	ssettag $0x1  }
0x1: {  	s0 =	rddreg [dreg:$0x0];
	s1 =	simm.s32 $0x0;
	s2 =	srdreg.scid  }
0x2: {  	s5 =	stileid.u32;
	s13 =	simm.s32 $0x28;
	s14 =	simm.s32 $0x3800  }
0x3: {  	s17 =	simm.s32 $0x4C00;
	s18 =	simm.s32 $0x7400;
	s19 =	simm.s32 $0x9C00  }
0x4: {  	s20 =	simm.s32 $0x1;
	s21 =	simm.s32 $0x3;
	s22 =	simm.s32 $0x5  }
0x5: {  	s23 =	simm.s32 $0x7;
	s24 =	simm.s32 $0x2;
	s25 =	simm.s32 $0x4  }
0x6: {  	s26 =	simm.s32 $0x6;
	[smem:$0x7FF] =	sst s1;
	s3 =	sadd.s32 $0x4CE00, s0  }
0x7: {  	s2 =	sand.u32 $0x1, s2;
	s4 =	sadd.s32 $0x74000, s0;
	s7 =	sshll.u32 s5, $0x1  }
0x8: {  	s5 =	sadd.s32 $0x57D200, s0;
	s6 =	ssub.s32 $0x2, s2;
	s2 =	sor.u32 s2, s7  }
0x9: {  	s29 =	sadd.s32 $0x6E00, s0;
	s8 =	sshrl.u32 s6, $0x1;
	s30 =	smul.u32 $0x8C00, s2  }
0xa: {  	_ =	strace $0x80000050;
	[dreg:$0x2] =	wrdreg s29;
	s6 =	ssub.s32 s6, s8  }
0xb: {  	s9 =	smul.u32 $0x2710, s2;
	[dreg:$0x3] =	wrdreg s30;
	s31 =	smax.u32 s6, $0x1  }
0xc: {  	s8 =	sadd.s32 $0xA5F200, s0;
	s6 =	simm.s32 $0x0;
	[dreg:$0x4] =	wrdreg s31  }
.LBB2_1:
0xd: {  	[dreg:$0x5] =	wrdreg s6;
	s30 =	simm.s32 $0x0  }
.LBB2_2:
0xe: {  	p0 =	seq.s32 s30, $0x0  }
0xf: {  	s2 =	simm.s32 @!p0 $0x8  }
0x10: {  	s0 =	smul.u32 $0x1C00, s30;
	_ =	swait.ge @!p0 [sflag:s2], $0x1400  }
0x11: {  	s6 =	rddreg [dreg:$0x3]  }
0x12: {  	s31 =	simm.s32 $0x0;
	s0 =	sadd.s32 s6, s0  }
0x13: {  	[sflag:s2] =	ssyncset.done @!p0 $0x0;
	s11 =	rddreg [dreg:$0x2];
	s0 =	sshrl.u32 s0, $0x3  }
0x14: {  	s12 =	simm.s32 $0x9;
	[sflag:s2] =	ssyncadd.s32 @!p0 $0xFFFFEC00;
	s0 =	sadd.s32 s11, s0  }
0x15: {  	[tilespmem:s31], [sflag:$0x9] =	stream.linear.gather [hbm4b:s0+s31], $0x1900, $0x38;
	[tilespmem:$0xB000] =	vst v63  }
0x16: {  	_ =	swait.ge [sflag:s12], $0x1900  }
0x17: {  	[sflag:s12] =	ssyncset.done $0x0  }
0x18: {  	s15 =	simm.s32 $0x1C00;
	s0 =	sadd.s32 $0x23000, s0;
	[sflag:s12] =	ssyncadd.s32 $0xFFFFE700  }
0x19: {  	[tilespmem:s15], [sflag:$0x9] =	stream.linear.gather [hbm4b:s0+s31], $0x1900, $0x38;
	[tilespmem:$0xB000] =	vst v63  }
0x1a: {  	s16 =	smul.u32 $0x7D0, s30;
	_ =	swait.ge [sflag:s12], $0x1900  }
0x1b: {  	[sflag:s12] =	ssyncset.done $0x0  }
0x1c: {  	s0 =	sadd.s32 s9, s16;
	[sflag:s12] =	ssyncadd.s32 $0xFFFFE700  }
0x1d: {  	[tilespmem:s14], [sflag:$0x1] =	stream.indirect.gather [hbm4b:s3+s13], $0x80, s31, s13, $0xb8;
	[tilespmem:$0xB000] =	vst v63  }
0x1e: {  	s28 =	simm.s32 $0x6000;
	s0 =	sshll.u32 s0, $0x4  }
0x1f: {  	[tilespmem:s28], [sflag:$0x3] =	stream.indirect.gather [hbm4b:s4+s13], $0x80, s15, s13, $0xb8;
	[tilespmem:$0xB000] =	vst v63  }
0x20: {  	s29 =	simm.s32 $0x8800;
	s0 =	sadd.s32 s5, s0  }
0x21: {  	[tilespmem:s29], [sflag:$0x5] =	stream.linear.gather [hbm4b:s0+s31], $0x1400, $0x38;
	[tilespmem:$0xB000] =	vst v63  }
0x22: {  	s0 =	smul.u32 $0x32, s30  }
.LBB2_3:
0x23: {  	p0 =	seq.s32 s31, $0x0  }
0x24: {  	s10 =	sshll.u32 s31, $0x1;
	s2 =	simm.s32 @!p0 $0x8  }
0x25: {  	s28 =	sor.u32 $0x1, s10;
	_ =	swait.ge @!p0 [sflag:s2], $0x1400  }
0x26: {  	s6 =	sadd.s32 s0, s28;
	[sflag:s2] =	ssyncset.done @!p0 $0x0  }
0x27: {  	s12 =	sshll.u32 s28, $0x7;
	s6 =	smul.u32 $0x28, s6;
	[sflag:s2] =	ssyncadd.s32 @!p0 $0xFFFFEC00  }
0x28: {  	[tilespmem:s17], [sflag:$0x2] =	stream.indirect.gather [hbm4b:s3+s13], $0x80, s12, s13, $0xb8;
	[tilespmem:$0xB000] =	vst v63  }
0x29: {  	s2 =	sadd.s32 $0x1C00, s12;
	s15 =	sadd.s32 s9, s6  }
0x2a: {  	[tilespmem:s18], [sflag:$0x4] =	stream.indirect.gather [hbm4b:s4+s13], $0x80, s2, s13, $0xb8;
	[tilespmem:$0xB000] =	vst v63  }
0x2b: {  	s2 =	sshll.u32 s15, $0x4  }
0x2c: {  	s16 =	sadd.s32 s5, s2  }
0x2d: {  	[tilespmem:s19], [sflag:$0x6] =	stream.linear.gather [hbm4b:s16+s1], $0x1400, $0x38;
	[tilespmem:$0xB000] =	vst v63  }
0x2e: {  	_ =	swait.ge [sflag:s20], $0x1400  }
0x2f: {  	[sflag:s20] =	ssyncset.done $0x0  }
0x30: {  	[sflag:s20] =	ssyncadd.s32 $0xFFFFEC00  }
0x31: {  	_ =	swait.ge [sflag:s21], $0x1400  }
0x32: {  	[sflag:s21] =	ssyncset.done $0x0  }
0x33: {  	[sflag:s21] =	ssyncadd.s32 $0xFFFFEC00  }
0x34: {  	_ =	swait.ge [sflag:s22], $0x1400  }
0x35: {  	[sflag:s22] =	ssyncset.done $0x0  }
0x36: {  	s29 =	simm.s32 $0x3900;
	[sflag:s22] =	ssyncadd.s32 $0xFFFFEC00  }
0x37: {  	s11 =	simm.s32 $0x6100;
	v0 =	vld [tilespmem:s29+$0x80]  }
0x38: {  	s7 =	simm.s32 $0x8900;
	v1 =	vld [tilespmem:s11+$0x80]  }
0x39: {  	v2 =	vld [tilespmem:s7+$0x80]  }
0x3a: {  	v3 =	vld [tilespmem:s7+$0xFFFFFF00]  }
0x3b: {  	v5 =	vld [tilespmem:s29+$0xFFFFFF80]  }
0x3c: {  	v7 =	vld [tilespmem:s11+$0xFFFFFF80]  }
0x3d: {  	s15 =	simm.s32 $0x3B00;
	v8 =	vld [tilespmem:s11+$0x0]  }
0x3e: {  	s16 =	simm.s32 $0x6300;
	v12 =	vld [tilespmem:s15+$0x80]  }
0x3f: {  	v13 =	vld [tilespmem:s16+$0x80];
	v0 =	vadd.f32 v1, v0  }
0x40: {  	v15 =	vld [tilespmem:s15+$0xFFFFFF80]  }
0x41: {  	v1 =	vld [tilespmem:s11+$0xFFFFFF00];
	v0 =	vadd.f32 v2, v0  }
0x42: {  	v2 =	vld [tilespmem:s29+$0xFFFFFF00]  }
0x43: {  	v16 =	vld [tilespmem:s16+$0xFFFFFF80];
	v0 =	vmax.f32 v0, $0.0e+00  }
0x44: {  	[tilespmem:s29+$0x80] =	vst v0;
	v0 =	vld [tilespmem:s29+$0x90]  }
0x45: {  	v4 =	vld [tilespmem:s11+$0x90]  }
0x46: {  	v6 =	vld [tilespmem:s7+$0x90]  }
0x47: {  	s6 =	simm.s32 $0x8B00;
	v1 =	vadd.f32 v1, v2;
	v2 =	vld [tilespmem:s29+$0x0]  }
0x48: {  	v17 =	vld [tilespmem:s6+$0x0]  }
0x49: {  	v18 =	vld [tilespmem:s15+$0xFFFFFF90]  }
0x4a: {  	v1 =	vadd.f32 v3, v1;
	v3 =	vld [tilespmem:s7+$0xFFFFFF80];
	v0 =	vadd.f32 v4, v0  }
0x4b: {  	v4 =	vld [tilespmem:s29+$0xFFFFFF10]  }
0x4c: {  	v1 =	vmax.f32 v1, $0.0e+00;
	v2 =	vadd.f32 v8, v2;
	v8 =	vld [tilespmem:s29+$0x10];
	v0 =	vadd.f32 v6, v0  }
0x4d: {  	[tilespmem:s29+$0xFFFFFF00] =	vst v1;
	v6 =	vld [tilespmem:s7+$0x0]  }
0x4e: {  	v1 =	vld [tilespmem:s11+$0xFFFFFF10];
	v0 =	vmax.f32 v0, $0.0e+00  }
0x4f: {  	v9 =	vld [tilespmem:s7+$0xFFFFFF10];
	[tilespmem:s29+$0x90] =	vst v0;
	v0 =	vadd.f32 v7, v5  }
0x50: {  	v5 =	vld [tilespmem:s29+$0xA0]  }
0x51: {  	v7 =	vld [tilespmem:s11+$0xA0];
	v0 =	vadd.f32 v3, v0  }
0x52: {  	v3 =	vld [tilespmem:s29+$0xFFFFFF90];
	v2 =	vadd.f32 v6, v2  }
0x53: {  	v6 =	vld [tilespmem:s7+$0xA0];
	v1 =	vadd.f32 v1, v4;
	v0 =	vmax.f32 v0, $0.0e+00  }
0x54: {  	v4 =	vld [tilespmem:s29+$0xFFFFFF20];
	[tilespmem:s29+$0xFFFFFF80] =	vst v0;
	v0 =	vmax.f32 v2, $0.0e+00  }
0x55: {  	v2 =	vld [tilespmem:s11+$0xFFFFFF90];
	[tilespmem:s29+$0x0] =	vst v0;
	v0 =	vadd.f32 v9, v1  }
0x56: {  	v1 =	vadd.f32 v7, v5;
	v7 =	vld [tilespmem:s7+$0xFFFFFF90]  }
0x57: {  	v5 =	vld [tilespmem:s11+$0x10];
	v0 =	vmax.f32 v0, $0.0e+00  }
0x58: {  	v1 =	vadd.f32 v6, v1;
	v6 =	vld [tilespmem:s7+$0x10];
	[tilespmem:s29+$0xFFFFFF10] =	vst v0  }
0x59: {  	v0 =	vld [tilespmem:s11+$0xFFFFFF20]  }
0x5a: {  	v1 =	vmax.f32 v1, $0.0e+00;
	v9 =	vld [tilespmem:s7+$0xFFFFFF20]  }
0x5b: {  	[tilespmem:s29+$0xA0] =	vst v1;
	v1 =	vadd.f32 v2, v3;
	v2 =	vld [tilespmem:s29+$0xB0]  }
0x5c: {  	v3 =	vadd.f32 v5, v8;
	v5 =	vld [tilespmem:s11+$0xB0]  }
0x5d: {  	v8 =	vld [tilespmem:s29+$0xFFFFFFA0];
	v1 =	vadd.f32 v7, v1  }
0x5e: {  	v7 =	vld [tilespmem:s29+$0x20]  }
0x5f: {  	v3 =	vadd.f32 v6, v3;
	v6 =	vld [tilespmem:s7+$0xB0];
	v1 =	vmax.f32 v1, $0.0e+00;
	v0 =	vadd.f32 v0, v4  }
0x60: {  	v4 =	vld [tilespmem:s29+$0xFFFFFF30];
	[tilespmem:s29+$0xFFFFFF90] =	vst v1  }
0x61: {  	v1 =	vmax.f32 v3, $0.0e+00;
	v3 =	vld [tilespmem:s11+$0xFFFFFFA0];
	v0 =	vadd.f32 v9, v0  }
0x62: {  	[tilespmem:s29+$0x10] =	vst v1;
	v1 =	vadd.f32 v5, v2;
	v5 =	vld [tilespmem:s7+$0xFFFFFFA0]  }
0x63: {  	v2 =	vld [tilespmem:s11+$0x20];
	v0 =	vmax.f32 v0, $0.0e+00  }
0x64: {  	v1 =	vadd.f32 v6, v1;
	v6 =	vld [tilespmem:s7+$0x20];
	[tilespmem:s29+$0xFFFFFF20] =	vst v0  }
0x65: {  	v0 =	vld [tilespmem:s11+$0xFFFFFF30]  }
0x66: {  	v1 =	vmax.f32 v1, $0.0e+00;
	v9 =	vld [tilespmem:s7+$0xFFFFFF30]  }
0x67: {  	[tilespmem:s29+$0xB0] =	vst v1;
	v1 =	vadd.f32 v3, v8;
	v3 =	vld [tilespmem:s29+$0xC0]  }
0x68: {  	v8 =	vld [tilespmem:s29+$0xFFFFFFB0];
	v2 =	vadd.f32 v2, v7  }
0x69: {  	v7 =	vld [tilespmem:s11+$0xC0];
	v1 =	vadd.f32 v5, v1  }
0x6a: {  	v5 =	vld [tilespmem:s7+$0xC0];
	v2 =	vadd.f32 v6, v2  }
0x6b: {  	v6 =	vld [tilespmem:s29+$0x30];
	v1 =	vmax.f32 v1, $0.0e+00;
	v0 =	vadd.f32 v0, v4  }
0x6c: {  	v4 =	vld [tilespmem:s29+$0xFFFFFF40];
	[tilespmem:s29+$0xFFFFFFA0] =	vst v1;
	v1 =	vmax.f32 v2, $0.0e+00  }
0x6d: {  	[tilespmem:s29+$0x20] =	vst v1;
	v0 =	vadd.f32 v9, v0;
	v1 =	vld [tilespmem:s11+$0xFFFFFFB0]  }
0x6e: {  	v2 =	vadd.f32 v7, v3;
	v3 =	vld [tilespmem:s11+$0x30]  }
0x6f: {  	v7 =	vld [tilespmem:s7+$0xFFFFFFB0];
	v0 =	vmax.f32 v0, $0.0e+00  }
0x70: {  	v2 =	vadd.f32 v5, v2;
	[tilespmem:s29+$0xFFFFFF30] =	vst v0;
	v0 =	vld [tilespmem:s7+$0x30]  }
0x71: {  	v5 =	vld [tilespmem:s11+$0xFFFFFF40]  }
0x72: {  	v2 =	vmax.f32 v2, $0.0e+00;
	v9 =	vld [tilespmem:s7+$0xFFFFFF40];
	v1 =	vadd.f32 v1, v8  }
0x73: {  	[tilespmem:s29+$0xC0] =	vst v2;
	v2 =	vadd.f32 v3, v6;
	v3 =	vld [tilespmem:s29+$0xD0]  }
0x74: {  	v6 =	vld [tilespmem:s11+$0xD0];
	v1 =	vadd.f32 v7, v1  }
0x75: {  	v8 =	vld [tilespmem:s29+$0xFFFFFFC0]  }
0x76: {  	v0 =	vadd.f32 v0, v2;
	v2 =	vld [tilespmem:s7+$0xD0];
	v1 =	vmax.f32 v1, $0.0e+00  }
0x77: {  	v7 =	vld [tilespmem:s29+$0x40];
	[tilespmem:s29+$0xFFFFFFB0] =	vst v1  }
0x78: {  	v0 =	vmax.f32 v0, $0.0e+00;
	v1 =	vld [tilespmem:s11+$0xFFFFFFC0]  }
0x79: {  	[tilespmem:s29+$0x30] =	vst v0;
	v3 =	vadd.f32 v6, v3;
	v6 =	vld [tilespmem:s7+$0xFFFFFFC0]  }
0x7a: {  	v4 =	vadd.f32 v5, v4;
	v0 =	vld [tilespmem:s11+$0x40]  }
0x7b: {  	v5 =	vld [tilespmem:s7+$0x40];
	v2 =	vadd.f32 v2, v3  }
0x7c: {  	v4 =	vadd.f32 v9, v4;
	v3 =	vld [tilespmem:s29+$0xFFFFFF50]  }
0x7d: {  	v2 =	vmax.f32 v2, $0.0e+00;
	v1 =	vadd.f32 v1, v8;
	v8 =	vld [tilespmem:s29+$0xFFFFFFD0]  }
0x7e: {  	[tilespmem:s29+$0xD0] =	vst v2;
	v2 =	vmax.f32 v4, $0.0e+00;
	v4 =	vld [tilespmem:s29+$0xE0]  }
0x7f: {  	v0 =	vadd.f32 v0, v7;
	v7 =	vld [tilespmem:s29+$0x50];
	v1 =	vadd.f32 v6, v1  }
0x80: {  	[tilespmem:s29+$0xFFFFFF40] =	vst v2;
	v2 =	vld [tilespmem:s11+$0xE0]  }
0x81: {  	v0 =	vadd.f32 v5, v0;
	v5 =	vld [tilespmem:s11+$0xFFFFFF50];
	v1 =	vmax.f32 v1, $0.0e+00  }
0x82: {  	[tilespmem:s29+$0xFFFFFFC0] =	vst v1;
	v1 =	vld [tilespmem:s7+$0xE0]  }
0x83: {  	v9 =	vld [tilespmem:s7+$0xFFFFFF50];
	v0 =	vmax.f32 v0, $0.0e+00  }
0x84: {  	v6 =	vld [tilespmem:s11+$0xFFFFFFD0];
	[tilespmem:s29+$0x40] =	vst v0  }
0x85: {  	v2 =	vadd.f32 v2, v4;
	v0 =	vld [tilespmem:s11+$0x50]  }
0x86: {  	v4 =	vld [tilespmem:s7+$0xFFFFFFD0]  }
0x87: {  	v10 =	vld [tilespmem:s7+$0x50];
	v1 =	vadd.f32 v1, v2;
	v2 =	vadd.f32 v5, v3  }
0x88: {  	v46 =	vld [tilespmem:s15+$0x10]  }
0x89: {  	v49 =	vld [tilespmem:s15+$0xFFFFFFA0];
	v5 =	vadd.f32 v6, v8;
	v2 =	vadd.f32 v9, v2  }
0x8a: {  	v3 =	vld [tilespmem:s29+$0xFFFFFF60];
	v7 =	vadd.f32 v0, v7  }
0x8b: {  	v6 =	vld [tilespmem:s29+$0xFFFFFFE0];
	v4 =	vadd.f32 v4, v5;
	v2 =	vmax.f32 v2, $0.0e+00  }
0x8c: {  	v5 =	vadd.f32 v10, v7;
	v7 =	vld [tilespmem:s29+$0x60];
	[tilespmem:s29+$0xFFFFFF50] =	vst v2  }
0x8d: {  	v2 =	vmax.f32 v4, $0.0e+00;
	v4 =	vld [tilespmem:s11+$0xFFFFFF60]  }
0x8e: {  	[tilespmem:s29+$0xFFFFFFD0] =	vst v2;
	v2 =	vmax.f32 v5, $0.0e+00;
	v9 =	vld [tilespmem:s7+$0xFFFFFF60]  }
0x8f: {  	v5 =	vld [tilespmem:s11+$0xFFFFFFE0];
	[tilespmem:s29+$0x50] =	vst v2  }
0x90: {  	v2 =	vld [tilespmem:s11+$0x60]  }
0x91: {  	v10 =	vld [tilespmem:s7+$0xFFFFFFE0]  }
0x92: {  	v11 =	vld [tilespmem:s7+$0x60];
	v3 =	vadd.f32 v4, v3  }
0x93: {  	v52 =	vld [tilespmem:s15+$0xFFFFFFB0]  }
0x94: {  	v5 =	vadd.f32 v5, v6;
	v6 =	vadd.f32 v9, v3;
	v9 =	vld [tilespmem:s6+$0x80]  }
0x95: {  	v53 =	vld [tilespmem:s15+$0x30];
	v2 =	vadd.f32 v2, v7  }
0x96: {  	v55 =	vld [tilespmem:s15+$0xFFFFFFC0];
	v5 =	vadd.f32 v10, v5  }
0x97: {  	v58 =	vld [tilespmem:s15+$0xFFFFFFD0];
	v10 =	vadd.f32 v11, v2;
	v11 =	vadd.f32 v13, v12  }
0x98: {  	v59 =	vld [tilespmem:s15+$0x50]  }
0x99: {  	v13 =	vld [tilespmem:s6+$0xFFFFFF00];
	v5 =	vmax.f32 v5, $0.0e+00;
	v9 =	vadd.f32 v9, v11  }
0x9a: {  	[tilespmem:s29+$0xFFFFFFE0] =	vst v5;
	v5 =	vmax.f32 v10, $0.0e+00;
	v10 =	vld [tilespmem:s16+$0xFFFFFF00]  }
0x9b: {  	v11 =	vld [tilespmem:s15+$0xFFFFFF00];
	v9 =	vmax.f32 v9, $0.0e+00  }
0x9c: {  	[tilespmem:s15+$0x80] =	vst v9;
	v9 =	vld [tilespmem:s15+$0x90]  }
0x9d: {  	v12 =	vld [tilespmem:s16+$0x90]  }
0x9e: {  	v61 =	vld [tilespmem:s15+$0xFFFFFFE0]  }
0x9f: {  	v1 =	vmax.f32 v1, $0.0e+00;
	v14 =	vld [tilespmem:s6+$0x90]  }
0xa0: {  	v0 =	vld [tilespmem:s29+$0xF0];
	[tilespmem:s29+$0xE0] =	vst v1;
	v10 =	vadd.f32 v10, v11  }
0xa1: {  	v1 =	vld [tilespmem:s11+$0xF0]  }
0xa2: {  	v11 =	vld [tilespmem:s15+$0x0];
	v10 =	vadd.f32 v13, v10;
	v9 =	vadd.f32 v12, v9  }
0xa3: {  	v12 =	vld [tilespmem:s16+$0x0]  }
0xa4: {  	v13 =	vld [tilespmem:s6+$0xFFFFFF80];
	v10 =	vmax.f32 v10, $0.0e+00;
	v9 =	vadd.f32 v14, v9  }
0xa5: {  	[tilespmem:s15+$0xFFFFFF00] =	vst v10;
	v14 =	vld [tilespmem:s15+$0xFFFFFF10]  }
0xa6: {  	v10 =	vld [tilespmem:s16+$0xFFFFFF10];
	v9 =	vmax.f32 v9, $0.0e+00  }
0xa7: {  	v15 =	vadd.f32 v16, v15;
	[tilespmem:s15+$0x90] =	vst v9;
	v9 =	vld [tilespmem:s15+$0xA0]  }
0xa8: {  	v11 =	vadd.f32 v12, v11;
	v12 =	vld [tilespmem:s6+$0xFFFFFF10]  }
0xa9: {  	v13 =	vadd.f32 v13, v15;
	v45 =	vld [tilespmem:s16+$0xA0]  }
0xaa: {  	v8 =	vld [tilespmem:s7+$0xF0]  }
0xab: {  	v13 =	vmax.f32 v13, $0.0e+00;
	v15 =	vld [tilespmem:s6+$0xA0];
	v11 =	vadd.f32 v17, v11;
	v10 =	vadd.f32 v10, v14  }
0xac: {  	[tilespmem:s15+$0xFFFFFF80] =	vst v13;
	v14 =	vld [tilespmem:s15+$0xFFFFFF20]  }
0xad: {  	v13 =	vld [tilespmem:s16+$0xFFFFFF90];
	v11 =	vmax.f32 v11, $0.0e+00;
	v10 =	vadd.f32 v12, v10  }
0xae: {  	[tilespmem:s15+$0x0] =	vst v11;
	v12 =	vld [tilespmem:s6+$0xFFFFFF90];
	v9 =	vadd.f32 v45, v9  }
0xaf: {  	v11 =	vld [tilespmem:s16+$0x10];
	v10 =	vmax.f32 v10, $0.0e+00  }
0xb0: {  	v9 =	vadd.f32 v15, v9;
	v15 =	vld [tilespmem:s6+$0x10];
	[tilespmem:s15+$0xFFFFFF10] =	vst v10  }
0xb1: {  	v10 =	vld [tilespmem:s16+$0xFFFFFF20]  }
0xb2: {  	v48 =	vld [tilespmem:s6+$0xFFFFFF20];
	v9 =	vmax.f32 v9, $0.0e+00  }
0xb3: {  	v13 =	vadd.f32 v13, v18;
	[tilespmem:s15+$0xA0] =	vst v9;
	v9 =	vld [tilespmem:s15+$0xB0]  }
0xb4: {  	v11 =	vadd.f32 v11, v46;
	v47 =	vld [tilespmem:s16+$0xB0]  }
0xb5: {  	v4 =	vld [tilespmem:s29+$0xFFFFFF70];
	v12 =	vadd.f32 v12, v13  }
0xb6: {  	v13 =	vld [tilespmem:s6+$0xB0];
	v11 =	vadd.f32 v15, v11  }
0xb7: {  	v12 =	vmax.f32 v12, $0.0e+00;
	v15 =	vld [tilespmem:s15+$0x20];
	v10 =	vadd.f32 v10, v14  }
0xb8: {  	[tilespmem:s15+$0xFFFFFF90] =	vst v12;
	v14 =	vld [tilespmem:s15+$0xFFFFFF30];
	v11 =	vmax.f32 v11, $0.0e+00  }
0xb9: {  	v12 =	vld [tilespmem:s16+$0xFFFFFFA0];
	[tilespmem:s15+$0x10] =	vst v11;
	v10 =	vadd.f32 v48, v10;
	v9 =	vadd.f32 v47, v9  }
0xba: {  	v11 =	vld [tilespmem:s16+$0x20]  }
0xbb: {  	v50 =	vld [tilespmem:s6+$0x20];
	v10 =	vmax.f32 v10, $0.0e+00;
	v9 =	vadd.f32 v13, v9  }
0xbc: {  	v13 =	vld [tilespmem:s6+$0xFFFFFFA0];
	[tilespmem:s15+$0xFFFFFF20] =	vst v10  }
0xbd: {  	v10 =	vld [tilespmem:s16+$0xFFFFFF30];
	v9 =	vmax.f32 v9, $0.0e+00  }
0xbe: {  	v0 =	vadd.f32 v1, v0;
	[tilespmem:s15+$0xB0] =	vst v9;
	v9 =	vld [tilespmem:s15+$0xC0]  }
0xbf: {  	v12 =	vadd.f32 v12, v49;
	v11 =	vadd.f32 v11, v15;
	v15 =	vld [tilespmem:s6+$0xFFFFFF30]  }
0xc0: {  	v51 =	vld [tilespmem:s16+$0xC0]  }
0xc1: {  	v0 =	vadd.f32 v8, v0;
	v8 =	vld [tilespmem:s15+$0xFFFFFFF0];
	v12 =	vadd.f32 v13, v12  }
0xc2: {  	v13 =	vld [tilespmem:s6+$0xC0];
	v11 =	vadd.f32 v50, v11  }
0xc3: {  	v3 =	vld [tilespmem:s29+$0xFFFFFFF0];
	v10 =	vadd.f32 v10, v14;
	v12 =	vmax.f32 v12, $0.0e+00  }
0xc4: {  	v2 =	vld [tilespmem:s29+$0x70];
	v11 =	vmax.f32 v11, $0.0e+00;
	[tilespmem:s15+$0xFFFFFFA0] =	vst v12  }
0xc5: {  	[tilespmem:s15+$0x20] =	vst v11;
	v10 =	vadd.f32 v15, v10;
	v9 =	vadd.f32 v51, v9;
	v11 =	vld [tilespmem:s16+$0xFFFFFFB0]  }
0xc6: {  	v12 =	vld [tilespmem:s16+$0x30]  }
0xc7: {  	v10 =	vmax.f32 v10, $0.0e+00;
	v9 =	vadd.f32 v13, v9;
	v13 =	vld [tilespmem:s6+$0xFFFFFFB0]  }
0xc8: {  	[tilespmem:s15+$0xFFFFFF30] =	vst v10;
	v10 =	vld [tilespmem:s6+$0x30]  }
0xc9: {  	v14 =	vld [tilespmem:s15+$0xFFFFFF40];
	v9 =	vmax.f32 v9, $0.0e+00  }
0xca: {  	v15 =	vld [tilespmem:s16+$0xFFFFFF40];
	[tilespmem:s15+$0xC0] =	vst v9;
	v9 =	vadd.f32 v11, v52  }
0xcb: {  	v11 =	vld [tilespmem:s15+$0xD0];
	v12 =	vadd.f32 v12, v53  }
0xcc: {  	v54 =	vld [tilespmem:s16+$0xD0];
	v9 =	vadd.f32 v13, v9  }
0xcd: {  	v56 =	vld [tilespmem:s6+$0xFFFFFF40];
	v10 =	vadd.f32 v10, v12  }
0xce: {  	v12 =	vld [tilespmem:s6+$0xD0];
	v9 =	vmax.f32 v9, $0.0e+00  }
0xcf: {  	v13 =	vld [tilespmem:s15+$0x40];
	[tilespmem:s15+$0xFFFFFFB0] =	vst v9;
	v9 =	vmax.f32 v10, $0.0e+00  }
0xd0: {  	v10 =	vld [tilespmem:s16+$0xFFFFFFC0];
	[tilespmem:s15+$0x30] =	vst v9  }
0xd1: {  	v6 =	vmax.f32 v6, $0.0e+00;
	v9 =	vadd.f32 v54, v11;
	v11 =	vld [tilespmem:s16+$0x40]  }
0xd2: {  	[tilespmem:s29+$0xFFFFFF60] =	vst v6;
	v57 =	vld [tilespmem:s6+$0xFFFFFFC0]  }
0xd3: {  	v7 =	vld [tilespmem:s11+$0xFFFFFF70];
	v9 =	vadd.f32 v12, v9  }
0xd4: {  	v14 =	vadd.f32 v15, v14;
	v12 =	vld [tilespmem:s6+$0x40]  }
0xd5: {  	v6 =	vld [tilespmem:s11+$0xFFFFFFF0];
	v9 =	vmax.f32 v9, $0.0e+00;
	v10 =	vadd.f32 v10, v55  }
0xd6: {  	[tilespmem:s15+$0xD0] =	vst v9;
	v9 =	vadd.f32 v56, v14;
	v11 =	vadd.f32 v11, v13;
	v13 =	vld [tilespmem:s15+$0xE0]  }
0xd7: {  	v14 =	vld [tilespmem:s16+$0xE0];
	v10 =	vadd.f32 v57, v10  }
0xd8: {  	v15 =	vld [tilespmem:s15+$0xFFFFFF50];
	v9 =	vmax.f32 v9, $0.0e+00  }
0xd9: {  	v11 =	vadd.f32 v12, v11;
	[tilespmem:s15+$0xFFFFFF40] =	vst v9;
	v9 =	vmax.f32 v10, $0.0e+00;
	v10 =	vld [tilespmem:s6+$0xE0]  }
0xda: {  	v12 =	vld [tilespmem:s16+$0xFFFFFF50];
	[tilespmem:s15+$0xFFFFFFC0] =	vst v9  }
0xdb: {  	v9 =	vmax.f32 v11, $0.0e+00;
	v11 =	vld [tilespmem:s16+$0xFFFFFFD0]  }
0xdc: {  	[tilespmem:s15+$0x40] =	vst v9;
	v13 =	vadd.f32 v14, v13;
	v14 =	vld [tilespmem:s6+$0xFFFFFF50]  }
0xdd: {  	v9 =	vld [tilespmem:s16+$0x50]  }
0xde: {  	v60 =	vld [tilespmem:s6+$0xFFFFFFD0];
	v10 =	vadd.f32 v10, v13  }
0xdf: {  	[tilespmem:s29+$0x60] =	vst v5;
	v13 =	vld [tilespmem:s6+$0x50];
	v12 =	vadd.f32 v12, v15  }
0xe0: {  	v5 =	vld [tilespmem:s11+$0x70];
	v10 =	vmax.f32 v10, $0.0e+00  }
0xe1: {  	v15 =	vld [tilespmem:s15+$0xFFFFFF60];
	v11 =	vadd.f32 v11, v58;
	[tilespmem:s15+$0xE0] =	vst v10;
	v10 =	vadd.f32 v14, v12  }
0xe2: {  	v9 =	vadd.f32 v9, v59;
	v12 =	vld [tilespmem:s15+$0xF0]  }
0xe3: {  	v11 =	vadd.f32 v60, v11;
	v14 =	vld [tilespmem:s16+$0xF0];
	v10 =	vmax.f32 v10, $0.0e+00  }
0xe4: {  	v9 =	vadd.f32 v13, v9;
	v13 =	vld [tilespmem:s15+$0x60];
	[tilespmem:s15+$0xFFFFFF50] =	vst v10  }
0xe5: {  	v10 =	vmax.f32 v11, $0.0e+00;
	v11 =	vld [tilespmem:s16+$0xFFFFFF60]  }
0xe6: {  	[tilespmem:s15+$0xFFFFFFD0] =	vst v10;
	v9 =	vmax.f32 v9, $0.0e+00;
	v19 =	vld [tilespmem:s6+$0xFFFFFF60]  }
0xe7: {  	v63 =	vld [tilespmem:s16+$0xFFFFFFE0];
	[tilespmem:s15+$0x50] =	vst v9  }
0xe8: {  	v9 =	vld [tilespmem:s16+$0x60]  }
0xe9: {  	v20 =	vld [tilespmem:s6+$0xFFFFFFE0]  }
0xea: {  	v1 =	vld [tilespmem:s6+$0x60]  }
0xeb: {  	v62 =	vld [tilespmem:s6+$0xF0];
	v11 =	vadd.f32 v11, v15  }
0xec: {  	v10 =	vld [tilespmem:s15+$0xFFFFFF70];
	v15 =	vadd.f32 v63, v61  }
0xed: {  	v13 =	vadd.f32 v9, v13;
	v11 =	vadd.f32 v19, v11;
	v9 =	vld [tilespmem:s15+$0x70]  }
0xee: {  	v0 =	vmax.f32 v0, $0.0e+00;
	v12 =	vadd.f32 v14, v12;
	v14 =	vadd.f32 v20, v15;
	v15 =	vld [tilespmem:s7+$0xFFFFFF70]  }
0xef: {  	[tilespmem:s29+$0xF0] =	vst v0;
	v0 =	vmax.f32 v11, $0.0e+00;
	v1 =	vadd.f32 v1, v13;
	v11 =	vld [tilespmem:s7+$0xFFFFFFF0]  }
0xf0: {  	v13 =	vadd.f32 v62, v12;
	v12 =	vld [tilespmem:s7+$0x70];
	[tilespmem:s15+$0xFFFFFF60] =	vst v0;
	v0 =	vmax.f32 v14, $0.0e+00  }
0xf1: {  	v14 =	vadd.f32 v7, v4;
	[tilespmem:s15+$0xFFFFFFE0] =	vst v0;
	v7 =	vld [tilespmem:s16+$0xFFFFFF70];
	v1 =	vmax.f32 v1, $0.0e+00  }
0xf2: {  	v0 =	vadd.f32 v6, v3;
	v4 =	vmax.f32 v13, $0.0e+00;
	v3 =	vld [tilespmem:s16+$0xFFFFFFF0];
	[tilespmem:s15+$0x60] =	vst v1  }
0xf3: {  	s12 =	simm.s32 $0x8B00;
	s11 =	simm.s32 $0x3D00;
	s7 =	simm.s32 $0x4;
	v1 =	vadd.f32 v5, v2;
	[tilespmem:s15+$0xF0] =	vst v4;
	v4 =	vld [tilespmem:s16+$0x70];
	v2 =	vadd.f32 v15, v14  }
.LBB2_4:
0xf4: {  	v5 =	vld [tilespmem:s11+$0x80];
	s16 =	sadd.s32 $0x200, s16;
	v0 =	vadd.f32 v11, v0  }
0xf5: {  	s7 =	sadd.s32 $0x4, s7;
	v6 =	vld [tilespmem:s16+$0x80];
	v11 =	vmax.f32 v2, $0.0e+00;
	v1 =	vadd.f32 v12, v1  }
0xf6: {  	s6 =	sadd.s32 $0x200, s6;
	p0 =	slt.u32 s7, $0x24;
	v12 =	vld [tilespmem:s16+$0xFFFFFF00];
	v2 =	vadd.f32 v7, v10;
	[tilespmem:s29+$0xFFFFFF70] =	vst v11;
	v7 =	vmax.f32 v0, $0.0e+00  }
0xf7: {  	v10 =	vld [tilespmem:s6+$0x80];
	v0 =	vadd.f32 v3, v8;
	[tilespmem:s29+$0xFFFFFFF0] =	vst v7;
	v3 =	vmax.f32 v1, $0.0e+00  }
0xf8: {  	v7 =	vld [tilespmem:s11+$0xFFFFFF80];
	v1 =	vadd.f32 v4, v9;
	[tilespmem:s29+$0x70] =	vst v3;
	s29 =	smov.u32 s15;
	s15 =	smov.u32 s11  }
0xf9: {  	v3 =	vld [tilespmem:s16+$0xFFFFFF80]  }
0xfa: {  	v4 =	vld [tilespmem:s11+$0x0];
	v5 =	vadd.f32 v6, v5  }
0xfb: {  	v6 =	vld [tilespmem:s16+$0x0]  }
0xfc: {  	v8 =	vld [tilespmem:s11+$0xFFFFFF00];
	v5 =	vadd.f32 v10, v5  }
0xfd: {  	v9 =	vld [tilespmem:s6+$0xFFFFFF00]  }
0xfe: {  	v3 =	vadd.f32 v3, v7;
	v7 =	vld [tilespmem:s6+$0xFFFFFF80];
	v5 =	vmax.f32 v5, $0.0e+00  }
0xff: {  	[tilespmem:s11+$0x80] =	vst v5;
	v5 =	vld [tilespmem:s11+$0x90]  }
0x100: {  	v4 =	vadd.f32 v6, v4;
	v6 =	vld [tilespmem:s16+$0x90]  }
0x101: {  	v8 =	vadd.f32 v12, v8;
	v10 =	vld [tilespmem:s6+$0x0]  }
0x102: {  	v11 =	vld [tilespmem:s6+$0x90]  }
0x103: {  	v8 =	vadd.f32 v9, v8;
	v9 =	vld [tilespmem:s11+$0xFFFFFF10];
	v3 =	vadd.f32 v7, v3  }
0x104: {  	v7 =	vld [tilespmem:s11+$0xFFFFFF90]  }
0x105: {  	v8 =	vmax.f32 v8, $0.0e+00;
	v3 =	vmax.f32 v3, $0.0e+00;
	v12 =	vld [tilespmem:s11+$0x10];
	v5 =	vadd.f32 v6, v5  }
0x106: {  	[tilespmem:s11+$0xFFFFFF00] =	vst v8;
	v6 =	vld [tilespmem:s11+$0xFFFFFF20];
	v4 =	vadd.f32 v10, v4  }
0x107: {  	v8 =	vld [tilespmem:s16+$0xFFFFFF10];
	[tilespmem:s11+$0xFFFFFF80] =	vst v3;
	v3 =	vadd.f32 v11, v5  }
0x108: {  	v5 =	vld [tilespmem:s16+$0xFFFFFF90];
	v4 =	vmax.f32 v4, $0.0e+00  }
0x109: {  	v10 =	vld [tilespmem:s6+$0xFFFFFF10];
	[tilespmem:s11+$0x0] =	vst v4;
	v3 =	vmax.f32 v3, $0.0e+00  }
0x10a: {  	[tilespmem:s11+$0x90] =	vst v3;
	v3 =	vld [tilespmem:s11+$0xA0]  }
0x10b: {  	v4 =	vld [tilespmem:s16+$0xA0]  }
0x10c: {  	v8 =	vadd.f32 v8, v9;
	v9 =	vld [tilespmem:s16+$0x10]  }
0x10d: {  	v5 =	vadd.f32 v5, v7;
	v7 =	vld [tilespmem:s6+$0xA0]  }
0x10e: {  	v8 =	vadd.f32 v10, v8;
	v10 =	vld [tilespmem:s6+$0xFFFFFF90]  }
0x10f: {  	v11 =	vld [tilespmem:s6+$0x10]  }
0x110: {  	v8 =	vmax.f32 v8, $0.0e+00;
	v13 =	vld [tilespmem:s11+$0xFFFFFFA0];
	v3 =	vadd.f32 v4, v3  }
0x111: {  	[tilespmem:s11+$0xFFFFFF10] =	vst v8;
	v4 =	vadd.f32 v9, v12;
	v8 =	vld [tilespmem:s11+$0x20]  }
0x112: {  	v9 =	vld [tilespmem:s16+$0xFFFFFF20];
	v3 =	vadd.f32 v7, v3  }
0x113: {  	v7 =	vld [tilespmem:s6+$0xFFFFFF20];
	v5 =	vadd.f32 v10, v5  }
0x114: {  	v10 =	vld [tilespmem:s11+$0xFFFFFF30];
	v4 =	vadd.f32 v11, v4;
	v3 =	vmax.f32 v3, $0.0e+00  }
0x115: {  	v5 =	vmax.f32 v5, $0.0e+00;
	[tilespmem:s11+$0xA0] =	vst v3;
	v3 =	vld [tilespmem:s11+$0xB0]  }
0x116: {  	[tilespmem:s11+$0xFFFFFF90] =	vst v5;
	v4 =	vmax.f32 v4, $0.0e+00;
	v5 =	vld [tilespmem:s16+$0xB0]  }
0x117: {  	v6 =	vadd.f32 v9, v6;
	v9 =	vld [tilespmem:s16+$0xFFFFFFA0];
	[tilespmem:s11+$0x10] =	vst v4  }
0x118: {  	v4 =	vld [tilespmem:s6+$0xB0]  }
0x119: {  	v6 =	vadd.f32 v7, v6;
	v7 =	vld [tilespmem:s16+$0x20]  }
0x11a: {  	v11 =	vld [tilespmem:s6+$0xFFFFFFA0]  }
0x11b: {  	v6 =	vmax.f32 v6, $0.0e+00;
	v12 =	vld [tilespmem:s6+$0x20];
	v3 =	vadd.f32 v5, v3  }
0x11c: {  	[tilespmem:s11+$0xFFFFFF20] =	vst v6;
	v5 =	vadd.f32 v9, v13;
	v6 =	vld [tilespmem:s11+$0xFFFFFFB0]  }
0x11d: {  	v9 =	vld [tilespmem:s16+$0xFFFFFF30];
	v3 =	vadd.f32 v4, v3  }
0x11e: {  	v4 =	vadd.f32 v7, v8;
	v7 =	vld [tilespmem:s11+$0x30]  }
0x11f: {  	v8 =	vld [tilespmem:s6+$0xFFFFFF30];
	v5 =	vadd.f32 v11, v5;
	v3 =	vmax.f32 v3, $0.0e+00  }
0x120: {  	v4 =	vadd.f32 v12, v4;
	[tilespmem:s11+$0xB0] =	vst v3;
	v3 =	vld [tilespmem:s11+$0xC0]  }
0x121: {  	v5 =	vmax.f32 v5, $0.0e+00;
	v11 =	vld [tilespmem:s16+$0xC0]  }
0x122: {  	v9 =	vadd.f32 v9, v10;
	v10 =	vld [tilespmem:s11+$0xFFFFFF40];
	[tilespmem:s11+$0xFFFFFFA0] =	vst v5;
	v4 =	vmax.f32 v4, $0.0e+00  }
0x123: {  	[tilespmem:s11+$0x20] =	vst v4;
	v4 =	vld [tilespmem:s6+$0xC0]  }
0x124: {  	v5 =	vadd.f32 v8, v9;
	v8 =	vld [tilespmem:s16+$0xFFFFFFB0]  }
0x125: {  	v9 =	vld [tilespmem:s16+$0x30]  }
0x126: {  	v5 =	vmax.f32 v5, $0.0e+00;
	v12 =	vld [tilespmem:s6+$0xFFFFFFB0];
	v3 =	vadd.f32 v11, v3  }
0x127: {  	[tilespmem:s11+$0xFFFFFF30] =	vst v5;
	v5 =	vld [tilespmem:s6+$0x30]  }
0x128: {  	v11 =	vld [tilespmem:s16+$0xFFFFFF40];
	v3 =	vadd.f32 v4, v3  }
0x129: {  	v4 =	vadd.f32 v8, v6;
	v6 =	vld [tilespmem:s11+$0xFFFFFFC0]  }
0x12a: {  	v7 =	vadd.f32 v9, v7;
	v8 =	vld [tilespmem:s11+$0x40];
	v3 =	vmax.f32 v3, $0.0e+00  }
0x12b: {  	v4 =	vadd.f32 v12, v4;
	[tilespmem:s11+$0xC0] =	vst v3;
	v3 =	vld [tilespmem:s11+$0xD0]  }
0x12c: {  	v5 =	vadd.f32 v5, v7;
	v7 =	vld [tilespmem:s16+$0xD0]  }
0x12d: {  	v9 =	vadd.f32 v11, v10;
	v10 =	vld [tilespmem:s6+$0xFFFFFF40];
	v4 =	vmax.f32 v4, $0.0e+00  }
0x12e: {  	[tilespmem:s11+$0xFFFFFFB0] =	vst v4;
	v4 =	vmax.f32 v5, $0.0e+00;
	v5 =	vld [tilespmem:s6+$0xD0]  }
0x12f: {  	v11 =	vld [tilespmem:s16+$0xFFFFFFC0];
	[tilespmem:s11+$0x30] =	vst v4  }
0x130: {  	v4 =	vld [tilespmem:s16+$0x40]  }
0x131: {  	v12 =	vld [tilespmem:s6+$0xFFFFFFC0];
	v3 =	vadd.f32 v7, v3  }
0x132: {  	v7 =	vadd.f32 v10, v9;
	v9 =	vld [tilespmem:s6+$0x40]  }
0x133: {  	v10 =	vld [tilespmem:s11+$0xFFFFFF50];
	v3 =	vadd.f32 v5, v3  }
0x134: {  	v5 =	vmax.f32 v7, $0.0e+00;
	v6 =	vadd.f32 v11, v6;
	v7 =	vld [tilespmem:s11+$0xFFFFFFD0]  }
0x135: {  	[tilespmem:s11+$0xFFFFFF40] =	vst v5;
	v4 =	vadd.f32 v4, v8;
	v5 =	vld [tilespmem:s11+$0x50];
	v3 =	vmax.f32 v3, $0.0e+00  }
0x136: {  	v6 =	vadd.f32 v12, v6;
	[tilespmem:s11+$0xD0] =	vst v3;
	v3 =	vld [tilespmem:s11+$0xE0]  }
0x137: {  	v4 =	vadd.f32 v9, v4;
	v8 =	vld [tilespmem:s16+$0xE0]  }
0x138: {  	v9 =	vld [tilespmem:s16+$0xFFFFFF50];
	v6 =	vmax.f32 v6, $0.0e+00  }
0x139: {  	[tilespmem:s11+$0xFFFFFFC0] =	vst v6;
	v4 =	vmax.f32 v4, $0.0e+00;
	v6 =	vld [tilespmem:s6+$0xE0]  }
0x13a: {  	v11 =	vld [tilespmem:s16+$0xFFFFFFD0];
	[tilespmem:s11+$0x40] =	vst v4  }
0x13b: {  	v4 =	vld [tilespmem:s16+$0x50]  }
0x13c: {  	v12 =	vld [tilespmem:s6+$0xFFFFFF50];
	v3 =	vadd.f32 v8, v3  }
0x13d: {  	v8 =	vadd.f32 v9, v10;
	v9 =	vld [tilespmem:s6+$0xFFFFFFD0]  }
0x13e: {  	v10 =	vld [tilespmem:s6+$0x50];
	v3 =	vadd.f32 v6, v3  }
0x13f: {  	v6 =	vld [tilespmem:s11+$0xFFFFFF60];
	v7 =	vadd.f32 v11, v7  }
0x140: {  	v11 =	vld [tilespmem:s11+$0xFFFFFFE0];
	v4 =	vadd.f32 v4, v5;
	v3 =	vmax.f32 v3, $0.0e+00  }
0x141: {  	v5 =	vadd.f32 v12, v8;
	[tilespmem:s11+$0xE0] =	vst v3;
	v3 =	vld [tilespmem:s11+$0xF0]  }
0x142: {  	v7 =	vadd.f32 v9, v7;
	v8 =	vld [tilespmem:s16+$0xF0]  }
0x143: {  	v5 =	vmax.f32 v5, $0.0e+00;
	v4 =	vadd.f32 v10, v4;
	v9 =	vld [tilespmem:s11+$0x60]  }
0x144: {  	[tilespmem:s11+$0xFFFFFF50] =	vst v5;
	v5 =	vmax.f32 v7, $0.0e+00;
	v7 =	vld [tilespmem:s6+$0xF0]  }
0x145: {  	v10 =	vld [tilespmem:s16+$0xFFFFFF60];
	[tilespmem:s11+$0xFFFFFFD0] =	vst v5;
	v4 =	vmax.f32 v4, $0.0e+00  }
0x146: {  	v5 =	vld [tilespmem:s16+$0xFFFFFFE0];
	[tilespmem:s11+$0x50] =	vst v4  }
0x147: {  	v4 =	vld [tilespmem:s16+$0x60];
	v3 =	vadd.f32 v8, v3  }
0x148: {  	v12 =	vld [tilespmem:s6+$0xFFFFFF60]  }
0x149: {  	v13 =	vld [tilespmem:s6+$0xFFFFFFE0];
	v3 =	vadd.f32 v7, v3  }
0x14a: {  	v6 =	vadd.f32 v10, v6;
	v7 =	vld [tilespmem:s6+$0x60]  }
0x14b: {  	v10 =	vld [tilespmem:s11+$0xFFFFFF70];
	v5 =	vadd.f32 v5, v11;
	v3 =	vmax.f32 v3, $0.0e+00  }
0x14c: {  	v8 =	vld [tilespmem:s11+$0xFFFFFFF0];
	v4 =	vadd.f32 v4, v9;
	[tilespmem:s11+$0xF0] =	vst v3  }
0x14d: {  	v3 =	vadd.f32 v12, v6;
	v9 =	vld [tilespmem:s11+$0x70]  }
0x14e: {  	v5 =	vadd.f32 v13, v5;
	v6 =	vld [tilespmem:s12+$0xFFFFFF70]  }
.Ltmp0:
0x14f: {  	v3 =	vmax.f32 v3, $0.0e+00;
	v4 =	vadd.f32 v7, v4;
	v11 =	vld [tilespmem:s12+$0xFFFFFFF0];
	(pc) =	sbr.rel @p0 .LBB2_4-.Ltmp0, $4  }
0x150: {  	[tilespmem:s11+$0xFFFFFF60] =	vst v3;
	v3 =	vmax.f32 v5, $0.0e+00;
	v12 =	vld [tilespmem:s12+$0x70];
	s12 =	smov.u32 s6  }
0x151: {  	v7 =	vld [tilespmem:s16+$0xFFFFFF70];
	[tilespmem:s11+$0xFFFFFFE0] =	vst v3;
	v4 =	vmax.f32 v4, $0.0e+00  }
0x152: {  	v3 =	vld [tilespmem:s16+$0xFFFFFFF0];
	[tilespmem:s11+$0x60] =	vst v4  }
0x153: {  	s11 =	sadd.s32 $0x200, s11;
	v4 =	vld [tilespmem:s16+$0x70];
	v2 =	vadd.f32 v6, v2  }
0x154: {  	v5 =	vld [tilespmem:s12+$0xFFFFFF70]  }
0x155: {  	v6 =	vld [tilespmem:s12+$0xFFFFFFF0]  }
0x156: {  	v13 =	vld [tilespmem:s12+$0x70]  }
0x157: {  	v0 =	vadd.f32 v11, v0;
	v7 =	vadd.f32 v7, v10  }
0x158: {  	v2 =	vmax.f32 v2, $0.0e+00;
	v1 =	vadd.f32 v12, v1;
	v3 =	vadd.f32 v3, v8  }
0x159: {  	s6 =	sadd.s32 s0, s10;
	[tilespmem:s29+$0xFFFFFF70] =	vst v2;
	v0 =	vmax.f32 v0, $0.0e+00;
	v2 =	vadd.f32 v4, v9;
	v4 =	vadd.f32 v5, v7  }
0x15a: {  	s6 =	smul.u32 $0x28, s6;
	[tilespmem:s29+$0xFFFFFFF0] =	vst v0;
	v0 =	vmax.f32 v1, $0.0e+00;
	v1 =	vadd.f32 v6, v3  }
0x15b: {  	[tilespmem:s29+$0x70] =	vst v0;
	v2 =	vadd.f32 v13, v2;
	v0 =	vmax.f32 v4, $0.0e+00  }
0x15c: {  	s6 =	sadd.s32 s9, s6;
	[tilespmem:s15+$0xFFFFFF70] =	vst v0;
	v0 =	vmax.f32 v1, $0.0e+00  }
0x15d: {  	s6 =	sshll.u32 s6, $0x4;
	[tilespmem:s15+$0xFFFFFFF0] =	vst v0;
	v0 =	vmax.f32 v2, $0.0e+00  }
0x15e: {  	p0 =	sgt.u32 s28, $0x30;
	s6 =	sadd.s32 s8, s6;
	[tilespmem:s15+$0x70] =	vst v0  }
0x15f: {  	[hbm4b:s6+s1] =	stream.linear.scatter [tilespmem:s14], [sflag:$0x7], $0x1400, $0x38;
	[tilespmem:$0xB000] =	vst v63  }
0x160: {  	s11 =	simm.s32 @!p0 $0x3800;
	s6 =	sadd.s32 @!p0 $0x2, s10;
	_ =	swait.ge [sflag:s23], $0x1400  }
0x161: {  	s7 =	sshll.u32 @!p0 s6, $0x7;
	s6 =	sadd.s32 @!p0 s0, s6;
	[sflag:s23] =	ssyncset.done $0x0  }
0x162: {  	s10 =	simm.s32 @!p0 $0x28;
	s6 =	smul.u32 @!p0 $0x28, s6;
	[sflag:s23] =	ssyncadd.s32 $0xFFFFEC00  }
0x163: {  	[tilespmem:s11], [sflag:$0x1] =	stream.indirect.gather @!p0 [hbm4b:s3+s10], $0x80, s7, s10, $0xb8;
	[tilespmem:$0xB000] =	vst v63  }
0x164: {  	s6 =	sadd.s32 @!p0 s9, s6  }
0x165: {  	s7 =	sadd.s32 @!p0 $0x1C00, s7;
	s11 =	simm.s32 @!p0 $0x6000;
	s6 =	sshll.u32 @!p0 s6, $0x4  }
0x166: {  	[tilespmem:s11], [sflag:$0x3] =	stream.indirect.gather @!p0 [hbm4b:s4+s10], $0x80, s7, s10, $0xb8;
	[tilespmem:$0xB000] =	vst v63  }
0x167: {  	s6 =	sadd.s32 @!p0 s5, s6;
	s7 =	simm.s32 @!p0 $0x0;
	s10 =	simm.s32 @!p0 $0x8800  }
0x168: {  	[tilespmem:s10], [sflag:$0x5] =	stream.linear.gather @!p0 [hbm4b:s6+s7], $0x1400, $0x38;
	[tilespmem:$0xB000] =	vst v63  }
0x169: {  	_ =	swait.ge [sflag:s24], $0x1400  }
0x16a: {  	[sflag:s24] =	ssyncset.done $0x0  }
0x16b: {  	[sflag:s24] =	ssyncadd.s32 $0xFFFFEC00  }
0x16c: {  	_ =	swait.ge [sflag:s25], $0x1400  }
0x16d: {  	[sflag:s25] =	ssyncset.done $0x0  }
0x16e: {  	[sflag:s25] =	ssyncadd.s32 $0xFFFFEC00  }
0x16f: {  	_ =	swait.ge [sflag:s26], $0x1400  }
0x170: {  	[sflag:s26] =	ssyncset.done $0x0  }
0x171: {  	s10 =	simm.s32 $0x4D00;
	[sflag:s26] =	ssyncadd.s32 $0xFFFFEC00  }
0x172: {  	s28 =	simm.s32 $0x7500;
	v0 =	vld [tilespmem:s10+$0x80]  }
0x173: {  	s29 =	simm.s32 $0x9D00;
	v1 =	vld [tilespmem:s28+$0x80]  }
0x174: {  	v2 =	vld [tilespmem:s29+$0x80]  }
0x175: {  	v3 =	vld [tilespmem:s29+$0xFFFFFF00]  }
0x176: {  	v5 =	vld [tilespmem:s10+$0xFFFFFF80]  }
0x177: {  	v7 =	vld [tilespmem:s28+$0xFFFFFF80]  }
0x178: {  	s15 =	simm.s32 $0x4F00;
	v8 =	vld [tilespmem:s28+$0x0]  }
0x179: {  	s16 =	simm.s32 $0x7700;
	v12 =	vld [tilespmem:s15+$0x80]  }
0x17a: {  	v13 =	vld [tilespmem:s16+$0x80];
	v0 =	vadd.f32 v1, v0  }
0x17b: {  	v15 =	vld [tilespmem:s15+$0xFFFFFF80]  }
0x17c: {  	v1 =	vld [tilespmem:s28+$0xFFFFFF00];
	v0 =	vadd.f32 v2, v0  }
0x17d: {  	v2 =	vld [tilespmem:s10+$0xFFFFFF00]  }
0x17e: {  	v16 =	vld [tilespmem:s16+$0xFFFFFF80];
	v0 =	vmax.f32 v0, $0.0e+00  }
0x17f: {  	[tilespmem:s10+$0x80] =	vst v0;
	v0 =	vld [tilespmem:s10+$0x90]  }
0x180: {  	v4 =	vld [tilespmem:s28+$0x90]  }
0x181: {  	v6 =	vld [tilespmem:s29+$0x90]  }
0x182: {  	s6 =	simm.s32 $0x9F00;
	v1 =	vadd.f32 v1, v2;
	v2 =	vld [tilespmem:s10+$0x0]  }
0x183: {  	v17 =	vld [tilespmem:s6+$0x0]  }
0x184: {  	v18 =	vld [tilespmem:s15+$0xFFFFFF90]  }
0x185: {  	v1 =	vadd.f32 v3, v1;
	v3 =	vld [tilespmem:s29+$0xFFFFFF80];
	v0 =	vadd.f32 v4, v0  }
0x186: {  	v4 =	vld [tilespmem:s10+$0xFFFFFF10]  }
0x187: {  	v1 =	vmax.f32 v1, $0.0e+00;
	v2 =	vadd.f32 v8, v2;
	v8 =	vld [tilespmem:s10+$0x10];
	v0 =	vadd.f32 v6, v0  }
0x188: {  	[tilespmem:s10+$0xFFFFFF00] =	vst v1;
	v6 =	vld [tilespmem:s29+$0x0]  }
0x189: {  	v1 =	vld [tilespmem:s28+$0xFFFFFF10];
	v0 =	vmax.f32 v0, $0.0e+00  }
0x18a: {  	v9 =	vld [tilespmem:s29+$0xFFFFFF10];
	[tilespmem:s10+$0x90] =	vst v0;
	v0 =	vadd.f32 v7, v5  }
0x18b: {  	v5 =	vld [tilespmem:s10+$0xA0]  }
0x18c: {  	v7 =	vld [tilespmem:s28+$0xA0];
	v0 =	vadd.f32 v3, v0  }
0x18d: {  	v3 =	vld [tilespmem:s10+$0xFFFFFF90];
	v2 =	vadd.f32 v6, v2  }
0x18e: {  	v6 =	vld [tilespmem:s29+$0xA0];
	v1 =	vadd.f32 v1, v4;
	v0 =	vmax.f32 v0, $0.0e+00  }
0x18f: {  	v4 =	vld [tilespmem:s10+$0xFFFFFF20];
	[tilespmem:s10+$0xFFFFFF80] =	vst v0;
	v0 =	vmax.f32 v2, $0.0e+00  }
0x190: {  	v2 =	vld [tilespmem:s28+$0xFFFFFF90];
	[tilespmem:s10+$0x0] =	vst v0;
	v0 =	vadd.f32 v9, v1  }
0x191: {  	v1 =	vadd.f32 v7, v5;
	v7 =	vld [tilespmem:s29+$0xFFFFFF90]  }
0x192: {  	v5 =	vld [tilespmem:s28+$0x10];
	v0 =	vmax.f32 v0, $0.0e+00  }
0x193: {  	v1 =	vadd.f32 v6, v1;
	v6 =	vld [tilespmem:s29+$0x10];
	[tilespmem:s10+$0xFFFFFF10] =	vst v0  }
0x194: {  	v0 =	vld [tilespmem:s28+$0xFFFFFF20]  }
0x195: {  	v1 =	vmax.f32 v1, $0.0e+00;
	v9 =	vld [tilespmem:s29+$0xFFFFFF20]  }
0x196: {  	[tilespmem:s10+$0xA0] =	vst v1;
	v1 =	vadd.f32 v2, v3;
	v2 =	vld [tilespmem:s10+$0xB0]  }
0x197: {  	v3 =	vadd.f32 v5, v8;
	v5 =	vld [tilespmem:s28+$0xB0]  }
0x198: {  	v8 =	vld [tilespmem:s10+$0xFFFFFFA0];
	v1 =	vadd.f32 v7, v1  }
0x199: {  	v7 =	vld [tilespmem:s10+$0x20]  }
0x19a: {  	v3 =	vadd.f32 v6, v3;
	v6 =	vld [tilespmem:s29+$0xB0];
	v1 =	vmax.f32 v1, $0.0e+00;
	v0 =	vadd.f32 v0, v4  }
0x19b: {  	v4 =	vld [tilespmem:s10+$0xFFFFFF30];
	[tilespmem:s10+$0xFFFFFF90] =	vst v1  }
0x19c: {  	v1 =	vmax.f32 v3, $0.0e+00;
	v3 =	vld [tilespmem:s28+$0xFFFFFFA0];
	v0 =	vadd.f32 v9, v0  }
0x19d: {  	[tilespmem:s10+$0x10] =	vst v1;
	v1 =	vadd.f32 v5, v2;
	v5 =	vld [tilespmem:s29+$0xFFFFFFA0]  }
0x19e: {  	v2 =	vld [tilespmem:s28+$0x20];
	v0 =	vmax.f32 v0, $0.0e+00  }
0x19f: {  	v1 =	vadd.f32 v6, v1;
	v6 =	vld [tilespmem:s29+$0x20];
	[tilespmem:s10+$0xFFFFFF20] =	vst v0  }
0x1a0: {  	v0 =	vld [tilespmem:s28+$0xFFFFFF30]  }
0x1a1: {  	v1 =	vmax.f32 v1, $0.0e+00;
	v9 =	vld [tilespmem:s29+$0xFFFFFF30]  }
0x1a2: {  	[tilespmem:s10+$0xB0] =	vst v1;
	v1 =	vadd.f32 v3, v8;
	v3 =	vld [tilespmem:s10+$0xC0]  }
0x1a3: {  	v8 =	vld [tilespmem:s10+$0xFFFFFFB0];
	v2 =	vadd.f32 v2, v7  }
0x1a4: {  	v7 =	vld [tilespmem:s28+$0xC0];
	v1 =	vadd.f32 v5, v1  }
0x1a5: {  	v5 =	vld [tilespmem:s29+$0xC0];
	v2 =	vadd.f32 v6, v2  }
0x1a6: {  	v6 =	vld [tilespmem:s10+$0x30];
	v1 =	vmax.f32 v1, $0.0e+00;
	v0 =	vadd.f32 v0, v4  }
0x1a7: {  	v4 =	vld [tilespmem:s10+$0xFFFFFF40];
	[tilespmem:s10+$0xFFFFFFA0] =	vst v1;
	v1 =	vmax.f32 v2, $0.0e+00  }
0x1a8: {  	[tilespmem:s10+$0x20] =	vst v1;
	v0 =	vadd.f32 v9, v0;
	v1 =	vld [tilespmem:s28+$0xFFFFFFB0]  }
0x1a9: {  	v2 =	vadd.f32 v7, v3;
	v3 =	vld [tilespmem:s28+$0x30]  }
0x1aa: {  	v7 =	vld [tilespmem:s29+$0xFFFFFFB0];
	v0 =	vmax.f32 v0, $0.0e+00  }
0x1ab: {  	v2 =	vadd.f32 v5, v2;
	[tilespmem:s10+$0xFFFFFF30] =	vst v0;
	v0 =	vld [tilespmem:s29+$0x30]  }
0x1ac: {  	v5 =	vld [tilespmem:s28+$0xFFFFFF40]  }
0x1ad: {  	v2 =	vmax.f32 v2, $0.0e+00;
	v9 =	vld [tilespmem:s29+$0xFFFFFF40];
	v1 =	vadd.f32 v1, v8  }
0x1ae: {  	[tilespmem:s10+$0xC0] =	vst v2;
	v2 =	vadd.f32 v3, v6;
	v3 =	vld [tilespmem:s10+$0xD0]  }
0x1af: {  	v6 =	vld [tilespmem:s28+$0xD0];
	v1 =	vadd.f32 v7, v1  }
0x1b0: {  	v8 =	vld [tilespmem:s10+$0xFFFFFFC0]  }
0x1b1: {  	v0 =	vadd.f32 v0, v2;
	v2 =	vld [tilespmem:s29+$0xD0];
	v1 =	vmax.f32 v1, $0.0e+00  }
0x1b2: {  	v7 =	vld [tilespmem:s10+$0x40];
	[tilespmem:s10+$0xFFFFFFB0] =	vst v1  }
0x1b3: {  	v0 =	vmax.f32 v0, $0.0e+00;
	v1 =	vld [tilespmem:s28+$0xFFFFFFC0]  }
0x1b4: {  	[tilespmem:s10+$0x30] =	vst v0;
	v3 =	vadd.f32 v6, v3;
	v6 =	vld [tilespmem:s29+$0xFFFFFFC0]  }
0x1b5: {  	v4 =	vadd.f32 v5, v4;
	v0 =	vld [tilespmem:s28+$0x40]  }
0x1b6: {  	v5 =	vld [tilespmem:s29+$0x40];
	v2 =	vadd.f32 v2, v3  }
0x1b7: {  	v4 =	vadd.f32 v9, v4;
	v3 =	vld [tilespmem:s10+$0xFFFFFF50]  }
0x1b8: {  	v2 =	vmax.f32 v2, $0.0e+00;
	v1 =	vadd.f32 v1, v8;
	v8 =	vld [tilespmem:s10+$0xFFFFFFD0]  }
0x1b9: {  	[tilespmem:s10+$0xD0] =	vst v2;
	v2 =	vmax.f32 v4, $0.0e+00;
	v4 =	vld [tilespmem:s10+$0xE0]  }
0x1ba: {  	v0 =	vadd.f32 v0, v7;
	v7 =	vld [tilespmem:s10+$0x50];
	v1 =	vadd.f32 v6, v1  }
0x1bb: {  	[tilespmem:s10+$0xFFFFFF40] =	vst v2;
	v2 =	vld [tilespmem:s28+$0xE0]  }
0x1bc: {  	v0 =	vadd.f32 v5, v0;
	v5 =	vld [tilespmem:s28+$0xFFFFFF50];
	v1 =	vmax.f32 v1, $0.0e+00  }
0x1bd: {  	[tilespmem:s10+$0xFFFFFFC0] =	vst v1;
	v1 =	vld [tilespmem:s29+$0xE0]  }
0x1be: {  	v9 =	vld [tilespmem:s29+$0xFFFFFF50];
	v0 =	vmax.f32 v0, $0.0e+00  }
0x1bf: {  	v6 =	vld [tilespmem:s28+$0xFFFFFFD0];
	[tilespmem:s10+$0x40] =	vst v0  }
0x1c0: {  	v2 =	vadd.f32 v2, v4;
	v0 =	vld [tilespmem:s28+$0x50]  }
0x1c1: {  	v4 =	vld [tilespmem:s29+$0xFFFFFFD0]  }
0x1c2: {  	v10 =	vld [tilespmem:s29+$0x50];
	v1 =	vadd.f32 v1, v2;
	v2 =	vadd.f32 v5, v3  }
0x1c3: {  	v46 =	vld [tilespmem:s15+$0x10]  }
0x1c4: {  	v49 =	vld [tilespmem:s15+$0xFFFFFFA0];
	v5 =	vadd.f32 v6, v8;
	v2 =	vadd.f32 v9, v2  }
0x1c5: {  	v3 =	vld [tilespmem:s10+$0xFFFFFF60];
	v7 =	vadd.f32 v0, v7  }
0x1c6: {  	v6 =	vld [tilespmem:s10+$0xFFFFFFE0];
	v4 =	vadd.f32 v4, v5;
	v2 =	vmax.f32 v2, $0.0e+00  }
0x1c7: {  	v5 =	vadd.f32 v10, v7;
	v7 =	vld [tilespmem:s10+$0x60];
	[tilespmem:s10+$0xFFFFFF50] =	vst v2  }
0x1c8: {  	v2 =	vmax.f32 v4, $0.0e+00;
	v4 =	vld [tilespmem:s28+$0xFFFFFF60]  }
0x1c9: {  	[tilespmem:s10+$0xFFFFFFD0] =	vst v2;
	v2 =	vmax.f32 v5, $0.0e+00;
	v9 =	vld [tilespmem:s29+$0xFFFFFF60]  }
0x1ca: {  	v5 =	vld [tilespmem:s28+$0xFFFFFFE0];
	[tilespmem:s10+$0x50] =	vst v2  }
0x1cb: {  	v2 =	vld [tilespmem:s28+$0x60]  }
0x1cc: {  	v10 =	vld [tilespmem:s29+$0xFFFFFFE0]  }
0x1cd: {  	v11 =	vld [tilespmem:s29+$0x60];
	v3 =	vadd.f32 v4, v3  }
0x1ce: {  	v52 =	vld [tilespmem:s15+$0xFFFFFFB0]  }
0x1cf: {  	v5 =	vadd.f32 v5, v6;
	v6 =	vadd.f32 v9, v3;
	v9 =	vld [tilespmem:s6+$0x80]  }
0x1d0: {  	v53 =	vld [tilespmem:s15+$0x30];
	v2 =	vadd.f32 v2, v7  }
0x1d1: {  	v55 =	vld [tilespmem:s15+$0xFFFFFFC0];
	v5 =	vadd.f32 v10, v5  }
0x1d2: {  	v58 =	vld [tilespmem:s15+$0xFFFFFFD0];
	v10 =	vadd.f32 v11, v2;
	v11 =	vadd.f32 v13, v12  }
0x1d3: {  	v59 =	vld [tilespmem:s15+$0x50]  }
0x1d4: {  	v13 =	vld [tilespmem:s6+$0xFFFFFF00];
	v5 =	vmax.f32 v5, $0.0e+00;
	v9 =	vadd.f32 v9, v11  }
0x1d5: {  	[tilespmem:s10+$0xFFFFFFE0] =	vst v5;
	v5 =	vmax.f32 v10, $0.0e+00;
	v10 =	vld [tilespmem:s16+$0xFFFFFF00]  }
0x1d6: {  	v11 =	vld [tilespmem:s15+$0xFFFFFF00];
	v9 =	vmax.f32 v9, $0.0e+00  }
0x1d7: {  	[tilespmem:s15+$0x80] =	vst v9;
	v9 =	vld [tilespmem:s15+$0x90]  }
0x1d8: {  	v12 =	vld [tilespmem:s16+$0x90]  }
0x1d9: {  	v61 =	vld [tilespmem:s15+$0xFFFFFFE0]  }
0x1da: {  	v1 =	vmax.f32 v1, $0.0e+00;
	v14 =	vld [tilespmem:s6+$0x90]  }
0x1db: {  	v0 =	vld [tilespmem:s10+$0xF0];
	[tilespmem:s10+$0xE0] =	vst v1;
	v10 =	vadd.f32 v10, v11  }
0x1dc: {  	v1 =	vld [tilespmem:s28+$0xF0]  }
0x1dd: {  	v11 =	vld [tilespmem:s15+$0x0];
	v10 =	vadd.f32 v13, v10;
	v9 =	vadd.f32 v12, v9  }
0x1de: {  	v12 =	vld [tilespmem:s16+$0x0]  }
0x1df: {  	v13 =	vld [tilespmem:s6+$0xFFFFFF80];
	v10 =	vmax.f32 v10, $0.0e+00;
	v9 =	vadd.f32 v14, v9  }
0x1e0: {  	[tilespmem:s15+$0xFFFFFF00] =	vst v10;
	v14 =	vld [tilespmem:s15+$0xFFFFFF10]  }
0x1e1: {  	v10 =	vld [tilespmem:s16+$0xFFFFFF10];
	v9 =	vmax.f32 v9, $0.0e+00  }
0x1e2: {  	v15 =	vadd.f32 v16, v15;
	[tilespmem:s15+$0x90] =	vst v9;
	v9 =	vld [tilespmem:s15+$0xA0]  }
0x1e3: {  	v11 =	vadd.f32 v12, v11;
	v12 =	vld [tilespmem:s6+$0xFFFFFF10]  }
0x1e4: {  	v13 =	vadd.f32 v13, v15;
	v45 =	vld [tilespmem:s16+$0xA0]  }
0x1e5: {  	v8 =	vld [tilespmem:s29+$0xF0]  }
0x1e6: {  	v13 =	vmax.f32 v13, $0.0e+00;
	v15 =	vld [tilespmem:s6+$0xA0];
	v11 =	vadd.f32 v17, v11;
	v10 =	vadd.f32 v10, v14  }
0x1e7: {  	[tilespmem:s15+$0xFFFFFF80] =	vst v13;
	v14 =	vld [tilespmem:s15+$0xFFFFFF20]  }
0x1e8: {  	v13 =	vld [tilespmem:s16+$0xFFFFFF90];
	v11 =	vmax.f32 v11, $0.0e+00;
	v10 =	vadd.f32 v12, v10  }
0x1e9: {  	[tilespmem:s15+$0x0] =	vst v11;
	v12 =	vld [tilespmem:s6+$0xFFFFFF90];
	v9 =	vadd.f32 v45, v9  }
0x1ea: {  	v11 =	vld [tilespmem:s16+$0x10];
	v10 =	vmax.f32 v10, $0.0e+00  }
0x1eb: {  	v9 =	vadd.f32 v15, v9;
	v15 =	vld [tilespmem:s6+$0x10];
	[tilespmem:s15+$0xFFFFFF10] =	vst v10  }
0x1ec: {  	v10 =	vld [tilespmem:s16+$0xFFFFFF20]  }
0x1ed: {  	v48 =	vld [tilespmem:s6+$0xFFFFFF20];
	v9 =	vmax.f32 v9, $0.0e+00  }
0x1ee: {  	v13 =	vadd.f32 v13, v18;
	[tilespmem:s15+$0xA0] =	vst v9;
	v9 =	vld [tilespmem:s15+$0xB0]  }
0x1ef: {  	v11 =	vadd.f32 v11, v46;
	v47 =	vld [tilespmem:s16+$0xB0]  }
0x1f0: {  	v4 =	vld [tilespmem:s10+$0xFFFFFF70];
	v12 =	vadd.f32 v12, v13  }
0x1f1: {  	v13 =	vld [tilespmem:s6+$0xB0];
	v11 =	vadd.f32 v15, v11  }
0x1f2: {  	v12 =	vmax.f32 v12, $0.0e+00;
	v15 =	vld [tilespmem:s15+$0x20];
	v10 =	vadd.f32 v10, v14  }
0x1f3: {  	[tilespmem:s15+$0xFFFFFF90] =	vst v12;
	v14 =	vld [tilespmem:s15+$0xFFFFFF30];
	v11 =	vmax.f32 v11, $0.0e+00  }
0x1f4: {  	v12 =	vld [tilespmem:s16+$0xFFFFFFA0];
	[tilespmem:s15+$0x10] =	vst v11;
	v10 =	vadd.f32 v48, v10;
	v9 =	vadd.f32 v47, v9  }
0x1f5: {  	v11 =	vld [tilespmem:s16+$0x20]  }
0x1f6: {  	v50 =	vld [tilespmem:s6+$0x20];
	v10 =	vmax.f32 v10, $0.0e+00;
	v9 =	vadd.f32 v13, v9  }
0x1f7: {  	v13 =	vld [tilespmem:s6+$0xFFFFFFA0];
	[tilespmem:s15+$0xFFFFFF20] =	vst v10  }
0x1f8: {  	v10 =	vld [tilespmem:s16+$0xFFFFFF30];
	v9 =	vmax.f32 v9, $0.0e+00  }
0x1f9: {  	v0 =	vadd.f32 v1, v0;
	[tilespmem:s15+$0xB0] =	vst v9;
	v9 =	vld [tilespmem:s15+$0xC0]  }
0x1fa: {  	v12 =	vadd.f32 v12, v49;
	v11 =	vadd.f32 v11, v15;
	v15 =	vld [tilespmem:s6+$0xFFFFFF30]  }
0x1fb: {  	v51 =	vld [tilespmem:s16+$0xC0]  }
0x1fc: {  	v0 =	vadd.f32 v8, v0;
	v8 =	vld [tilespmem:s15+$0xFFFFFFF0];
	v12 =	vadd.f32 v13, v12  }
0x1fd: {  	v13 =	vld [tilespmem:s6+$0xC0];
	v11 =	vadd.f32 v50, v11  }
0x1fe: {  	v3 =	vld [tilespmem:s10+$0xFFFFFFF0];
	v10 =	vadd.f32 v10, v14;
	v12 =	vmax.f32 v12, $0.0e+00  }
0x1ff: {  	v2 =	vld [tilespmem:s10+$0x70];
	v11 =	vmax.f32 v11, $0.0e+00;
	[tilespmem:s15+$0xFFFFFFA0] =	vst v12  }
0x200: {  	[tilespmem:s15+$0x20] =	vst v11;
	v10 =	vadd.f32 v15, v10;
	v9 =	vadd.f32 v51, v9;
	v11 =	vld [tilespmem:s16+$0xFFFFFFB0]  }
0x201: {  	v12 =	vld [tilespmem:s16+$0x30]  }
0x202: {  	v10 =	vmax.f32 v10, $0.0e+00;
	v9 =	vadd.f32 v13, v9;
	v13 =	vld [tilespmem:s6+$0xFFFFFFB0]  }
0x203: {  	[tilespmem:s15+$0xFFFFFF30] =	vst v10;
	v10 =	vld [tilespmem:s6+$0x30]  }
0x204: {  	v14 =	vld [tilespmem:s15+$0xFFFFFF40];
	v9 =	vmax.f32 v9, $0.0e+00  }
0x205: {  	v15 =	vld [tilespmem:s16+$0xFFFFFF40];
	[tilespmem:s15+$0xC0] =	vst v9;
	v9 =	vadd.f32 v11, v52  }
0x206: {  	v11 =	vld [tilespmem:s15+$0xD0];
	v12 =	vadd.f32 v12, v53  }
0x207: {  	v54 =	vld [tilespmem:s16+$0xD0];
	v9 =	vadd.f32 v13, v9  }
0x208: {  	v56 =	vld [tilespmem:s6+$0xFFFFFF40];
	v10 =	vadd.f32 v10, v12  }
0x209: {  	v12 =	vld [tilespmem:s6+$0xD0];
	v9 =	vmax.f32 v9, $0.0e+00  }
0x20a: {  	v13 =	vld [tilespmem:s15+$0x40];
	[tilespmem:s15+$0xFFFFFFB0] =	vst v9;
	v9 =	vmax.f32 v10, $0.0e+00  }
0x20b: {  	v10 =	vld [tilespmem:s16+$0xFFFFFFC0];
	[tilespmem:s15+$0x30] =	vst v9  }
0x20c: {  	v6 =	vmax.f32 v6, $0.0e+00;
	v9 =	vadd.f32 v54, v11;
	v11 =	vld [tilespmem:s16+$0x40]  }
0x20d: {  	[tilespmem:s10+$0xFFFFFF60] =	vst v6;
	v57 =	vld [tilespmem:s6+$0xFFFFFFC0]  }
0x20e: {  	v7 =	vld [tilespmem:s28+$0xFFFFFF70];
	v9 =	vadd.f32 v12, v9  }
0x20f: {  	v14 =	vadd.f32 v15, v14;
	v12 =	vld [tilespmem:s6+$0x40]  }
0x210: {  	v6 =	vld [tilespmem:s28+$0xFFFFFFF0];
	v9 =	vmax.f32 v9, $0.0e+00;
	v10 =	vadd.f32 v10, v55  }
0x211: {  	[tilespmem:s15+$0xD0] =	vst v9;
	v9 =	vadd.f32 v56, v14;
	v11 =	vadd.f32 v11, v13;
	v13 =	vld [tilespmem:s15+$0xE0]  }
0x212: {  	v14 =	vld [tilespmem:s16+$0xE0];
	v10 =	vadd.f32 v57, v10  }
0x213: {  	v15 =	vld [tilespmem:s15+$0xFFFFFF50];
	v9 =	vmax.f32 v9, $0.0e+00  }
0x214: {  	v11 =	vadd.f32 v12, v11;
	[tilespmem:s15+$0xFFFFFF40] =	vst v9;
	v9 =	vmax.f32 v10, $0.0e+00;
	v10 =	vld [tilespmem:s6+$0xE0]  }
0x215: {  	v12 =	vld [tilespmem:s16+$0xFFFFFF50];
	[tilespmem:s15+$0xFFFFFFC0] =	vst v9  }
0x216: {  	v9 =	vmax.f32 v11, $0.0e+00;
	v11 =	vld [tilespmem:s16+$0xFFFFFFD0]  }
0x217: {  	[tilespmem:s15+$0x40] =	vst v9;
	v13 =	vadd.f32 v14, v13;
	v14 =	vld [tilespmem:s6+$0xFFFFFF50]  }
0x218: {  	v9 =	vld [tilespmem:s16+$0x50]  }
0x219: {  	v60 =	vld [tilespmem:s6+$0xFFFFFFD0];
	v10 =	vadd.f32 v10, v13  }
0x21a: {  	[tilespmem:s10+$0x60] =	vst v5;
	v13 =	vld [tilespmem:s6+$0x50];
	v12 =	vadd.f32 v12, v15  }
0x21b: {  	v5 =	vld [tilespmem:s28+$0x70];
	v10 =	vmax.f32 v10, $0.0e+00  }
0x21c: {  	v15 =	vld [tilespmem:s15+$0xFFFFFF60];
	v11 =	vadd.f32 v11, v58;
	[tilespmem:s15+$0xE0] =	vst v10;
	v10 =	vadd.f32 v14, v12  }
0x21d: {  	v9 =	vadd.f32 v9, v59;
	v12 =	vld [tilespmem:s15+$0xF0]  }
0x21e: {  	v11 =	vadd.f32 v60, v11;
	v14 =	vld [tilespmem:s16+$0xF0];
	v10 =	vmax.f32 v10, $0.0e+00  }
0x21f: {  	v9 =	vadd.f32 v13, v9;
	v13 =	vld [tilespmem:s15+$0x60];
	[tilespmem:s15+$0xFFFFFF50] =	vst v10  }
0x220: {  	v10 =	vmax.f32 v11, $0.0e+00;
	v11 =	vld [tilespmem:s16+$0xFFFFFF60]  }
0x221: {  	[tilespmem:s15+$0xFFFFFFD0] =	vst v10;
	v9 =	vmax.f32 v9, $0.0e+00;
	v19 =	vld [tilespmem:s6+$0xFFFFFF60]  }
0x222: {  	v63 =	vld [tilespmem:s16+$0xFFFFFFE0];
	[tilespmem:s15+$0x50] =	vst v9  }
0x223: {  	v9 =	vld [tilespmem:s16+$0x60]  }
0x224: {  	v20 =	vld [tilespmem:s6+$0xFFFFFFE0]  }
0x225: {  	v1 =	vld [tilespmem:s6+$0x60]  }
0x226: {  	v62 =	vld [tilespmem:s6+$0xF0];
	v11 =	vadd.f32 v11, v15  }
0x227: {  	v10 =	vld [tilespmem:s15+$0xFFFFFF70];
	v15 =	vadd.f32 v63, v61  }
0x228: {  	v13 =	vadd.f32 v9, v13;
	v11 =	vadd.f32 v19, v11;
	v9 =	vld [tilespmem:s15+$0x70]  }
0x229: {  	v0 =	vmax.f32 v0, $0.0e+00;
	v12 =	vadd.f32 v14, v12;
	v14 =	vadd.f32 v20, v15;
	v15 =	vld [tilespmem:s29+$0xFFFFFF70]  }
0x22a: {  	[tilespmem:s10+$0xF0] =	vst v0;
	v0 =	vmax.f32 v11, $0.0e+00;
	v1 =	vadd.f32 v1, v13;
	v11 =	vld [tilespmem:s29+$0xFFFFFFF0]  }
0x22b: {  	v13 =	vadd.f32 v62, v12;
	v12 =	vld [tilespmem:s29+$0x70];
	[tilespmem:s15+$0xFFFFFF60] =	vst v0;
	v0 =	vmax.f32 v14, $0.0e+00  }
0x22c: {  	v14 =	vadd.f32 v7, v4;
	[tilespmem:s15+$0xFFFFFFE0] =	vst v0;
	v7 =	vld [tilespmem:s16+$0xFFFFFF70];
	v1 =	vmax.f32 v1, $0.0e+00  }
0x22d: {  	v0 =	vadd.f32 v6, v3;
	v4 =	vmax.f32 v13, $0.0e+00;
	v3 =	vld [tilespmem:s16+$0xFFFFFFF0];
	[tilespmem:s15+$0x60] =	vst v1  }
0x22e: {  	s12 =	simm.s32 $0x9F00;
	s11 =	simm.s32 $0x5100;
	s7 =	simm.s32 $0x4;
	v1 =	vadd.f32 v5, v2;
	[tilespmem:s15+$0xF0] =	vst v4;
	v4 =	vld [tilespmem:s16+$0x70];
	v2 =	vadd.f32 v15, v14  }
.LBB2_6:
0x22f: {  	v5 =	vld [tilespmem:s11+$0x80];
	s16 =	sadd.s32 $0x200, s16;
	v0 =	vadd.f32 v11, v0  }
0x230: {  	s7 =	sadd.s32 $0x4, s7;
	v6 =	vld [tilespmem:s16+$0x80];
	v11 =	vmax.f32 v2, $0.0e+00;
	v1 =	vadd.f32 v12, v1  }
0x231: {  	s6 =	sadd.s32 $0x200, s6;
	p0 =	slt.u32 s7, $0x24;
	v12 =	vld [tilespmem:s16+$0xFFFFFF00];
	v2 =	vadd.f32 v7, v10;
	[tilespmem:s10+$0xFFFFFF70] =	vst v11;
	v7 =	vmax.f32 v0, $0.0e+00  }
0x232: {  	v10 =	vld [tilespmem:s6+$0x80];
	v0 =	vadd.f32 v3, v8;
	[tilespmem:s10+$0xFFFFFFF0] =	vst v7;
	v3 =	vmax.f32 v1, $0.0e+00  }
0x233: {  	v7 =	vld [tilespmem:s11+$0xFFFFFF80];
	v1 =	vadd.f32 v4, v9;
	[tilespmem:s10+$0x70] =	vst v3;
	s10 =	smov.u32 s15;
	s15 =	smov.u32 s11  }
0x234: {  	v3 =	vld [tilespmem:s16+$0xFFFFFF80]  }
0x235: {  	v4 =	vld [tilespmem:s11+$0x0];
	v5 =	vadd.f32 v6, v5  }
0x236: {  	v6 =	vld [tilespmem:s16+$0x0]  }
0x237: {  	v8 =	vld [tilespmem:s11+$0xFFFFFF00];
	v5 =	vadd.f32 v10, v5  }
0x238: {  	v9 =	vld [tilespmem:s6+$0xFFFFFF00]  }
0x239: {  	v3 =	vadd.f32 v3, v7;
	v7 =	vld [tilespmem:s6+$0xFFFFFF80];
	v5 =	vmax.f32 v5, $0.0e+00  }
0x23a: {  	[tilespmem:s11+$0x80] =	vst v5;
	v5 =	vld [tilespmem:s11+$0x90]  }
0x23b: {  	v4 =	vadd.f32 v6, v4;
	v6 =	vld [tilespmem:s16+$0x90]  }
0x23c: {  	v8 =	vadd.f32 v12, v8;
	v10 =	vld [tilespmem:s6+$0x0]  }
0x23d: {  	v11 =	vld [tilespmem:s6+$0x90]  }
0x23e: {  	v8 =	vadd.f32 v9, v8;
	v9 =	vld [tilespmem:s11+$0xFFFFFF10];
	v3 =	vadd.f32 v7, v3  }
0x23f: {  	v7 =	vld [tilespmem:s11+$0xFFFFFF90]  }
0x240: {  	v8 =	vmax.f32 v8, $0.0e+00;
	v3 =	vmax.f32 v3, $0.0e+00;
	v12 =	vld [tilespmem:s11+$0x10];
	v5 =	vadd.f32 v6, v5  }
0x241: {  	[tilespmem:s11+$0xFFFFFF00] =	vst v8;
	v6 =	vld [tilespmem:s11+$0xFFFFFF20];
	v4 =	vadd.f32 v10, v4  }
0x242: {  	v8 =	vld [tilespmem:s16+$0xFFFFFF10];
	[tilespmem:s11+$0xFFFFFF80] =	vst v3;
	v3 =	vadd.f32 v11, v5  }
0x243: {  	v5 =	vld [tilespmem:s16+$0xFFFFFF90];
	v4 =	vmax.f32 v4, $0.0e+00  }
0x244: {  	v10 =	vld [tilespmem:s6+$0xFFFFFF10];
	[tilespmem:s11+$0x0] =	vst v4;
	v3 =	vmax.f32 v3, $0.0e+00  }
0x245: {  	[tilespmem:s11+$0x90] =	vst v3;
	v3 =	vld [tilespmem:s11+$0xA0]  }
0x246: {  	v4 =	vld [tilespmem:s16+$0xA0]  }
0x247: {  	v8 =	vadd.f32 v8, v9;
	v9 =	vld [tilespmem:s16+$0x10]  }
0x248: {  	v5 =	vadd.f32 v5, v7;
	v7 =	vld [tilespmem:s6+$0xA0]  }
0x249: {  	v8 =	vadd.f32 v10, v8;
	v10 =	vld [tilespmem:s6+$0xFFFFFF90]  }
0x24a: {  	v11 =	vld [tilespmem:s6+$0x10]  }
0x24b: {  	v8 =	vmax.f32 v8, $0.0e+00;
	v13 =	vld [tilespmem:s11+$0xFFFFFFA0];
	v3 =	vadd.f32 v4, v3  }
0x24c: {  	[tilespmem:s11+$0xFFFFFF10] =	vst v8;
	v4 =	vadd.f32 v9, v12;
	v8 =	vld [tilespmem:s11+$0x20]  }
0x24d: {  	v9 =	vld [tilespmem:s16+$0xFFFFFF20];
	v3 =	vadd.f32 v7, v3  }
0x24e: {  	v7 =	vld [tilespmem:s6+$0xFFFFFF20];
	v5 =	vadd.f32 v10, v5  }
0x24f: {  	v10 =	vld [tilespmem:s11+$0xFFFFFF30];
	v4 =	vadd.f32 v11, v4;
	v3 =	vmax.f32 v3, $0.0e+00  }
0x250: {  	v5 =	vmax.f32 v5, $0.0e+00;
	[tilespmem:s11+$0xA0] =	vst v3;
	v3 =	vld [tilespmem:s11+$0xB0]  }
0x251: {  	[tilespmem:s11+$0xFFFFFF90] =	vst v5;
	v4 =	vmax.f32 v4, $0.0e+00;
	v5 =	vld [tilespmem:s16+$0xB0]  }
0x252: {  	v6 =	vadd.f32 v9, v6;
	v9 =	vld [tilespmem:s16+$0xFFFFFFA0];
	[tilespmem:s11+$0x10] =	vst v4  }
0x253: {  	v4 =	vld [tilespmem:s6+$0xB0]  }
0x254: {  	v6 =	vadd.f32 v7, v6;
	v7 =	vld [tilespmem:s16+$0x20]  }
0x255: {  	v11 =	vld [tilespmem:s6+$0xFFFFFFA0]  }
0x256: {  	v6 =	vmax.f32 v6, $0.0e+00;
	v12 =	vld [tilespmem:s6+$0x20];
	v3 =	vadd.f32 v5, v3  }
0x257: {  	[tilespmem:s11+$0xFFFFFF20] =	vst v6;
	v5 =	vadd.f32 v9, v13;
	v6 =	vld [tilespmem:s11+$0xFFFFFFB0]  }
0x258: {  	v9 =	vld [tilespmem:s16+$0xFFFFFF30];
	v3 =	vadd.f32 v4, v3  }
0x259: {  	v4 =	vadd.f32 v7, v8;
	v7 =	vld [tilespmem:s11+$0x30]  }
0x25a: {  	v8 =	vld [tilespmem:s6+$0xFFFFFF30];
	v5 =	vadd.f32 v11, v5;
	v3 =	vmax.f32 v3, $0.0e+00  }
0x25b: {  	v4 =	vadd.f32 v12, v4;
	[tilespmem:s11+$0xB0] =	vst v3;
	v3 =	vld [tilespmem:s11+$0xC0]  }
0x25c: {  	v5 =	vmax.f32 v5, $0.0e+00;
	v11 =	vld [tilespmem:s16+$0xC0]  }
0x25d: {  	v9 =	vadd.f32 v9, v10;
	v10 =	vld [tilespmem:s11+$0xFFFFFF40];
	[tilespmem:s11+$0xFFFFFFA0] =	vst v5;
	v4 =	vmax.f32 v4, $0.0e+00  }
0x25e: {  	[tilespmem:s11+$0x20] =	vst v4;
	v4 =	vld [tilespmem:s6+$0xC0]  }
0x25f: {  	v5 =	vadd.f32 v8, v9;
	v8 =	vld [tilespmem:s16+$0xFFFFFFB0]  }
0x260: {  	v9 =	vld [tilespmem:s16+$0x30]  }
0x261: {  	v5 =	vmax.f32 v5, $0.0e+00;
	v12 =	vld [tilespmem:s6+$0xFFFFFFB0];
	v3 =	vadd.f32 v11, v3  }
0x262: {  	[tilespmem:s11+$0xFFFFFF30] =	vst v5;
	v5 =	vld [tilespmem:s6+$0x30]  }
0x263: {  	v11 =	vld [tilespmem:s16+$0xFFFFFF40];
	v3 =	vadd.f32 v4, v3  }
0x264: {  	v4 =	vadd.f32 v8, v6;
	v6 =	vld [tilespmem:s11+$0xFFFFFFC0]  }
0x265: {  	v7 =	vadd.f32 v9, v7;
	v8 =	vld [tilespmem:s11+$0x40];
	v3 =	vmax.f32 v3, $0.0e+00  }
0x266: {  	v4 =	vadd.f32 v12, v4;
	[tilespmem:s11+$0xC0] =	vst v3;
	v3 =	vld [tilespmem:s11+$0xD0]  }
0x267: {  	v5 =	vadd.f32 v5, v7;
	v7 =	vld [tilespmem:s16+$0xD0]  }
0x268: {  	v9 =	vadd.f32 v11, v10;
	v10 =	vld [tilespmem:s6+$0xFFFFFF40];
	v4 =	vmax.f32 v4, $0.0e+00  }
0x269: {  	[tilespmem:s11+$0xFFFFFFB0] =	vst v4;
	v4 =	vmax.f32 v5, $0.0e+00;
	v5 =	vld [tilespmem:s6+$0xD0]  }
0x26a: {  	v11 =	vld [tilespmem:s16+$0xFFFFFFC0];
	[tilespmem:s11+$0x30] =	vst v4  }
0x26b: {  	v4 =	vld [tilespmem:s16+$0x40]  }
0x26c: {  	v12 =	vld [tilespmem:s6+$0xFFFFFFC0];
	v3 =	vadd.f32 v7, v3  }
0x26d: {  	v7 =	vadd.f32 v10, v9;
	v9 =	vld [tilespmem:s6+$0x40]  }
0x26e: {  	v10 =	vld [tilespmem:s11+$0xFFFFFF50];
	v3 =	vadd.f32 v5, v3  }
0x26f: {  	v5 =	vmax.f32 v7, $0.0e+00;
	v6 =	vadd.f32 v11, v6;
	v7 =	vld [tilespmem:s11+$0xFFFFFFD0]  }
0x270: {  	[tilespmem:s11+$0xFFFFFF40] =	vst v5;
	v4 =	vadd.f32 v4, v8;
	v5 =	vld [tilespmem:s11+$0x50];
	v3 =	vmax.f32 v3, $0.0e+00  }
0x271: {  	v6 =	vadd.f32 v12, v6;
	[tilespmem:s11+$0xD0] =	vst v3;
	v3 =	vld [tilespmem:s11+$0xE0]  }
0x272: {  	v4 =	vadd.f32 v9, v4;
	v8 =	vld [tilespmem:s16+$0xE0]  }
0x273: {  	v9 =	vld [tilespmem:s16+$0xFFFFFF50];
	v6 =	vmax.f32 v6, $0.0e+00  }
0x274: {  	[tilespmem:s11+$0xFFFFFFC0] =	vst v6;
	v4 =	vmax.f32 v4, $0.0e+00;
	v6 =	vld [tilespmem:s6+$0xE0]  }
0x275: {  	v11 =	vld [tilespmem:s16+$0xFFFFFFD0];
	[tilespmem:s11+$0x40] =	vst v4  }
0x276: {  	v4 =	vld [tilespmem:s16+$0x50]  }
0x277: {  	v12 =	vld [tilespmem:s6+$0xFFFFFF50];
	v3 =	vadd.f32 v8, v3  }
0x278: {  	v8 =	vadd.f32 v9, v10;
	v9 =	vld [tilespmem:s6+$0xFFFFFFD0]  }
0x279: {  	v10 =	vld [tilespmem:s6+$0x50];
	v3 =	vadd.f32 v6, v3  }
0x27a: {  	v6 =	vld [tilespmem:s11+$0xFFFFFF60];
	v7 =	vadd.f32 v11, v7  }
0x27b: {  	v11 =	vld [tilespmem:s11+$0xFFFFFFE0];
	v4 =	vadd.f32 v4, v5;
	v3 =	vmax.f32 v3, $0.0e+00  }
0x27c: {  	v5 =	vadd.f32 v12, v8;
	[tilespmem:s11+$0xE0] =	vst v3;
	v3 =	vld [tilespmem:s11+$0xF0]  }
0x27d: {  	v7 =	vadd.f32 v9, v7;
	v8 =	vld [tilespmem:s16+$0xF0]  }
0x27e: {  	v5 =	vmax.f32 v5, $0.0e+00;
	v4 =	vadd.f32 v10, v4;
	v9 =	vld [tilespmem:s11+$0x60]  }
0x27f: {  	[tilespmem:s11+$0xFFFFFF50] =	vst v5;
	v5 =	vmax.f32 v7, $0.0e+00;
	v7 =	vld [tilespmem:s6+$0xF0]  }
0x280: {  	v10 =	vld [tilespmem:s16+$0xFFFFFF60];
	[tilespmem:s11+$0xFFFFFFD0] =	vst v5;
	v4 =	vmax.f32 v4, $0.0e+00  }
0x281: {  	v5 =	vld [tilespmem:s16+$0xFFFFFFE0];
	[tilespmem:s11+$0x50] =	vst v4  }
0x282: {  	v4 =	vld [tilespmem:s16+$0x60];
	v3 =	vadd.f32 v8, v3  }
0x283: {  	v12 =	vld [tilespmem:s6+$0xFFFFFF60]  }
0x284: {  	v13 =	vld [tilespmem:s6+$0xFFFFFFE0];
	v3 =	vadd.f32 v7, v3  }
0x285: {  	v6 =	vadd.f32 v10, v6;
	v7 =	vld [tilespmem:s6+$0x60]  }
0x286: {  	v10 =	vld [tilespmem:s11+$0xFFFFFF70];
	v5 =	vadd.f32 v5, v11;
	v3 =	vmax.f32 v3, $0.0e+00  }
0x287: {  	v8 =	vld [tilespmem:s11+$0xFFFFFFF0];
	v4 =	vadd.f32 v4, v9;
	[tilespmem:s11+$0xF0] =	vst v3  }
0x288: {  	v3 =	vadd.f32 v12, v6;
	v9 =	vld [tilespmem:s11+$0x70]  }
0x289: {  	v5 =	vadd.f32 v13, v5;
	v6 =	vld [tilespmem:s12+$0xFFFFFF70]  }
.Ltmp1:
0x28a: {  	v3 =	vmax.f32 v3, $0.0e+00;
	v4 =	vadd.f32 v7, v4;
	v11 =	vld [tilespmem:s12+$0xFFFFFFF0];
	(pc) =	sbr.rel @p0 .LBB2_6-.Ltmp1, $4  }
0x28b: {  	[tilespmem:s11+$0xFFFFFF60] =	vst v3;
	v3 =	vmax.f32 v5, $0.0e+00;
	v12 =	vld [tilespmem:s12+$0x70];
	s12 =	smov.u32 s6  }
0x28c: {  	v7 =	vld [tilespmem:s16+$0xFFFFFF70];
	[tilespmem:s11+$0xFFFFFFE0] =	vst v3;
	v4 =	vmax.f32 v4, $0.0e+00  }
0x28d: {  	v3 =	vld [tilespmem:s16+$0xFFFFFFF0];
	[tilespmem:s11+$0x60] =	vst v4  }
0x28e: {  	s11 =	sadd.s32 $0x200, s11;
	v4 =	vld [tilespmem:s16+$0x70];
	v2 =	vadd.f32 v6, v2  }
0x28f: {  	v5 =	vld [tilespmem:s12+$0xFFFFFF70]  }
0x290: {  	v6 =	vld [tilespmem:s12+$0xFFFFFFF0]  }
0x291: {  	v13 =	vld [tilespmem:s12+$0x70]  }
0x292: {  	v0 =	vadd.f32 v11, v0;
	v7 =	vadd.f32 v7, v10  }
0x293: {  	v1 =	vadd.f32 v12, v1;
	v2 =	vmax.f32 v2, $0.0e+00;
	v3 =	vadd.f32 v3, v8  }
0x294: {  	s31 =	sadd.s32 $0x1, s31;
	[tilespmem:s10+$0xFFFFFF70] =	vst v2;
	v0 =	vmax.f32 v0, $0.0e+00;
	v57 =	vadd.f32 v4, v9;
	v58 =	vadd.f32 v5, v7  }
0x295: {  	p0 =	sne.s32 s31, $0x19;
	[tilespmem:s10+$0xFFFFFFF0] =	vst v0;
	v59 =	vmax.f32 v1, $0.0e+00;
	v60 =	vadd.f32 v6, v3  }
.Ltmp2:
0x296: {  	[tilespmem:s10+$0x70] =	vst v59;
	v2 =	vadd.f32 v13, v57;
	v61 =	vmax.f32 v58, $0.0e+00;
	(pc) =	sbr.rel @p0 .LBB2_3-.Ltmp2, $4  }
0x297: {  	v62 =	vmax.f32 v60, $0.0e+00;
	[tilespmem:s15+$0xFFFFFF70] =	vst v61  }
0x298: {  	[tilespmem:s15+$0xFFFFFFF0] =	vst v62;
	v63 =	vmax.f32 v2, $0.0e+00  }
0x299: {  	s2 =	sadd.s32 s8, s2;
	[tilespmem:s15+$0x70] =	vst v63  }
0x29a: {  	[hbm4b:s2+s1] =	stream.linear.scatter [tilespmem:s17], [sflag:$0x8], $0x1400, $0x38;
	[tilespmem:$0xB000] =	vst v63  }
0x29b: {  	s30 =	sadd.s32 $0x1, s30  }
0x29c: {  	p0 =	sne.s32 s30, $0x5  }
.Ltmp3:
0x29d: {  	_ = 	snop;
	(pc) =	sbr.rel @p0 .LBB2_2-.Ltmp3, $1  }
0x29e: {  	_ =	sdelay $0x3  }
0x29f: {  	s2 =	simm.s32 $0x8  }
0x2a0: {  	_ =	swait.ge [sflag:s2], $0x1400  }
0x2a1: {  	s6 =	rddreg [dreg:$0x5]  }
0x2a2: {  	s0 =	rddreg [dreg:$0x4];
	s6 =	sadd.s32 $0x1, s6  }
0x2a3: {  	p0 =	sne.s32 s6, s0  }
.Ltmp4:
0x2a4: {  	_ = 	snop;
	(pc) =	sbr.rel @p0 .LBB2_1-.Ltmp4, $3  }
0x2a5: {  	_ =	sdelay $0x1  }
0x2a6: {  	[sflag:s2] =	ssyncset.done $0x0  }
0x2a7: {  	[sflag:s2] =	ssyncadd.s32 $0xFFFFEC00  }
0x2a8: {  	_ =	sfence.sel $0x180000  }
0x2a9: {  	[bflag:$0x0] =	sbarrier.arrive $0xFFFF  }
0x2aa: {  	_ =	strace $0x90000050  }
0x2ab: {  	s0 =	stileid.u32;
	[bflag:$0x2] =	sbarrier.arrive $0xFFFF  }
0x2ac: {  	p0 =	sne.s32 s0, $0x0;
	s0 =	rddreg [dreg:$0x1]  }
0x2ad: {  	s0 =	sadd.s32 @!p0 $0x100000, s0  }
0x2ae: {  	[sflag:s0] =	ssyncadd.tile.s32 @!p0 $0x1;
	_ =	shalt  }
.Lfunc_end2:
_tile_overlayer_lowered:
.L_overlay_start_2:
0x2af: {  	(tag) =	ssettag $0x2  }
0x2b0: {  	s0 =	rddreg [dreg:$0x0];
	s2 =	stileid.u32  }
0x2b1: {  	s1 =	rddreg [dreg:$0x1];
	p0 =	sne.s32 s2, $0x0  }
0x2b2: {  	s3 =	rddreg [dreg:$0x2];
	[bflag:$0x3] =	sbarrier.arrive $0xFFFF;
	s2 =	simm.s32 @!p0 $0x1C09  }
0x2b3: {  	[timem:s3], [sflag:s2] =	dma.local @!p0 [hbm:s0], s1  }
0x2b4: {  	s0 =	simm.s32 @!p0 $0x9  }
0x2b5: {  	_ =	swait.ge @!p0 [sflag:s0], s1  }
0x2b6: {  	s1 =	ssub.s32 @!p0 $0x0, s1;
	[sflag:s0] =	ssyncset.done @!p0 $0x0  }
0x2b7: {  	[sflag:s0] =	ssyncadd.s32 @!p0 s1  }
0x2b8: {  	[bflag:$0x3] =	sbarrier.arrive $0xFFFF  }
0x2b9: {  	_ =	shalt  }

</sc_bundles>
